<compile_context>
chip_gen: v7x
topology: tpu7x:2x2x1
jax: 0.10.2.dev20260603
libtpu: 0.0.44.dev20260713+nightly
codegen_flags: <defaults>
</compile_context>

<pallas_src>
import functools

import jax
import jax.numpy as jnp
from jax import lax
from jax.experimental import pallas as pl
from jax.experimental.pallas import tpu as pltpu
from jax.experimental.pallas import tpu_sc as plsc

_NC, _NS = 2, 16
_NW = _NC * _NS
_LANES = 16
_K = 8


def kernel(x, pos_table):
    B, L, D = x.shape
    tab = pos_table[:L]

    pw = L // _NW
    steps = pw // _K
    nvec = D // _LANES

    mesh = plsc.VectorSubcoreMesh(core_axis_name="c", subcore_axis_name="s")

    @functools.partial(
        pl.kernel,
        out_type=jax.ShapeDtypeStruct((B, L, D), jnp.float32),
        mesh=mesh,
        scratch_types=(
            [
                pltpu.VMEM((2, _K, D), jnp.float32),
                pltpu.VMEM((2, B, _K, D), jnp.float32),
            ]
            + [pltpu.SemaphoreType.DMA] * 2
            + [pltpu.SemaphoreType.DMA] * 2
            + [pltpu.SemaphoreType.DMA] * 2
        ),
    )
    def sc_add(x_hbm, tab_hbm, out_hbm, tbuf, obuf, *sems):
        sem_t = sems[0:2]
        sem_x = sems[2:4]
        sem_o = sems[4:6]

        wid = lax.axis_index("s") * _NC + lax.axis_index("c")
        pos0 = wid * pw

        def issue_ins(j, p):
            prow = pos0 + j * _K
            pltpu.async_copy(tab_hbm.at[pl.ds(prow, _K), :],
                             tbuf.at[p], sem_t[p])
            pltpu.async_copy(x_hbm.at[:, pl.ds(prow, _K), :],
                             obuf.at[p], sem_x[p])

        def wait_tab(p):
            pltpu.make_async_copy(tab_hbm.at[pl.ds(0, _K), :],
                                  tbuf.at[p], sem_t[p]).wait()

        def wait_x(p, sem2):
            pltpu.make_async_copy(x_hbm.at[:, pl.ds(0, _K), :],
                                  obuf.at[p], sem2[p]).wait()

        def compute(p):
            @plsc.parallel_loop(0, nvec, unroll=2)
            def _(i):
                off = i * _LANES
                for row in range(_K):
                    v = tbuf[p, row, pl.ds(off, _LANES)]
                    for b in range(B):
                        plsc.addupdate(
                            obuf.at[p, b, row, pl.ds(off, _LANES)], v)

        def consume(j, p):
            prow = pos0 + j * _K
            wait_tab(p)
            wait_x(p, sem_x)
            compute(p)
            pltpu.async_copy(obuf.at[p],
                             out_hbm.at[:, pl.ds(prow, _K), :], sem_o[p])

        def sub(j, p):
            wait_x(1 - p, sem_o)
            issue_ins(j + 1, 1 - p)
            consume(j, p)

        issue_ins(0, 0)
        issue_ins(1, 1)
        consume(0, 0)

        def pair(j2, _):
            j = 1 + j2 * 2
            sub(j, 1)
            sub(j + 1, 0)
            return _

        lax.fori_loop(0, (steps - 2) // 2, pair, 0)

        consume(steps - 1, 1)
        for p in range(2):
            wait_x(p, sem_o)

    return sc_add(x, tab)

# --- scband reference (transcript-rebuilt; emitter-appended) ---
"""Pipeline reference for scband-learned-positional-embedding-48395691491613 (READ-ONLY COPY).

The authoritative reference and input builder live on the scoring server;
editing this copy changes nothing except your own understanding.
"""

import jax, jax.numpy as jnp
import numpy as np

D_MODEL = 1024
MAX_LEN = 8192

def setup_inputs(seed: int = 0) -> dict:
    key = jax.random.key(seed)
    k_x, k_tab = jax.random.split(key)
    x = jax.random.normal(k_x, (4, 8192, D_MODEL), dtype=jnp.float32)
    # nn.Embedding default init: N(0, 1)
    pos_table = jax.random.normal(k_tab, (MAX_LEN, D_MODEL), dtype=jnp.float32)
    return {"x": x, "pos_table": pos_table}

def reference(x, pos_table):
    seq_len = x.shape[1]
    positions = jnp.arange(seq_len)  # (seq_len,)
    pos_emb = jnp.take(pos_table, positions, axis=0)  # (seq_len, d_model)
    pos_emb = pos_emb[None, :, :]  # (1, seq_len, d_model) — matches unsqueeze(0)
    return x + pos_emb

if __name__ == "__main__":
    import jax
    _d = setup_inputs()
    print(jax.jit(kernel)(*tuple(_d.values())))

</pallas_src>

<mosaic_0001>
#map = affine_map<(d0, d1) -> (0, 0, 0)>
#map1 = affine_map<(d0, d1) -> (0, 0)>
module attributes {stable_mosaic.version = 14 : i64} {
  func.func @sc_add(%arg0: i32, %arg1: i32, %arg2: memref<4x8192x1024xf32, #tpu.memory_space<hbm>>, %arg3: memref<8192x1024xf32, #tpu.memory_space<hbm>>, %arg4: memref<4x8192x1024xf32, #tpu.memory_space<hbm>>, %arg5: memref<2x8x1024xf32, #tpu.memory_space<vmem>>, %arg6: memref<2x4x8x1024xf32, #tpu.memory_space<vmem>>, %arg7: memref<!tpu.dma_semaphore, #tpu.memory_space<semaphore_mem>>, %arg8: memref<!tpu.dma_semaphore, #tpu.memory_space<semaphore_mem>>, %arg9: memref<!tpu.dma_semaphore, #tpu.memory_space<semaphore_mem>>, %arg10: memref<!tpu.dma_semaphore, #tpu.memory_space<semaphore_mem>>, %arg11: memref<!tpu.dma_semaphore, #tpu.memory_space<semaphore_mem>>, %arg12: memref<!tpu.dma_semaphore, #tpu.memory_space<semaphore_mem>>) attributes {dimension_semantics = [#tpu.dimension_semantics<core_parallel>, #tpu.dimension_semantics<subcore_parallel>], iteration_bounds = array<i64: 2, 16>, scalar_prefetch = 0 : i64, scratch_operands = 8 : i64, tpu.core_type = #tpu.core_type<sc_vector_subcore>, window_params = [{transform_indices = #map}, {transform_indices = #map1}, {transform_indices = #map}]} {
    %mul3A = arith.constant 2 : i32
    %mul3A_0 = arith.muli %arg1, %mul3A : i32
    %add3A = arith.addi %mul3A_0, %arg0 : i32
    %mul3A_1 = arith.constant 256 : i32
    %mul3A_2 = arith.muli %add3A, %mul3A_1 : i32
    %add3A_3 = arith.constant 0 : i32
    %add3A_4 = arith.addi %mul3A_2, %add3A_3 : i32
    %dma_start3A = arith.constant 0 : i32
    %dma_start3A_5 = arith.constant 0 : i32
    %dma_start3A_6 = arith.constant 0 : i32
    %dma_start3A_7 = tpu.memref_slice %arg5[%dma_start3A, %dma_start3A_5, %dma_start3A_6] : memref<2x8x1024xf32, #tpu.memory_space<vmem>> -> memref<1x8x1024xf32, #tpu.memory_space<vmem>>
    %dma_start3A_8 = tpu.memref_squeeze %dma_start3A_7 : memref<1x8x1024xf32, #tpu.memory_space<vmem>> -> memref<8x1024xf32, #tpu.memory_space<vmem>>
    %dma_start3A_9 = arith.constant 0 : i32
    %dma_start3A_10 = tpu.memref_slice %arg3[%add3A_4, %dma_start3A_9] : memref<8192x1024xf32, #tpu.memory_space<hbm>> -> memref<8x1024xf32, #tpu.memory_space<hbm>>
    %dma_start3A_11 = arith.constant 0 : i32
    %dma_start3A_12 = arith.constant 0 : i32
    %dma_start3A_13 = tpu.memref_slice %arg5[%dma_start3A, %dma_start3A_11, %dma_start3A_12] : memref<2x8x1024xf32, #tpu.memory_space<vmem>> -> memref<1x8x1024xf32, #tpu.memory_space<vmem>>
    %dma_start3A_14 = tpu.memref_squeeze %dma_start3A_13 : memref<1x8x1024xf32, #tpu.memory_space<vmem>> -> memref<8x1024xf32, #tpu.memory_space<vmem>>
    %dma_start3A_15 = arith.constant 0 : i32
    %dma_start3A_16 = tpu.memref_slice %arg3[%add3A_4, %dma_start3A_15] : memref<8192x1024xf32, #tpu.memory_space<hbm>> -> memref<8x1024xf32, #tpu.memory_space<hbm>>
    tpu.enqueue_dma source(%dma_start3A_16 : memref<8x1024xf32, #tpu.memory_space<hbm>>) target(%dma_start3A_14 : memref<8x1024xf32, #tpu.memory_space<vmem>>) target_semaphore(%arg7 : memref<!tpu.dma_semaphore, #tpu.memory_space<semaphore_mem>>)
    %dma_start3A_17 = arith.constant 0 : i32
    %dma_start3A_18 = arith.constant 0 : i32
    %dma_start3A_19 = arith.constant 0 : i32
    %dma_start3A_20 = arith.constant 0 : i32
    %dma_start3A_21 = tpu.memref_slice %arg6[%dma_start3A_17, %dma_start3A_18, %dma_start3A_19, %dma_start3A_20] : memref<2x4x8x1024xf32, #tpu.memory_space<vmem>> -> memref<1x4x8x1024xf32, #tpu.memory_space<vmem>>
    %dma_start3A_22 = tpu.memref_squeeze %dma_start3A_21 : memref<1x4x8x1024xf32, #tpu.memory_space<vmem>> -> memref<4x8x1024xf32, #tpu.memory_space<vmem>>
    %dma_start3A_23 = arith.constant 0 : i32
    %dma_start3A_24 = arith.constant 0 : i32
    %dma_start3A_25 = tpu.memref_slice %arg2[%dma_start3A_23, %add3A_4, %dma_start3A_24] : memref<4x8192x1024xf32, #tpu.memory_space<hbm>> -> memref<4x8x1024xf32, #tpu.memory_space<hbm>>
    %dma_start3A_26 = arith.constant 0 : i32
    %dma_start3A_27 = arith.constant 0 : i32
    %dma_start3A_28 = arith.constant 0 : i32
    %dma_start3A_29 = tpu.memref_slice %arg6[%dma_start3A_17, %dma_start3A_26, %dma_start3A_27, %dma_start3A_28] : memref<2x4x8x1024xf32, #tpu.memory_space<vmem>> -> memref<1x4x8x1024xf32, #tpu.memory_space<vmem>>
    %dma_start3A_30 = tpu.memref_squeeze %dma_start3A_29 : memref<1x4x8x1024xf32, #tpu.memory_space<vmem>> -> memref<4x8x1024xf32, #tpu.memory_space<vmem>>
    %dma_start3A_31 = arith.constant 0 : i32
    %dma_start3A_32 = arith.constant 0 : i32
    %dma_start3A_33 = tpu.memref_slice %arg2[%dma_start3A_31, %add3A_4, %dma_start3A_32] : memref<4x8192x1024xf32, #tpu.memory_space<hbm>> -> memref<4x8x1024xf32, #tpu.memory_space<hbm>>
    tpu.enqueue_dma source(%dma_start3A_33 : memref<4x8x1024xf32, #tpu.memory_space<hbm>>) target(%dma_start3A_30 : memref<4x8x1024xf32, #tpu.memory_space<vmem>>) target_semaphore(%arg9 : memref<!tpu.dma_semaphore, #tpu.memory_space<semaphore_mem>>)
    %add3A_34 = arith.constant 8 : i32
    %add3A_35 = arith.addi %mul3A_2, %add3A_34 : i32
    %dma_start3A_36 = arith.constant 1 : i32
    %dma_start3A_37 = arith.constant 0 : i32
    %dma_start3A_38 = arith.constant 0 : i32
    %dma_start3A_39 = tpu.memref_slice %arg5[%dma_start3A_36, %dma_start3A_37, %dma_start3A_38] : memref<2x8x1024xf32, #tpu.memory_space<vmem>> -> memref<1x8x1024xf32, #tpu.memory_space<vmem>>
    %dma_start3A_40 = tpu.memref_squeeze %dma_start3A_39 : memref<1x8x1024xf32, #tpu.memory_space<vmem>> -> memref<8x1024xf32, #tpu.memory_space<vmem>>
    %dma_start3A_41 = arith.constant 0 : i32
    %dma_start3A_42 = tpu.memref_slice %arg3[%add3A_35, %dma_start3A_41] : memref<8192x1024xf32, #tpu.memory_space<hbm>> -> memref<8x1024xf32, #tpu.memory_space<hbm>>
    %dma_start3A_43 = arith.constant 0 : i32
    %dma_start3A_44 = arith.constant 0 : i32
    %dma_start3A_45 = tpu.memref_slice %arg5[%dma_start3A_36, %dma_start3A_43, %dma_start3A_44] : memref<2x8x1024xf32, #tpu.memory_space<vmem>> -> memref<1x8x1024xf32, #tpu.memory_space<vmem>>
    %dma_start3A_46 = tpu.memref_squeeze %dma_start3A_45 : memref<1x8x1024xf32, #tpu.memory_space<vmem>> -> memref<8x1024xf32, #tpu.memory_space<vmem>>
    %dma_start3A_47 = arith.constant 0 : i32
    %dma_start3A_48 = tpu.memref_slice %arg3[%add3A_35, %dma_start3A_47] : memref<8192x1024xf32, #tpu.memory_space<hbm>> -> memref<8x1024xf32, #tpu.memory_space<hbm>>
    tpu.enqueue_dma source(%dma_start3A_48 : memref<8x1024xf32, #tpu.memory_space<hbm>>) target(%dma_start3A_46 : memref<8x1024xf32, #tpu.memory_space<vmem>>) target_semaphore(%arg8 : memref<!tpu.dma_semaphore, #tpu.memory_space<semaphore_mem>>)
    %dma_start3A_49 = arith.constant 1 : i32
    %dma_start3A_50 = arith.constant 0 : i32
    %dma_start3A_51 = arith.constant 0 : i32
    %dma_start3A_52 = arith.constant 0 : i32
    %dma_start3A_53 = tpu.memref_slice %arg6[%dma_start3A_49, %dma_start3A_50, %dma_start3A_51, %dma_start3A_52] : memref<2x4x8x1024xf32, #tpu.memory_space<vmem>> -> memref<1x4x8x1024xf32, #tpu.memory_space<vmem>>
    %dma_start3A_54 = tpu.memref_squeeze %dma_start3A_53 : memref<1x4x8x1024xf32, #tpu.memory_space<vmem>> -> memref<4x8x1024xf32, #tpu.memory_space<vmem>>
    %dma_start3A_55 = arith.constant 0 : i32
    %dma_start3A_56 = arith.constant 0 : i32
    %dma_start3A_57 = tpu.memref_slice %arg2[%dma_start3A_55, %add3A_35, %dma_start3A_56] : memref<4x8192x1024xf32, #tpu.memory_space<hbm>> -> memref<4x8x1024xf32, #tpu.memory_space<hbm>>
    %dma_start3A_58 = arith.constant 0 : i32
    %dma_start3A_59 = arith.constant 0 : i32
    %dma_start3A_60 = arith.constant 0 : i32
    %dma_start3A_61 = tpu.memref_slice %arg6[%dma_start3A_49, %dma_start3A_58, %dma_start3A_59, %dma_start3A_60] : memref<2x4x8x1024xf32, #tpu.memory_space<vmem>> -> memref<1x4x8x1024xf32, #tpu.memory_space<vmem>>
    %dma_start3A_62 = tpu.memref_squeeze %dma_start3A_61 : memref<1x4x8x1024xf32, #tpu.memory_space<vmem>> -> memref<4x8x1024xf32, #tpu.memory_space<vmem>>
    %dma_start3A_63 = arith.constant 0 : i32
    %dma_start3A_64 = arith.constant 0 : i32
    %dma_start3A_65 = tpu.memref_slice %arg2[%dma_start3A_63, %add3A_35, %dma_start3A_64] : memref<4x8192x1024xf32, #tpu.memory_space<hbm>> -> memref<4x8x1024xf32, #tpu.memory_space<hbm>>
    tpu.enqueue_dma source(%dma_start3A_65 : memref<4x8x1024xf32, #tpu.memory_space<hbm>>) target(%dma_start3A_62 : memref<4x8x1024xf32, #tpu.memory_space<vmem>>) target_semaphore(%arg10 : memref<!tpu.dma_semaphore, #tpu.memory_space<semaphore_mem>>)
    %add3A_66 = arith.constant 0 : i32
    %add3A_67 = arith.addi %mul3A_2, %add3A_66 : i32
    %dma_wait3A = arith.constant 0 : i32
    %dma_wait3A_68 = arith.constant 0 : i32
    %dma_wait3A_69 = arith.constant 0 : i32
    %dma_wait3A_70 = tpu.memref_slice %arg5[%dma_wait3A, %dma_wait3A_68, %dma_wait3A_69] : memref<2x8x1024xf32, #tpu.memory_space<vmem>> -> memref<1x8x1024xf32, #tpu.memory_space<vmem>>
    %dma_wait3A_71 = tpu.memref_squeeze %dma_wait3A_70 : memref<1x8x1024xf32, #tpu.memory_space<vmem>> -> memref<8x1024xf32, #tpu.memory_space<vmem>>
    %dma_wait3A_72 = arith.constant 0 : i32
    %dma_wait3A_73 = arith.constant 0 : i32
    %dma_wait3A_74 = tpu.memref_slice %arg3[%dma_wait3A_72, %dma_wait3A_73] : memref<8192x1024xf32, #tpu.memory_space<hbm>> -> memref<8x1024xf32, #tpu.memory_space<hbm>>
    %dma_wait3A_75 = arith.constant 0 : i32
    %dma_wait3A_76 = arith.constant 0 : i32
    %dma_wait3A_77 = tpu.memref_slice %arg5[%dma_wait3A, %dma_wait3A_75, %dma_wait3A_76] : memref<2x8x1024xf32, #tpu.memory_space<vmem>> -> memref<1x8x1024xf32, #tpu.memory_space<vmem>>
    %dma_wait3A_78 = tpu.memref_squeeze %dma_wait3A_77 : memref<1x8x1024xf32, #tpu.memory_space<vmem>> -> memref<8x1024xf32, #tpu.memory_space<vmem>>
    %dma_wait3A_79 = arith.constant 0 : i32
    %dma_wait3A_80 = arith.constant 0 : i32
    %dma_wait3A_81 = tpu.memref_slice %arg3[%dma_wait3A_79, %dma_wait3A_80] : memref<8192x1024xf32, #tpu.memory_space<hbm>> -> memref<8x1024xf32, #tpu.memory_space<hbm>>
    tpu.wait_dma2 semaphore(%arg7 : memref<!tpu.dma_semaphore, #tpu.memory_space<semaphore_mem>>) src(%dma_wait3A_81 : memref<8x1024xf32, #tpu.memory_space<hbm>>) dst(%dma_wait3A_78 : memref<8x1024xf32, #tpu.memory_space<vmem>>)
    %dma_wait3A_82 = arith.constant 0 : i32
    %dma_wait3A_83 = arith.constant 0 : i32
    %dma_wait3A_84 = arith.constant 0 : i32
    %dma_wait3A_85 = arith.constant 0 : i32
    %dma_wait3A_86 = tpu.memref_slice %arg6[%dma_wait3A_82, %dma_wait3A_83, %dma_wait3A_84, %dma_wait3A_85] : memref<2x4x8x1024xf32, #tpu.memory_space<vmem>> -> memref<1x4x8x1024xf32, #tpu.memory_space<vmem>>
    %dma_wait3A_87 = tpu.memref_squeeze %dma_wait3A_86 : memref<1x4x8x1024xf32, #tpu.memory_space<vmem>> -> memref<4x8x1024xf32, #tpu.memory_space<vmem>>
    %dma_wait3A_88 = arith.constant 0 : i32
    %dma_wait3A_89 = arith.constant 0 : i32
    %dma_wait3A_90 = arith.constant 0 : i32
    %dma_wait3A_91 = tpu.memref_slice %arg2[%dma_wait3A_88, %dma_wait3A_89, %dma_wait3A_90] : memref<4x8192x1024xf32, #tpu.memory_space<hbm>> -> memref<4x8x1024xf32, #tpu.memory_space<hbm>>
    %dma_wait3A_92 = arith.constant 0 : i32
    %dma_wait3A_93 = arith.constant 0 : i32
    %dma_wait3A_94 = arith.constant 0 : i32
    %dma_wait3A_95 = tpu.memref_slice %arg6[%dma_wait3A_82, %dma_wait3A_92, %dma_wait3A_93, %dma_wait3A_94] : memref<2x4x8x1024xf32, #tpu.memory_space<vmem>> -> memref<1x4x8x1024xf32, #tpu.memory_space<vmem>>
    %dma_wait3A_96 = tpu.memref_squeeze %dma_wait3A_95 : memref<1x4x8x1024xf32, #tpu.memory_space<vmem>> -> memref<4x8x1024xf32, #tpu.memory_space<vmem>>
    %dma_wait3A_97 = arith.constant 0 : i32
    %dma_wait3A_98 = arith.constant 0 : i32
    %dma_wait3A_99 = arith.constant 0 : i32
    %dma_wait3A_100 = tpu.memref_slice %arg2[%dma_wait3A_97, %dma_wait3A_98, %dma_wait3A_99] : memref<4x8192x1024xf32, #tpu.memory_space<hbm>> -> memref<4x8x1024xf32, #tpu.memory_space<hbm>>
    tpu.wait_dma2 semaphore(%arg9 : memref<!tpu.dma_semaphore, #tpu.memory_space<semaphore_mem>>) src(%dma_wait3A_100 : memref<4x8x1024xf32, #tpu.memory_space<hbm>>) dst(%dma_wait3A_96 : memref<4x8x1024xf32, #tpu.memory_space<vmem>>)
    %parallel_loop3A = arith.constant 0 : i32
    %parallel_loop3A_101 = arith.constant 64 : i32
    %parallel_loop3A_102 = arith.constant 1 : i32
    scf.for %parallel_loop3A_219 = %parallel_loop3A to %parallel_loop3A_101 step %parallel_loop3A_102  : i32 {
      %parallel_loop3A_220 = arith.constant 16 : i32
      %parallel_loop3A_221 = arith.muli %parallel_loop3A_219, %parallel_loop3A_220 : i32
      %parallel_loop3A_222 = arith.constant 0 : i32
      %parallel_loop3A_223 = arith.constant 0 : i32
      %parallel_loop3A_224 = arith.index_cast %parallel_loop3A_222 : i32 to index
      %parallel_loop3A_225 = arith.index_cast %parallel_loop3A_223 : i32 to index
      %parallel_loop3A_226 = arith.index_cast %parallel_loop3A_221 : i32 to index
      %parallel_loop3A_227 = tpu.vector_load %arg5[%parallel_loop3A_224, %parallel_loop3A_225, %parallel_loop3A_226] {strides = array<i32>} : memref<2x8x1024xf32, #tpu.memory_space<vmem>>, vector<1x1x16xf32>,
      %parallel_loop3A_228 = vector.shape_cast %parallel_loop3A_227 : vector<1x1x16xf32> to vector<16xf32>
      %parallel_loop3A_229 = arith.constant 0 : i32
      %parallel_loop3A_230 = arith.constant 0 : i32
      %parallel_loop3A_231 = arith.constant 0 : i32
      %parallel_loop3A_232 = arith.index_cast %parallel_loop3A_229 : i32 to index
      %parallel_loop3A_233 = arith.index_cast %parallel_loop3A_230 : i32 to index
      %parallel_loop3A_234 = arith.index_cast %parallel_loop3A_231 : i32 to index
      %parallel_loop3A_235 = arith.index_cast %parallel_loop3A_221 : i32 to index
      %parallel_loop3A_236 = tpu.vector_load %arg6[%parallel_loop3A_232, %parallel_loop3A_233, %parallel_loop3A_234, %parallel_loop3A_235] {strides = array<i32>} : memref<2x4x8x1024xf32, #tpu.memory_space<vmem>>, vector<1x1x1x16xf32>,
      %parallel_loop3A_237 = vector.shape_cast %parallel_loop3A_236 : vector<1x1x1x16xf32> to vector<16xf32>
      %parallel_loop3A_238 = vector.shape_cast %parallel_loop3A_228 : vector<16xf32> to vector<1x1x1x16xf32>
      tpu.vector_store %arg6[%parallel_loop3A_232, %parallel_loop3A_233, %parallel_loop3A_234, %parallel_loop3A_235], %parallel_loop3A_238 {add = true, strides = array<i32>} : memref<2x4x8x1024xf32, #tpu.memory_space<vmem>>, vector<1x1x1x16xf32>,
      %parallel_loop3A_239 = arith.constant 0 : i32
      %parallel_loop3A_240 = arith.constant 1 : i32
      %parallel_loop3A_241 = arith.constant 0 : i32
      %parallel_loop3A_242 = arith.index_cast %parallel_loop3A_239 : i32 to index
      %parallel_loop3A_243 = arith.index_cast %parallel_loop3A_240 : i32 to index
      %parallel_loop3A_244 = arith.index_cast %parallel_loop3A_241 : i32 to index
      %parallel_loop3A_245 = arith.index_cast %parallel_loop3A_221 : i32 to index
      %parallel_loop3A_246 = tpu.vector_load %arg6[%parallel_loop3A_242, %parallel_loop3A_243, %parallel_loop3A_244, %parallel_loop3A_245] {strides = array<i32>} : memref<2x4x8x1024xf32, #tpu.memory_space<vmem>>, vector<1x1x1x16xf32>,
      %parallel_loop3A_247 = vector.shape_cast %parallel_loop3A_246 : vector<1x1x1x16xf32> to vector<16xf32>
      %parallel_loop3A_248 = vector.shape_cast %parallel_loop3A_228 : vector<16xf32> to vector<1x1x1x16xf32>
      tpu.vector_store %arg6[%parallel_loop3A_242, %parallel_loop3A_243, %parallel_loop3A_244, %parallel_loop3A_245], %parallel_loop3A_248 {add = true, strides = array<i32>} : memref<2x4x8x1024xf32, #tpu.memory_space<vmem>>, vector<1x1x1x16xf32>,
      %parallel_loop3A_249 = arith.constant 0 : i32
      %parallel_loop3A_250 = arith.constant 2 : i32
      %parallel_loop3A_251 = arith.constant 0 : i32
      %parallel_loop3A_252 = arith.index_cast %parallel_loop3A_249 : i32 to index
      %parallel_loop3A_253 = arith.index_cast %parallel_loop3A_250 : i32 to index
      %parallel_loop3A_254 = arith.index_cast %parallel_loop3A_251 : i32 to index
      %parallel_loop3A_255 = arith.index_cast %parallel_loop3A_221 : i32 to index
      %parallel_loop3A_256 = tpu.vector_load %arg6[%parallel_loop3A_252, %parallel_loop3A_253, %parallel_loop3A_254, %parallel_loop3A_255] {strides = array<i32>} : memref<2x4x8x1024xf32, #tpu.memory_space<vmem>>, vector<1x1x1x16xf32>,
      %parallel_loop3A_257 = vector.shape_cast %parallel_loop3A_256 : vector<1x1x1x16xf32> to vector<16xf32>
      %parallel_loop3A_258 = vector.shape_cast %parallel_loop3A_228 : vector<16xf32> to vector<1x1x1x16xf32>
      tpu.vector_store %arg6[%parallel_loop3A_252, %parallel_loop3A_253, %parallel_loop3A_254, %parallel_loop3A_255], %parallel_loop3A_258 {add = true, strides = array<i32>} : memref<2x4x8x1024xf32, #tpu.memory_space<vmem>>, vector<1x1x1x16xf32>,
      %parallel_loop3A_259 = arith.constant 0 : i32
      %parallel_loop3A_260 = arith.constant 3 : i32
      %parallel_loop3A_261 = arith.constant 0 : i32
      %parallel_loop3A_262 = arith.index_cast %parallel_loop3A_259 : i32 to index
      %parallel_loop3A_263 = arith.index_cast %parallel_loop3A_260 : i32 to index
      %parallel_loop3A_264 = arith.index_cast %parallel_loop3A_261 : i32 to index
      %parallel_loop3A_265 = arith.index_cast %parallel_loop3A_221 : i32 to index
      %parallel_loop3A_266 = tpu.vector_load %arg6[%parallel_loop3A_262, %parallel_loop3A_263, %parallel_loop3A_264, %parallel_loop3A_265] {strides = array<i32>} : memref<2x4x8x1024xf32, #tpu.memory_space<vmem>>, vector<1x1x1x16xf32>,
      %parallel_loop3A_267 = vector.shape_cast %parallel_loop3A_266 : vector<1x1x1x16xf32> to vector<16xf32>
      %parallel_loop3A_268 = vector.shape_cast %parallel_loop3A_228 : vector<16xf32> to vector<1x1x1x16xf32>
      tpu.vector_store %arg6[%parallel_loop3A_262, %parallel_loop3A_263, %parallel_loop3A_264, %parallel_loop3A_265], %parallel_loop3A_268 {add = true, strides = array<i32>} : memref<2x4x8x1024xf32, #tpu.memory_space<vmem>>, vector<1x1x1x16xf32>,
      %parallel_loop3A_269 = arith.constant 0 : i32
      %parallel_loop3A_270 = arith.constant 1 : i32
      %parallel_loop3A_271 = arith.index_cast %parallel_loop3A_269 : i32 to index
      %parallel_loop3A_272 = arith.index_cast %parallel_loop3A_270 : i32 to index
      %parallel_loop3A_273 = arith.index_cast %parallel_loop3A_221 : i32 to index
      %parallel_loop3A_274 = tpu.vector_load %arg5[%parallel_loop3A_271, %parallel_loop3A_272, %parallel_loop3A_273] {strides = array<i32>} : memref<2x8x1024xf32, #tpu.memory_space<vmem>>, vector<1x1x16xf32>,
      %parallel_loop3A_275 = vector.shape_cast %parallel_loop3A_274 : vector<1x1x16xf32> to vector<16xf32>
      %parallel_loop3A_276 = arith.constant 0 : i32
      %parallel_loop3A_277 = arith.constant 0 : i32
      %parallel_loop3A_278 = arith.constant 1 : i32
      %parallel_loop3A_279 = arith.index_cast %parallel_loop3A_276 : i32 to index
      %parallel_loop3A_280 = arith.index_cast %parallel_loop3A_277 : i32 to index
      %parallel_loop3A_281 = arith.index_cast %parallel_loop3A_278 : i32 to index
      %parallel_loop3A_282 = arith.index_cast %parallel_loop3A_221 : i32 to index
      %parallel_loop3A_283 = tpu.vector_load %arg6[%parallel_loop3A_279, %parallel_loop3A_280, %parallel_loop3A_281, %parallel_loop3A_282] {strides = array<i32>} : memref<2x4x8x1024xf32, #tpu.memory_space<vmem>>, vector<1x1x1x16xf32>,
      %parallel_loop3A_284 = vector.shape_cast %parallel_loop3A_283 : vector<1x1x1x16xf32> to vector<16xf32>
      %parallel_loop3A_285 = vector.shape_cast %parallel_loop3A_275 : vector<16xf32> to vector<1x1x1x16xf32>
      tpu.vector_store %arg6[%parallel_loop3A_279, %parallel_loop3A_280, %parallel_loop3A_281, %parallel_loop3A_282], %parallel_loop3A_285 {add = true, strides = array<i32>} : memref<2x4x8x1024xf32, #tpu.memory_space<vmem>>, vector<1x1x1x16xf32>,
      %parallel_loop3A_286 = arith.constant 0 : i32
      %parallel_loop3A_287 = arith.constant 1 : i32
      %parallel_loop3A_288 = arith.constant 1 : i32
      %parallel_loop3A_289 = arith.index_cast %parallel_loop3A_286 : i32 to index
      %parallel_loop3A_290 = arith.index_cast %parallel_loop3A_287 : i32 to index
      %parallel_loop3A_291 = arith.index_cast %parallel_loop3A_288 : i32 to index
      %parallel_loop3A_292 = arith.index_cast %parallel_loop3A_221 : i32 to index
      %parallel_loop3A_293 = tpu.vector_load %arg6[%parallel_loop3A_289, %parallel_loop3A_290, %parallel_loop3A_291, %parallel_loop3A_292] {strides = array<i32>} : memref<2x4x8x1024xf32, #tpu.memory_space<vmem>>, vector<1x1x1x16xf32>,
      %parallel_loop3A_294 = vector.shape_cast %parallel_loop3A_293 : vector<1x1x1x16xf32> to vector<16xf32>
      %parallel_loop3A_295 = vector.shape_cast %parallel_loop3A_275 : vector<16xf32> to vector<1x1x1x16xf32>
      tpu.vector_store %arg6[%parallel_loop3A_289, %parallel_loop3A_290, %parallel_loop3A_291, %parallel_loop3A_292], %parallel_loop3A_295 {add = true, strides = array<i32>} : memref<2x4x8x1024xf32, #tpu.memory_space<vmem>>, vector<1x1x1x16xf32>,
      %parallel_loop3A_296 = arith.constant 0 : i32
      %parallel_loop3A_297 = arith.constant 2 : i32
      %parallel_loop3A_298 = arith.constant 1 : i32
      %parallel_loop3A_299 = arith.index_cast %parallel_loop3A_296 : i32 to index
      %parallel_loop3A_300 = arith.index_cast %parallel_loop3A_297 : i32 to index
      %parallel_loop3A_301 = arith.index_cast %parallel_loop3A_298 : i32 to index
      %parallel_loop3A_302 = arith.index_cast %parallel_loop3A_221 : i32 to index
      %parallel_loop3A_303 = tpu.vector_load %arg6[%parallel_loop3A_299, %parallel_loop3A_300, %parallel_loop3A_301, %parallel_loop3A_302] {strides = array<i32>} : memref<2x4x8x1024xf32, #tpu.memory_space<vmem>>, vector<1x1x1x16xf32>,
      %parallel_loop3A_304 = vector.shape_cast %parallel_loop3A_303 : vector<1x1x1x16xf32> to vector<16xf32>
      %parallel_loop3A_305 = vector.shape_cast %parallel_loop3A_275 : vector<16xf32> to vector<1x1x1x16xf32>
      tpu.vector_store %arg6[%parallel_loop3A_299, %parallel_loop3A_300, %parallel_loop3A_301, %parallel_loop3A_302], %parallel_loop3A_305 {add = true, strides = array<i32>} : memref<2x4x8x1024xf32, #tpu.memory_space<vmem>>, vector<1x1x1x16xf32>,
      %parallel_loop3A_306 = arith.constant 0 : i32
      %parallel_loop3A_307 = arith.constant 3 : i32
      %parallel_loop3A_308 = arith.constant 1 : i32
      %parallel_loop3A_309 = arith.index_cast %parallel_loop3A_306 : i32 to index
      %parallel_loop3A_310 = arith.index_cast %parallel_loop3A_307 : i32 to index
      %parallel_loop3A_311 = arith.index_cast %parallel_loop3A_308 : i32 to index
      %parallel_loop3A_312 = arith.index_cast %parallel_loop3A_221 : i32 to index
      %parallel_loop3A_313 = tpu.vector_load %arg6[%parallel_loop3A_309, %parallel_loop3A_310, %parallel_loop3A_311, %parallel_loop3A_312] {strides = array<i32>} : memref<2x4x8x1024xf32, #tpu.memory_space<vmem>>, vector<1x1x1x16xf32>,
      %parallel_loop3A_314 = vector.shape_cast %parallel_loop3A_313 : vector<1x1x1x16xf32> to vector<16xf32>
      %parallel_loop3A_315 = vector.shape_cast %parallel_loop3A_275 : vector<16xf32> to vector<1x1x1x16xf32>
      tpu.vector_store %arg6[%parallel_loop3A_309, %parallel_loop3A_310, %parallel_loop3A_311, %parallel_loop3A_312], %parallel_loop3A_315 {add = true, strides = array<i32>} : memref<2x4x8x1024xf32, #tpu.memory_space<vmem>>, vector<1x1x1x16xf32>,
      %parallel_loop3A_316 = arith.constant 0 : i32
      %parallel_loop3A_317 = arith.constant 2 : i32
      %parallel_loop3A_318 = arith.index_cast %parallel_loop3A_316 : i32 to index
      %parallel_loop3A_319 = arith.index_cast %parallel_loop3A_317 : i32 to index
      %parallel_loop3A_320 = arith.index_cast %parallel_loop3A_221 : i32 to index
      %parallel_loop3A_321 = tpu.vector_load %arg5[%parallel_loop3A_318, %parallel_loop3A_319, %parallel_loop3A_320] {strides = array<i32>} : memref<2x8x1024xf32, #tpu.memory_space<vmem>>, vector<1x1x16xf32>,
      %parallel_loop3A_322 = vector.shape_cast %parallel_loop3A_321 : vector<1x1x16xf32> to vector<16xf32>
      %parallel_loop3A_323 = arith.constant 0 : i32
      %parallel_loop3A_324 = arith.constant 0 : i32
      %parallel_loop3A_325 = arith.constant 2 : i32
      %parallel_loop3A_326 = arith.index_cast %parallel_loop3A_323 : i32 to index
      %parallel_loop3A_327 = arith.index_cast %parallel_loop3A_324 : i32 to index
      %parallel_loop3A_328 = arith.index_cast %parallel_loop3A_325 : i32 to index
      %parallel_loop3A_329 = arith.index_cast %parallel_loop3A_221 : i32 to index
      %parallel_loop3A_330 = tpu.vector_load %arg6[%parallel_loop3A_326, %parallel_loop3A_327, %parallel_loop3A_328, %parallel_loop3A_329] {strides = array<i32>} : memref<2x4x8x1024xf32, #tpu.memory_space<vmem>>, vector<1x1x1x16xf32>,
      %parallel_loop3A_331 = vector.shape_cast %parallel_loop3A_330 : vector<1x1x1x16xf32> to vector<16xf32>
      %parallel_loop3A_332 = vector.shape_cast %parallel_loop3A_322 : vector<16xf32> to vector<1x1x1x16xf32>
      tpu.vector_store %arg6[%parallel_loop3A_326, %parallel_loop3A_327, %parallel_loop3A_328, %parallel_loop3A_329], %parallel_loop3A_332 {add = true, strides = array<i32>} : memref<2x4x8x1024xf32, #tpu.memory_space<vmem>>, vector<1x1x1x16xf32>,
      %parallel_loop3A_333 = arith.constant 0 : i32
      %parallel_loop3A_334 = arith.constant 1 : i32
      %parallel_loop3A_335 = arith.constant 2 : i32
      %parallel_loop3A_336 = arith.index_cast %parallel_loop3A_333 : i32 to index
      %parallel_loop3A_337 = arith.index_cast %parallel_loop3A_334 : i32 to index
      %parallel_loop3A_338 = arith.index_cast %parallel_loop3A_335 : i32 to index
      %parallel_loop3A_339 = arith.index_cast %parallel_loop3A_221 : i32 to index
      %parallel_loop3A_340 = tpu.vector_load %arg6[%parallel_loop3A_336, %parallel_loop3A_337, %parallel_loop3A_338, %parallel_loop3A_339] {strides = array<i32>} : memref<2x4x8x1024xf32, #tpu.memory_space<vmem>>, vector<1x1x1x16xf32>,
      %parallel_loop3A_341 = vector.shape_cast %parallel_loop3A_340 : vector<1x1x1x16xf32> to vector<16xf32>
      %parallel_loop3A_342 = vector.shape_cast %parallel_loop3A_322 : vector<16xf32> to vector<1x1x1x16xf32>
      tpu.vector_store %arg6[%parallel_loop3A_336, %parallel_loop3A_337, %parallel_loop3A_338, %parallel_loop3A_339], %parallel_loop3A_342 {add = true, strides = array<i32>} : memref<2x4x8x1024xf32, #tpu.memory_space<vmem>>, vector<1x1x1x16xf32>,
      %parallel_loop3A_343 = arith.constant 0 : i32
      %parallel_loop3A_344 = arith.constant 2 : i32
      %parallel_loop3A_345 = arith.constant 2 : i32
      %parallel_loop3A_346 = arith.index_cast %parallel_loop3A_343 : i32 to index
      %parallel_loop3A_347 = arith.index_cast %parallel_loop3A_344 : i32 to index
      %parallel_loop3A_348 = arith.index_cast %parallel_loop3A_345 : i32 to index
      %parallel_loop3A_349 = arith.index_cast %parallel_loop3A_221 : i32 to index
      %parallel_loop3A_350 = tpu.vector_load %arg6[%parallel_loop3A_346, %parallel_loop3A_347, %parallel_loop3A_348, %parallel_loop3A_349] {strides = array<i32>} : memref<2x4x8x1024xf32, #tpu.memory_space<vmem>>, vector<1x1x1x16xf32>,
      %parallel_loop3A_351 = vector.shape_cast %parallel_loop3A_350 : vector<1x1x1x16xf32> to vector<16xf32>
      %parallel_loop3A_352 = vector.shape_cast %parallel_loop3A_322 : vector<16xf32> to vector<1x1x1x16xf32>
      tpu.vector_store %arg6[%parallel_loop3A_346, %parallel_loop3A_347, %parallel_loop3A_348, %parallel_loop3A_349], %parallel_loop3A_352 {add = true, strides = array<i32>} : memref<2x4x8x1024xf32, #tpu.memory_space<vmem>>, vector<1x1x1x16xf32>,
      %parallel_loop3A_353 = arith.constant 0 : i32
      %parallel_loop3A_354 = arith.constant 3 : i32
      %parallel_loop3A_355 = arith.constant 2 : i32
      %parallel_loop3A_356 = arith.index_cast %parallel_loop3A_353 : i32 to index
      %parallel_loop3A_357 = arith.index_cast %parallel_loop3A_354 : i32 to index
      %parallel_loop3A_358 = arith.index_cast %parallel_loop3A_355 : i32 to index
      %parallel_loop3A_359 = arith.index_cast %parallel_loop3A_221 : i32 to index
      %parallel_loop3A_360 = tpu.vector_load %arg6[%parallel_loop3A_356, %parallel_loop3A_357, %parallel_loop3A_358, %parallel_loop3A_359] {strides = array<i32>} : memref<2x4x8x1024xf32, #tpu.memory_space<vmem>>, vector<1x1x1x16xf32>,
      %parallel_loop3A_361 = vector.shape_cast %parallel_loop3A_360 : vector<1x1x1x16xf32> to vector<16xf32>
      %parallel_loop3A_362 = vector.shape_cast %parallel_loop3A_322 : vector<16xf32> to vector<1x1x1x16xf32>
      tpu.vector_store %arg6[%parallel_loop3A_356, %parallel_loop3A_357, %parallel_loop3A_358, %parallel_loop3A_359], %parallel_loop3A_362 {add = true, strides = array<i32>} : memref<2x4x8x1024xf32, #tpu.memory_space<vmem>>, vector<1x1x1x16xf32>,
      %parallel_loop3A_363 = arith.constant 0 : i32
      %parallel_loop3A_364 = arith.constant 3 : i32
      %parallel_loop3A_365 = arith.index_cast %parallel_loop3A_363 : i32 to index
      %parallel_loop3A_366 = arith.index_cast %parallel_loop3A_364 : i32 to index
      %parallel_loop3A_367 = arith.index_cast %parallel_loop3A_221 : i32 to index
      %parallel_loop3A_368 = tpu.vector_load %arg5[%parallel_loop3A_365, %parallel_loop3A_366, %parallel_loop3A_367] {strides = array<i32>} : memref<2x8x1024xf32, #tpu.memory_space<vmem>>, vector<1x1x16xf32>,
      %parallel_loop3A_369 = vector.shape_cast %parallel_loop3A_368 : vector<1x1x16xf32> to vector<16xf32>
      %parallel_loop3A_370 = arith.constant 0 : i32
      %parallel_loop3A_371 = arith.constant 0 : i32
      %parallel_loop3A_372 = arith.constant 3 : i32
      %parallel_loop3A_373 = arith.index_cast %parallel_loop3A_370 : i32 to index
      %parallel_loop3A_374 = arith.index_cast %parallel_loop3A_371 : i32 to index
      %parallel_loop3A_375 = arith.index_cast %parallel_loop3A_372 : i32 to index
      %parallel_loop3A_376 = arith.index_cast %parallel_loop3A_221 : i32 to index
      %parallel_loop3A_377 = tpu.vector_load %arg6[%parallel_loop3A_373, %parallel_loop3A_374, %parallel_loop3A_375, %parallel_loop3A_376] {strides = array<i32>} : memref<2x4x8x1024xf32, #tpu.memory_space<vmem>>, vector<1x1x1x16xf32>,
      %parallel_loop3A_378 = vector.shape_cast %parallel_loop3A_377 : vector<1x1x1x16xf32> to vector<16xf32>
      %parallel_loop3A_379 = vector.shape_cast %parallel_loop3A_369 : vector<16xf32> to vector<1x1x1x16xf32>
      tpu.vector_store %arg6[%parallel_loop3A_373, %parallel_loop3A_374, %parallel_loop3A_375, %parallel_loop3A_376], %parallel_loop3A_379 {add = true, strides = array<i32>} : memref<2x4x8x1024xf32, #tpu.memory_space<vmem>>, vector<1x1x1x16xf32>,
      %parallel_loop3A_380 = arith.constant 0 : i32
      %parallel_loop3A_381 = arith.constant 1 : i32
      %parallel_loop3A_382 = arith.constant 3 : i32
      %parallel_loop3A_383 = arith.index_cast %parallel_loop3A_380 : i32 to index
      %parallel_loop3A_384 = arith.index_cast %parallel_loop3A_381 : i32 to index
      %parallel_loop3A_385 = arith.index_cast %parallel_loop3A_382 : i32 to index
      %parallel_loop3A_386 = arith.index_cast %parallel_loop3A_221 : i32 to index
      %parallel_loop3A_387 = tpu.vector_load %arg6[%parallel_loop3A_383, %parallel_loop3A_384, %parallel_loop3A_385, %parallel_loop3A_386] {strides = array<i32>} : memref<2x4x8x1024xf32, #tpu.memory_space<vmem>>, vector<1x1x1x16xf32>,
      %parallel_loop3A_388 = vector.shape_cast %parallel_loop3A_387 : vector<1x1x1x16xf32> to vector<16xf32>
      %parallel_loop3A_389 = vector.shape_cast %parallel_loop3A_369 : vector<16xf32> to vector<1x1x1x16xf32>
      tpu.vector_store %arg6[%parallel_loop3A_383, %parallel_loop3A_384, %parallel_loop3A_385, %parallel_loop3A_386], %parallel_loop3A_389 {add = true, strides = array<i32>} : memref<2x4x8x1024xf32, #tpu.memory_space<vmem>>, vector<1x1x1x16xf32>,
      %parallel_loop3A_390 = arith.constant 0 : i32
      %parallel_loop3A_391 = arith.constant 2 : i32
      %parallel_loop3A_392 = arith.constant 3 : i32
      %parallel_loop3A_393 = arith.index_cast %parallel_loop3A_390 : i32 to index
      %parallel_loop3A_394 = arith.index_cast %parallel_loop3A_391 : i32 to index
      %parallel_loop3A_395 = arith.index_cast %parallel_loop3A_392 : i32 to index
      %parallel_loop3A_396 = arith.index_cast %parallel_loop3A_221 : i32 to index
      %parallel_loop3A_397 = tpu.vector_load %arg6[%parallel_loop3A_393, %parallel_loop3A_394, %parallel_loop3A_395, %parallel_loop3A_396] {strides = array<i32>} : memref<2x4x8x1024xf32, #tpu.memory_space<vmem>>, vector<1x1x1x16xf32>,
      %parallel_loop3A_398 = vector.shape_cast %parallel_loop3A_397 : vector<1x1x1x16xf32> to vector<16xf32>
      %parallel_loop3A_399 = vector.shape_cast %parallel_loop3A_369 : vector<16xf32> to vector<1x1x1x16xf32>
      tpu.vector_store %arg6[%parallel_loop3A_393, %parallel_loop3A_394, %parallel_loop3A_395, %parallel_loop3A_396], %parallel_loop3A_399 {add = true, strides = array<i32>} : memref<2x4x8x1024xf32, #tpu.memory_space<vmem>>, vector<1x1x1x16xf32>,
      %parallel_loop3A_400 = arith.constant 0 : i32
      %parallel_loop3A_401 = arith.constant 3 : i32
      %parallel_loop3A_402 = arith.constant 3 : i32
      %parallel_loop3A_403 = arith.index_cast %parallel_loop3A_400 : i32 to index
      %parallel_loop3A_404 = arith.index_cast %parallel_loop3A_401 : i32 to index
      %parallel_loop3A_405 = arith.index_cast %parallel_loop3A_402 : i32 to index
      %parallel_loop3A_406 = arith.index_cast %parallel_loop3A_221 : i32 to index
      %parallel_loop3A_407 = tpu.vector_load %arg6[%parallel_loop3A_403, %parallel_loop3A_404, %parallel_loop3A_405, %parallel_loop3A_406] {strides = array<i32>} : memref<2x4x8x1024xf32, #tpu.memory_space<vmem>>, vector<1x1x1x16xf32>,
      %parallel_loop3A_408 = vector.shape_cast %parallel_loop3A_407 : vector<1x1x1x16xf32> to vector<16xf32>
      %parallel_loop3A_409 = vector.shape_cast %parallel_loop3A_369 : vector<16xf32> to vector<1x1x1x16xf32>
      tpu.vector_store %arg6[%parallel_loop3A_403, %parallel_loop3A_404, %parallel_loop3A_405, %parallel_loop3A_406], %parallel_loop3A_409 {add = true, strides = array<i32>} : memref<2x4x8x1024xf32, #tpu.memory_space<vmem>>, vector<1x1x1x16xf32>,
      %parallel_loop3A_410 = arith.constant 0 : i32
      %parallel_loop3A_411 = arith.constant 4 : i32
      %parallel_loop3A_412 = arith.index_cast %parallel_loop3A_410 : i32 to index
      %parallel_loop3A_413 = arith.index_cast %parallel_loop3A_411 : i32 to index
      %parallel_loop3A_414 = arith.index_cast %parallel_loop3A_221 : i32 to index
      %parallel_loop3A_415 = tpu.vector_load %arg5[%parallel_loop3A_412, %parallel_loop3A_413, %parallel_loop3A_414] {strides = array<i32>} : memref<2x8x1024xf32, #tpu.memory_space<vmem>>, vector<1x1x16xf32>,
      %parallel_loop3A_416 = vector.shape_cast %parallel_loop3A_415 : vector<1x1x16xf32> to vector<16xf32>
      %parallel_loop3A_417 = arith.constant 0 : i32
      %parallel_loop3A_418 = arith.constant 0 : i32
      %parallel_loop3A_419 = arith.constant 4 : i32
      %parallel_loop3A_420 = arith.index_cast %parallel_loop3A_417 : i32 to index
      %parallel_loop3A_421 = arith.index_cast %parallel_loop3A_418 : i32 to index
      %parallel_loop3A_422 = arith.index_cast %parallel_loop3A_419 : i32 to index
      %parallel_loop3A_423 = arith.index_cast %parallel_loop3A_221 : i32 to index
      %parallel_loop3A_424 = tpu.vector_load %arg6[%parallel_loop3A_420, %parallel_loop3A_421, %parallel_loop3A_422, %parallel_loop3A_423] {strides = array<i32>} : memref<2x4x8x1024xf32, #tpu.memory_space<vmem>>, vector<1x1x1x16xf32>,
      %parallel_loop3A_425 = vector.shape_cast %parallel_loop3A_424 : vector<1x1x1x16xf32> to vector<16xf32>
      %parallel_loop3A_426 = vector.shape_cast %parallel_loop3A_416 : vector<16xf32> to vector<1x1x1x16xf32>
      tpu.vector_store %arg6[%parallel_loop3A_420, %parallel_loop3A_421, %parallel_loop3A_422, %parallel_loop3A_423], %parallel_loop3A_426 {add = true, strides = array<i32>} : memref<2x4x8x1024xf32, #tpu.memory_space<vmem>>, vector<1x1x1x16xf32>,
      %parallel_loop3A_427 = arith.constant 0 : i32
      %parallel_loop3A_428 = arith.constant 1 : i32
      %parallel_loop3A_429 = arith.constant 4 : i32
      %parallel_loop3A_430 = arith.index_cast %parallel_loop3A_427 : i32 to index
      %parallel_loop3A_431 = arith.index_cast %parallel_loop3A_428 : i32 to index
      %parallel_loop3A_432 = arith.index_cast %parallel_loop3A_429 : i32 to index
      %parallel_loop3A_433 = arith.index_cast %parallel_loop3A_221 : i32 to index
      %parallel_loop3A_434 = tpu.vector_load %arg6[%parallel_loop3A_430, %parallel_loop3A_431, %parallel_loop3A_432, %parallel_loop3A_433] {strides = array<i32>} : memref<2x4x8x1024xf32, #tpu.memory_space<vmem>>, vector<1x1x1x16xf32>,
      %parallel_loop3A_435 = vector.shape_cast %parallel_loop3A_434 : vector<1x1x1x16xf32> to vector<16xf32>
      %parallel_loop3A_436 = vector.shape_cast %parallel_loop3A_416 : vector<16xf32> to vector<1x1x1x16xf32>
      tpu.vector_store %arg6[%parallel_loop3A_430, %parallel_loop3A_431, %parallel_loop3A_432, %parallel_loop3A_433], %parallel_loop3A_436 {add = true, strides = array<i32>} : memref<2x4x8x1024xf32, #tpu.memory_space<vmem>>, vector<1x1x1x16xf32>,
      %parallel_loop3A_437 = arith.constant 0 : i32
      %parallel_loop3A_438 = arith.constant 2 : i32
      %parallel_loop3A_439 = arith.constant 4 : i32
      %parallel_loop3A_440 = arith.index_cast %parallel_loop3A_437 : i32 to index
      %parallel_loop3A_441 = arith.index_cast %parallel_loop3A_438 : i32 to index
      %parallel_loop3A_442 = arith.index_cast %parallel_loop3A_439 : i32 to index
      %parallel_loop3A_443 = arith.index_cast %parallel_loop3A_221 : i32 to index
      %parallel_loop3A_444 = tpu.vector_load %arg6[%parallel_loop3A_440, %parallel_loop3A_441, %parallel_loop3A_442, %parallel_loop3A_443] {strides = array<i32>} : memref<2x4x8x1024xf32, #tpu.memory_space<vmem>>, vector<1x1x1x16xf32>,
      %parallel_loop3A_445 = vector.shape_cast %parallel_loop3A_444 : vector<1x1x1x16xf32> to vector<16xf32>
      %parallel_loop3A_446 = vector.shape_cast %parallel_loop3A_416 : vector<16xf32> to vector<1x1x1x16xf32>
      tpu.vector_store %arg6[%parallel_loop3A_440, %parallel_loop3A_441, %parallel_loop3A_442, %parallel_loop3A_443], %parallel_loop3A_446 {add = true, strides = array<i32>} : memref<2x4x8x1024xf32, #tpu.memory_space<vmem>>, vector<1x1x1x16xf32>,
      %parallel_loop3A_447 = arith.constant 0 : i32
      %parallel_loop3A_448 = arith.constant 3 : i32
      %parallel_loop3A_449 = arith.constant 4 : i32
      %parallel_loop3A_450 = arith.index_cast %parallel_loop3A_447 : i32 to index
      %parallel_loop3A_451 = arith.index_cast %parallel_loop3A_448 : i32 to index
      %parallel_loop3A_452 = arith.index_cast %parallel_loop3A_449 : i32 to index
      %parallel_loop3A_453 = arith.index_cast %parallel_loop3A_221 : i32 to index
      %parallel_loop3A_454 = tpu.vector_load %arg6[%parallel_loop3A_450, %parallel_loop3A_451, %parallel_loop3A_452, %parallel_loop3A_453] {strides = array<i32>} : memref<2x4x8x1024xf32, #tpu.memory_space<vmem>>, vector<1x1x1x16xf32>,
      %parallel_loop3A_455 = vector.shape_cast %parallel_loop3A_454 : vector<1x1x1x16xf32> to vector<16xf32>
      %parallel_loop3A_456 = vector.shape_cast %parallel_loop3A_416 : vector<16xf32> to vector<1x1x1x16xf32>
      tpu.vector_store %arg6[%parallel_loop3A_450, %parallel_loop3A_451, %parallel_loop3A_452, %parallel_loop3A_453], %parallel_loop3A_456 {add = true, strides = array<i32>} : memref<2x4x8x1024xf32, #tpu.memory_space<vmem>>, vector<1x1x1x16xf32>,
      %parallel_loop3A_457 = arith.constant 0 : i32
      %parallel_loop3A_458 = arith.constant 5 : i32
      %parallel_loop3A_459 = arith.index_cast %parallel_loop3A_457 : i32 to index
      %parallel_loop3A_460 = arith.index_cast %parallel_loop3A_458 : i32 to index
      %parallel_loop3A_461 = arith.index_cast %parallel_loop3A_221 : i32 to index
      %parallel_loop3A_462 = tpu.vector_load %arg5[%parallel_loop3A_459, %parallel_loop3A_460, %parallel_loop3A_461] {strides = array<i32>} : memref<2x8x1024xf32, #tpu.memory_space<vmem>>, vector<1x1x16xf32>,
      %parallel_loop3A_463 = vector.shape_cast %parallel_loop3A_462 : vector<1x1x16xf32> to vector<16xf32>
      %parallel_loop3A_464 = arith.constant 0 : i32
      %parallel_loop3A_465 = arith.constant 0 : i32
      %parallel_loop3A_466 = arith.constant 5 : i32
      %parallel_loop3A_467 = arith.index_cast %parallel_loop3A_464 : i32 to index
      %parallel_loop3A_468 = arith.index_cast %parallel_loop3A_465 : i32 to index
      %parallel_loop3A_469 = arith.index_cast %parallel_loop3A_466 : i32 to index
      %parallel_loop3A_470 = arith.index_cast %parallel_loop3A_221 : i32 to index
      %parallel_loop3A_471 = tpu.vector_load %arg6[%parallel_loop3A_467, %parallel_loop3A_468, %parallel_loop3A_469, %parallel_loop3A_470] {strides = array<i32>} : memref<2x4x8x1024xf32, #tpu.memory_space<vmem>>, vector<1x1x1x16xf32>,
      %parallel_loop3A_472 = vector.shape_cast %parallel_loop3A_471 : vector<1x1x1x16xf32> to vector<16xf32>
      %parallel_loop3A_473 = vector.shape_cast %parallel_loop3A_463 : vector<16xf32> to vector<1x1x1x16xf32>
      tpu.vector_store %arg6[%parallel_loop3A_467, %parallel_loop3A_468, %parallel_loop3A_469, %parallel_loop3A_470], %parallel_loop3A_473 {add = true, strides = array<i32>} : memref<2x4x8x1024xf32, #tpu.memory_space<vmem>>, vector<1x1x1x16xf32>,
      %parallel_loop3A_474 = arith.constant 0 : i32
      %parallel_loop3A_475 = arith.constant 1 : i32
      %parallel_loop3A_476 = arith.constant 5 : i32
      %parallel_loop3A_477 = arith.index_cast %parallel_loop3A_474 : i32 to index
      %parallel_loop3A_478 = arith.index_cast %parallel_loop3A_475 : i32 to index
      %parallel_loop3A_479 = arith.index_cast %parallel_loop3A_476 : i32 to index
      %parallel_loop3A_480 = arith.index_cast %parallel_loop3A_221 : i32 to index
      %parallel_loop3A_481 = tpu.vector_load %arg6[%parallel_loop3A_477, %parallel_loop3A_478, %parallel_loop3A_479, %parallel_loop3A_480] {strides = array<i32>} : memref<2x4x8x1024xf32, #tpu.memory_space<vmem>>, vector<1x1x1x16xf32>,
      %parallel_loop3A_482 = vector.shape_cast %parallel_loop3A_481 : vector<1x1x1x16xf32> to vector<16xf32>
      %parallel_loop3A_483 = vector.shape_cast %parallel_loop3A_463 : vector<16xf32> to vector<1x1x1x16xf32>
      tpu.vector_store %arg6[%parallel_loop3A_477, %parallel_loop3A_478, %parallel_loop3A_479, %parallel_loop3A_480], %parallel_loop3A_483 {add = true, strides = array<i32>} : memref<2x4x8x1024xf32, #tpu.memory_space<vmem>>, vector<1x1x1x16xf32>,
      %parallel_loop3A_484 = arith.constant 0 : i32
      %parallel_loop3A_485 = arith.constant 2 : i32
      %parallel_loop3A_486 = arith.constant 5 : i32
      %parallel_loop3A_487 = arith.index_cast %parallel_loop3A_484 : i32 to index
      %parallel_loop3A_488 = arith.index_cast %parallel_loop3A_485 : i32 to index
      %parallel_loop3A_489 = arith.index_cast %parallel_loop3A_486 : i32 to index
      %parallel_loop3A_490 = arith.index_cast %parallel_loop3A_221 : i32 to index
      %parallel_loop3A_491 = tpu.vector_load %arg6[%parallel_loop3A_487, %parallel_loop3A_488, %parallel_loop3A_489, %parallel_loop3A_490] {strides = array<i32>} : memref<2x4x8x1024xf32, #tpu.memory_space<vmem>>, vector<1x1x1x16xf32>,
      %parallel_loop3A_492 = vector.shape_cast %parallel_loop3A_491 : vector<1x1x1x16xf32> to vector<16xf32>
      %parallel_loop3A_493 = vector.shape_cast %parallel_loop3A_463 : vector<16xf32> to vector<1x1x1x16xf32>
      tpu.vector_store %arg6[%parallel_loop3A_487, %parallel_loop3A_488, %parallel_loop3A_489, %parallel_loop3A_490], %parallel_loop3A_493 {add = true, strides = array<i32>} : memref<2x4x8x1024xf32, #tpu.memory_space<vmem>>, vector<1x1x1x16xf32>,
      %parallel_loop3A_494 = arith.constant 0 : i32
      %parallel_loop3A_495 = arith.constant 3 : i32
      %parallel_loop3A_496 = arith.constant 5 : i32
      %parallel_loop3A_497 = arith.index_cast %parallel_loop3A_494 : i32 to index
      %parallel_loop3A_498 = arith.index_cast %parallel_loop3A_495 : i32 to index
      %parallel_loop3A_499 = arith.index_cast %parallel_loop3A_496 : i32 to index
      %parallel_loop3A_500 = arith.index_cast %parallel_loop3A_221 : i32 to index
      %parallel_loop3A_501 = tpu.vector_load %arg6[%parallel_loop3A_497, %parallel_loop3A_498, %parallel_loop3A_499, %parallel_loop3A_500] {strides = array<i32>} : memref<2x4x8x1024xf32, #tpu.memory_space<vmem>>, vector<1x1x1x16xf32>,
      %parallel_loop3A_502 = vector.shape_cast %parallel_loop3A_501 : vector<1x1x1x16xf32> to vector<16xf32>
      %parallel_loop3A_503 = vector.shape_cast %parallel_loop3A_463 : vector<16xf32> to vector<1x1x1x16xf32>
      tpu.vector_store %arg6[%parallel_loop3A_497, %parallel_loop3A_498, %parallel_loop3A_499, %parallel_loop3A_500], %parallel_loop3A_503 {add = true, strides = array<i32>} : memref<2x4x8x1024xf32, #tpu.memory_space<vmem>>, vector<1x1x1x16xf32>,
      %parallel_loop3A_504 = arith.constant 0 : i32
      %parallel_loop3A_505 = arith.constant 6 : i32
      %parallel_loop3A_506 = arith.index_cast %parallel_loop3A_504 : i32 to index
      %parallel_loop3A_507 = arith.index_cast %parallel_loop3A_505 : i32 to index
      %parallel_loop3A_508 = arith.index_cast %parallel_loop3A_221 : i32 to index
      %parallel_loop3A_509 = tpu.vector_load %arg5[%parallel_loop3A_506, %parallel_loop3A_507, %parallel_loop3A_508] {strides = array<i32>} : memref<2x8x1024xf32, #tpu.memory_space<vmem>>, vector<1x1x16xf32>,
      %parallel_loop3A_510 = vector.shape_cast %parallel_loop3A_509 : vector<1x1x16xf32> to vector<16xf32>
      %parallel_loop3A_511 = arith.constant 0 : i32
      %parallel_loop3A_512 = arith.constant 0 : i32
      %parallel_loop3A_513 = arith.constant 6 : i32
      %parallel_loop3A_514 = arith.index_cast %parallel_loop3A_511 : i32 to index
      %parallel_loop3A_515 = arith.index_cast %parallel_loop3A_512 : i32 to index
      %parallel_loop3A_516 = arith.index_cast %parallel_loop3A_513 : i32 to index
      %parallel_loop3A_517 = arith.index_cast %parallel_loop3A_221 : i32 to index
      %parallel_loop3A_518 = tpu.vector_load %arg6[%parallel_loop3A_514, %parallel_loop3A_515, %parallel_loop3A_516, %parallel_loop3A_517] {strides = array<i32>} : memref<2x4x8x1024xf32, #tpu.memory_space<vmem>>, vector<1x1x1x16xf32>,
      %parallel_loop3A_519 = vector.shape_cast %parallel_loop3A_518 : vector<1x1x1x16xf32> to vector<16xf32>
      %parallel_loop3A_520 = vector.shape_cast %parallel_loop3A_510 : vector<16xf32> to vector<1x1x1x16xf32>
      tpu.vector_store %arg6[%parallel_loop3A_514, %parallel_loop3A_515, %parallel_loop3A_516, %parallel_loop3A_517], %parallel_loop3A_520 {add = true, strides = array<i32>} : memref<2x4x8x1024xf32, #tpu.memory_space<vmem>>, vector<1x1x1x16xf32>,
      %parallel_loop3A_521 = arith.constant 0 : i32
      %parallel_loop3A_522 = arith.constant 1 : i32
      %parallel_loop3A_523 = arith.constant 6 : i32
      %parallel_loop3A_524 = arith.index_cast %parallel_loop3A_521 : i32 to index
      %parallel_loop3A_525 = arith.index_cast %parallel_loop3A_522 : i32 to index
      %parallel_loop3A_526 = arith.index_cast %parallel_loop3A_523 : i32 to index
      %parallel_loop3A_527 = arith.index_cast %parallel_loop3A_221 : i32 to index
      %parallel_loop3A_528 = tpu.vector_load %arg6[%parallel_loop3A_524, %parallel_loop3A_525, %parallel_loop3A_526, %parallel_loop3A_527] {strides = array<i32>} : memref<2x4x8x1024xf32, #tpu.memory_space<vmem>>, vector<1x1x1x16xf32>,
      %parallel_loop3A_529 = vector.shape_cast %parallel_loop3A_528 : vector<1x1x1x16xf32> to vector<16xf32>
      %parallel_loop3A_530 = vector.shape_cast %parallel_loop3A_510 : vector<16xf32> to vector<1x1x1x16xf32>
      tpu.vector_store %arg6[%parallel_loop3A_524, %parallel_loop3A_525, %parallel_loop3A_526, %parallel_loop3A_527], %parallel_loop3A_530 {add = true, strides = array<i32>} : memref<2x4x8x1024xf32, #tpu.memory_space<vmem>>, vector<1x1x1x16xf32>,
      %parallel_loop3A_531 = arith.constant 0 : i32
      %parallel_loop3A_532 = arith.constant 2 : i32
      %parallel_loop3A_533 = arith.constant 6 : i32
      %parallel_loop3A_534 = arith.index_cast %parallel_loop3A_531 : i32 to index
      %parallel_loop3A_535 = arith.index_cast %parallel_loop3A_532 : i32 to index
      %parallel_loop3A_536 = arith.index_cast %parallel_loop3A_533 : i32 to index
      %parallel_loop3A_537 = arith.index_cast %parallel_loop3A_221 : i32 to index
      %parallel_loop3A_538 = tpu.vector_load %arg6[%parallel_loop3A_534, %parallel_loop3A_535, %parallel_loop3A_536, %parallel_loop3A_537] {strides = array<i32>} : memref<2x4x8x1024xf32, #tpu.memory_space<vmem>>, vector<1x1x1x16xf32>,
      %parallel_loop3A_539 = vector.shape_cast %parallel_loop3A_538 : vector<1x1x1x16xf32> to vector<16xf32>
      %parallel_loop3A_540 = vector.shape_cast %parallel_loop3A_510 : vector<16xf32> to vector<1x1x1x16xf32>
      tpu.vector_store %arg6[%parallel_loop3A_534, %parallel_loop3A_535, %parallel_loop3A_536, %parallel_loop3A_537], %parallel_loop3A_540 {add = true, strides = array<i32>} : memref<2x4x8x1024xf32, #tpu.memory_space<vmem>>, vector<1x1x1x16xf32>,
      %parallel_loop3A_541 = arith.constant 0 : i32
      %parallel_loop3A_542 = arith.constant 3 : i32
      %parallel_loop3A_543 = arith.constant 6 : i32
      %parallel_loop3A_544 = arith.index_cast %parallel_loop3A_541 : i32 to index
      %parallel_loop3A_545 = arith.index_cast %parallel_loop3A_542 : i32 to index
      %parallel_loop3A_546 = arith.index_cast %parallel_loop3A_543 : i32 to index
      %parallel_loop3A_547 = arith.index_cast %parallel_loop3A_221 : i32 to index
      %parallel_loop3A_548 = tpu.vector_load %arg6[%parallel_loop3A_544, %parallel_loop3A_545, %parallel_loop3A_546, %parallel_loop3A_547] {strides = array<i32>} : memref<2x4x8x1024xf32, #tpu.memory_space<vmem>>, vector<1x1x1x16xf32>,
      %parallel_loop3A_549 = vector.shape_cast %parallel_loop3A_548 : vector<1x1x1x16xf32> to vector<16xf32>
      %parallel_loop3A_550 = vector.shape_cast %parallel_loop3A_510 : vector<16xf32> to vector<1x1x1x16xf32>
      tpu.vector_store %arg6[%parallel_loop3A_544, %parallel_loop3A_545, %parallel_loop3A_546, %parallel_loop3A_547], %parallel_loop3A_550 {add = true, strides = array<i32>} : memref<2x4x8x1024xf32, #tpu.memory_space<vmem>>, vector<1x1x1x16xf32>,
      %parallel_loop3A_551 = arith.constant 0 : i32
      %parallel_loop3A_552 = arith.constant 7 : i32
      %parallel_loop3A_553 = arith.index_cast %parallel_loop3A_551 : i32 to index
      %parallel_loop3A_554 = arith.index_cast %parallel_loop3A_552 : i32 to index
      %parallel_loop3A_555 = arith.index_cast %parallel_loop3A_221 : i32 to index
      %parallel_loop3A_556 = tpu.vector_load %arg5[%parallel_loop3A_553, %parallel_loop3A_554, %parallel_loop3A_555] {strides = array<i32>} : memref<2x8x1024xf32, #tpu.memory_space<vmem>>, vector<1x1x16xf32>,
      %parallel_loop3A_557 = vector.shape_cast %parallel_loop3A_556 : vector<1x1x16xf32> to vector<16xf32>
      %parallel_loop3A_558 = arith.constant 0 : i32
      %parallel_loop3A_559 = arith.constant 0 : i32
      %parallel_loop3A_560 = arith.constant 7 : i32
      %parallel_loop3A_561 = arith.index_cast %parallel_loop3A_558 : i32 to index
      %parallel_loop3A_562 = arith.index_cast %parallel_loop3A_559 : i32 to index
      %parallel_loop3A_563 = arith.index_cast %parallel_loop3A_560 : i32 to index
      %parallel_loop3A_564 = arith.index_cast %parallel_loop3A_221 : i32 to index
      %parallel_loop3A_565 = tpu.vector_load %arg6[%parallel_loop3A_561, %parallel_loop3A_562, %parallel_loop3A_563, %parallel_loop3A_564] {strides = array<i32>} : memref<2x4x8x1024xf32, #tpu.memory_space<vmem>>, vector<1x1x1x16xf32>,
      %parallel_loop3A_566 = vector.shape_cast %parallel_loop3A_565 : vector<1x1x1x16xf32> to vector<16xf32>
      %parallel_loop3A_567 = vector.shape_cast %parallel_loop3A_557 : vector<16xf32> to vector<1x1x1x16xf32>
      tpu.vector_store %arg6[%parallel_loop3A_561, %parallel_loop3A_562, %parallel_loop3A_563, %parallel_loop3A_564], %parallel_loop3A_567 {add = true, strides = array<i32>} : memref<2x4x8x1024xf32, #tpu.memory_space<vmem>>, vector<1x1x1x16xf32>,
      %parallel_loop3A_568 = arith.constant 0 : i32
      %parallel_loop3A_569 = arith.constant 1 : i32
      %parallel_loop3A_570 = arith.constant 7 : i32
      %parallel_loop3A_571 = arith.index_cast %parallel_loop3A_568 : i32 to index
      %parallel_loop3A_572 = arith.index_cast %parallel_loop3A_569 : i32 to index
      %parallel_loop3A_573 = arith.index_cast %parallel_loop3A_570 : i32 to index
      %parallel_loop3A_574 = arith.index_cast %parallel_loop3A_221 : i32 to index
      %parallel_loop3A_575 = tpu.vector_load %arg6[%parallel_loop3A_571, %parallel_loop3A_572, %parallel_loop3A_573, %parallel_loop3A_574] {strides = array<i32>} : memref<2x4x8x1024xf32, #tpu.memory_space<vmem>>, vector<1x1x1x16xf32>,
      %parallel_loop3A_576 = vector.shape_cast %parallel_loop3A_575 : vector<1x1x1x16xf32> to vector<16xf32>
      %parallel_loop3A_577 = vector.shape_cast %parallel_loop3A_557 : vector<16xf32> to vector<1x1x1x16xf32>
      tpu.vector_store %arg6[%parallel_loop3A_571, %parallel_loop3A_572, %parallel_loop3A_573, %parallel_loop3A_574], %parallel_loop3A_577 {add = true, strides = array<i32>} : memref<2x4x8x1024xf32, #tpu.memory_space<vmem>>, vector<1x1x1x16xf32>,
      %parallel_loop3A_578 = arith.constant 0 : i32
      %parallel_loop3A_579 = arith.constant 2 : i32
      %parallel_loop3A_580 = arith.constant 7 : i32
      %parallel_loop3A_581 = arith.index_cast %parallel_loop3A_578 : i32 to index
      %parallel_loop3A_582 = arith.index_cast %parallel_loop3A_579 : i32 to index
      %parallel_loop3A_583 = arith.index_cast %parallel_loop3A_580 : i32 to index
      %parallel_loop3A_584 = arith.index_cast %parallel_loop3A_221 : i32 to index
      %parallel_loop3A_585 = tpu.vector_load %arg6[%parallel_loop3A_581, %parallel_loop3A_582, %parallel_loop3A_583, %parallel_loop3A_584] {strides = array<i32>} : memref<2x4x8x1024xf32, #tpu.memory_space<vmem>>, vector<1x1x1x16xf32>,
      %parallel_loop3A_586 = vector.shape_cast %parallel_loop3A_585 : vector<1x1x1x16xf32> to vector<16xf32>
      %parallel_loop3A_587 = vector.shape_cast %parallel_loop3A_557 : vector<16xf32> to vector<1x1x1x16xf32>
      tpu.vector_store %arg6[%parallel_loop3A_581, %parallel_loop3A_582, %parallel_loop3A_583, %parallel_loop3A_584], %parallel_loop3A_587 {add = true, strides = array<i32>} : memref<2x4x8x1024xf32, #tpu.memory_space<vmem>>, vector<1x1x1x16xf32>,
      %parallel_loop3A_588 = arith.constant 0 : i32
      %parallel_loop3A_589 = arith.constant 3 : i32
      %parallel_loop3A_590 = arith.constant 7 : i32
      %parallel_loop3A_591 = arith.index_cast %parallel_loop3A_588 : i32 to index
      %parallel_loop3A_592 = arith.index_cast %parallel_loop3A_589 : i32 to index
      %parallel_loop3A_593 = arith.index_cast %parallel_loop3A_590 : i32 to index
      %parallel_loop3A_594 = arith.index_cast %parallel_loop3A_221 : i32 to index
      %parallel_loop3A_595 = tpu.vector_load %arg6[%parallel_loop3A_591, %parallel_loop3A_592, %parallel_loop3A_593, %parallel_loop3A_594] {strides = array<i32>} : memref<2x4x8x1024xf32, #tpu.memory_space<vmem>>, vector<1x1x1x16xf32>,
      %parallel_loop3A_596 = vector.shape_cast %parallel_loop3A_595 : vector<1x1x1x16xf32> to vector<16xf32>
      %parallel_loop3A_597 = vector.shape_cast %parallel_loop3A_557 : vector<16xf32> to vector<1x1x1x16xf32>
      tpu.vector_store %arg6[%parallel_loop3A_591, %parallel_loop3A_592, %parallel_loop3A_593, %parallel_loop3A_594], %parallel_loop3A_597 {add = true, strides = array<i32>} : memref<2x4x8x1024xf32, #tpu.memory_space<vmem>>, vector<1x1x1x16xf32>,
    } {sc.loop_unroll_factor = 2 : i64, sc.parallel_access}
    %dma_start3A_103 = arith.constant 0 : i32
    %dma_start3A_104 = arith.constant 0 : i32
    %dma_start3A_105 = arith.constant 0 : i32
    %dma_start3A_106 = arith.constant 0 : i32
    %dma_start3A_107 = tpu.memref_slice %arg6[%dma_start3A_103, %dma_start3A_104, %dma_start3A_105, %dma_start3A_106] : memref<2x4x8x1024xf32, #tpu.memory_space<vmem>> -> memref<1x4x8x1024xf32, #tpu.memory_space<vmem>>
    %dma_start3A_108 = tpu.memref_squeeze %dma_start3A_107 : memref<1x4x8x1024xf32, #tpu.memory_space<vmem>> -> memref<4x8x1024xf32, #tpu.memory_space<vmem>>
    %dma_start3A_109 = arith.constant 0 : i32
    %dma_start3A_110 = arith.constant 0 : i32
    %dma_start3A_111 = tpu.memref_slice %arg4[%dma_start3A_109, %add3A_67, %dma_start3A_110] : memref<4x8192x1024xf32, #tpu.memory_space<hbm>> -> memref<4x8x1024xf32, #tpu.memory_space<hbm>>
    %dma_start3A_112 = arith.constant 0 : i32
    %dma_start3A_113 = arith.constant 0 : i32
    %dma_start3A_114 = tpu.memref_slice %arg4[%dma_start3A_112, %add3A_67, %dma_start3A_113] : memref<4x8192x1024xf32, #tpu.memory_space<hbm>> -> memref<4x8x1024xf32, #tpu.memory_space<hbm>>
    %dma_start3A_115 = arith.constant 0 : i32
    %dma_start3A_116 = arith.constant 0 : i32
    %dma_start3A_117 = arith.constant 0 : i32
    %dma_start3A_118 = tpu.memref_slice %arg6[%dma_start3A_103, %dma_start3A_115, %dma_start3A_116, %dma_start3A_117] : memref<2x4x8x1024xf32, #tpu.memory_space<vmem>> -> memref<1x4x8x1024xf32, #tpu.memory_space<vmem>>
    %dma_start3A_119 = tpu.memref_squeeze %dma_start3A_118 : memref<1x4x8x1024xf32, #tpu.memory_space<vmem>> -> memref<4x8x1024xf32, #tpu.memory_space<vmem>>
    tpu.enqueue_dma source(%dma_start3A_119 : memref<4x8x1024xf32, #tpu.memory_space<vmem>>) target(%dma_start3A_114 : memref<4x8x1024xf32, #tpu.memory_space<hbm>>) target_semaphore(%arg11 : memref<!tpu.dma_semaphore, #tpu.memory_space<semaphore_mem>>)
    %scan3A = arith.constant 0 : i32
    %scan3A_120 = arith.constant 0 : i32
    %scan3A_121 = arith.constant 15 : i32
    %scan3A_122 = arith.addi %scan3A_120, %scan3A_121 : i32
    %scan3A_123 = arith.constant 1 : i32
    scf.for %scan3A_219 = %scan3A_120 to %scan3A_122 step %scan3A_123  : i32 {
      %mul3A_220 = arith.constant 2 : i32
      %mul3A_221 = arith.muli %scan3A_219, %mul3A_220 : i32
      %add3A_222 = arith.constant 1 : i32
      %add3A_223 = arith.addi %add3A_222, %mul3A_221 : i32
      %dma_wait3A_224 = arith.constant 0 : i32
      %dma_wait3A_225 = arith.constant 0 : i32
      %dma_wait3A_226 = arith.constant 0 : i32
      %dma_wait3A_227 = arith.constant 0 : i32
      %dma_wait3A_228 = tpu.memref_slice %arg6[%dma_wait3A_224, %dma_wait3A_225, %dma_wait3A_226, %dma_wait3A_227] : memref<2x4x8x1024xf32, #tpu.memory_space<vmem>> -> memref<1x4x8x1024xf32, #tpu.memory_space<vmem>>
      %dma_wait3A_229 = tpu.memref_squeeze %dma_wait3A_228 : memref<1x4x8x1024xf32, #tpu.memory_space<vmem>> -> memref<4x8x1024xf32, #tpu.memory_space<vmem>>
      %dma_wait3A_230 = arith.constant 0 : i32
      %dma_wait3A_231 = arith.constant 0 : i32
      %dma_wait3A_232 = arith.constant 0 : i32
      %dma_wait3A_233 = tpu.memref_slice %arg2[%dma_wait3A_230, %dma_wait3A_231, %dma_wait3A_232] : memref<4x8192x1024xf32, #tpu.memory_space<hbm>> -> memref<4x8x1024xf32, #tpu.memory_space<hbm>>
      %dma_wait3A_234 = arith.constant 0 : i32
      %dma_wait3A_235 = arith.constant 0 : i32
      %dma_wait3A_236 = arith.constant 0 : i32
      %dma_wait3A_237 = tpu.memref_slice %arg6[%dma_wait3A_224, %dma_wait3A_234, %dma_wait3A_235, %dma_wait3A_236] : memref<2x4x8x1024xf32, #tpu.memory_space<vmem>> -> memref<1x4x8x1024xf32, #tpu.memory_space<vmem>>
      %dma_wait3A_238 = tpu.memref_squeeze %dma_wait3A_237 : memref<1x4x8x1024xf32, #tpu.memory_space<vmem>> -> memref<4x8x1024xf32, #tpu.memory_space<vmem>>
      %dma_wait3A_239 = arith.constant 0 : i32
      %dma_wait3A_240 = arith.constant 0 : i32
      %dma_wait3A_241 = arith.constant 0 : i32
      %dma_wait3A_242 = tpu.memref_slice %arg2[%dma_wait3A_239, %dma_wait3A_240, %dma_wait3A_241] : memref<4x8192x1024xf32, #tpu.memory_space<hbm>> -> memref<4x8x1024xf32, #tpu.memory_space<hbm>>
      tpu.wait_dma2 semaphore(%arg11 : memref<!tpu.dma_semaphore, #tpu.memory_space<semaphore_mem>>) src(%dma_wait3A_242 : memref<4x8x1024xf32, #tpu.memory_space<hbm>>) dst(%dma_wait3A_238 : memref<4x8x1024xf32, #tpu.memory_space<vmem>>)
      %add3A_243 = arith.constant 1 : i32
      %add3A_244 = arith.addi %add3A_223, %add3A_243 : i32
      %mul3A_245 = arith.constant 8 : i32
      %mul3A_246 = arith.muli %add3A_244, %mul3A_245 : i32
      %add3A_247 = arith.addi %mul3A_2, %mul3A_246 : i32
      %dma_start3A_248 = arith.constant 0 : i32
      %dma_start3A_249 = arith.constant 0 : i32
      %dma_start3A_250 = arith.constant 0 : i32
      %dma_start3A_251 = tpu.memref_slice %arg5[%dma_start3A_248, %dma_start3A_249, %dma_start3A_250] : memref<2x8x1024xf32, #tpu.memory_space<vmem>> -> memref<1x8x1024xf32, #tpu.memory_space<vmem>>
      %dma_start3A_252 = tpu.memref_squeeze %dma_start3A_251 : memref<1x8x1024xf32, #tpu.memory_space<vmem>> -> memref<8x1024xf32, #tpu.memory_space<vmem>>
      %dma_start3A_253 = arith.constant 0 : i32
      %dma_start3A_254 = tpu.memref_slice %arg3[%add3A_247, %dma_start3A_253] : memref<8192x1024xf32, #tpu.memory_space<hbm>> -> memref<8x1024xf32, #tpu.memory_space<hbm>>
      %dma_start3A_255 = arith.constant 0 : i32
      %dma_start3A_256 = arith.constant 0 : i32
      %dma_start3A_257 = tpu.memref_slice %arg5[%dma_start3A_248, %dma_start3A_255, %dma_start3A_256] : memref<2x8x1024xf32, #tpu.memory_space<vmem>> -> memref<1x8x1024xf32, #tpu.memory_space<vmem>>
      %dma_start3A_258 = tpu.memref_squeeze %dma_start3A_257 : memref<1x8x1024xf32, #tpu.memory_space<vmem>> -> memref<8x1024xf32, #tpu.memory_space<vmem>>
      %dma_start3A_259 = arith.constant 0 : i32
      %dma_start3A_260 = tpu.memref_slice %arg3[%add3A_247, %dma_start3A_259] : memref<8192x1024xf32, #tpu.memory_space<hbm>> -> memref<8x1024xf32, #tpu.memory_space<hbm>>
      tpu.enqueue_dma source(%dma_start3A_260 : memref<8x1024xf32, #tpu.memory_space<hbm>>) target(%dma_start3A_258 : memref<8x1024xf32, #tpu.memory_space<vmem>>) target_semaphore(%arg7 : memref<!tpu.dma_semaphore, #tpu.memory_space<semaphore_mem>>)
      %dma_start3A_261 = arith.constant 0 : i32
      %dma_start3A_262 = arith.constant 0 : i32
      %dma_start3A_263 = arith.constant 0 : i32
      %dma_start3A_264 = arith.constant 0 : i32
      %dma_start3A_265 = tpu.memref_slice %arg6[%dma_start3A_261, %dma_start3A_262, %dma_start3A_263, %dma_start3A_264] : memref<2x4x8x1024xf32, #tpu.memory_space<vmem>> -> memref<1x4x8x1024xf32, #tpu.memory_space<vmem>>
      %dma_start3A_266 = tpu.memref_squeeze %dma_start3A_265 : memref<1x4x8x1024xf32, #tpu.memory_space<vmem>> -> memref<4x8x1024xf32, #tpu.memory_space<vmem>>
      %dma_start3A_267 = arith.constant 0 : i32
      %dma_start3A_268 = arith.constant 0 : i32
      %dma_start3A_269 = tpu.memref_slice %arg2[%dma_start3A_267, %add3A_247, %dma_start3A_268] : memref<4x8192x1024xf32, #tpu.memory_space<hbm>> -> memref<4x8x1024xf32, #tpu.memory_space<hbm>>
      %dma_start3A_270 = arith.constant 0 : i32
      %dma_start3A_271 = arith.constant 0 : i32
      %dma_start3A_272 = arith.constant 0 : i32
      %dma_start3A_273 = tpu.memref_slice %arg6[%dma_start3A_261, %dma_start3A_270, %dma_start3A_271, %dma_start3A_272] : memref<2x4x8x1024xf32, #tpu.memory_space<vmem>> -> memref<1x4x8x1024xf32, #tpu.memory_space<vmem>>
      %dma_start3A_274 = tpu.memref_squeeze %dma_start3A_273 : memref<1x4x8x1024xf32, #tpu.memory_space<vmem>> -> memref<4x8x1024xf32, #tpu.memory_space<vmem>>
      %dma_start3A_275 = arith.constant 0 : i32
      %dma_start3A_276 = arith.constant 0 : i32
      %dma_start3A_277 = tpu.memref_slice %arg2[%dma_start3A_275, %add3A_247, %dma_start3A_276] : memref<4x8192x1024xf32, #tpu.memory_space<hbm>> -> memref<4x8x1024xf32, #tpu.memory_space<hbm>>
      tpu.enqueue_dma source(%dma_start3A_277 : memref<4x8x1024xf32, #tpu.memory_space<hbm>>) target(%dma_start3A_274 : memref<4x8x1024xf32, #tpu.memory_space<vmem>>) target_semaphore(%arg9 : memref<!tpu.dma_semaphore, #tpu.memory_space<semaphore_mem>>)
      %mul3A_278 = arith.constant 8 : i32
      %mul3A_279 = arith.muli %add3A_223, %mul3A_278 : i32
      %add3A_280 = arith.addi %mul3A_2, %mul3A_279 : i32
      %dma_wait3A_281 = arith.constant 1 : i32
      %dma_wait3A_282 = arith.constant 0 : i32
      %dma_wait3A_283 = arith.constant 0 : i32
      %dma_wait3A_284 = tpu.memref_slice %arg5[%dma_wait3A_281, %dma_wait3A_282, %dma_wait3A_283] : memref<2x8x1024xf32, #tpu.memory_space<vmem>> -> memref<1x8x1024xf32, #tpu.memory_space<vmem>>
      %dma_wait3A_285 = tpu.memref_squeeze %dma_wait3A_284 : memref<1x8x1024xf32, #tpu.memory_space<vmem>> -> memref<8x1024xf32, #tpu.memory_space<vmem>>
      %dma_wait3A_286 = arith.constant 0 : i32
      %dma_wait3A_287 = arith.constant 0 : i32
      %dma_wait3A_288 = tpu.memref_slice %arg3[%dma_wait3A_286, %dma_wait3A_287] : memref<8192x1024xf32, #tpu.memory_space<hbm>> -> memref<8x1024xf32, #tpu.memory_space<hbm>>
      %dma_wait3A_289 = arith.constant 0 : i32
      %dma_wait3A_290 = arith.constant 0 : i32
      %dma_wait3A_291 = tpu.memref_slice %arg5[%dma_wait3A_281, %dma_wait3A_289, %dma_wait3A_290] : memref<2x8x1024xf32, #tpu.memory_space<vmem>> -> memref<1x8x1024xf32, #tpu.memory_space<vmem>>
      %dma_wait3A_292 = tpu.memref_squeeze %dma_wait3A_291 : memref<1x8x1024xf32, #tpu.memory_space<vmem>> -> memref<8x1024xf32, #tpu.memory_space<vmem>>
      %dma_wait3A_293 = arith.constant 0 : i32
      %dma_wait3A_294 = arith.constant 0 : i32
      %dma_wait3A_295 = tpu.memref_slice %arg3[%dma_wait3A_293, %dma_wait3A_294] : memref<8192x1024xf32, #tpu.memory_space<hbm>> -> memref<8x1024xf32, #tpu.memory_space<hbm>>
      tpu.wait_dma2 semaphore(%arg8 : memref<!tpu.dma_semaphore, #tpu.memory_space<semaphore_mem>>) src(%dma_wait3A_295 : memref<8x1024xf32, #tpu.memory_space<hbm>>) dst(%dma_wait3A_292 : memref<8x1024xf32, #tpu.memory_space<vmem>>)
      %dma_wait3A_296 = arith.constant 1 : i32
      %dma_wait3A_297 = arith.constant 0 : i32
      %dma_wait3A_298 = arith.constant 0 : i32
      %dma_wait3A_299 = arith.constant 0 : i32
      %dma_wait3A_300 = tpu.memref_slice %arg6[%dma_wait3A_296, %dma_wait3A_297, %dma_wait3A_298, %dma_wait3A_299] : memref<2x4x8x1024xf32, #tpu.memory_space<vmem>> -> memref<1x4x8x1024xf32, #tpu.memory_space<vmem>>
      %dma_wait3A_301 = tpu.memref_squeeze %dma_wait3A_300 : memref<1x4x8x1024xf32, #tpu.memory_space<vmem>> -> memref<4x8x1024xf32, #tpu.memory_space<vmem>>
      %dma_wait3A_302 = arith.constant 0 : i32
      %dma_wait3A_303 = arith.constant 0 : i32
      %dma_wait3A_304 = arith.constant 0 : i32
      %dma_wait3A_305 = tpu.memref_slice %arg2[%dma_wait3A_302, %dma_wait3A_303, %dma_wait3A_304] : memref<4x8192x1024xf32, #tpu.memory_space<hbm>> -> memref<4x8x1024xf32, #tpu.memory_space<hbm>>
      %dma_wait3A_306 = arith.constant 0 : i32
      %dma_wait3A_307 = arith.constant 0 : i32
      %dma_wait3A_308 = arith.constant 0 : i32
      %dma_wait3A_309 = tpu.memref_slice %arg6[%dma_wait3A_296, %dma_wait3A_306, %dma_wait3A_307, %dma_wait3A_308] : memref<2x4x8x1024xf32, #tpu.memory_space<vmem>> -> memref<1x4x8x1024xf32, #tpu.memory_space<vmem>>
      %dma_wait3A_310 = tpu.memref_squeeze %dma_wait3A_309 : memref<1x4x8x1024xf32, #tpu.memory_space<vmem>> -> memref<4x8x1024xf32, #tpu.memory_space<vmem>>
      %dma_wait3A_311 = arith.constant 0 : i32
      %dma_wait3A_312 = arith.constant 0 : i32
      %dma_wait3A_313 = arith.constant 0 : i32
      %dma_wait3A_314 = tpu.memref_slice %arg2[%dma_wait3A_311, %dma_wait3A_312, %dma_wait3A_313] : memref<4x8192x1024xf32, #tpu.memory_space<hbm>> -> memref<4x8x1024xf32, #tpu.memory_space<hbm>>
      tpu.wait_dma2 semaphore(%arg10 : memref<!tpu.dma_semaphore, #tpu.memory_space<semaphore_mem>>) src(%dma_wait3A_314 : memref<4x8x1024xf32, #tpu.memory_space<hbm>>) dst(%dma_wait3A_310 : memref<4x8x1024xf32, #tpu.memory_space<vmem>>)
      %parallel_loop3A_315 = arith.constant 0 : i32
      %parallel_loop3A_316 = arith.constant 64 : i32
      %parallel_loop3A_317 = arith.constant 1 : i32
      scf.for %parallel_loop3A_448 = %parallel_loop3A_315 to %parallel_loop3A_316 step %parallel_loop3A_317  : i32 {
        %parallel_loop3A_449 = arith.constant 16 : i32
        %parallel_loop3A_450 = arith.muli %parallel_loop3A_448, %parallel_loop3A_449 : i32
        %parallel_loop3A_451 = arith.constant 1 : i32
        %parallel_loop3A_452 = arith.constant 0 : i32
        %parallel_loop3A_453 = arith.index_cast %parallel_loop3A_451 : i32 to index
        %parallel_loop3A_454 = arith.index_cast %parallel_loop3A_452 : i32 to index
        %parallel_loop3A_455 = arith.index_cast %parallel_loop3A_450 : i32 to index
        %parallel_loop3A_456 = tpu.vector_load %arg5[%parallel_loop3A_453, %parallel_loop3A_454, %parallel_loop3A_455] {strides = array<i32>} : memref<2x8x1024xf32, #tpu.memory_space<vmem>>, vector<1x1x16xf32>,
        %parallel_loop3A_457 = vector.shape_cast %parallel_loop3A_456 : vector<1x1x16xf32> to vector<16xf32>
        %parallel_loop3A_458 = arith.constant 1 : i32
        %parallel_loop3A_459 = arith.constant 0 : i32
        %parallel_loop3A_460 = arith.constant 0 : i32
        %parallel_loop3A_461 = arith.index_cast %parallel_loop3A_458 : i32 to index
        %parallel_loop3A_462 = arith.index_cast %parallel_loop3A_459 : i32 to index
        %parallel_loop3A_463 = arith.index_cast %parallel_loop3A_460 : i32 to index
        %parallel_loop3A_464 = arith.index_cast %parallel_loop3A_450 : i32 to index
        %parallel_loop3A_465 = tpu.vector_load %arg6[%parallel_loop3A_461, %parallel_loop3A_462, %parallel_loop3A_463, %parallel_loop3A_464] {strides = array<i32>} : memref<2x4x8x1024xf32, #tpu.memory_space<vmem>>, vector<1x1x1x16xf32>,
        %parallel_loop3A_466 = vector.shape_cast %parallel_loop3A_465 : vector<1x1x1x16xf32> to vector<16xf32>
        %parallel_loop3A_467 = vector.shape_cast %parallel_loop3A_457 : vector<16xf32> to vector<1x1x1x16xf32>
        tpu.vector_store %arg6[%parallel_loop3A_461, %parallel_loop3A_462, %parallel_loop3A_463, %parallel_loop3A_464], %parallel_loop3A_467 {add = true, strides = array<i32>} : memref<2x4x8x1024xf32, #tpu.memory_space<vmem>>, vector<1x1x1x16xf32>,
        %parallel_loop3A_468 = arith.constant 1 : i32
        %parallel_loop3A_469 = arith.constant 1 : i32
        %parallel_loop3A_470 = arith.constant 0 : i32
        %parallel_loop3A_471 = arith.index_cast %parallel_loop3A_468 : i32 to index
        %parallel_loop3A_472 = arith.index_cast %parallel_loop3A_469 : i32 to index
        %parallel_loop3A_473 = arith.index_cast %parallel_loop3A_470 : i32 to index
        %parallel_loop3A_474 = arith.index_cast %parallel_loop3A_450 : i32 to index
        %parallel_loop3A_475 = tpu.vector_load %arg6[%parallel_loop3A_471, %parallel_loop3A_472, %parallel_loop3A_473, %parallel_loop3A_474] {strides = array<i32>} : memref<2x4x8x1024xf32, #tpu.memory_space<vmem>>, vector<1x1x1x16xf32>,
        %parallel_loop3A_476 = vector.shape_cast %parallel_loop3A_475 : vector<1x1x1x16xf32> to vector<16xf32>
        %parallel_loop3A_477 = vector.shape_cast %parallel_loop3A_457 : vector<16xf32> to vector<1x1x1x16xf32>
        tpu.vector_store %arg6[%parallel_loop3A_471, %parallel_loop3A_472, %parallel_loop3A_473, %parallel_loop3A_474], %parallel_loop3A_477 {add = true, strides = array<i32>} : memref<2x4x8x1024xf32, #tpu.memory_space<vmem>>, vector<1x1x1x16xf32>,
        %parallel_loop3A_478 = arith.constant 1 : i32
        %parallel_loop3A_479 = arith.constant 2 : i32
        %parallel_loop3A_480 = arith.constant 0 : i32
        %parallel_loop3A_481 = arith.index_cast %parallel_loop3A_478 : i32 to index
        %parallel_loop3A_482 = arith.index_cast %parallel_loop3A_479 : i32 to index
        %parallel_loop3A_483 = arith.index_cast %parallel_loop3A_480 : i32 to index
        %parallel_loop3A_484 = arith.index_cast %parallel_loop3A_450 : i32 to index
        %parallel_loop3A_485 = tpu.vector_load %arg6[%parallel_loop3A_481, %parallel_loop3A_482, %parallel_loop3A_483, %parallel_loop3A_484] {strides = array<i32>} : memref<2x4x8x1024xf32, #tpu.memory_space<vmem>>, vector<1x1x1x16xf32>,
        %parallel_loop3A_486 = vector.shape_cast %parallel_loop3A_485 : vector<1x1x1x16xf32> to vector<16xf32>
        %parallel_loop3A_487 = vector.shape_cast %parallel_loop3A_457 : vector<16xf32> to vector<1x1x1x16xf32>
        tpu.vector_store %arg6[%parallel_loop3A_481, %parallel_loop3A_482, %parallel_loop3A_483, %parallel_loop3A_484], %parallel_loop3A_487 {add = true, strides = array<i32>} : memref<2x4x8x1024xf32, #tpu.memory_space<vmem>>, vector<1x1x1x16xf32>,
        %parallel_loop3A_488 = arith.constant 1 : i32
        %parallel_loop3A_489 = arith.constant 3 : i32
        %parallel_loop3A_490 = arith.constant 0 : i32
        %parallel_loop3A_491 = arith.index_cast %parallel_loop3A_488 : i32 to index
        %parallel_loop3A_492 = arith.index_cast %parallel_loop3A_489 : i32 to index
        %parallel_loop3A_493 = arith.index_cast %parallel_loop3A_490 : i32 to index
        %parallel_loop3A_494 = arith.index_cast %parallel_loop3A_450 : i32 to index
        %parallel_loop3A_495 = tpu.vector_load %arg6[%parallel_loop3A_491, %parallel_loop3A_492, %parallel_loop3A_493, %parallel_loop3A_494] {strides = array<i32>} : memref<2x4x8x1024xf32, #tpu.memory_space<vmem>>, vector<1x1x1x16xf32>,
        %parallel_loop3A_496 = vector.shape_cast %parallel_loop3A_495 : vector<1x1x1x16xf32> to vector<16xf32>
        %parallel_loop3A_497 = vector.shape_cast %parallel_loop3A_457 : vector<16xf32> to vector<1x1x1x16xf32>
        tpu.vector_store %arg6[%parallel_loop3A_491, %parallel_loop3A_492, %parallel_loop3A_493, %parallel_loop3A_494], %parallel_loop3A_497 {add = true, strides = array<i32>} : memref<2x4x8x1024xf32, #tpu.memory_space<vmem>>, vector<1x1x1x16xf32>,
        %parallel_loop3A_498 = arith.constant 1 : i32
        %parallel_loop3A_499 = arith.constant 1 : i32
        %parallel_loop3A_500 = arith.index_cast %parallel_loop3A_498 : i32 to index
        %parallel_loop3A_501 = arith.index_cast %parallel_loop3A_499 : i32 to index
        %parallel_loop3A_502 = arith.index_cast %parallel_loop3A_450 : i32 to index
        %parallel_loop3A_503 = tpu.vector_load %arg5[%parallel_loop3A_500, %parallel_loop3A_501, %parallel_loop3A_502] {strides = array<i32>} : memref<2x8x1024xf32, #tpu.memory_space<vmem>>, vector<1x1x16xf32>,
        %parallel_loop3A_504 = vector.shape_cast %parallel_loop3A_503 : vector<1x1x16xf32> to vector<16xf32>
        %parallel_loop3A_505 = arith.constant 1 : i32
        %parallel_loop3A_506 = arith.constant 0 : i32
        %parallel_loop3A_507 = arith.constant 1 : i32
        %parallel_loop3A_508 = arith.index_cast %parallel_loop3A_505 : i32 to index
        %parallel_loop3A_509 = arith.index_cast %parallel_loop3A_506 : i32 to index
        %parallel_loop3A_510 = arith.index_cast %parallel_loop3A_507 : i32 to index
        %parallel_loop3A_511 = arith.index_cast %parallel_loop3A_450 : i32 to index
        %parallel_loop3A_512 = tpu.vector_load %arg6[%parallel_loop3A_508, %parallel_loop3A_509, %parallel_loop3A_510, %parallel_loop3A_511] {strides = array<i32>} : memref<2x4x8x1024xf32, #tpu.memory_space<vmem>>, vector<1x1x1x16xf32>,
        %parallel_loop3A_513 = vector.shape_cast %parallel_loop3A_512 : vector<1x1x1x16xf32> to vector<16xf32>
        %parallel_loop3A_514 = vector.shape_cast %parallel_loop3A_504 : vector<16xf32> to vector<1x1x1x16xf32>
        tpu.vector_store %arg6[%parallel_loop3A_508, %parallel_loop3A_509, %parallel_loop3A_510, %parallel_loop3A_511], %parallel_loop3A_514 {add = true, strides = array<i32>} : memref<2x4x8x1024xf32, #tpu.memory_space<vmem>>, vector<1x1x1x16xf32>,
        %parallel_loop3A_515 = arith.constant 1 : i32
        %parallel_loop3A_516 = arith.constant 1 : i32
        %parallel_loop3A_517 = arith.constant 1 : i32
        %parallel_loop3A_518 = arith.index_cast %parallel_loop3A_515 : i32 to index
        %parallel_loop3A_519 = arith.index_cast %parallel_loop3A_516 : i32 to index
        %parallel_loop3A_520 = arith.index_cast %parallel_loop3A_517 : i32 to index
        %parallel_loop3A_521 = arith.index_cast %parallel_loop3A_450 : i32 to index
        %parallel_loop3A_522 = tpu.vector_load %arg6[%parallel_loop3A_518, %parallel_loop3A_519, %parallel_loop3A_520, %parallel_loop3A_521] {strides = array<i32>} : memref<2x4x8x1024xf32, #tpu.memory_space<vmem>>, vector<1x1x1x16xf32>,
        %parallel_loop3A_523 = vector.shape_cast %parallel_loop3A_522 : vector<1x1x1x16xf32> to vector<16xf32>
        %parallel_loop3A_524 = vector.shape_cast %parallel_loop3A_504 : vector<16xf32> to vector<1x1x1x16xf32>
        tpu.vector_store %arg6[%parallel_loop3A_518, %parallel_loop3A_519, %parallel_loop3A_520, %parallel_loop3A_521], %parallel_loop3A_524 {add = true, strides = array<i32>} : memref<2x4x8x1024xf32, #tpu.memory_space<vmem>>, vector<1x1x1x16xf32>,
        %parallel_loop3A_525 = arith.constant 1 : i32
        %parallel_loop3A_526 = arith.constant 2 : i32
        %parallel_loop3A_527 = arith.constant 1 : i32
        %parallel_loop3A_528 = arith.index_cast %parallel_loop3A_525 : i32 to index
        %parallel_loop3A_529 = arith.index_cast %parallel_loop3A_526 : i32 to index
        %parallel_loop3A_530 = arith.index_cast %parallel_loop3A_527 : i32 to index
        %parallel_loop3A_531 = arith.index_cast %parallel_loop3A_450 : i32 to index
        %parallel_loop3A_532 = tpu.vector_load %arg6[%parallel_loop3A_528, %parallel_loop3A_529, %parallel_loop3A_530, %parallel_loop3A_531] {strides = array<i32>} : memref<2x4x8x1024xf32, #tpu.memory_space<vmem>>, vector<1x1x1x16xf32>,
        %parallel_loop3A_533 = vector.shape_cast %parallel_loop3A_532 : vector<1x1x1x16xf32> to vector<16xf32>
        %parallel_loop3A_534 = vector.shape_cast %parallel_loop3A_504 : vector<16xf32> to vector<1x1x1x16xf32>
        tpu.vector_store %arg6[%parallel_loop3A_528, %parallel_loop3A_529, %parallel_loop3A_530, %parallel_loop3A_531], %parallel_loop3A_534 {add = true, strides = array<i32>} : memref<2x4x8x1024xf32, #tpu.memory_space<vmem>>, vector<1x1x1x16xf32>,
        %parallel_loop3A_535 = arith.constant 1 : i32
        %parallel_loop3A_536 = arith.constant 3 : i32
        %parallel_loop3A_537 = arith.constant 1 : i32
        %parallel_loop3A_538 = arith.index_cast %parallel_loop3A_535 : i32 to index
        %parallel_loop3A_539 = arith.index_cast %parallel_loop3A_536 : i32 to index
        %parallel_loop3A_540 = arith.index_cast %parallel_loop3A_537 : i32 to index
        %parallel_loop3A_541 = arith.index_cast %parallel_loop3A_450 : i32 to index
        %parallel_loop3A_542 = tpu.vector_load %arg6[%parallel_loop3A_538, %parallel_loop3A_539, %parallel_loop3A_540, %parallel_loop3A_541] {strides = array<i32>} : memref<2x4x8x1024xf32, #tpu.memory_space<vmem>>, vector<1x1x1x16xf32>,
        %parallel_loop3A_543 = vector.shape_cast %parallel_loop3A_542 : vector<1x1x1x16xf32> to vector<16xf32>
        %parallel_loop3A_544 = vector.shape_cast %parallel_loop3A_504 : vector<16xf32> to vector<1x1x1x16xf32>
        tpu.vector_store %arg6[%parallel_loop3A_538, %parallel_loop3A_539, %parallel_loop3A_540, %parallel_loop3A_541], %parallel_loop3A_544 {add = true, strides = array<i32>} : memref<2x4x8x1024xf32, #tpu.memory_space<vmem>>, vector<1x1x1x16xf32>,
        %parallel_loop3A_545 = arith.constant 1 : i32
        %parallel_loop3A_546 = arith.constant 2 : i32
        %parallel_loop3A_547 = arith.index_cast %parallel_loop3A_545 : i32 to index
        %parallel_loop3A_548 = arith.index_cast %parallel_loop3A_546 : i32 to index
        %parallel_loop3A_549 = arith.index_cast %parallel_loop3A_450 : i32 to index
        %parallel_loop3A_550 = tpu.vector_load %arg5[%parallel_loop3A_547, %parallel_loop3A_548, %parallel_loop3A_549] {strides = array<i32>} : memref<2x8x1024xf32, #tpu.memory_space<vmem>>, vector<1x1x16xf32>,
        %parallel_loop3A_551 = vector.shape_cast %parallel_loop3A_550 : vector<1x1x16xf32> to vector<16xf32>
        %parallel_loop3A_552 = arith.constant 1 : i32
        %parallel_loop3A_553 = arith.constant 0 : i32
        %parallel_loop3A_554 = arith.constant 2 : i32
        %parallel_loop3A_555 = arith.index_cast %parallel_loop3A_552 : i32 to index
        %parallel_loop3A_556 = arith.index_cast %parallel_loop3A_553 : i32 to index
        %parallel_loop3A_557 = arith.index_cast %parallel_loop3A_554 : i32 to index
        %parallel_loop3A_558 = arith.index_cast %parallel_loop3A_450 : i32 to index
        %parallel_loop3A_559 = tpu.vector_load %arg6[%parallel_loop3A_555, %parallel_loop3A_556, %parallel_loop3A_557, %parallel_loop3A_558] {strides = array<i32>} : memref<2x4x8x1024xf32, #tpu.memory_space<vmem>>, vector<1x1x1x16xf32>,
        %parallel_loop3A_560 = vector.shape_cast %parallel_loop3A_559 : vector<1x1x1x16xf32> to vector<16xf32>
        %parallel_loop3A_561 = vector.shape_cast %parallel_loop3A_551 : vector<16xf32> to vector<1x1x1x16xf32>
        tpu.vector_store %arg6[%parallel_loop3A_555, %parallel_loop3A_556, %parallel_loop3A_557, %parallel_loop3A_558], %parallel_loop3A_561 {add = true, strides = array<i32>} : memref<2x4x8x1024xf32, #tpu.memory_space<vmem>>, vector<1x1x1x16xf32>,
        %parallel_loop3A_562 = arith.constant 1 : i32
        %parallel_loop3A_563 = arith.constant 1 : i32
        %parallel_loop3A_564 = arith.constant 2 : i32
        %parallel_loop3A_565 = arith.index_cast %parallel_loop3A_562 : i32 to index
        %parallel_loop3A_566 = arith.index_cast %parallel_loop3A_563 : i32 to index
        %parallel_loop3A_567 = arith.index_cast %parallel_loop3A_564 : i32 to index
        %parallel_loop3A_568 = arith.index_cast %parallel_loop3A_450 : i32 to index
        %parallel_loop3A_569 = tpu.vector_load %arg6[%parallel_loop3A_565, %parallel_loop3A_566, %parallel_loop3A_567, %parallel_loop3A_568] {strides = array<i32>} : memref<2x4x8x1024xf32, #tpu.memory_space<vmem>>, vector<1x1x1x16xf32>,
        %parallel_loop3A_570 = vector.shape_cast %parallel_loop3A_569 : vector<1x1x1x16xf32> to vector<16xf32>
        %parallel_loop3A_571 = vector.shape_cast %parallel_loop3A_551 : vector<16xf32> to vector<1x1x1x16xf32>
        tpu.vector_store %arg6[%parallel_loop3A_565, %parallel_loop3A_566, %parallel_loop3A_567, %parallel_loop3A_568], %parallel_loop3A_571 {add = true, strides = array<i32>} : memref<2x4x8x1024xf32, #tpu.memory_space<vmem>>, vector<1x1x1x16xf32>,
        %parallel_loop3A_572 = arith.constant 1 : i32
        %parallel_loop3A_573 = arith.constant 2 : i32
        %parallel_loop3A_574 = arith.constant 2 : i32
        %parallel_loop3A_575 = arith.index_cast %parallel_loop3A_572 : i32 to index
        %parallel_loop3A_576 = arith.index_cast %parallel_loop3A_573 : i32 to index
        %parallel_loop3A_577 = arith.index_cast %parallel_loop3A_574 : i32 to index
        %parallel_loop3A_578 = arith.index_cast %parallel_loop3A_450 : i32 to index
        %parallel_loop3A_579 = tpu.vector_load %arg6[%parallel_loop3A_575, %parallel_loop3A_576, %parallel_loop3A_577, %parallel_loop3A_578] {strides = array<i32>} : memref<2x4x8x1024xf32, #tpu.memory_space<vmem>>, vector<1x1x1x16xf32>,
        %parallel_loop3A_580 = vector.shape_cast %parallel_loop3A_579 : vector<1x1x1x16xf32> to vector<16xf32>
        %parallel_loop3A_581 = vector.shape_cast %parallel_loop3A_551 : vector<16xf32> to vector<1x1x1x16xf32>
        tpu.vector_store %arg6[%parallel_loop3A_575, %parallel_loop3A_576, %parallel_loop3A_577, %parallel_loop3A_578], %parallel_loop3A_581 {add = true, strides = array<i32>} : memref<2x4x8x1024xf32, #tpu.memory_space<vmem>>, vector<1x1x1x16xf32>,
        %parallel_loop3A_582 = arith.constant 1 : i32
        %parallel_loop3A_583 = arith.constant 3 : i32
        %parallel_loop3A_584 = arith.constant 2 : i32
        %parallel_loop3A_585 = arith.index_cast %parallel_loop3A_582 : i32 to index
        %parallel_loop3A_586 = arith.index_cast %parallel_loop3A_583 : i32 to index
        %parallel_loop3A_587 = arith.index_cast %parallel_loop3A_584 : i32 to index
        %parallel_loop3A_588 = arith.index_cast %parallel_loop3A_450 : i32 to index
        %parallel_loop3A_589 = tpu.vector_load %arg6[%parallel_loop3A_585, %parallel_loop3A_586, %parallel_loop3A_587, %parallel_loop3A_588] {strides = array<i32>} : memref<2x4x8x1024xf32, #tpu.memory_space<vmem>>, vector<1x1x1x16xf32>,
        %parallel_loop3A_590 = vector.shape_cast %parallel_loop3A_589 : vector<1x1x1x16xf32> to vector<16xf32>
        %parallel_loop3A_591 = vector.shape_cast %parallel_loop3A_551 : vector<16xf32> to vector<1x1x1x16xf32>
        tpu.vector_store %arg6[%parallel_loop3A_585, %parallel_loop3A_586, %parallel_loop3A_587, %parallel_loop3A_588], %parallel_loop3A_591 {add = true, strides = array<i32>} : memref<2x4x8x1024xf32, #tpu.memory_space<vmem>>, vector<1x1x1x16xf32>,
        %parallel_loop3A_592 = arith.constant 1 : i32
        %parallel_loop3A_593 = arith.constant 3 : i32
        %parallel_loop3A_594 = arith.index_cast %parallel_loop3A_592 : i32 to index
        %parallel_loop3A_595 = arith.index_cast %parallel_loop3A_593 : i32 to index
        %parallel_loop3A_596 = arith.index_cast %parallel_loop3A_450 : i32 to index
        %parallel_loop3A_597 = tpu.vector_load %arg5[%parallel_loop3A_594, %parallel_loop3A_595, %parallel_loop3A_596] {strides = array<i32>} : memref<2x8x1024xf32, #tpu.memory_space<vmem>>, vector<1x1x16xf32>,
        %parallel_loop3A_598 = vector.shape_cast %parallel_loop3A_597 : vector<1x1x16xf32> to vector<16xf32>
        %parallel_loop3A_599 = arith.constant 1 : i32
        %parallel_loop3A_600 = arith.constant 0 : i32
        %parallel_loop3A_601 = arith.constant 3 : i32
        %parallel_loop3A_602 = arith.index_cast %parallel_loop3A_599 : i32 to index
        %parallel_loop3A_603 = arith.index_cast %parallel_loop3A_600 : i32 to index
        %parallel_loop3A_604 = arith.index_cast %parallel_loop3A_601 : i32 to index
        %parallel_loop3A_605 = arith.index_cast %parallel_loop3A_450 : i32 to index
        %parallel_loop3A_606 = tpu.vector_load %arg6[%parallel_loop3A_602, %parallel_loop3A_603, %parallel_loop3A_604, %parallel_loop3A_605] {strides = array<i32>} : memref<2x4x8x1024xf32, #tpu.memory_space<vmem>>, vector<1x1x1x16xf32>,
        %parallel_loop3A_607 = vector.shape_cast %parallel_loop3A_606 : vector<1x1x1x16xf32> to vector<16xf32>
        %parallel_loop3A_608 = vector.shape_cast %parallel_loop3A_598 : vector<16xf32> to vector<1x1x1x16xf32>
        tpu.vector_store %arg6[%parallel_loop3A_602, %parallel_loop3A_603, %parallel_loop3A_604, %parallel_loop3A_605], %parallel_loop3A_608 {add = true, strides = array<i32>} : memref<2x4x8x1024xf32, #tpu.memory_space<vmem>>, vector<1x1x1x16xf32>,
        %parallel_loop3A_609 = arith.constant 1 : i32
        %parallel_loop3A_610 = arith.constant 1 : i32
        %parallel_loop3A_611 = arith.constant 3 : i32
        %parallel_loop3A_612 = arith.index_cast %parallel_loop3A_609 : i32 to index
        %parallel_loop3A_613 = arith.index_cast %parallel_loop3A_610 : i32 to index
        %parallel_loop3A_614 = arith.index_cast %parallel_loop3A_611 : i32 to index
        %parallel_loop3A_615 = arith.index_cast %parallel_loop3A_450 : i32 to index
        %parallel_loop3A_616 = tpu.vector_load %arg6[%parallel_loop3A_612, %parallel_loop3A_613, %parallel_loop3A_614, %parallel_loop3A_615] {strides = array<i32>} : memref<2x4x8x1024xf32, #tpu.memory_space<vmem>>, vector<1x1x1x16xf32>,
        %parallel_loop3A_617 = vector.shape_cast %parallel_loop3A_616 : vector<1x1x1x16xf32> to vector<16xf32>
        %parallel_loop3A_618 = vector.shape_cast %parallel_loop3A_598 : vector<16xf32> to vector<1x1x1x16xf32>
        tpu.vector_store %arg6[%parallel_loop3A_612, %parallel_loop3A_613, %parallel_loop3A_614, %parallel_loop3A_615], %parallel_loop3A_618 {add = true, strides = array<i32>} : memref<2x4x8x1024xf32, #tpu.memory_space<vmem>>, vector<1x1x1x16xf32>,
        %parallel_loop3A_619 = arith.constant 1 : i32
        %parallel_loop3A_620 = arith.constant 2 : i32
        %parallel_loop3A_621 = arith.constant 3 : i32
        %parallel_loop3A_622 = arith.index_cast %parallel_loop3A_619 : i32 to index
        %parallel_loop3A_623 = arith.index_cast %parallel_loop3A_620 : i32 to index
        %parallel_loop3A_624 = arith.index_cast %parallel_loop3A_621 : i32 to index
        %parallel_loop3A_625 = arith.index_cast %parallel_loop3A_450 : i32 to index
        %parallel_loop3A_626 = tpu.vector_load %arg6[%parallel_loop3A_622, %parallel_loop3A_623, %parallel_loop3A_624, %parallel_loop3A_625] {strides = array<i32>} : memref<2x4x8x1024xf32, #tpu.memory_space<vmem>>, vector<1x1x1x16xf32>,
        %parallel_loop3A_627 = vector.shape_cast %parallel_loop3A_626 : vector<1x1x1x16xf32> to vector<16xf32>
        %parallel_loop3A_628 = vector.shape_cast %parallel_loop3A_598 : vector<16xf32> to vector<1x1x1x16xf32>
        tpu.vector_store %arg6[%parallel_loop3A_622, %parallel_loop3A_623, %parallel_loop3A_624, %parallel_loop3A_625], %parallel_loop3A_628 {add = true, strides = array<i32>} : memref<2x4x8x1024xf32, #tpu.memory_space<vmem>>, vector<1x1x1x16xf32>,
        %parallel_loop3A_629 = arith.constant 1 : i32
        %parallel_loop3A_630 = arith.constant 3 : i32
        %parallel_loop3A_631 = arith.constant 3 : i32
        %parallel_loop3A_632 = arith.index_cast %parallel_loop3A_629 : i32 to index
        %parallel_loop3A_633 = arith.index_cast %parallel_loop3A_630 : i32 to index
        %parallel_loop3A_634 = arith.index_cast %parallel_loop3A_631 : i32 to index
        %parallel_loop3A_635 = arith.index_cast %parallel_loop3A_450 : i32 to index
        %parallel_loop3A_636 = tpu.vector_load %arg6[%parallel_loop3A_632, %parallel_loop3A_633, %parallel_loop3A_634, %parallel_loop3A_635] {strides = array<i32>} : memref<2x4x8x1024xf32, #tpu.memory_space<vmem>>, vector<1x1x1x16xf32>,
        %parallel_loop3A_637 = vector.shape_cast %parallel_loop3A_636 : vector<1x1x1x16xf32> to vector<16xf32>
        %parallel_loop3A_638 = vector.shape_cast %parallel_loop3A_598 : vector<16xf32> to vector<1x1x1x16xf32>
        tpu.vector_store %arg6[%parallel_loop3A_632, %parallel_loop3A_633, %parallel_loop3A_634, %parallel_loop3A_635], %parallel_loop3A_638 {add = true, strides = array<i32>} : memref<2x4x8x1024xf32, #tpu.memory_space<vmem>>, vector<1x1x1x16xf32>,
        %parallel_loop3A_639 = arith.constant 1 : i32
        %parallel_loop3A_640 = arith.constant 4 : i32
        %parallel_loop3A_641 = arith.index_cast %parallel_loop3A_639 : i32 to index
        %parallel_loop3A_642 = arith.index_cast %parallel_loop3A_640 : i32 to index
        %parallel_loop3A_643 = arith.index_cast %parallel_loop3A_450 : i32 to index
        %parallel_loop3A_644 = tpu.vector_load %arg5[%parallel_loop3A_641, %parallel_loop3A_642, %parallel_loop3A_643] {strides = array<i32>} : memref<2x8x1024xf32, #tpu.memory_space<vmem>>, vector<1x1x16xf32>,
        %parallel_loop3A_645 = vector.shape_cast %parallel_loop3A_644 : vector<1x1x16xf32> to vector<16xf32>
        %parallel_loop3A_646 = arith.constant 1 : i32
        %parallel_loop3A_647 = arith.constant 0 : i32
        %parallel_loop3A_648 = arith.constant 4 : i32
        %parallel_loop3A_649 = arith.index_cast %parallel_loop3A_646 : i32 to index
        %parallel_loop3A_650 = arith.index_cast %parallel_loop3A_647 : i32 to index
        %parallel_loop3A_651 = arith.index_cast %parallel_loop3A_648 : i32 to index
        %parallel_loop3A_652 = arith.index_cast %parallel_loop3A_450 : i32 to index
        %parallel_loop3A_653 = tpu.vector_load %arg6[%parallel_loop3A_649, %parallel_loop3A_650, %parallel_loop3A_651, %parallel_loop3A_652] {strides = array<i32>} : memref<2x4x8x1024xf32, #tpu.memory_space<vmem>>, vector<1x1x1x16xf32>,
        %parallel_loop3A_654 = vector.shape_cast %parallel_loop3A_653 : vector<1x1x1x16xf32> to vector<16xf32>
        %parallel_loop3A_655 = vector.shape_cast %parallel_loop3A_645 : vector<16xf32> to vector<1x1x1x16xf32>
        tpu.vector_store %arg6[%parallel_loop3A_649, %parallel_loop3A_650, %parallel_loop3A_651, %parallel_loop3A_652], %parallel_loop3A_655 {add = true, strides = array<i32>} : memref<2x4x8x1024xf32, #tpu.memory_space<vmem>>, vector<1x1x1x16xf32>,
        %parallel_loop3A_656 = arith.constant 1 : i32
        %parallel_loop3A_657 = arith.constant 1 : i32
        %parallel_loop3A_658 = arith.constant 4 : i32
        %parallel_loop3A_659 = arith.index_cast %parallel_loop3A_656 : i32 to index
        %parallel_loop3A_660 = arith.index_cast %parallel_loop3A_657 : i32 to index
        %parallel_loop3A_661 = arith.index_cast %parallel_loop3A_658 : i32 to index
        %parallel_loop3A_662 = arith.index_cast %parallel_loop3A_450 : i32 to index
        %parallel_loop3A_663 = tpu.vector_load %arg6[%parallel_loop3A_659, %parallel_loop3A_660, %parallel_loop3A_661, %parallel_loop3A_662] {strides = array<i32>} : memref<2x4x8x1024xf32, #tpu.memory_space<vmem>>, vector<1x1x1x16xf32>,
        %parallel_loop3A_664 = vector.shape_cast %parallel_loop3A_663 : vector<1x1x1x16xf32> to vector<16xf32>
        %parallel_loop3A_665 = vector.shape_cast %parallel_loop3A_645 : vector<16xf32> to vector<1x1x1x16xf32>
        tpu.vector_store %arg6[%parallel_loop3A_659, %parallel_loop3A_660, %parallel_loop3A_661, %parallel_loop3A_662], %parallel_loop3A_665 {add = true, strides = array<i32>} : memref<2x4x8x1024xf32, #tpu.memory_space<vmem>>, vector<1x1x1x16xf32>,
        %parallel_loop3A_666 = arith.constant 1 : i32
        %parallel_loop3A_667 = arith.constant 2 : i32
        %parallel_loop3A_668 = arith.constant 4 : i32
        %parallel_loop3A_669 = arith.index_cast %parallel_loop3A_666 : i32 to index
        %parallel_loop3A_670 = arith.index_cast %parallel_loop3A_667 : i32 to index
        %parallel_loop3A_671 = arith.index_cast %parallel_loop3A_668 : i32 to index
        %parallel_loop3A_672 = arith.index_cast %parallel_loop3A_450 : i32 to index
        %parallel_loop3A_673 = tpu.vector_load %arg6[%parallel_loop3A_669, %parallel_loop3A_670, %parallel_loop3A_671, %parallel_loop3A_672] {strides = array<i32>} : memref<2x4x8x1024xf32, #tpu.memory_space<vmem>>, vector<1x1x1x16xf32>,
        %parallel_loop3A_674 = vector.shape_cast %parallel_loop3A_673 : vector<1x1x1x16xf32> to vector<16xf32>
        %parallel_loop3A_675 = vector.shape_cast %parallel_loop3A_645 : vector<16xf32> to vector<1x1x1x16xf32>
        tpu.vector_store %arg6[%parallel_loop3A_669, %parallel_loop3A_670, %parallel_loop3A_671, %parallel_loop3A_672], %parallel_loop3A_675 {add = true, strides = array<i32>} : memref<2x4x8x1024xf32, #tpu.memory_space<vmem>>, vector<1x1x1x16xf32>,
        %parallel_loop3A_676 = arith.constant 1 : i32
        %parallel_loop3A_677 = arith.constant 3 : i32
        %parallel_loop3A_678 = arith.constant 4 : i32
        %parallel_loop3A_679 = arith.index_cast %parallel_loop3A_676 : i32 to index
        %parallel_loop3A_680 = arith.index_cast %parallel_loop3A_677 : i32 to index
        %parallel_loop3A_681 = arith.index_cast %parallel_loop3A_678 : i32 to index
        %parallel_loop3A_682 = arith.index_cast %parallel_loop3A_450 : i32 to index
        %parallel_loop3A_683 = tpu.vector_load %arg6[%parallel_loop3A_679, %parallel_loop3A_680, %parallel_loop3A_681, %parallel_loop3A_682] {strides = array<i32>} : memref<2x4x8x1024xf32, #tpu.memory_space<vmem>>, vector<1x1x1x16xf32>,
        %parallel_loop3A_684 = vector.shape_cast %parallel_loop3A_683 : vector<1x1x1x16xf32> to vector<16xf32>
        %parallel_loop3A_685 = vector.shape_cast %parallel_loop3A_645 : vector<16xf32> to vector<1x1x1x16xf32>
        tpu.vector_store %arg6[%parallel_loop3A_679, %parallel_loop3A_680, %parallel_loop3A_681, %parallel_loop3A_682], %parallel_loop3A_685 {add = true, strides = array<i32>} : memref<2x4x8x1024xf32, #tpu.memory_space<vmem>>, vector<1x1x1x16xf32>,
        %parallel_loop3A_686 = arith.constant 1 : i32
        %parallel_loop3A_687 = arith.constant 5 : i32
        %parallel_loop3A_688 = arith.index_cast %parallel_loop3A_686 : i32 to index
        %parallel_loop3A_689 = arith.index_cast %parallel_loop3A_687 : i32 to index
        %parallel_loop3A_690 = arith.index_cast %parallel_loop3A_450 : i32 to index
        %parallel_loop3A_691 = tpu.vector_load %arg5[%parallel_loop3A_688, %parallel_loop3A_689, %parallel_loop3A_690] {strides = array<i32>} : memref<2x8x1024xf32, #tpu.memory_space<vmem>>, vector<1x1x16xf32>,
        %parallel_loop3A_692 = vector.shape_cast %parallel_loop3A_691 : vector<1x1x16xf32> to vector<16xf32>
        %parallel_loop3A_693 = arith.constant 1 : i32
        %parallel_loop3A_694 = arith.constant 0 : i32
        %parallel_loop3A_695 = arith.constant 5 : i32
        %parallel_loop3A_696 = arith.index_cast %parallel_loop3A_693 : i32 to index
        %parallel_loop3A_697 = arith.index_cast %parallel_loop3A_694 : i32 to index
        %parallel_loop3A_698 = arith.index_cast %parallel_loop3A_695 : i32 to index
        %parallel_loop3A_699 = arith.index_cast %parallel_loop3A_450 : i32 to index
        %parallel_loop3A_700 = tpu.vector_load %arg6[%parallel_loop3A_696, %parallel_loop3A_697, %parallel_loop3A_698, %parallel_loop3A_699] {strides = array<i32>} : memref<2x4x8x1024xf32, #tpu.memory_space<vmem>>, vector<1x1x1x16xf32>,
        %parallel_loop3A_701 = vector.shape_cast %parallel_loop3A_700 : vector<1x1x1x16xf32> to vector<16xf32>
        %parallel_loop3A_702 = vector.shape_cast %parallel_loop3A_692 : vector<16xf32> to vector<1x1x1x16xf32>
        tpu.vector_store %arg6[%parallel_loop3A_696, %parallel_loop3A_697, %parallel_loop3A_698, %parallel_loop3A_699], %parallel_loop3A_702 {add = true, strides = array<i32>} : memref<2x4x8x1024xf32, #tpu.memory_space<vmem>>, vector<1x1x1x16xf32>,
        %parallel_loop3A_703 = arith.constant 1 : i32
        %parallel_loop3A_704 = arith.constant 1 : i32
        %parallel_loop3A_705 = arith.constant 5 : i32
        %parallel_loop3A_706 = arith.index_cast %parallel_loop3A_703 : i32 to index
        %parallel_loop3A_707 = arith.index_cast %parallel_loop3A_704 : i32 to index
        %parallel_loop3A_708 = arith.index_cast %parallel_loop3A_705 : i32 to index
        %parallel_loop3A_709 = arith.index_cast %parallel_loop3A_450 : i32 to index
        %parallel_loop3A_710 = tpu.vector_load %arg6[%parallel_loop3A_706, %parallel_loop3A_707, %parallel_loop3A_708, %parallel_loop3A_709] {strides = array<i32>} : memref<2x4x8x1024xf32, #tpu.memory_space<vmem>>, vector<1x1x1x16xf32>,
        %parallel_loop3A_711 = vector.shape_cast %parallel_loop3A_710 : vector<1x1x1x16xf32> to vector<16xf32>
        %parallel_loop3A_712 = vector.shape_cast %parallel_loop3A_692 : vector<16xf32> to vector<1x1x1x16xf32>
        tpu.vector_store %arg6[%parallel_loop3A_706, %parallel_loop3A_707, %parallel_loop3A_708, %parallel_loop3A_709], %parallel_loop3A_712 {add = true, strides = array<i32>} : memref<2x4x8x1024xf32, #tpu.memory_space<vmem>>, vector<1x1x1x16xf32>,
        %parallel_loop3A_713 = arith.constant 1 : i32
        %parallel_loop3A_714 = arith.constant 2 : i32
        %parallel_loop3A_715 = arith.constant 5 : i32
        %parallel_loop3A_716 = arith.index_cast %parallel_loop3A_713 : i32 to index
        %parallel_loop3A_717 = arith.index_cast %parallel_loop3A_714 : i32 to index
        %parallel_loop3A_718 = arith.index_cast %parallel_loop3A_715 : i32 to index
        %parallel_loop3A_719 = arith.index_cast %parallel_loop3A_450 : i32 to index
        %parallel_loop3A_720 = tpu.vector_load %arg6[%parallel_loop3A_716, %parallel_loop3A_717, %parallel_loop3A_718, %parallel_loop3A_719] {strides = array<i32>} : memref<2x4x8x1024xf32, #tpu.memory_space<vmem>>, vector<1x1x1x16xf32>,
        %parallel_loop3A_721 = vector.shape_cast %parallel_loop3A_720 : vector<1x1x1x16xf32> to vector<16xf32>
        %parallel_loop3A_722 = vector.shape_cast %parallel_loop3A_692 : vector<16xf32> to vector<1x1x1x16xf32>
        tpu.vector_store %arg6[%parallel_loop3A_716, %parallel_loop3A_717, %parallel_loop3A_718, %parallel_loop3A_719], %parallel_loop3A_722 {add = true, strides = array<i32>} : memref<2x4x8x1024xf32, #tpu.memory_space<vmem>>, vector<1x1x1x16xf32>,
        %parallel_loop3A_723 = arith.constant 1 : i32
        %parallel_loop3A_724 = arith.constant 3 : i32
        %parallel_loop3A_725 = arith.constant 5 : i32
        %parallel_loop3A_726 = arith.index_cast %parallel_loop3A_723 : i32 to index
        %parallel_loop3A_727 = arith.index_cast %parallel_loop3A_724 : i32 to index
        %parallel_loop3A_728 = arith.index_cast %parallel_loop3A_725 : i32 to index
        %parallel_loop3A_729 = arith.index_cast %parallel_loop3A_450 : i32 to index
        %parallel_loop3A_730 = tpu.vector_load %arg6[%parallel_loop3A_726, %parallel_loop3A_727, %parallel_loop3A_728, %parallel_loop3A_729] {strides = array<i32>} : memref<2x4x8x1024xf32, #tpu.memory_space<vmem>>, vector<1x1x1x16xf32>,
        %parallel_loop3A_731 = vector.shape_cast %parallel_loop3A_730 : vector<1x1x1x16xf32> to vector<16xf32>
        %parallel_loop3A_732 = vector.shape_cast %parallel_loop3A_692 : vector<16xf32> to vector<1x1x1x16xf32>
        tpu.vector_store %arg6[%parallel_loop3A_726, %parallel_loop3A_727, %parallel_loop3A_728, %parallel_loop3A_729], %parallel_loop3A_732 {add = true, strides = array<i32>} : memref<2x4x8x1024xf32, #tpu.memory_space<vmem>>, vector<1x1x1x16xf32>,
        %parallel_loop3A_733 = arith.constant 1 : i32
        %parallel_loop3A_734 = arith.constant 6 : i32
        %parallel_loop3A_735 = arith.index_cast %parallel_loop3A_733 : i32 to index
        %parallel_loop3A_736 = arith.index_cast %parallel_loop3A_734 : i32 to index
        %parallel_loop3A_737 = arith.index_cast %parallel_loop3A_450 : i32 to index
        %parallel_loop3A_738 = tpu.vector_load %arg5[%parallel_loop3A_735, %parallel_loop3A_736, %parallel_loop3A_737] {strides = array<i32>} : memref<2x8x1024xf32, #tpu.memory_space<vmem>>, vector<1x1x16xf32>,
        %parallel_loop3A_739 = vector.shape_cast %parallel_loop3A_738 : vector<1x1x16xf32> to vector<16xf32>
        %parallel_loop3A_740 = arith.constant 1 : i32
        %parallel_loop3A_741 = arith.constant 0 : i32
        %parallel_loop3A_742 = arith.constant 6 : i32
        %parallel_loop3A_743 = arith.index_cast %parallel_loop3A_740 : i32 to index
        %parallel_loop3A_744 = arith.index_cast %parallel_loop3A_741 : i32 to index
        %parallel_loop3A_745 = arith.index_cast %parallel_loop3A_742 : i32 to index
        %parallel_loop3A_746 = arith.index_cast %parallel_loop3A_450 : i32 to index
        %parallel_loop3A_747 = tpu.vector_load %arg6[%parallel_loop3A_743, %parallel_loop3A_744, %parallel_loop3A_745, %parallel_loop3A_746] {strides = array<i32>} : memref<2x4x8x1024xf32, #tpu.memory_space<vmem>>, vector<1x1x1x16xf32>,
        %parallel_loop3A_748 = vector.shape_cast %parallel_loop3A_747 : vector<1x1x1x16xf32> to vector<16xf32>
        %parallel_loop3A_749 = vector.shape_cast %parallel_loop3A_739 : vector<16xf32> to vector<1x1x1x16xf32>
        tpu.vector_store %arg6[%parallel_loop3A_743, %parallel_loop3A_744, %parallel_loop3A_745, %parallel_loop3A_746], %parallel_loop3A_749 {add = true, strides = array<i32>} : memref<2x4x8x1024xf32, #tpu.memory_space<vmem>>, vector<1x1x1x16xf32>,
        %parallel_loop3A_750 = arith.constant 1 : i32
        %parallel_loop3A_751 = arith.constant 1 : i32
        %parallel_loop3A_752 = arith.constant 6 : i32
        %parallel_loop3A_753 = arith.index_cast %parallel_loop3A_750 : i32 to index
        %parallel_loop3A_754 = arith.index_cast %parallel_loop3A_751 : i32 to index
        %parallel_loop3A_755 = arith.index_cast %parallel_loop3A_752 : i32 to index
        %parallel_loop3A_756 = arith.index_cast %parallel_loop3A_450 : i32 to index
        %parallel_loop3A_757 = tpu.vector_load %arg6[%parallel_loop3A_753, %parallel_loop3A_754, %parallel_loop3A_755, %parallel_loop3A_756] {strides = array<i32>} : memref<2x4x8x1024xf32, #tpu.memory_space<vmem>>, vector<1x1x1x16xf32>,
        %parallel_loop3A_758 = vector.shape_cast %parallel_loop3A_757 : vector<1x1x1x16xf32> to vector<16xf32>
        %parallel_loop3A_759 = vector.shape_cast %parallel_loop3A_739 : vector<16xf32> to vector<1x1x1x16xf32>
        tpu.vector_store %arg6[%parallel_loop3A_753, %parallel_loop3A_754, %parallel_loop3A_755, %parallel_loop3A_756], %parallel_loop3A_759 {add = true, strides = array<i32>} : memref<2x4x8x1024xf32, #tpu.memory_space<vmem>>, vector<1x1x1x16xf32>,
        %parallel_loop3A_760 = arith.constant 1 : i32
        %parallel_loop3A_761 = arith.constant 2 : i32
        %parallel_loop3A_762 = arith.constant 6 : i32
        %parallel_loop3A_763 = arith.index_cast %parallel_loop3A_760 : i32 to index
        %parallel_loop3A_764 = arith.index_cast %parallel_loop3A_761 : i32 to index
        %parallel_loop3A_765 = arith.index_cast %parallel_loop3A_762 : i32 to index
        %parallel_loop3A_766 = arith.index_cast %parallel_loop3A_450 : i32 to index
        %parallel_loop3A_767 = tpu.vector_load %arg6[%parallel_loop3A_763, %parallel_loop3A_764, %parallel_loop3A_765, %parallel_loop3A_766] {strides = array<i32>} : memref<2x4x8x1024xf32, #tpu.memory_space<vmem>>, vector<1x1x1x16xf32>,
        %parallel_loop3A_768 = vector.shape_cast %parallel_loop3A_767 : vector<1x1x1x16xf32> to vector<16xf32>
        %parallel_loop3A_769 = vector.shape_cast %parallel_loop3A_739 : vector<16xf32> to vector<1x1x1x16xf32>
        tpu.vector_store %arg6[%parallel_loop3A_763, %parallel_loop3A_764, %parallel_loop3A_765, %parallel_loop3A_766], %parallel_loop3A_769 {add = true, strides = array<i32>} : memref<2x4x8x1024xf32, #tpu.memory_space<vmem>>, vector<1x1x1x16xf32>,
        %parallel_loop3A_770 = arith.constant 1 : i32
        %parallel_loop3A_771 = arith.constant 3 : i32
        %parallel_loop3A_772 = arith.constant 6 : i32
        %parallel_loop3A_773 = arith.index_cast %parallel_loop3A_770 : i32 to index
        %parallel_loop3A_774 = arith.index_cast %parallel_loop3A_771 : i32 to index
        %parallel_loop3A_775 = arith.index_cast %parallel_loop3A_772 : i32 to index
        %parallel_loop3A_776 = arith.index_cast %parallel_loop3A_450 : i32 to index
        %parallel_loop3A_777 = tpu.vector_load %arg6[%parallel_loop3A_773, %parallel_loop3A_774, %parallel_loop3A_775, %parallel_loop3A_776] {strides = array<i32>} : memref<2x4x8x1024xf32, #tpu.memory_space<vmem>>, vector<1x1x1x16xf32>,
        %parallel_loop3A_778 = vector.shape_cast %parallel_loop3A_777 : vector<1x1x1x16xf32> to vector<16xf32>
        %parallel_loop3A_779 = vector.shape_cast %parallel_loop3A_739 : vector<16xf32> to vector<1x1x1x16xf32>
        tpu.vector_store %arg6[%parallel_loop3A_773, %parallel_loop3A_774, %parallel_loop3A_775, %parallel_loop3A_776], %parallel_loop3A_779 {add = true, strides = array<i32>} : memref<2x4x8x1024xf32, #tpu.memory_space<vmem>>, vector<1x1x1x16xf32>,
        %parallel_loop3A_780 = arith.constant 1 : i32
        %parallel_loop3A_781 = arith.constant 7 : i32
        %parallel_loop3A_782 = arith.index_cast %parallel_loop3A_780 : i32 to index
        %parallel_loop3A_783 = arith.index_cast %parallel_loop3A_781 : i32 to index
        %parallel_loop3A_784 = arith.index_cast %parallel_loop3A_450 : i32 to index
        %parallel_loop3A_785 = tpu.vector_load %arg5[%parallel_loop3A_782, %parallel_loop3A_783, %parallel_loop3A_784] {strides = array<i32>} : memref<2x8x1024xf32, #tpu.memory_space<vmem>>, vector<1x1x16xf32>,
        %parallel_loop3A_786 = vector.shape_cast %parallel_loop3A_785 : vector<1x1x16xf32> to vector<16xf32>
        %parallel_loop3A_787 = arith.constant 1 : i32
        %parallel_loop3A_788 = arith.constant 0 : i32
        %parallel_loop3A_789 = arith.constant 7 : i32
        %parallel_loop3A_790 = arith.index_cast %parallel_loop3A_787 : i32 to index
        %parallel_loop3A_791 = arith.index_cast %parallel_loop3A_788 : i32 to index
        %parallel_loop3A_792 = arith.index_cast %parallel_loop3A_789 : i32 to index
        %parallel_loop3A_793 = arith.index_cast %parallel_loop3A_450 : i32 to index
        %parallel_loop3A_794 = tpu.vector_load %arg6[%parallel_loop3A_790, %parallel_loop3A_791, %parallel_loop3A_792, %parallel_loop3A_793] {strides = array<i32>} : memref<2x4x8x1024xf32, #tpu.memory_space<vmem>>, vector<1x1x1x16xf32>,
        %parallel_loop3A_795 = vector.shape_cast %parallel_loop3A_794 : vector<1x1x1x16xf32> to vector<16xf32>
        %parallel_loop3A_796 = vector.shape_cast %parallel_loop3A_786 : vector<16xf32> to vector<1x1x1x16xf32>
        tpu.vector_store %arg6[%parallel_loop3A_790, %parallel_loop3A_791, %parallel_loop3A_792, %parallel_loop3A_793], %parallel_loop3A_796 {add = true, strides = array<i32>} : memref<2x4x8x1024xf32, #tpu.memory_space<vmem>>, vector<1x1x1x16xf32>,
        %parallel_loop3A_797 = arith.constant 1 : i32
        %parallel_loop3A_798 = arith.constant 1 : i32
        %parallel_loop3A_799 = arith.constant 7 : i32
        %parallel_loop3A_800 = arith.index_cast %parallel_loop3A_797 : i32 to index
        %parallel_loop3A_801 = arith.index_cast %parallel_loop3A_798 : i32 to index
        %parallel_loop3A_802 = arith.index_cast %parallel_loop3A_799 : i32 to index
        %parallel_loop3A_803 = arith.index_cast %parallel_loop3A_450 : i32 to index
        %parallel_loop3A_804 = tpu.vector_load %arg6[%parallel_loop3A_800, %parallel_loop3A_801, %parallel_loop3A_802, %parallel_loop3A_803] {strides = array<i32>} : memref<2x4x8x1024xf32, #tpu.memory_space<vmem>>, vector<1x1x1x16xf32>,
        %parallel_loop3A_805 = vector.shape_cast %parallel_loop3A_804 : vector<1x1x1x16xf32> to vector<16xf32>
        %parallel_loop3A_806 = vector.shape_cast %parallel_loop3A_786 : vector<16xf32> to vector<1x1x1x16xf32>
        tpu.vector_store %arg6[%parallel_loop3A_800, %parallel_loop3A_801, %parallel_loop3A_802, %parallel_loop3A_803], %parallel_loop3A_806 {add = true, strides = array<i32>} : memref<2x4x8x1024xf32, #tpu.memory_space<vmem>>, vector<1x1x1x16xf32>,
        %parallel_loop3A_807 = arith.constant 1 : i32
        %parallel_loop3A_808 = arith.constant 2 : i32
        %parallel_loop3A_809 = arith.constant 7 : i32
        %parallel_loop3A_810 = arith.index_cast %parallel_loop3A_807 : i32 to index
        %parallel_loop3A_811 = arith.index_cast %parallel_loop3A_808 : i32 to index
        %parallel_loop3A_812 = arith.index_cast %parallel_loop3A_809 : i32 to index
        %parallel_loop3A_813 = arith.index_cast %parallel_loop3A_450 : i32 to index
        %parallel_loop3A_814 = tpu.vector_load %arg6[%parallel_loop3A_810, %parallel_loop3A_811, %parallel_loop3A_812, %parallel_loop3A_813] {strides = array<i32>} : memref<2x4x8x1024xf32, #tpu.memory_space<vmem>>, vector<1x1x1x16xf32>,
        %parallel_loop3A_815 = vector.shape_cast %parallel_loop3A_814 : vector<1x1x1x16xf32> to vector<16xf32>
        %parallel_loop3A_816 = vector.shape_cast %parallel_loop3A_786 : vector<16xf32> to vector<1x1x1x16xf32>
        tpu.vector_store %arg6[%parallel_loop3A_810, %parallel_loop3A_811, %parallel_loop3A_812, %parallel_loop3A_813], %parallel_loop3A_816 {add = true, strides = array<i32>} : memref<2x4x8x1024xf32, #tpu.memory_space<vmem>>, vector<1x1x1x16xf32>,
        %parallel_loop3A_817 = arith.constant 1 : i32
        %parallel_loop3A_818 = arith.constant 3 : i32
        %parallel_loop3A_819 = arith.constant 7 : i32
        %parallel_loop3A_820 = arith.index_cast %parallel_loop3A_817 : i32 to index
        %parallel_loop3A_821 = arith.index_cast %parallel_loop3A_818 : i32 to index
        %parallel_loop3A_822 = arith.index_cast %parallel_loop3A_819 : i32 to index
        %parallel_loop3A_823 = arith.index_cast %parallel_loop3A_450 : i32 to index
        %parallel_loop3A_824 = tpu.vector_load %arg6[%parallel_loop3A_820, %parallel_loop3A_821, %parallel_loop3A_822, %parallel_loop3A_823] {strides = array<i32>} : memref<2x4x8x1024xf32, #tpu.memory_space<vmem>>, vector<1x1x1x16xf32>,
        %parallel_loop3A_825 = vector.shape_cast %parallel_loop3A_824 : vector<1x1x1x16xf32> to vector<16xf32>
        %parallel_loop3A_826 = vector.shape_cast %parallel_loop3A_786 : vector<16xf32> to vector<1x1x1x16xf32>
        tpu.vector_store %arg6[%parallel_loop3A_820, %parallel_loop3A_821, %parallel_loop3A_822, %parallel_loop3A_823], %parallel_loop3A_826 {add = true, strides = array<i32>} : memref<2x4x8x1024xf32, #tpu.memory_space<vmem>>, vector<1x1x1x16xf32>,
      } {sc.loop_unroll_factor = 2 : i64, sc.parallel_access}
      %dma_start3A_318 = arith.constant 1 : i32
      %dma_start3A_319 = arith.constant 0 : i32
      %dma_start3A_320 = arith.constant 0 : i32
      %dma_start3A_321 = arith.constant 0 : i32
      %dma_start3A_322 = tpu.memref_slice %arg6[%dma_start3A_318, %dma_start3A_319, %dma_start3A_320, %dma_start3A_321] : memref<2x4x8x1024xf32, #tpu.memory_space<vmem>> -> memref<1x4x8x1024xf32, #tpu.memory_space<vmem>>
      %dma_start3A_323 = tpu.memref_squeeze %dma_start3A_322 : memref<1x4x8x1024xf32, #tpu.memory_space<vmem>> -> memref<4x8x1024xf32, #tpu.memory_space<vmem>>
      %dma_start3A_324 = arith.constant 0 : i32
      %dma_start3A_325 = arith.constant 0 : i32
      %dma_start3A_326 = tpu.memref_slice %arg4[%dma_start3A_324, %add3A_280, %dma_start3A_325] : memref<4x8192x1024xf32, #tpu.memory_space<hbm>> -> memref<4x8x1024xf32, #tpu.memory_space<hbm>>
      %dma_start3A_327 = arith.constant 0 : i32
      %dma_start3A_328 = arith.constant 0 : i32
      %dma_start3A_329 = tpu.memref_slice %arg4[%dma_start3A_327, %add3A_280, %dma_start3A_328] : memref<4x8192x1024xf32, #tpu.memory_space<hbm>> -> memref<4x8x1024xf32, #tpu.memory_space<hbm>>
      %dma_start3A_330 = arith.constant 0 : i32
      %dma_start3A_331 = arith.constant 0 : i32
      %dma_start3A_332 = arith.constant 0 : i32
      %dma_start3A_333 = tpu.memref_slice %arg6[%dma_start3A_318, %dma_start3A_330, %dma_start3A_331, %dma_start3A_332] : memref<2x4x8x1024xf32, #tpu.memory_space<vmem>> -> memref<1x4x8x1024xf32, #tpu.memory_space<vmem>>
      %dma_start3A_334 = tpu.memref_squeeze %dma_start3A_333 : memref<1x4x8x1024xf32, #tpu.memory_space<vmem>> -> memref<4x8x1024xf32, #tpu.memory_space<vmem>>
      tpu.enqueue_dma source(%dma_start3A_334 : memref<4x8x1024xf32, #tpu.memory_space<vmem>>) target(%dma_start3A_329 : memref<4x8x1024xf32, #tpu.memory_space<hbm>>) target_semaphore(%arg12 : memref<!tpu.dma_semaphore, #tpu.memory_space<semaphore_mem>>)
      %add3A_335 = arith.constant 1 : i32
      %add3A_336 = arith.addi %add3A_223, %add3A_335 : i32
      %dma_wait3A_337 = arith.constant 1 : i32
      %dma_wait3A_338 = arith.constant 0 : i32
      %dma_wait3A_339 = arith.constant 0 : i32
      %dma_wait3A_340 = arith.constant 0 : i32
      %dma_wait3A_341 = tpu.memref_slice %arg6[%dma_wait3A_337, %dma_wait3A_338, %dma_wait3A_339, %dma_wait3A_340] : memref<2x4x8x1024xf32, #tpu.memory_space<vmem>> -> memref<1x4x8x1024xf32, #tpu.memory_space<vmem>>
      %dma_wait3A_342 = tpu.memref_squeeze %dma_wait3A_341 : memref<1x4x8x1024xf32, #tpu.memory_space<vmem>> -> memref<4x8x1024xf32, #tpu.memory_space<vmem>>
      %dma_wait3A_343 = arith.constant 0 : i32
      %dma_wait3A_344 = arith.constant 0 : i32
      %dma_wait3A_345 = arith.constant 0 : i32
      %dma_wait3A_346 = tpu.memref_slice %arg2[%dma_wait3A_343, %dma_wait3A_344, %dma_wait3A_345] : memref<4x8192x1024xf32, #tpu.memory_space<hbm>> -> memref<4x8x1024xf32, #tpu.memory_space<hbm>>
      %dma_wait3A_347 = arith.constant 0 : i32
      %dma_wait3A_348 = arith.constant 0 : i32
      %dma_wait3A_349 = arith.constant 0 : i32
      %dma_wait3A_350 = tpu.memref_slice %arg6[%dma_wait3A_337, %dma_wait3A_347, %dma_wait3A_348, %dma_wait3A_349] : memref<2x4x8x1024xf32, #tpu.memory_space<vmem>> -> memref<1x4x8x1024xf32, #tpu.memory_space<vmem>>
      %dma_wait3A_351 = tpu.memref_squeeze %dma_wait3A_350 : memref<1x4x8x1024xf32, #tpu.memory_space<vmem>> -> memref<4x8x1024xf32, #tpu.memory_space<vmem>>
      %dma_wait3A_352 = arith.constant 0 : i32
      %dma_wait3A_353 = arith.constant 0 : i32
      %dma_wait3A_354 = arith.constant 0 : i32
      %dma_wait3A_355 = tpu.memref_slice %arg2[%dma_wait3A_352, %dma_wait3A_353, %dma_wait3A_354] : memref<4x8192x1024xf32, #tpu.memory_space<hbm>> -> memref<4x8x1024xf32, #tpu.memory_space<hbm>>
      tpu.wait_dma2 semaphore(%arg12 : memref<!tpu.dma_semaphore, #tpu.memory_space<semaphore_mem>>) src(%dma_wait3A_355 : memref<4x8x1024xf32, #tpu.memory_space<hbm>>) dst(%dma_wait3A_351 : memref<4x8x1024xf32, #tpu.memory_space<vmem>>)
      %add3A_356 = arith.constant 1 : i32
      %add3A_357 = arith.addi %add3A_336, %add3A_356 : i32
      %mul3A_358 = arith.constant 8 : i32
      %mul3A_359 = arith.muli %add3A_357, %mul3A_358 : i32
      %add3A_360 = arith.addi %mul3A_2, %mul3A_359 : i32
      %dma_start3A_361 = arith.constant 1 : i32
      %dma_start3A_362 = arith.constant 0 : i32
      %dma_start3A_363 = arith.constant 0 : i32
      %dma_start3A_364 = tpu.memref_slice %arg5[%dma_start3A_361, %dma_start3A_362, %dma_start3A_363] : memref<2x8x1024xf32, #tpu.memory_space<vmem>> -> memref<1x8x1024xf32, #tpu.memory_space<vmem>>
      %dma_start3A_365 = tpu.memref_squeeze %dma_start3A_364 : memref<1x8x1024xf32, #tpu.memory_space<vmem>> -> memref<8x1024xf32, #tpu.memory_space<vmem>>
      %dma_start3A_366 = arith.constant 0 : i32
      %dma_start3A_367 = tpu.memref_slice %arg3[%add3A_360, %dma_start3A_366] : memref<8192x1024xf32, #tpu.memory_space<hbm>> -> memref<8x1024xf32, #tpu.memory_space<hbm>>
      %dma_start3A_368 = arith.constant 0 : i32
      %dma_start3A_369 = arith.constant 0 : i32
      %dma_start3A_370 = tpu.memref_slice %arg5[%dma_start3A_361, %dma_start3A_368, %dma_start3A_369] : memref<2x8x1024xf32, #tpu.memory_space<vmem>> -> memref<1x8x1024xf32, #tpu.memory_space<vmem>>
      %dma_start3A_371 = tpu.memref_squeeze %dma_start3A_370 : memref<1x8x1024xf32, #tpu.memory_space<vmem>> -> memref<8x1024xf32, #tpu.memory_space<vmem>>
      %dma_start3A_372 = arith.constant 0 : i32
      %dma_start3A_373 = tpu.memref_slice %arg3[%add3A_360, %dma_start3A_372] : memref<8192x1024xf32, #tpu.memory_space<hbm>> -> memref<8x1024xf32, #tpu.memory_space<hbm>>
      tpu.enqueue_dma source(%dma_start3A_373 : memref<8x1024xf32, #tpu.memory_space<hbm>>) target(%dma_start3A_371 : memref<8x1024xf32, #tpu.memory_space<vmem>>) target_semaphore(%arg8 : memref<!tpu.dma_semaphore, #tpu.memory_space<semaphore_mem>>)
      %dma_start3A_374 = arith.constant 1 : i32
      %dma_start3A_375 = arith.constant 0 : i32
      %dma_start3A_376 = arith.constant 0 : i32
      %dma_start3A_377 = arith.constant 0 : i32
      %dma_start3A_378 = tpu.memref_slice %arg6[%dma_start3A_374, %dma_start3A_375, %dma_start3A_376, %dma_start3A_377] : memref<2x4x8x1024xf32, #tpu.memory_space<vmem>> -> memref<1x4x8x1024xf32, #tpu.memory_space<vmem>>
      %dma_start3A_379 = tpu.memref_squeeze %dma_start3A_378 : memref<1x4x8x1024xf32, #tpu.memory_space<vmem>> -> memref<4x8x1024xf32, #tpu.memory_space<vmem>>
      %dma_start3A_380 = arith.constant 0 : i32
      %dma_start3A_381 = arith.constant 0 : i32
      %dma_start3A_382 = tpu.memref_slice %arg2[%dma_start3A_380, %add3A_360, %dma_start3A_381] : memref<4x8192x1024xf32, #tpu.memory_space<hbm>> -> memref<4x8x1024xf32, #tpu.memory_space<hbm>>
      %dma_start3A_383 = arith.constant 0 : i32
      %dma_start3A_384 = arith.constant 0 : i32
      %dma_start3A_385 = arith.constant 0 : i32
      %dma_start3A_386 = tpu.memref_slice %arg6[%dma_start3A_374, %dma_start3A_383, %dma_start3A_384, %dma_start3A_385] : memref<2x4x8x1024xf32, #tpu.memory_space<vmem>> -> memref<1x4x8x1024xf32, #tpu.memory_space<vmem>>
      %dma_start3A_387 = tpu.memref_squeeze %dma_start3A_386 : memref<1x4x8x1024xf32, #tpu.memory_space<vmem>> -> memref<4x8x1024xf32, #tpu.memory_space<vmem>>
      %dma_start3A_388 = arith.constant 0 : i32
      %dma_start3A_389 = arith.constant 0 : i32
      %dma_start3A_390 = tpu.memref_slice %arg2[%dma_start3A_388, %add3A_360, %dma_start3A_389] : memref<4x8192x1024xf32, #tpu.memory_space<hbm>> -> memref<4x8x1024xf32, #tpu.memory_space<hbm>>
      tpu.enqueue_dma source(%dma_start3A_390 : memref<4x8x1024xf32, #tpu.memory_space<hbm>>) target(%dma_start3A_387 : memref<4x8x1024xf32, #tpu.memory_space<vmem>>) target_semaphore(%arg10 : memref<!tpu.dma_semaphore, #tpu.memory_space<semaphore_mem>>)
      %mul3A_391 = arith.constant 8 : i32
      %mul3A_392 = arith.muli %add3A_336, %mul3A_391 : i32
      %add3A_393 = arith.addi %mul3A_2, %mul3A_392 : i32
      %dma_wait3A_394 = arith.constant 0 : i32
      %dma_wait3A_395 = arith.constant 0 : i32
      %dma_wait3A_396 = arith.constant 0 : i32
      %dma_wait3A_397 = tpu.memref_slice %arg5[%dma_wait3A_394, %dma_wait3A_395, %dma_wait3A_396] : memref<2x8x1024xf32, #tpu.memory_space<vmem>> -> memref<1x8x1024xf32, #tpu.memory_space<vmem>>
      %dma_wait3A_398 = tpu.memref_squeeze %dma_wait3A_397 : memref<1x8x1024xf32, #tpu.memory_space<vmem>> -> memref<8x1024xf32, #tpu.memory_space<vmem>>
      %dma_wait3A_399 = arith.constant 0 : i32
      %dma_wait3A_400 = arith.constant 0 : i32
      %dma_wait3A_401 = tpu.memref_slice %arg3[%dma_wait3A_399, %dma_wait3A_400] : memref<8192x1024xf32, #tpu.memory_space<hbm>> -> memref<8x1024xf32, #tpu.memory_space<hbm>>
      %dma_wait3A_402 = arith.constant 0 : i32
      %dma_wait3A_403 = arith.constant 0 : i32
      %dma_wait3A_404 = tpu.memref_slice %arg5[%dma_wait3A_394, %dma_wait3A_402, %dma_wait3A_403] : memref<2x8x1024xf32, #tpu.memory_space<vmem>> -> memref<1x8x1024xf32, #tpu.memory_space<vmem>>
      %dma_wait3A_405 = tpu.memref_squeeze %dma_wait3A_404 : memref<1x8x1024xf32, #tpu.memory_space<vmem>> -> memref<8x1024xf32, #tpu.memory_space<vmem>>
      %dma_wait3A_406 = arith.constant 0 : i32
      %dma_wait3A_407 = arith.constant 0 : i32
      %dma_wait3A_408 = tpu.memref_slice %arg3[%dma_wait3A_406, %dma_wait3A_407] : memref<8192x1024xf32, #tpu.memory_space<hbm>> -> memref<8x1024xf32, #tpu.memory_space<hbm>>
      tpu.wait_dma2 semaphore(%arg7 : memref<!tpu.dma_semaphore, #tpu.memory_space<semaphore_mem>>) src(%dma_wait3A_408 : memref<8x1024xf32, #tpu.memory_space<hbm>>) dst(%dma_wait3A_405 : memref<8x1024xf32, #tpu.memory_space<vmem>>)
      %dma_wait3A_409 = arith.constant 0 : i32
      %dma_wait3A_410 = arith.constant 0 : i32
      %dma_wait3A_411 = arith.constant 0 : i32
      %dma_wait3A_412 = arith.constant 0 : i32
      %dma_wait3A_413 = tpu.memref_slice %arg6[%dma_wait3A_409, %dma_wait3A_410, %dma_wait3A_411, %dma_wait3A_412] : memref<2x4x8x1024xf32, #tpu.memory_space<vmem>> -> memref<1x4x8x1024xf32, #tpu.memory_space<vmem>>
      %dma_wait3A_414 = tpu.memref_squeeze %dma_wait3A_413 : memref<1x4x8x1024xf32, #tpu.memory_space<vmem>> -> memref<4x8x1024xf32, #tpu.memory_space<vmem>>
      %dma_wait3A_415 = arith.constant 0 : i32
      %dma_wait3A_416 = arith.constant 0 : i32
      %dma_wait3A_417 = arith.constant 0 : i32
      %dma_wait3A_418 = tpu.memref_slice %arg2[%dma_wait3A_415, %dma_wait3A_416, %dma_wait3A_417] : memref<4x8192x1024xf32, #tpu.memory_space<hbm>> -> memref<4x8x1024xf32, #tpu.memory_space<hbm>>
      %dma_wait3A_419 = arith.constant 0 : i32
      %dma_wait3A_420 = arith.constant 0 : i32
      %dma_wait3A_421 = arith.constant 0 : i32
      %dma_wait3A_422 = tpu.memref_slice %arg6[%dma_wait3A_409, %dma_wait3A_419, %dma_wait3A_420, %dma_wait3A_421] : memref<2x4x8x1024xf32, #tpu.memory_space<vmem>> -> memref<1x4x8x1024xf32, #tpu.memory_space<vmem>>
      %dma_wait3A_423 = tpu.memref_squeeze %dma_wait3A_422 : memref<1x4x8x1024xf32, #tpu.memory_space<vmem>> -> memref<4x8x1024xf32, #tpu.memory_space<vmem>>
      %dma_wait3A_424 = arith.constant 0 : i32
      %dma_wait3A_425 = arith.constant 0 : i32
      %dma_wait3A_426 = arith.constant 0 : i32
      %dma_wait3A_427 = tpu.memref_slice %arg2[%dma_wait3A_424, %dma_wait3A_425, %dma_wait3A_426] : memref<4x8192x1024xf32, #tpu.memory_space<hbm>> -> memref<4x8x1024xf32, #tpu.memory_space<hbm>>
      tpu.wait_dma2 semaphore(%arg9 : memref<!tpu.dma_semaphore, #tpu.memory_space<semaphore_mem>>) src(%dma_wait3A_427 : memref<4x8x1024xf32, #tpu.memory_space<hbm>>) dst(%dma_wait3A_423 : memref<4x8x1024xf32, #tpu.memory_space<vmem>>)
      %parallel_loop3A_428 = arith.constant 0 : i32
      %parallel_loop3A_429 = arith.constant 64 : i32
      %parallel_loop3A_430 = arith.constant 1 : i32
      scf.for %parallel_loop3A_448 = %parallel_loop3A_428 to %parallel_loop3A_429 step %parallel_loop3A_430  : i32 {
        %parallel_loop3A_449 = arith.constant 16 : i32
        %parallel_loop3A_450 = arith.muli %parallel_loop3A_448, %parallel_loop3A_449 : i32
        %parallel_loop3A_451 = arith.constant 0 : i32
        %parallel_loop3A_452 = arith.constant 0 : i32
        %parallel_loop3A_453 = arith.index_cast %parallel_loop3A_451 : i32 to index
        %parallel_loop3A_454 = arith.index_cast %parallel_loop3A_452 : i32 to index
        %parallel_loop3A_455 = arith.index_cast %parallel_loop3A_450 : i32 to index
        %parallel_loop3A_456 = tpu.vector_load %arg5[%parallel_loop3A_453, %parallel_loop3A_454, %parallel_loop3A_455] {strides = array<i32>} : memref<2x8x1024xf32, #tpu.memory_space<vmem>>, vector<1x1x16xf32>,
        %parallel_loop3A_457 = vector.shape_cast %parallel_loop3A_456 : vector<1x1x16xf32> to vector<16xf32>
        %parallel_loop3A_458 = arith.constant 0 : i32
        %parallel_loop3A_459 = arith.constant 0 : i32
        %parallel_loop3A_460 = arith.constant 0 : i32
        %parallel_loop3A_461 = arith.index_cast %parallel_loop3A_458 : i32 to index
        %parallel_loop3A_462 = arith.index_cast %parallel_loop3A_459 : i32 to index
        %parallel_loop3A_463 = arith.index_cast %parallel_loop3A_460 : i32 to index
        %parallel_loop3A_464 = arith.index_cast %parallel_loop3A_450 : i32 to index
        %parallel_loop3A_465 = tpu.vector_load %arg6[%parallel_loop3A_461, %parallel_loop3A_462, %parallel_loop3A_463, %parallel_loop3A_464] {strides = array<i32>} : memref<2x4x8x1024xf32, #tpu.memory_space<vmem>>, vector<1x1x1x16xf32>,
        %parallel_loop3A_466 = vector.shape_cast %parallel_loop3A_465 : vector<1x1x1x16xf32> to vector<16xf32>
        %parallel_loop3A_467 = vector.shape_cast %parallel_loop3A_457 : vector<16xf32> to vector<1x1x1x16xf32>
        tpu.vector_store %arg6[%parallel_loop3A_461, %parallel_loop3A_462, %parallel_loop3A_463, %parallel_loop3A_464], %parallel_loop3A_467 {add = true, strides = array<i32>} : memref<2x4x8x1024xf32, #tpu.memory_space<vmem>>, vector<1x1x1x16xf32>,
        %parallel_loop3A_468 = arith.constant 0 : i32
        %parallel_loop3A_469 = arith.constant 1 : i32
        %parallel_loop3A_470 = arith.constant 0 : i32
        %parallel_loop3A_471 = arith.index_cast %parallel_loop3A_468 : i32 to index
        %parallel_loop3A_472 = arith.index_cast %parallel_loop3A_469 : i32 to index
        %parallel_loop3A_473 = arith.index_cast %parallel_loop3A_470 : i32 to index
        %parallel_loop3A_474 = arith.index_cast %parallel_loop3A_450 : i32 to index
        %parallel_loop3A_475 = tpu.vector_load %arg6[%parallel_loop3A_471, %parallel_loop3A_472, %parallel_loop3A_473, %parallel_loop3A_474] {strides = array<i32>} : memref<2x4x8x1024xf32, #tpu.memory_space<vmem>>, vector<1x1x1x16xf32>,
        %parallel_loop3A_476 = vector.shape_cast %parallel_loop3A_475 : vector<1x1x1x16xf32> to vector<16xf32>
        %parallel_loop3A_477 = vector.shape_cast %parallel_loop3A_457 : vector<16xf32> to vector<1x1x1x16xf32>
        tpu.vector_store %arg6[%parallel_loop3A_471, %parallel_loop3A_472, %parallel_loop3A_473, %parallel_loop3A_474], %parallel_loop3A_477 {add = true, strides = array<i32>} : memref<2x4x8x1024xf32, #tpu.memory_space<vmem>>, vector<1x1x1x16xf32>,
        %parallel_loop3A_478 = arith.constant 0 : i32
        %parallel_loop3A_479 = arith.constant 2 : i32
        %parallel_loop3A_480 = arith.constant 0 : i32
        %parallel_loop3A_481 = arith.index_cast %parallel_loop3A_478 : i32 to index
        %parallel_loop3A_482 = arith.index_cast %parallel_loop3A_479 : i32 to index
        %parallel_loop3A_483 = arith.index_cast %parallel_loop3A_480 : i32 to index
        %parallel_loop3A_484 = arith.index_cast %parallel_loop3A_450 : i32 to index
        %parallel_loop3A_485 = tpu.vector_load %arg6[%parallel_loop3A_481, %parallel_loop3A_482, %parallel_loop3A_483, %parallel_loop3A_484] {strides = array<i32>} : memref<2x4x8x1024xf32, #tpu.memory_space<vmem>>, vector<1x1x1x16xf32>,
        %parallel_loop3A_486 = vector.shape_cast %parallel_loop3A_485 : vector<1x1x1x16xf32> to vector<16xf32>
        %parallel_loop3A_487 = vector.shape_cast %parallel_loop3A_457 : vector<16xf32> to vector<1x1x1x16xf32>
        tpu.vector_store %arg6[%parallel_loop3A_481, %parallel_loop3A_482, %parallel_loop3A_483, %parallel_loop3A_484], %parallel_loop3A_487 {add = true, strides = array<i32>} : memref<2x4x8x1024xf32, #tpu.memory_space<vmem>>, vector<1x1x1x16xf32>,
        %parallel_loop3A_488 = arith.constant 0 : i32
        %parallel_loop3A_489 = arith.constant 3 : i32
        %parallel_loop3A_490 = arith.constant 0 : i32
        %parallel_loop3A_491 = arith.index_cast %parallel_loop3A_488 : i32 to index
        %parallel_loop3A_492 = arith.index_cast %parallel_loop3A_489 : i32 to index
        %parallel_loop3A_493 = arith.index_cast %parallel_loop3A_490 : i32 to index
        %parallel_loop3A_494 = arith.index_cast %parallel_loop3A_450 : i32 to index
        %parallel_loop3A_495 = tpu.vector_load %arg6[%parallel_loop3A_491, %parallel_loop3A_492, %parallel_loop3A_493, %parallel_loop3A_494] {strides = array<i32>} : memref<2x4x8x1024xf32, #tpu.memory_space<vmem>>, vector<1x1x1x16xf32>,
        %parallel_loop3A_496 = vector.shape_cast %parallel_loop3A_495 : vector<1x1x1x16xf32> to vector<16xf32>
        %parallel_loop3A_497 = vector.shape_cast %parallel_loop3A_457 : vector<16xf32> to vector<1x1x1x16xf32>
        tpu.vector_store %arg6[%parallel_loop3A_491, %parallel_loop3A_492, %parallel_loop3A_493, %parallel_loop3A_494], %parallel_loop3A_497 {add = true, strides = array<i32>} : memref<2x4x8x1024xf32, #tpu.memory_space<vmem>>, vector<1x1x1x16xf32>,
        %parallel_loop3A_498 = arith.constant 0 : i32
        %parallel_loop3A_499 = arith.constant 1 : i32
        %parallel_loop3A_500 = arith.index_cast %parallel_loop3A_498 : i32 to index
        %parallel_loop3A_501 = arith.index_cast %parallel_loop3A_499 : i32 to index
        %parallel_loop3A_502 = arith.index_cast %parallel_loop3A_450 : i32 to index
        %parallel_loop3A_503 = tpu.vector_load %arg5[%parallel_loop3A_500, %parallel_loop3A_501, %parallel_loop3A_502] {strides = array<i32>} : memref<2x8x1024xf32, #tpu.memory_space<vmem>>, vector<1x1x16xf32>,
        %parallel_loop3A_504 = vector.shape_cast %parallel_loop3A_503 : vector<1x1x16xf32> to vector<16xf32>
        %parallel_loop3A_505 = arith.constant 0 : i32
        %parallel_loop3A_506 = arith.constant 0 : i32
        %parallel_loop3A_507 = arith.constant 1 : i32
        %parallel_loop3A_508 = arith.index_cast %parallel_loop3A_505 : i32 to index
        %parallel_loop3A_509 = arith.index_cast %parallel_loop3A_506 : i32 to index
        %parallel_loop3A_510 = arith.index_cast %parallel_loop3A_507 : i32 to index
        %parallel_loop3A_511 = arith.index_cast %parallel_loop3A_450 : i32 to index
        %parallel_loop3A_512 = tpu.vector_load %arg6[%parallel_loop3A_508, %parallel_loop3A_509, %parallel_loop3A_510, %parallel_loop3A_511] {strides = array<i32>} : memref<2x4x8x1024xf32, #tpu.memory_space<vmem>>, vector<1x1x1x16xf32>,
        %parallel_loop3A_513 = vector.shape_cast %parallel_loop3A_512 : vector<1x1x1x16xf32> to vector<16xf32>
        %parallel_loop3A_514 = vector.shape_cast %parallel_loop3A_504 : vector<16xf32> to vector<1x1x1x16xf32>
        tpu.vector_store %arg6[%parallel_loop3A_508, %parallel_loop3A_509, %parallel_loop3A_510, %parallel_loop3A_511], %parallel_loop3A_514 {add = true, strides = array<i32>} : memref<2x4x8x1024xf32, #tpu.memory_space<vmem>>, vector<1x1x1x16xf32>,
        %parallel_loop3A_515 = arith.constant 0 : i32
        %parallel_loop3A_516 = arith.constant 1 : i32
        %parallel_loop3A_517 = arith.constant 1 : i32
        %parallel_loop3A_518 = arith.index_cast %parallel_loop3A_515 : i32 to index
        %parallel_loop3A_519 = arith.index_cast %parallel_loop3A_516 : i32 to index
        %parallel_loop3A_520 = arith.index_cast %parallel_loop3A_517 : i32 to index
        %parallel_loop3A_521 = arith.index_cast %parallel_loop3A_450 : i32 to index
        %parallel_loop3A_522 = tpu.vector_load %arg6[%parallel_loop3A_518, %parallel_loop3A_519, %parallel_loop3A_520, %parallel_loop3A_521] {strides = array<i32>} : memref<2x4x8x1024xf32, #tpu.memory_space<vmem>>, vector<1x1x1x16xf32>,
        %parallel_loop3A_523 = vector.shape_cast %parallel_loop3A_522 : vector<1x1x1x16xf32> to vector<16xf32>
        %parallel_loop3A_524 = vector.shape_cast %parallel_loop3A_504 : vector<16xf32> to vector<1x1x1x16xf32>
        tpu.vector_store %arg6[%parallel_loop3A_518, %parallel_loop3A_519, %parallel_loop3A_520, %parallel_loop3A_521], %parallel_loop3A_524 {add = true, strides = array<i32>} : memref<2x4x8x1024xf32, #tpu.memory_space<vmem>>, vector<1x1x1x16xf32>,
        %parallel_loop3A_525 = arith.constant 0 : i32
        %parallel_loop3A_526 = arith.constant 2 : i32
        %parallel_loop3A_527 = arith.constant 1 : i32
        %parallel_loop3A_528 = arith.index_cast %parallel_loop3A_525 : i32 to index
        %parallel_loop3A_529 = arith.index_cast %parallel_loop3A_526 : i32 to index
        %parallel_loop3A_530 = arith.index_cast %parallel_loop3A_527 : i32 to index
        %parallel_loop3A_531 = arith.index_cast %parallel_loop3A_450 : i32 to index
        %parallel_loop3A_532 = tpu.vector_load %arg6[%parallel_loop3A_528, %parallel_loop3A_529, %parallel_loop3A_530, %parallel_loop3A_531] {strides = array<i32>} : memref<2x4x8x1024xf32, #tpu.memory_space<vmem>>, vector<1x1x1x16xf32>,
        %parallel_loop3A_533 = vector.shape_cast %parallel_loop3A_532 : vector<1x1x1x16xf32> to vector<16xf32>
        %parallel_loop3A_534 = vector.shape_cast %parallel_loop3A_504 : vector<16xf32> to vector<1x1x1x16xf32>
        tpu.vector_store %arg6[%parallel_loop3A_528, %parallel_loop3A_529, %parallel_loop3A_530, %parallel_loop3A_531], %parallel_loop3A_534 {add = true, strides = array<i32>} : memref<2x4x8x1024xf32, #tpu.memory_space<vmem>>, vector<1x1x1x16xf32>,
        %parallel_loop3A_535 = arith.constant 0 : i32
        %parallel_loop3A_536 = arith.constant 3 : i32
        %parallel_loop3A_537 = arith.constant 1 : i32
        %parallel_loop3A_538 = arith.index_cast %parallel_loop3A_535 : i32 to index
        %parallel_loop3A_539 = arith.index_cast %parallel_loop3A_536 : i32 to index
        %parallel_loop3A_540 = arith.index_cast %parallel_loop3A_537 : i32 to index
        %parallel_loop3A_541 = arith.index_cast %parallel_loop3A_450 : i32 to index
        %parallel_loop3A_542 = tpu.vector_load %arg6[%parallel_loop3A_538, %parallel_loop3A_539, %parallel_loop3A_540, %parallel_loop3A_541] {strides = array<i32>} : memref<2x4x8x1024xf32, #tpu.memory_space<vmem>>, vector<1x1x1x16xf32>,
        %parallel_loop3A_543 = vector.shape_cast %parallel_loop3A_542 : vector<1x1x1x16xf32> to vector<16xf32>
        %parallel_loop3A_544 = vector.shape_cast %parallel_loop3A_504 : vector<16xf32> to vector<1x1x1x16xf32>
        tpu.vector_store %arg6[%parallel_loop3A_538, %parallel_loop3A_539, %parallel_loop3A_540, %parallel_loop3A_541], %parallel_loop3A_544 {add = true, strides = array<i32>} : memref<2x4x8x1024xf32, #tpu.memory_space<vmem>>, vector<1x1x1x16xf32>,
        %parallel_loop3A_545 = arith.constant 0 : i32
        %parallel_loop3A_546 = arith.constant 2 : i32
        %parallel_loop3A_547 = arith.index_cast %parallel_loop3A_545 : i32 to index
        %parallel_loop3A_548 = arith.index_cast %parallel_loop3A_546 : i32 to index
        %parallel_loop3A_549 = arith.index_cast %parallel_loop3A_450 : i32 to index
        %parallel_loop3A_550 = tpu.vector_load %arg5[%parallel_loop3A_547, %parallel_loop3A_548, %parallel_loop3A_549] {strides = array<i32>} : memref<2x8x1024xf32, #tpu.memory_space<vmem>>, vector<1x1x16xf32>,
        %parallel_loop3A_551 = vector.shape_cast %parallel_loop3A_550 : vector<1x1x16xf32> to vector<16xf32>
        %parallel_loop3A_552 = arith.constant 0 : i32
        %parallel_loop3A_553 = arith.constant 0 : i32
        %parallel_loop3A_554 = arith.constant 2 : i32
        %parallel_loop3A_555 = arith.index_cast %parallel_loop3A_552 : i32 to index
        %parallel_loop3A_556 = arith.index_cast %parallel_loop3A_553 : i32 to index
        %parallel_loop3A_557 = arith.index_cast %parallel_loop3A_554 : i32 to index
        %parallel_loop3A_558 = arith.index_cast %parallel_loop3A_450 : i32 to index
        %parallel_loop3A_559 = tpu.vector_load %arg6[%parallel_loop3A_555, %parallel_loop3A_556, %parallel_loop3A_557, %parallel_loop3A_558] {strides = array<i32>} : memref<2x4x8x1024xf32, #tpu.memory_space<vmem>>, vector<1x1x1x16xf32>,
        %parallel_loop3A_560 = vector.shape_cast %parallel_loop3A_559 : vector<1x1x1x16xf32> to vector<16xf32>
        %parallel_loop3A_561 = vector.shape_cast %parallel_loop3A_551 : vector<16xf32> to vector<1x1x1x16xf32>
        tpu.vector_store %arg6[%parallel_loop3A_555, %parallel_loop3A_556, %parallel_loop3A_557, %parallel_loop3A_558], %parallel_loop3A_561 {add = true, strides = array<i32>} : memref<2x4x8x1024xf32, #tpu.memory_space<vmem>>, vector<1x1x1x16xf32>,
        %parallel_loop3A_562 = arith.constant 0 : i32
        %parallel_loop3A_563 = arith.constant 1 : i32
        %parallel_loop3A_564 = arith.constant 2 : i32
        %parallel_loop3A_565 = arith.index_cast %parallel_loop3A_562 : i32 to index
        %parallel_loop3A_566 = arith.index_cast %parallel_loop3A_563 : i32 to index
        %parallel_loop3A_567 = arith.index_cast %parallel_loop3A_564 : i32 to index
        %parallel_loop3A_568 = arith.index_cast %parallel_loop3A_450 : i32 to index
        %parallel_loop3A_569 = tpu.vector_load %arg6[%parallel_loop3A_565, %parallel_loop3A_566, %parallel_loop3A_567, %parallel_loop3A_568] {strides = array<i32>} : memref<2x4x8x1024xf32, #tpu.memory_space<vmem>>, vector<1x1x1x16xf32>,
        %parallel_loop3A_570 = vector.shape_cast %parallel_loop3A_569 : vector<1x1x1x16xf32> to vector<16xf32>
        %parallel_loop3A_571 = vector.shape_cast %parallel_loop3A_551 : vector<16xf32> to vector<1x1x1x16xf32>
        tpu.vector_store %arg6[%parallel_loop3A_565, %parallel_loop3A_566, %parallel_loop3A_567, %parallel_loop3A_568], %parallel_loop3A_571 {add = true, strides = array<i32>} : memref<2x4x8x1024xf32, #tpu.memory_space<vmem>>, vector<1x1x1x16xf32>,
        %parallel_loop3A_572 = arith.constant 0 : i32
        %parallel_loop3A_573 = arith.constant 2 : i32
        %parallel_loop3A_574 = arith.constant 2 : i32
        %parallel_loop3A_575 = arith.index_cast %parallel_loop3A_572 : i32 to index
        %parallel_loop3A_576 = arith.index_cast %parallel_loop3A_573 : i32 to index
        %parallel_loop3A_577 = arith.index_cast %parallel_loop3A_574 : i32 to index
        %parallel_loop3A_578 = arith.index_cast %parallel_loop3A_450 : i32 to index
        %parallel_loop3A_579 = tpu.vector_load %arg6[%parallel_loop3A_575, %parallel_loop3A_576, %parallel_loop3A_577, %parallel_loop3A_578] {strides = array<i32>} : memref<2x4x8x1024xf32, #tpu.memory_space<vmem>>, vector<1x1x1x16xf32>,
        %parallel_loop3A_580 = vector.shape_cast %parallel_loop3A_579 : vector<1x1x1x16xf32> to vector<16xf32>
        %parallel_loop3A_581 = vector.shape_cast %parallel_loop3A_551 : vector<16xf32> to vector<1x1x1x16xf32>
        tpu.vector_store %arg6[%parallel_loop3A_575, %parallel_loop3A_576, %parallel_loop3A_577, %parallel_loop3A_578], %parallel_loop3A_581 {add = true, strides = array<i32>} : memref<2x4x8x1024xf32, #tpu.memory_space<vmem>>, vector<1x1x1x16xf32>,
        %parallel_loop3A_582 = arith.constant 0 : i32
        %parallel_loop3A_583 = arith.constant 3 : i32
        %parallel_loop3A_584 = arith.constant 2 : i32
        %parallel_loop3A_585 = arith.index_cast %parallel_loop3A_582 : i32 to index
        %parallel_loop3A_586 = arith.index_cast %parallel_loop3A_583 : i32 to index
        %parallel_loop3A_587 = arith.index_cast %parallel_loop3A_584 : i32 to index
        %parallel_loop3A_588 = arith.index_cast %parallel_loop3A_450 : i32 to index
        %parallel_loop3A_589 = tpu.vector_load %arg6[%parallel_loop3A_585, %parallel_loop3A_586, %parallel_loop3A_587, %parallel_loop3A_588] {strides = array<i32>} : memref<2x4x8x1024xf32, #tpu.memory_space<vmem>>, vector<1x1x1x16xf32>,
        %parallel_loop3A_590 = vector.shape_cast %parallel_loop3A_589 : vector<1x1x1x16xf32> to vector<16xf32>
        %parallel_loop3A_591 = vector.shape_cast %parallel_loop3A_551 : vector<16xf32> to vector<1x1x1x16xf32>
        tpu.vector_store %arg6[%parallel_loop3A_585, %parallel_loop3A_586, %parallel_loop3A_587, %parallel_loop3A_588], %parallel_loop3A_591 {add = true, strides = array<i32>} : memref<2x4x8x1024xf32, #tpu.memory_space<vmem>>, vector<1x1x1x16xf32>,
        %parallel_loop3A_592 = arith.constant 0 : i32
        %parallel_loop3A_593 = arith.constant 3 : i32
        %parallel_loop3A_594 = arith.index_cast %parallel_loop3A_592 : i32 to index
        %parallel_loop3A_595 = arith.index_cast %parallel_loop3A_593 : i32 to index
        %parallel_loop3A_596 = arith.index_cast %parallel_loop3A_450 : i32 to index
        %parallel_loop3A_597 = tpu.vector_load %arg5[%parallel_loop3A_594, %parallel_loop3A_595, %parallel_loop3A_596] {strides = array<i32>} : memref<2x8x1024xf32, #tpu.memory_space<vmem>>, vector<1x1x16xf32>,
        %parallel_loop3A_598 = vector.shape_cast %parallel_loop3A_597 : vector<1x1x16xf32> to vector<16xf32>
        %parallel_loop3A_599 = arith.constant 0 : i32
        %parallel_loop3A_600 = arith.constant 0 : i32
        %parallel_loop3A_601 = arith.constant 3 : i32
        %parallel_loop3A_602 = arith.index_cast %parallel_loop3A_599 : i32 to index
        %parallel_loop3A_603 = arith.index_cast %parallel_loop3A_600 : i32 to index
        %parallel_loop3A_604 = arith.index_cast %parallel_loop3A_601 : i32 to index
        %parallel_loop3A_605 = arith.index_cast %parallel_loop3A_450 : i32 to index
        %parallel_loop3A_606 = tpu.vector_load %arg6[%parallel_loop3A_602, %parallel_loop3A_603, %parallel_loop3A_604, %parallel_loop3A_605] {strides = array<i32>} : memref<2x4x8x1024xf32, #tpu.memory_space<vmem>>, vector<1x1x1x16xf32>,
        %parallel_loop3A_607 = vector.shape_cast %parallel_loop3A_606 : vector<1x1x1x16xf32> to vector<16xf32>
        %parallel_loop3A_608 = vector.shape_cast %parallel_loop3A_598 : vector<16xf32> to vector<1x1x1x16xf32>
        tpu.vector_store %arg6[%parallel_loop3A_602, %parallel_loop3A_603, %parallel_loop3A_604, %parallel_loop3A_605], %parallel_loop3A_608 {add = true, strides = array<i32>} : memref<2x4x8x1024xf32, #tpu.memory_space<vmem>>, vector<1x1x1x16xf32>,
        %parallel_loop3A_609 = arith.constant 0 : i32
        %parallel_loop3A_610 = arith.constant 1 : i32
        %parallel_loop3A_611 = arith.constant 3 : i32
        %parallel_loop3A_612 = arith.index_cast %parallel_loop3A_609 : i32 to index
        %parallel_loop3A_613 = arith.index_cast %parallel_loop3A_610 : i32 to index
        %parallel_loop3A_614 = arith.index_cast %parallel_loop3A_611 : i32 to index
        %parallel_loop3A_615 = arith.index_cast %parallel_loop3A_450 : i32 to index
        %parallel_loop3A_616 = tpu.vector_load %arg6[%parallel_loop3A_612, %parallel_loop3A_613, %parallel_loop3A_614, %parallel_loop3A_615] {strides = array<i32>} : memref<2x4x8x1024xf32, #tpu.memory_space<vmem>>, vector<1x1x1x16xf32>,
        %parallel_loop3A_617 = vector.shape_cast %parallel_loop3A_616 : vector<1x1x1x16xf32> to vector<16xf32>
        %parallel_loop3A_618 = vector.shape_cast %parallel_loop3A_598 : vector<16xf32> to vector<1x1x1x16xf32>
        tpu.vector_store %arg6[%parallel_loop3A_612, %parallel_loop3A_613, %parallel_loop3A_614, %parallel_loop3A_615], %parallel_loop3A_618 {add = true, strides = array<i32>} : memref<2x4x8x1024xf32, #tpu.memory_space<vmem>>, vector<1x1x1x16xf32>,
        %parallel_loop3A_619 = arith.constant 0 : i32
        %parallel_loop3A_620 = arith.constant 2 : i32
        %parallel_loop3A_621 = arith.constant 3 : i32
        %parallel_loop3A_622 = arith.index_cast %parallel_loop3A_619 : i32 to index
        %parallel_loop3A_623 = arith.index_cast %parallel_loop3A_620 : i32 to index
        %parallel_loop3A_624 = arith.index_cast %parallel_loop3A_621 : i32 to index
        %parallel_loop3A_625 = arith.index_cast %parallel_loop3A_450 : i32 to index
        %parallel_loop3A_626 = tpu.vector_load %arg6[%parallel_loop3A_622, %parallel_loop3A_623, %parallel_loop3A_624, %parallel_loop3A_625] {strides = array<i32>} : memref<2x4x8x1024xf32, #tpu.memory_space<vmem>>, vector<1x1x1x16xf32>,
        %parallel_loop3A_627 = vector.shape_cast %parallel_loop3A_626 : vector<1x1x1x16xf32> to vector<16xf32>
        %parallel_loop3A_628 = vector.shape_cast %parallel_loop3A_598 : vector<16xf32> to vector<1x1x1x16xf32>
        tpu.vector_store %arg6[%parallel_loop3A_622, %parallel_loop3A_623, %parallel_loop3A_624, %parallel_loop3A_625], %parallel_loop3A_628 {add = true, strides = array<i32>} : memref<2x4x8x1024xf32, #tpu.memory_space<vmem>>, vector<1x1x1x16xf32>,
        %parallel_loop3A_629 = arith.constant 0 : i32
        %parallel_loop3A_630 = arith.constant 3 : i32
        %parallel_loop3A_631 = arith.constant 3 : i32
        %parallel_loop3A_632 = arith.index_cast %parallel_loop3A_629 : i32 to index
        %parallel_loop3A_633 = arith.index_cast %parallel_loop3A_630 : i32 to index
        %parallel_loop3A_634 = arith.index_cast %parallel_loop3A_631 : i32 to index
        %parallel_loop3A_635 = arith.index_cast %parallel_loop3A_450 : i32 to index
        %parallel_loop3A_636 = tpu.vector_load %arg6[%parallel_loop3A_632, %parallel_loop3A_633, %parallel_loop3A_634, %parallel_loop3A_635] {strides = array<i32>} : memref<2x4x8x1024xf32, #tpu.memory_space<vmem>>, vector<1x1x1x16xf32>,
        %parallel_loop3A_637 = vector.shape_cast %parallel_loop3A_636 : vector<1x1x1x16xf32> to vector<16xf32>
        %parallel_loop3A_638 = vector.shape_cast %parallel_loop3A_598 : vector<16xf32> to vector<1x1x1x16xf32>
        tpu.vector_store %arg6[%parallel_loop3A_632, %parallel_loop3A_633, %parallel_loop3A_634, %parallel_loop3A_635], %parallel_loop3A_638 {add = true, strides = array<i32>} : memref<2x4x8x1024xf32, #tpu.memory_space<vmem>>, vector<1x1x1x16xf32>,
        %parallel_loop3A_639 = arith.constant 0 : i32
        %parallel_loop3A_640 = arith.constant 4 : i32
        %parallel_loop3A_641 = arith.index_cast %parallel_loop3A_639 : i32 to index
        %parallel_loop3A_642 = arith.index_cast %parallel_loop3A_640 : i32 to index
        %parallel_loop3A_643 = arith.index_cast %parallel_loop3A_450 : i32 to index
        %parallel_loop3A_644 = tpu.vector_load %arg5[%parallel_loop3A_641, %parallel_loop3A_642, %parallel_loop3A_643] {strides = array<i32>} : memref<2x8x1024xf32, #tpu.memory_space<vmem>>, vector<1x1x16xf32>,
        %parallel_loop3A_645 = vector.shape_cast %parallel_loop3A_644 : vector<1x1x16xf32> to vector<16xf32>
        %parallel_loop3A_646 = arith.constant 0 : i32
        %parallel_loop3A_647 = arith.constant 0 : i32
        %parallel_loop3A_648 = arith.constant 4 : i32
        %parallel_loop3A_649 = arith.index_cast %parallel_loop3A_646 : i32 to index
        %parallel_loop3A_650 = arith.index_cast %parallel_loop3A_647 : i32 to index
        %parallel_loop3A_651 = arith.index_cast %parallel_loop3A_648 : i32 to index
        %parallel_loop3A_652 = arith.index_cast %parallel_loop3A_450 : i32 to index
        %parallel_loop3A_653 = tpu.vector_load %arg6[%parallel_loop3A_649, %parallel_loop3A_650, %parallel_loop3A_651, %parallel_loop3A_652] {strides = array<i32>} : memref<2x4x8x1024xf32, #tpu.memory_space<vmem>>, vector<1x1x1x16xf32>,
        %parallel_loop3A_654 = vector.shape_cast %parallel_loop3A_653 : vector<1x1x1x16xf32> to vector<16xf32>
        %parallel_loop3A_655 = vector.shape_cast %parallel_loop3A_645 : vector<16xf32> to vector<1x1x1x16xf32>
        tpu.vector_store %arg6[%parallel_loop3A_649, %parallel_loop3A_650, %parallel_loop3A_651, %parallel_loop3A_652], %parallel_loop3A_655 {add = true, strides = array<i32>} : memref<2x4x8x1024xf32, #tpu.memory_space<vmem>>, vector<1x1x1x16xf32>,
        %parallel_loop3A_656 = arith.constant 0 : i32
        %parallel_loop3A_657 = arith.constant 1 : i32
        %parallel_loop3A_658 = arith.constant 4 : i32
        %parallel_loop3A_659 = arith.index_cast %parallel_loop3A_656 : i32 to index
        %parallel_loop3A_660 = arith.index_cast %parallel_loop3A_657 : i32 to index
        %parallel_loop3A_661 = arith.index_cast %parallel_loop3A_658 : i32 to index
        %parallel_loop3A_662 = arith.index_cast %parallel_loop3A_450 : i32 to index
        %parallel_loop3A_663 = tpu.vector_load %arg6[%parallel_loop3A_659, %parallel_loop3A_660, %parallel_loop3A_661, %parallel_loop3A_662] {strides = array<i32>} : memref<2x4x8x1024xf32, #tpu.memory_space<vmem>>, vector<1x1x1x16xf32>,
        %parallel_loop3A_664 = vector.shape_cast %parallel_loop3A_663 : vector<1x1x1x16xf32> to vector<16xf32>
        %parallel_loop3A_665 = vector.shape_cast %parallel_loop3A_645 : vector<16xf32> to vector<1x1x1x16xf32>
        tpu.vector_store %arg6[%parallel_loop3A_659, %parallel_loop3A_660, %parallel_loop3A_661, %parallel_loop3A_662], %parallel_loop3A_665 {add = true, strides = array<i32>} : memref<2x4x8x1024xf32, #tpu.memory_space<vmem>>, vector<1x1x1x16xf32>,
        %parallel_loop3A_666 = arith.constant 0 : i32
        %parallel_loop3A_667 = arith.constant 2 : i32
        %parallel_loop3A_668 = arith.constant 4 : i32
        %parallel_loop3A_669 = arith.index_cast %parallel_loop3A_666 : i32 to index
        %parallel_loop3A_670 = arith.index_cast %parallel_loop3A_667 : i32 to index
        %parallel_loop3A_671 = arith.index_cast %parallel_loop3A_668 : i32 to index
        %parallel_loop3A_672 = arith.index_cast %parallel_loop3A_450 : i32 to index
        %parallel_loop3A_673 = tpu.vector_load %arg6[%parallel_loop3A_669, %parallel_loop3A_670, %parallel_loop3A_671, %parallel_loop3A_672] {strides = array<i32>} : memref<2x4x8x1024xf32, #tpu.memory_space<vmem>>, vector<1x1x1x16xf32>,
        %parallel_loop3A_674 = vector.shape_cast %parallel_loop3A_673 : vector<1x1x1x16xf32> to vector<16xf32>
        %parallel_loop3A_675 = vector.shape_cast %parallel_loop3A_645 : vector<16xf32> to vector<1x1x1x16xf32>
        tpu.vector_store %arg6[%parallel_loop3A_669, %parallel_loop3A_670, %parallel_loop3A_671, %parallel_loop3A_672], %parallel_loop3A_675 {add = true, strides = array<i32>} : memref<2x4x8x1024xf32, #tpu.memory_space<vmem>>, vector<1x1x1x16xf32>,
        %parallel_loop3A_676 = arith.constant 0 : i32
        %parallel_loop3A_677 = arith.constant 3 : i32
        %parallel_loop3A_678 = arith.constant 4 : i32
        %parallel_loop3A_679 = arith.index_cast %parallel_loop3A_676 : i32 to index
        %parallel_loop3A_680 = arith.index_cast %parallel_loop3A_677 : i32 to index
        %parallel_loop3A_681 = arith.index_cast %parallel_loop3A_678 : i32 to index
        %parallel_loop3A_682 = arith.index_cast %parallel_loop3A_450 : i32 to index
        %parallel_loop3A_683 = tpu.vector_load %arg6[%parallel_loop3A_679, %parallel_loop3A_680, %parallel_loop3A_681, %parallel_loop3A_682] {strides = array<i32>} : memref<2x4x8x1024xf32, #tpu.memory_space<vmem>>, vector<1x1x1x16xf32>,
        %parallel_loop3A_684 = vector.shape_cast %parallel_loop3A_683 : vector<1x1x1x16xf32> to vector<16xf32>
        %parallel_loop3A_685 = vector.shape_cast %parallel_loop3A_645 : vector<16xf32> to vector<1x1x1x16xf32>
        tpu.vector_store %arg6[%parallel_loop3A_679, %parallel_loop3A_680, %parallel_loop3A_681, %parallel_loop3A_682], %parallel_loop3A_685 {add = true, strides = array<i32>} : memref<2x4x8x1024xf32, #tpu.memory_space<vmem>>, vector<1x1x1x16xf32>,
        %parallel_loop3A_686 = arith.constant 0 : i32
        %parallel_loop3A_687 = arith.constant 5 : i32
        %parallel_loop3A_688 = arith.index_cast %parallel_loop3A_686 : i32 to index
        %parallel_loop3A_689 = arith.index_cast %parallel_loop3A_687 : i32 to index
        %parallel_loop3A_690 = arith.index_cast %parallel_loop3A_450 : i32 to index
        %parallel_loop3A_691 = tpu.vector_load %arg5[%parallel_loop3A_688, %parallel_loop3A_689, %parallel_loop3A_690] {strides = array<i32>} : memref<2x8x1024xf32, #tpu.memory_space<vmem>>, vector<1x1x16xf32>,
        %parallel_loop3A_692 = vector.shape_cast %parallel_loop3A_691 : vector<1x1x16xf32> to vector<16xf32>
        %parallel_loop3A_693 = arith.constant 0 : i32
        %parallel_loop3A_694 = arith.constant 0 : i32
        %parallel_loop3A_695 = arith.constant 5 : i32
        %parallel_loop3A_696 = arith.index_cast %parallel_loop3A_693 : i32 to index
        %parallel_loop3A_697 = arith.index_cast %parallel_loop3A_694 : i32 to index
        %parallel_loop3A_698 = arith.index_cast %parallel_loop3A_695 : i32 to index
        %parallel_loop3A_699 = arith.index_cast %parallel_loop3A_450 : i32 to index
        %parallel_loop3A_700 = tpu.vector_load %arg6[%parallel_loop3A_696, %parallel_loop3A_697, %parallel_loop3A_698, %parallel_loop3A_699] {strides = array<i32>} : memref<2x4x8x1024xf32, #tpu.memory_space<vmem>>, vector<1x1x1x16xf32>,
        %parallel_loop3A_701 = vector.shape_cast %parallel_loop3A_700 : vector<1x1x1x16xf32> to vector<16xf32>
        %parallel_loop3A_702 = vector.shape_cast %parallel_loop3A_692 : vector<16xf32> to vector<1x1x1x16xf32>
        tpu.vector_store %arg6[%parallel_loop3A_696, %parallel_loop3A_697, %parallel_loop3A_698, %parallel_loop3A_699], %parallel_loop3A_702 {add = true, strides = array<i32>} : memref<2x4x8x1024xf32, #tpu.memory_space<vmem>>, vector<1x1x1x16xf32>,
        %parallel_loop3A_703 = arith.constant 0 : i32
        %parallel_loop3A_704 = arith.constant 1 : i32
        %parallel_loop3A_705 = arith.constant 5 : i32
        %parallel_loop3A_706 = arith.index_cast %parallel_loop3A_703 : i32 to index
        %parallel_loop3A_707 = arith.index_cast %parallel_loop3A_704 : i32 to index
        %parallel_loop3A_708 = arith.index_cast %parallel_loop3A_705 : i32 to index
        %parallel_loop3A_709 = arith.index_cast %parallel_loop3A_450 : i32 to index
        %parallel_loop3A_710 = tpu.vector_load %arg6[%parallel_loop3A_706, %parallel_loop3A_707, %parallel_loop3A_708, %parallel_loop3A_709] {strides = array<i32>} : memref<2x4x8x1024xf32, #tpu.memory_space<vmem>>, vector<1x1x1x16xf32>,
        %parallel_loop3A_711 = vector.shape_cast %parallel_loop3A_710 : vector<1x1x1x16xf32> to vector<16xf32>
        %parallel_loop3A_712 = vector.shape_cast %parallel_loop3A_692 : vector<16xf32> to vector<1x1x1x16xf32>
        tpu.vector_store %arg6[%parallel_loop3A_706, %parallel_loop3A_707, %parallel_loop3A_708, %parallel_loop3A_709], %parallel_loop3A_712 {add = true, strides = array<i32>} : memref<2x4x8x1024xf32, #tpu.memory_space<vmem>>, vector<1x1x1x16xf32>,
        %parallel_loop3A_713 = arith.constant 0 : i32
        %parallel_loop3A_714 = arith.constant 2 : i32
        %parallel_loop3A_715 = arith.constant 5 : i32
        %parallel_loop3A_716 = arith.index_cast %parallel_loop3A_713 : i32 to index
        %parallel_loop3A_717 = arith.index_cast %parallel_loop3A_714 : i32 to index
        %parallel_loop3A_718 = arith.index_cast %parallel_loop3A_715 : i32 to index
        %parallel_loop3A_719 = arith.index_cast %parallel_loop3A_450 : i32 to index
        %parallel_loop3A_720 = tpu.vector_load %arg6[%parallel_loop3A_716, %parallel_loop3A_717, %parallel_loop3A_718, %parallel_loop3A_719] {strides = array<i32>} : memref<2x4x8x1024xf32, #tpu.memory_space<vmem>>, vector<1x1x1x16xf32>,
        %parallel_loop3A_721 = vector.shape_cast %parallel_loop3A_720 : vector<1x1x1x16xf32> to vector<16xf32>
        %parallel_loop3A_722 = vector.shape_cast %parallel_loop3A_692 : vector<16xf32> to vector<1x1x1x16xf32>
        tpu.vector_store %arg6[%parallel_loop3A_716, %parallel_loop3A_717, %parallel_loop3A_718, %parallel_loop3A_719], %parallel_loop3A_722 {add = true, strides = array<i32>} : memref<2x4x8x1024xf32, #tpu.memory_space<vmem>>, vector<1x1x1x16xf32>,
        %parallel_loop3A_723 = arith.constant 0 : i32
        %parallel_loop3A_724 = arith.constant 3 : i32
        %parallel_loop3A_725 = arith.constant 5 : i32
        %parallel_loop3A_726 = arith.index_cast %parallel_loop3A_723 : i32 to index
        %parallel_loop3A_727 = arith.index_cast %parallel_loop3A_724 : i32 to index
        %parallel_loop3A_728 = arith.index_cast %parallel_loop3A_725 : i32 to index
        %parallel_loop3A_729 = arith.index_cast %parallel_loop3A_450 : i32 to index
        %parallel_loop3A_730 = tpu.vector_load %arg6[%parallel_loop3A_726, %parallel_loop3A_727, %parallel_loop3A_728, %parallel_loop3A_729] {strides = array<i32>} : memref<2x4x8x1024xf32, #tpu.memory_space<vmem>>, vector<1x1x1x16xf32>,
        %parallel_loop3A_731 = vector.shape_cast %parallel_loop3A_730 : vector<1x1x1x16xf32> to vector<16xf32>
        %parallel_loop3A_732 = vector.shape_cast %parallel_loop3A_692 : vector<16xf32> to vector<1x1x1x16xf32>
        tpu.vector_store %arg6[%parallel_loop3A_726, %parallel_loop3A_727, %parallel_loop3A_728, %parallel_loop3A_729], %parallel_loop3A_732 {add = true, strides = array<i32>} : memref<2x4x8x1024xf32, #tpu.memory_space<vmem>>, vector<1x1x1x16xf32>,
        %parallel_loop3A_733 = arith.constant 0 : i32
        %parallel_loop3A_734 = arith.constant 6 : i32
        %parallel_loop3A_735 = arith.index_cast %parallel_loop3A_733 : i32 to index
        %parallel_loop3A_736 = arith.index_cast %parallel_loop3A_734 : i32 to index
        %parallel_loop3A_737 = arith.index_cast %parallel_loop3A_450 : i32 to index
        %parallel_loop3A_738 = tpu.vector_load %arg5[%parallel_loop3A_735, %parallel_loop3A_736, %parallel_loop3A_737] {strides = array<i32>} : memref<2x8x1024xf32, #tpu.memory_space<vmem>>, vector<1x1x16xf32>,
        %parallel_loop3A_739 = vector.shape_cast %parallel_loop3A_738 : vector<1x1x16xf32> to vector<16xf32>
        %parallel_loop3A_740 = arith.constant 0 : i32
        %parallel_loop3A_741 = arith.constant 0 : i32
        %parallel_loop3A_742 = arith.constant 6 : i32
        %parallel_loop3A_743 = arith.index_cast %parallel_loop3A_740 : i32 to index
        %parallel_loop3A_744 = arith.index_cast %parallel_loop3A_741 : i32 to index
        %parallel_loop3A_745 = arith.index_cast %parallel_loop3A_742 : i32 to index
        %parallel_loop3A_746 = arith.index_cast %parallel_loop3A_450 : i32 to index
        %parallel_loop3A_747 = tpu.vector_load %arg6[%parallel_loop3A_743, %parallel_loop3A_744, %parallel_loop3A_745, %parallel_loop3A_746] {strides = array<i32>} : memref<2x4x8x1024xf32, #tpu.memory_space<vmem>>, vector<1x1x1x16xf32>,
        %parallel_loop3A_748 = vector.shape_cast %parallel_loop3A_747 : vector<1x1x1x16xf32> to vector<16xf32>
        %parallel_loop3A_749 = vector.shape_cast %parallel_loop3A_739 : vector<16xf32> to vector<1x1x1x16xf32>
        tpu.vector_store %arg6[%parallel_loop3A_743, %parallel_loop3A_744, %parallel_loop3A_745, %parallel_loop3A_746], %parallel_loop3A_749 {add = true, strides = array<i32>} : memref<2x4x8x1024xf32, #tpu.memory_space<vmem>>, vector<1x1x1x16xf32>,
        %parallel_loop3A_750 = arith.constant 0 : i32
        %parallel_loop3A_751 = arith.constant 1 : i32
        %parallel_loop3A_752 = arith.constant 6 : i32
        %parallel_loop3A_753 = arith.index_cast %parallel_loop3A_750 : i32 to index
        %parallel_loop3A_754 = arith.index_cast %parallel_loop3A_751 : i32 to index
        %parallel_loop3A_755 = arith.index_cast %parallel_loop3A_752 : i32 to index
        %parallel_loop3A_756 = arith.index_cast %parallel_loop3A_450 : i32 to index
        %parallel_loop3A_757 = tpu.vector_load %arg6[%parallel_loop3A_753, %parallel_loop3A_754, %parallel_loop3A_755, %parallel_loop3A_756] {strides = array<i32>} : memref<2x4x8x1024xf32, #tpu.memory_space<vmem>>, vector<1x1x1x16xf32>,
        %parallel_loop3A_758 = vector.shape_cast %parallel_loop3A_757 : vector<1x1x1x16xf32> to vector<16xf32>
        %parallel_loop3A_759 = vector.shape_cast %parallel_loop3A_739 : vector<16xf32> to vector<1x1x1x16xf32>
        tpu.vector_store %arg6[%parallel_loop3A_753, %parallel_loop3A_754, %parallel_loop3A_755, %parallel_loop3A_756], %parallel_loop3A_759 {add = true, strides = array<i32>} : memref<2x4x8x1024xf32, #tpu.memory_space<vmem>>, vector<1x1x1x16xf32>,
        %parallel_loop3A_760 = arith.constant 0 : i32
        %parallel_loop3A_761 = arith.constant 2 : i32
        %parallel_loop3A_762 = arith.constant 6 : i32
        %parallel_loop3A_763 = arith.index_cast %parallel_loop3A_760 : i32 to index
        %parallel_loop3A_764 = arith.index_cast %parallel_loop3A_761 : i32 to index
        %parallel_loop3A_765 = arith.index_cast %parallel_loop3A_762 : i32 to index
        %parallel_loop3A_766 = arith.index_cast %parallel_loop3A_450 : i32 to index
        %parallel_loop3A_767 = tpu.vector_load %arg6[%parallel_loop3A_763, %parallel_loop3A_764, %parallel_loop3A_765, %parallel_loop3A_766] {strides = array<i32>} : memref<2x4x8x1024xf32, #tpu.memory_space<vmem>>, vector<1x1x1x16xf32>,
        %parallel_loop3A_768 = vector.shape_cast %parallel_loop3A_767 : vector<1x1x1x16xf32> to vector<16xf32>
        %parallel_loop3A_769 = vector.shape_cast %parallel_loop3A_739 : vector<16xf32> to vector<1x1x1x16xf32>
        tpu.vector_store %arg6[%parallel_loop3A_763, %parallel_loop3A_764, %parallel_loop3A_765, %parallel_loop3A_766], %parallel_loop3A_769 {add = true, strides = array<i32>} : memref<2x4x8x1024xf32, #tpu.memory_space<vmem>>, vector<1x1x1x16xf32>,
        %parallel_loop3A_770 = arith.constant 0 : i32
        %parallel_loop3A_771 = arith.constant 3 : i32
        %parallel_loop3A_772 = arith.constant 6 : i32
        %parallel_loop3A_773 = arith.index_cast %parallel_loop3A_770 : i32 to index
        %parallel_loop3A_774 = arith.index_cast %parallel_loop3A_771 : i32 to index
        %parallel_loop3A_775 = arith.index_cast %parallel_loop3A_772 : i32 to index
        %parallel_loop3A_776 = arith.index_cast %parallel_loop3A_450 : i32 to index
        %parallel_loop3A_777 = tpu.vector_load %arg6[%parallel_loop3A_773, %parallel_loop3A_774, %parallel_loop3A_775, %parallel_loop3A_776] {strides = array<i32>} : memref<2x4x8x1024xf32, #tpu.memory_space<vmem>>, vector<1x1x1x16xf32>,
        %parallel_loop3A_778 = vector.shape_cast %parallel_loop3A_777 : vector<1x1x1x16xf32> to vector<16xf32>
        %parallel_loop3A_779 = vector.shape_cast %parallel_loop3A_739 : vector<16xf32> to vector<1x1x1x16xf32>
        tpu.vector_store %arg6[%parallel_loop3A_773, %parallel_loop3A_774, %parallel_loop3A_775, %parallel_loop3A_776], %parallel_loop3A_779 {add = true, strides = array<i32>} : memref<2x4x8x1024xf32, #tpu.memory_space<vmem>>, vector<1x1x1x16xf32>,
        %parallel_loop3A_780 = arith.constant 0 : i32
        %parallel_loop3A_781 = arith.constant 7 : i32
        %parallel_loop3A_782 = arith.index_cast %parallel_loop3A_780 : i32 to index
        %parallel_loop3A_783 = arith.index_cast %parallel_loop3A_781 : i32 to index
        %parallel_loop3A_784 = arith.index_cast %parallel_loop3A_450 : i32 to index
        %parallel_loop3A_785 = tpu.vector_load %arg5[%parallel_loop3A_782, %parallel_loop3A_783, %parallel_loop3A_784] {strides = array<i32>} : memref<2x8x1024xf32, #tpu.memory_space<vmem>>, vector<1x1x16xf32>,
        %parallel_loop3A_786 = vector.shape_cast %parallel_loop3A_785 : vector<1x1x16xf32> to vector<16xf32>
        %parallel_loop3A_787 = arith.constant 0 : i32
        %parallel_loop3A_788 = arith.constant 0 : i32
        %parallel_loop3A_789 = arith.constant 7 : i32
        %parallel_loop3A_790 = arith.index_cast %parallel_loop3A_787 : i32 to index
        %parallel_loop3A_791 = arith.index_cast %parallel_loop3A_788 : i32 to index
        %parallel_loop3A_792 = arith.index_cast %parallel_loop3A_789 : i32 to index
        %parallel_loop3A_793 = arith.index_cast %parallel_loop3A_450 : i32 to index
        %parallel_loop3A_794 = tpu.vector_load %arg6[%parallel_loop3A_790, %parallel_loop3A_791, %parallel_loop3A_792, %parallel_loop3A_793] {strides = array<i32>} : memref<2x4x8x1024xf32, #tpu.memory_space<vmem>>, vector<1x1x1x16xf32>,
        %parallel_loop3A_795 = vector.shape_cast %parallel_loop3A_794 : vector<1x1x1x16xf32> to vector<16xf32>
        %parallel_loop3A_796 = vector.shape_cast %parallel_loop3A_786 : vector<16xf32> to vector<1x1x1x16xf32>
        tpu.vector_store %arg6[%parallel_loop3A_790, %parallel_loop3A_791, %parallel_loop3A_792, %parallel_loop3A_793], %parallel_loop3A_796 {add = true, strides = array<i32>} : memref<2x4x8x1024xf32, #tpu.memory_space<vmem>>, vector<1x1x1x16xf32>,
        %parallel_loop3A_797 = arith.constant 0 : i32
        %parallel_loop3A_798 = arith.constant 1 : i32
        %parallel_loop3A_799 = arith.constant 7 : i32
        %parallel_loop3A_800 = arith.index_cast %parallel_loop3A_797 : i32 to index
        %parallel_loop3A_801 = arith.index_cast %parallel_loop3A_798 : i32 to index
        %parallel_loop3A_802 = arith.index_cast %parallel_loop3A_799 : i32 to index
        %parallel_loop3A_803 = arith.index_cast %parallel_loop3A_450 : i32 to index
        %parallel_loop3A_804 = tpu.vector_load %arg6[%parallel_loop3A_800, %parallel_loop3A_801, %parallel_loop3A_802, %parallel_loop3A_803] {strides = array<i32>} : memref<2x4x8x1024xf32, #tpu.memory_space<vmem>>, vector<1x1x1x16xf32>,
        %parallel_loop3A_805 = vector.shape_cast %parallel_loop3A_804 : vector<1x1x1x16xf32> to vector<16xf32>
        %parallel_loop3A_806 = vector.shape_cast %parallel_loop3A_786 : vector<16xf32> to vector<1x1x1x16xf32>
        tpu.vector_store %arg6[%parallel_loop3A_800, %parallel_loop3A_801, %parallel_loop3A_802, %parallel_loop3A_803], %parallel_loop3A_806 {add = true, strides = array<i32>} : memref<2x4x8x1024xf32, #tpu.memory_space<vmem>>, vector<1x1x1x16xf32>,
        %parallel_loop3A_807 = arith.constant 0 : i32
        %parallel_loop3A_808 = arith.constant 2 : i32
        %parallel_loop3A_809 = arith.constant 7 : i32
        %parallel_loop3A_810 = arith.index_cast %parallel_loop3A_807 : i32 to index
        %parallel_loop3A_811 = arith.index_cast %parallel_loop3A_808 : i32 to index
        %parallel_loop3A_812 = arith.index_cast %parallel_loop3A_809 : i32 to index
        %parallel_loop3A_813 = arith.index_cast %parallel_loop3A_450 : i32 to index
        %parallel_loop3A_814 = tpu.vector_load %arg6[%parallel_loop3A_810, %parallel_loop3A_811, %parallel_loop3A_812, %parallel_loop3A_813] {strides = array<i32>} : memref<2x4x8x1024xf32, #tpu.memory_space<vmem>>, vector<1x1x1x16xf32>,
        %parallel_loop3A_815 = vector.shape_cast %parallel_loop3A_814 : vector<1x1x1x16xf32> to vector<16xf32>
        %parallel_loop3A_816 = vector.shape_cast %parallel_loop3A_786 : vector<16xf32> to vector<1x1x1x16xf32>
        tpu.vector_store %arg6[%parallel_loop3A_810, %parallel_loop3A_811, %parallel_loop3A_812, %parallel_loop3A_813], %parallel_loop3A_816 {add = true, strides = array<i32>} : memref<2x4x8x1024xf32, #tpu.memory_space<vmem>>, vector<1x1x1x16xf32>,
        %parallel_loop3A_817 = arith.constant 0 : i32
        %parallel_loop3A_818 = arith.constant 3 : i32
        %parallel_loop3A_819 = arith.constant 7 : i32
        %parallel_loop3A_820 = arith.index_cast %parallel_loop3A_817 : i32 to index
        %parallel_loop3A_821 = arith.index_cast %parallel_loop3A_818 : i32 to index
        %parallel_loop3A_822 = arith.index_cast %parallel_loop3A_819 : i32 to index
        %parallel_loop3A_823 = arith.index_cast %parallel_loop3A_450 : i32 to index
        %parallel_loop3A_824 = tpu.vector_load %arg6[%parallel_loop3A_820, %parallel_loop3A_821, %parallel_loop3A_822, %parallel_loop3A_823] {strides = array<i32>} : memref<2x4x8x1024xf32, #tpu.memory_space<vmem>>, vector<1x1x1x16xf32>,
        %parallel_loop3A_825 = vector.shape_cast %parallel_loop3A_824 : vector<1x1x1x16xf32> to vector<16xf32>
        %parallel_loop3A_826 = vector.shape_cast %parallel_loop3A_786 : vector<16xf32> to vector<1x1x1x16xf32>
        tpu.vector_store %arg6[%parallel_loop3A_820, %parallel_loop3A_821, %parallel_loop3A_822, %parallel_loop3A_823], %parallel_loop3A_826 {add = true, strides = array<i32>} : memref<2x4x8x1024xf32, #tpu.memory_space<vmem>>, vector<1x1x1x16xf32>,
      } {sc.loop_unroll_factor = 2 : i64, sc.parallel_access}
      %dma_start3A_431 = arith.constant 0 : i32
      %dma_start3A_432 = arith.constant 0 : i32
      %dma_start3A_433 = arith.constant 0 : i32
      %dma_start3A_434 = arith.constant 0 : i32
      %dma_start3A_435 = tpu.memref_slice %arg6[%dma_start3A_431, %dma_start3A_432, %dma_start3A_433, %dma_start3A_434] : memref<2x4x8x1024xf32, #tpu.memory_space<vmem>> -> memref<1x4x8x1024xf32, #tpu.memory_space<vmem>>
      %dma_start3A_436 = tpu.memref_squeeze %dma_start3A_435 : memref<1x4x8x1024xf32, #tpu.memory_space<vmem>> -> memref<4x8x1024xf32, #tpu.memory_space<vmem>>
      %dma_start3A_437 = arith.constant 0 : i32
      %dma_start3A_438 = arith.constant 0 : i32
      %dma_start3A_439 = tpu.memref_slice %arg4[%dma_start3A_437, %add3A_393, %dma_start3A_438] : memref<4x8192x1024xf32, #tpu.memory_space<hbm>> -> memref<4x8x1024xf32, #tpu.memory_space<hbm>>
      %dma_start3A_440 = arith.constant 0 : i32
      %dma_start3A_441 = arith.constant 0 : i32
      %dma_start3A_442 = tpu.memref_slice %arg4[%dma_start3A_440, %add3A_393, %dma_start3A_441] : memref<4x8192x1024xf32, #tpu.memory_space<hbm>> -> memref<4x8x1024xf32, #tpu.memory_space<hbm>>
      %dma_start3A_443 = arith.constant 0 : i32
      %dma_start3A_444 = arith.constant 0 : i32
      %dma_start3A_445 = arith.constant 0 : i32
      %dma_start3A_446 = tpu.memref_slice %arg6[%dma_start3A_431, %dma_start3A_443, %dma_start3A_444, %dma_start3A_445] : memref<2x4x8x1024xf32, #tpu.memory_space<vmem>> -> memref<1x4x8x1024xf32, #tpu.memory_space<vmem>>
      %dma_start3A_447 = tpu.memref_squeeze %dma_start3A_446 : memref<1x4x8x1024xf32, #tpu.memory_space<vmem>> -> memref<4x8x1024xf32, #tpu.memory_space<vmem>>
      tpu.enqueue_dma source(%dma_start3A_447 : memref<4x8x1024xf32, #tpu.memory_space<vmem>>) target(%dma_start3A_442 : memref<4x8x1024xf32, #tpu.memory_space<hbm>>) target_semaphore(%arg11 : memref<!tpu.dma_semaphore, #tpu.memory_space<semaphore_mem>>)
    }
    %scan3A_124 = arith.constant 15 : i32
    %add3A_125 = arith.constant 248 : i32
    %add3A_126 = arith.addi %mul3A_2, %add3A_125 : i32
    %dma_wait3A_127 = arith.constant 1 : i32
    %dma_wait3A_128 = arith.constant 0 : i32
    %dma_wait3A_129 = arith.constant 0 : i32
    %dma_wait3A_130 = tpu.memref_slice %arg5[%dma_wait3A_127, %dma_wait3A_128, %dma_wait3A_129] : memref<2x8x1024xf32, #tpu.memory_space<vmem>> -> memref<1x8x1024xf32, #tpu.memory_space<vmem>>
    %dma_wait3A_131 = tpu.memref_squeeze %dma_wait3A_130 : memref<1x8x1024xf32, #tpu.memory_space<vmem>> -> memref<8x1024xf32, #tpu.memory_space<vmem>>
    %dma_wait3A_132 = arith.constant 0 : i32
    %dma_wait3A_133 = arith.constant 0 : i32
    %dma_wait3A_134 = tpu.memref_slice %arg3[%dma_wait3A_132, %dma_wait3A_133] : memref<8192x1024xf32, #tpu.memory_space<hbm>> -> memref<8x1024xf32, #tpu.memory_space<hbm>>
    %dma_wait3A_135 = arith.constant 0 : i32
    %dma_wait3A_136 = arith.constant 0 : i32
    %dma_wait3A_137 = tpu.memref_slice %arg5[%dma_wait3A_127, %dma_wait3A_135, %dma_wait3A_136] : memref<2x8x1024xf32, #tpu.memory_space<vmem>> -> memref<1x8x1024xf32, #tpu.memory_space<vmem>>
    %dma_wait3A_138 = tpu.memref_squeeze %dma_wait3A_137 : memref<1x8x1024xf32, #tpu.memory_space<vmem>> -> memref<8x1024xf32, #tpu.memory_space<vmem>>
    %dma_wait3A_139 = arith.constant 0 : i32
    %dma_wait3A_140 = arith.constant 0 : i32
    %dma_wait3A_141 = tpu.memref_slice %arg3[%dma_wait3A_139, %dma_wait3A_140] : memref<8192x1024xf32, #tpu.memory_space<hbm>> -> memref<8x1024xf32, #tpu.memory_space<hbm>>
    tpu.wait_dma2 semaphore(%arg8 : memref<!tpu.dma_semaphore, #tpu.memory_space<semaphore_mem>>) src(%dma_wait3A_141 : memref<8x1024xf32, #tpu.memory_space<hbm>>) dst(%dma_wait3A_138 : memref<8x1024xf32, #tpu.memory_space<vmem>>)
    %dma_wait3A_142 = arith.constant 1 : i32
    %dma_wait3A_143 = arith.constant 0 : i32
    %dma_wait3A_144 = arith.constant 0 : i32
    %dma_wait3A_145 = arith.constant 0 : i32
    %dma_wait3A_146 = tpu.memref_slice %arg6[%dma_wait3A_142, %dma_wait3A_143, %dma_wait3A_144, %dma_wait3A_145] : memref<2x4x8x1024xf32, #tpu.memory_space<vmem>> -> memref<1x4x8x1024xf32, #tpu.memory_space<vmem>>
    %dma_wait3A_147 = tpu.memref_squeeze %dma_wait3A_146 : memref<1x4x8x1024xf32, #tpu.memory_space<vmem>> -> memref<4x8x1024xf32, #tpu.memory_space<vmem>>
    %dma_wait3A_148 = arith.constant 0 : i32
    %dma_wait3A_149 = arith.constant 0 : i32
    %dma_wait3A_150 = arith.constant 0 : i32
    %dma_wait3A_151 = tpu.memref_slice %arg2[%dma_wait3A_148, %dma_wait3A_149, %dma_wait3A_150] : memref<4x8192x1024xf32, #tpu.memory_space<hbm>> -> memref<4x8x1024xf32, #tpu.memory_space<hbm>>
    %dma_wait3A_152 = arith.constant 0 : i32
    %dma_wait3A_153 = arith.constant 0 : i32
    %dma_wait3A_154 = arith.constant 0 : i32
    %dma_wait3A_155 = tpu.memref_slice %arg6[%dma_wait3A_142, %dma_wait3A_152, %dma_wait3A_153, %dma_wait3A_154] : memref<2x4x8x1024xf32, #tpu.memory_space<vmem>> -> memref<1x4x8x1024xf32, #tpu.memory_space<vmem>>
    %dma_wait3A_156 = tpu.memref_squeeze %dma_wait3A_155 : memref<1x4x8x1024xf32, #tpu.memory_space<vmem>> -> memref<4x8x1024xf32, #tpu.memory_space<vmem>>
    %dma_wait3A_157 = arith.constant 0 : i32
    %dma_wait3A_158 = arith.constant 0 : i32
    %dma_wait3A_159 = arith.constant 0 : i32
    %dma_wait3A_160 = tpu.memref_slice %arg2[%dma_wait3A_157, %dma_wait3A_158, %dma_wait3A_159] : memref<4x8192x1024xf32, #tpu.memory_space<hbm>> -> memref<4x8x1024xf32, #tpu.memory_space<hbm>>
    tpu.wait_dma2 semaphore(%arg10 : memref<!tpu.dma_semaphore, #tpu.memory_space<semaphore_mem>>) src(%dma_wait3A_160 : memref<4x8x1024xf32, #tpu.memory_space<hbm>>) dst(%dma_wait3A_156 : memref<4x8x1024xf32, #tpu.memory_space<vmem>>)
    %parallel_loop3A_161 = arith.constant 0 : i32
    %parallel_loop3A_162 = arith.constant 64 : i32
    %parallel_loop3A_163 = arith.constant 1 : i32
    scf.for %parallel_loop3A_219 = %parallel_loop3A_161 to %parallel_loop3A_162 step %parallel_loop3A_163  : i32 {
      %parallel_loop3A_220 = arith.constant 16 : i32
      %parallel_loop3A_221 = arith.muli %parallel_loop3A_219, %parallel_loop3A_220 : i32
      %parallel_loop3A_222 = arith.constant 1 : i32
      %parallel_loop3A_223 = arith.constant 0 : i32
      %parallel_loop3A_224 = arith.index_cast %parallel_loop3A_222 : i32 to index
      %parallel_loop3A_225 = arith.index_cast %parallel_loop3A_223 : i32 to index
      %parallel_loop3A_226 = arith.index_cast %parallel_loop3A_221 : i32 to index
      %parallel_loop3A_227 = tpu.vector_load %arg5[%parallel_loop3A_224, %parallel_loop3A_225, %parallel_loop3A_226] {strides = array<i32>} : memref<2x8x1024xf32, #tpu.memory_space<vmem>>, vector<1x1x16xf32>,
      %parallel_loop3A_228 = vector.shape_cast %parallel_loop3A_227 : vector<1x1x16xf32> to vector<16xf32>
      %parallel_loop3A_229 = arith.constant 1 : i32
      %parallel_loop3A_230 = arith.constant 0 : i32
      %parallel_loop3A_231 = arith.constant 0 : i32
      %parallel_loop3A_232 = arith.index_cast %parallel_loop3A_229 : i32 to index
      %parallel_loop3A_233 = arith.index_cast %parallel_loop3A_230 : i32 to index
      %parallel_loop3A_234 = arith.index_cast %parallel_loop3A_231 : i32 to index
      %parallel_loop3A_235 = arith.index_cast %parallel_loop3A_221 : i32 to index
      %parallel_loop3A_236 = tpu.vector_load %arg6[%parallel_loop3A_232, %parallel_loop3A_233, %parallel_loop3A_234, %parallel_loop3A_235] {strides = array<i32>} : memref<2x4x8x1024xf32, #tpu.memory_space<vmem>>, vector<1x1x1x16xf32>,
      %parallel_loop3A_237 = vector.shape_cast %parallel_loop3A_236 : vector<1x1x1x16xf32> to vector<16xf32>
      %parallel_loop3A_238 = vector.shape_cast %parallel_loop3A_228 : vector<16xf32> to vector<1x1x1x16xf32>
      tpu.vector_store %arg6[%parallel_loop3A_232, %parallel_loop3A_233, %parallel_loop3A_234, %parallel_loop3A_235], %parallel_loop3A_238 {add = true, strides = array<i32>} : memref<2x4x8x1024xf32, #tpu.memory_space<vmem>>, vector<1x1x1x16xf32>,
      %parallel_loop3A_239 = arith.constant 1 : i32
      %parallel_loop3A_240 = arith.constant 1 : i32
      %parallel_loop3A_241 = arith.constant 0 : i32
      %parallel_loop3A_242 = arith.index_cast %parallel_loop3A_239 : i32 to index
      %parallel_loop3A_243 = arith.index_cast %parallel_loop3A_240 : i32 to index
      %parallel_loop3A_244 = arith.index_cast %parallel_loop3A_241 : i32 to index
      %parallel_loop3A_245 = arith.index_cast %parallel_loop3A_221 : i32 to index
      %parallel_loop3A_246 = tpu.vector_load %arg6[%parallel_loop3A_242, %parallel_loop3A_243, %parallel_loop3A_244, %parallel_loop3A_245] {strides = array<i32>} : memref<2x4x8x1024xf32, #tpu.memory_space<vmem>>, vector<1x1x1x16xf32>,
      %parallel_loop3A_247 = vector.shape_cast %parallel_loop3A_246 : vector<1x1x1x16xf32> to vector<16xf32>
      %parallel_loop3A_248 = vector.shape_cast %parallel_loop3A_228 : vector<16xf32> to vector<1x1x1x16xf32>
      tpu.vector_store %arg6[%parallel_loop3A_242, %parallel_loop3A_243, %parallel_loop3A_244, %parallel_loop3A_245], %parallel_loop3A_248 {add = true, strides = array<i32>} : memref<2x4x8x1024xf32, #tpu.memory_space<vmem>>, vector<1x1x1x16xf32>,
      %parallel_loop3A_249 = arith.constant 1 : i32
      %parallel_loop3A_250 = arith.constant 2 : i32
      %parallel_loop3A_251 = arith.constant 0 : i32
      %parallel_loop3A_252 = arith.index_cast %parallel_loop3A_249 : i32 to index
      %parallel_loop3A_253 = arith.index_cast %parallel_loop3A_250 : i32 to index
      %parallel_loop3A_254 = arith.index_cast %parallel_loop3A_251 : i32 to index
      %parallel_loop3A_255 = arith.index_cast %parallel_loop3A_221 : i32 to index
      %parallel_loop3A_256 = tpu.vector_load %arg6[%parallel_loop3A_252, %parallel_loop3A_253, %parallel_loop3A_254, %parallel_loop3A_255] {strides = array<i32>} : memref<2x4x8x1024xf32, #tpu.memory_space<vmem>>, vector<1x1x1x16xf32>,
      %parallel_loop3A_257 = vector.shape_cast %parallel_loop3A_256 : vector<1x1x1x16xf32> to vector<16xf32>
      %parallel_loop3A_258 = vector.shape_cast %parallel_loop3A_228 : vector<16xf32> to vector<1x1x1x16xf32>
      tpu.vector_store %arg6[%parallel_loop3A_252, %parallel_loop3A_253, %parallel_loop3A_254, %parallel_loop3A_255], %parallel_loop3A_258 {add = true, strides = array<i32>} : memref<2x4x8x1024xf32, #tpu.memory_space<vmem>>, vector<1x1x1x16xf32>,
      %parallel_loop3A_259 = arith.constant 1 : i32
      %parallel_loop3A_260 = arith.constant 3 : i32
      %parallel_loop3A_261 = arith.constant 0 : i32
      %parallel_loop3A_262 = arith.index_cast %parallel_loop3A_259 : i32 to index
      %parallel_loop3A_263 = arith.index_cast %parallel_loop3A_260 : i32 to index
      %parallel_loop3A_264 = arith.index_cast %parallel_loop3A_261 : i32 to index
      %parallel_loop3A_265 = arith.index_cast %parallel_loop3A_221 : i32 to index
      %parallel_loop3A_266 = tpu.vector_load %arg6[%parallel_loop3A_262, %parallel_loop3A_263, %parallel_loop3A_264, %parallel_loop3A_265] {strides = array<i32>} : memref<2x4x8x1024xf32, #tpu.memory_space<vmem>>, vector<1x1x1x16xf32>,
      %parallel_loop3A_267 = vector.shape_cast %parallel_loop3A_266 : vector<1x1x1x16xf32> to vector<16xf32>
      %parallel_loop3A_268 = vector.shape_cast %parallel_loop3A_228 : vector<16xf32> to vector<1x1x1x16xf32>
      tpu.vector_store %arg6[%parallel_loop3A_262, %parallel_loop3A_263, %parallel_loop3A_264, %parallel_loop3A_265], %parallel_loop3A_268 {add = true, strides = array<i32>} : memref<2x4x8x1024xf32, #tpu.memory_space<vmem>>, vector<1x1x1x16xf32>,
      %parallel_loop3A_269 = arith.constant 1 : i32
      %parallel_loop3A_270 = arith.constant 1 : i32
      %parallel_loop3A_271 = arith.index_cast %parallel_loop3A_269 : i32 to index
      %parallel_loop3A_272 = arith.index_cast %parallel_loop3A_270 : i32 to index
      %parallel_loop3A_273 = arith.index_cast %parallel_loop3A_221 : i32 to index
      %parallel_loop3A_274 = tpu.vector_load %arg5[%parallel_loop3A_271, %parallel_loop3A_272, %parallel_loop3A_273] {strides = array<i32>} : memref<2x8x1024xf32, #tpu.memory_space<vmem>>, vector<1x1x16xf32>,
      %parallel_loop3A_275 = vector.shape_cast %parallel_loop3A_274 : vector<1x1x16xf32> to vector<16xf32>
      %parallel_loop3A_276 = arith.constant 1 : i32
      %parallel_loop3A_277 = arith.constant 0 : i32
      %parallel_loop3A_278 = arith.constant 1 : i32
      %parallel_loop3A_279 = arith.index_cast %parallel_loop3A_276 : i32 to index
      %parallel_loop3A_280 = arith.index_cast %parallel_loop3A_277 : i32 to index
      %parallel_loop3A_281 = arith.index_cast %parallel_loop3A_278 : i32 to index
      %parallel_loop3A_282 = arith.index_cast %parallel_loop3A_221 : i32 to index
      %parallel_loop3A_283 = tpu.vector_load %arg6[%parallel_loop3A_279, %parallel_loop3A_280, %parallel_loop3A_281, %parallel_loop3A_282] {strides = array<i32>} : memref<2x4x8x1024xf32, #tpu.memory_space<vmem>>, vector<1x1x1x16xf32>,
      %parallel_loop3A_284 = vector.shape_cast %parallel_loop3A_283 : vector<1x1x1x16xf32> to vector<16xf32>
      %parallel_loop3A_285 = vector.shape_cast %parallel_loop3A_275 : vector<16xf32> to vector<1x1x1x16xf32>
      tpu.vector_store %arg6[%parallel_loop3A_279, %parallel_loop3A_280, %parallel_loop3A_281, %parallel_loop3A_282], %parallel_loop3A_285 {add = true, strides = array<i32>} : memref<2x4x8x1024xf32, #tpu.memory_space<vmem>>, vector<1x1x1x16xf32>,
      %parallel_loop3A_286 = arith.constant 1 : i32
      %parallel_loop3A_287 = arith.constant 1 : i32
      %parallel_loop3A_288 = arith.constant 1 : i32
      %parallel_loop3A_289 = arith.index_cast %parallel_loop3A_286 : i32 to index
      %parallel_loop3A_290 = arith.index_cast %parallel_loop3A_287 : i32 to index
      %parallel_loop3A_291 = arith.index_cast %parallel_loop3A_288 : i32 to index
      %parallel_loop3A_292 = arith.index_cast %parallel_loop3A_221 : i32 to index
      %parallel_loop3A_293 = tpu.vector_load %arg6[%parallel_loop3A_289, %parallel_loop3A_290, %parallel_loop3A_291, %parallel_loop3A_292] {strides = array<i32>} : memref<2x4x8x1024xf32, #tpu.memory_space<vmem>>, vector<1x1x1x16xf32>,
      %parallel_loop3A_294 = vector.shape_cast %parallel_loop3A_293 : vector<1x1x1x16xf32> to vector<16xf32>
      %parallel_loop3A_295 = vector.shape_cast %parallel_loop3A_275 : vector<16xf32> to vector<1x1x1x16xf32>
      tpu.vector_store %arg6[%parallel_loop3A_289, %parallel_loop3A_290, %parallel_loop3A_291, %parallel_loop3A_292], %parallel_loop3A_295 {add = true, strides = array<i32>} : memref<2x4x8x1024xf32, #tpu.memory_space<vmem>>, vector<1x1x1x16xf32>,
      %parallel_loop3A_296 = arith.constant 1 : i32
      %parallel_loop3A_297 = arith.constant 2 : i32
      %parallel_loop3A_298 = arith.constant 1 : i32
      %parallel_loop3A_299 = arith.index_cast %parallel_loop3A_296 : i32 to index
      %parallel_loop3A_300 = arith.index_cast %parallel_loop3A_297 : i32 to index
      %parallel_loop3A_301 = arith.index_cast %parallel_loop3A_298 : i32 to index
      %parallel_loop3A_302 = arith.index_cast %parallel_loop3A_221 : i32 to index
      %parallel_loop3A_303 = tpu.vector_load %arg6[%parallel_loop3A_299, %parallel_loop3A_300, %parallel_loop3A_301, %parallel_loop3A_302] {strides = array<i32>} : memref<2x4x8x1024xf32, #tpu.memory_space<vmem>>, vector<1x1x1x16xf32>,
      %parallel_loop3A_304 = vector.shape_cast %parallel_loop3A_303 : vector<1x1x1x16xf32> to vector<16xf32>
      %parallel_loop3A_305 = vector.shape_cast %parallel_loop3A_275 : vector<16xf32> to vector<1x1x1x16xf32>
      tpu.vector_store %arg6[%parallel_loop3A_299, %parallel_loop3A_300, %parallel_loop3A_301, %parallel_loop3A_302], %parallel_loop3A_305 {add = true, strides = array<i32>} : memref<2x4x8x1024xf32, #tpu.memory_space<vmem>>, vector<1x1x1x16xf32>,
      %parallel_loop3A_306 = arith.constant 1 : i32
      %parallel_loop3A_307 = arith.constant 3 : i32
      %parallel_loop3A_308 = arith.constant 1 : i32
      %parallel_loop3A_309 = arith.index_cast %parallel_loop3A_306 : i32 to index
      %parallel_loop3A_310 = arith.index_cast %parallel_loop3A_307 : i32 to index
      %parallel_loop3A_311 = arith.index_cast %parallel_loop3A_308 : i32 to index
      %parallel_loop3A_312 = arith.index_cast %parallel_loop3A_221 : i32 to index
      %parallel_loop3A_313 = tpu.vector_load %arg6[%parallel_loop3A_309, %parallel_loop3A_310, %parallel_loop3A_311, %parallel_loop3A_312] {strides = array<i32>} : memref<2x4x8x1024xf32, #tpu.memory_space<vmem>>, vector<1x1x1x16xf32>,
      %parallel_loop3A_314 = vector.shape_cast %parallel_loop3A_313 : vector<1x1x1x16xf32> to vector<16xf32>
      %parallel_loop3A_315 = vector.shape_cast %parallel_loop3A_275 : vector<16xf32> to vector<1x1x1x16xf32>
      tpu.vector_store %arg6[%parallel_loop3A_309, %parallel_loop3A_310, %parallel_loop3A_311, %parallel_loop3A_312], %parallel_loop3A_315 {add = true, strides = array<i32>} : memref<2x4x8x1024xf32, #tpu.memory_space<vmem>>, vector<1x1x1x16xf32>,
      %parallel_loop3A_316 = arith.constant 1 : i32
      %parallel_loop3A_317 = arith.constant 2 : i32
      %parallel_loop3A_318 = arith.index_cast %parallel_loop3A_316 : i32 to index
      %parallel_loop3A_319 = arith.index_cast %parallel_loop3A_317 : i32 to index
      %parallel_loop3A_320 = arith.index_cast %parallel_loop3A_221 : i32 to index
      %parallel_loop3A_321 = tpu.vector_load %arg5[%parallel_loop3A_318, %parallel_loop3A_319, %parallel_loop3A_320] {strides = array<i32>} : memref<2x8x1024xf32, #tpu.memory_space<vmem>>, vector<1x1x16xf32>,
      %parallel_loop3A_322 = vector.shape_cast %parallel_loop3A_321 : vector<1x1x16xf32> to vector<16xf32>
      %parallel_loop3A_323 = arith.constant 1 : i32
      %parallel_loop3A_324 = arith.constant 0 : i32
      %parallel_loop3A_325 = arith.constant 2 : i32
      %parallel_loop3A_326 = arith.index_cast %parallel_loop3A_323 : i32 to index
      %parallel_loop3A_327 = arith.index_cast %parallel_loop3A_324 : i32 to index
      %parallel_loop3A_328 = arith.index_cast %parallel_loop3A_325 : i32 to index
      %parallel_loop3A_329 = arith.index_cast %parallel_loop3A_221 : i32 to index
      %parallel_loop3A_330 = tpu.vector_load %arg6[%parallel_loop3A_326, %parallel_loop3A_327, %parallel_loop3A_328, %parallel_loop3A_329] {strides = array<i32>} : memref<2x4x8x1024xf32, #tpu.memory_space<vmem>>, vector<1x1x1x16xf32>,
      %parallel_loop3A_331 = vector.shape_cast %parallel_loop3A_330 : vector<1x1x1x16xf32> to vector<16xf32>
      %parallel_loop3A_332 = vector.shape_cast %parallel_loop3A_322 : vector<16xf32> to vector<1x1x1x16xf32>
      tpu.vector_store %arg6[%parallel_loop3A_326, %parallel_loop3A_327, %parallel_loop3A_328, %parallel_loop3A_329], %parallel_loop3A_332 {add = true, strides = array<i32>} : memref<2x4x8x1024xf32, #tpu.memory_space<vmem>>, vector<1x1x1x16xf32>,
      %parallel_loop3A_333 = arith.constant 1 : i32
      %parallel_loop3A_334 = arith.constant 1 : i32
      %parallel_loop3A_335 = arith.constant 2 : i32
      %parallel_loop3A_336 = arith.index_cast %parallel_loop3A_333 : i32 to index
      %parallel_loop3A_337 = arith.index_cast %parallel_loop3A_334 : i32 to index
      %parallel_loop3A_338 = arith.index_cast %parallel_loop3A_335 : i32 to index
      %parallel_loop3A_339 = arith.index_cast %parallel_loop3A_221 : i32 to index
      %parallel_loop3A_340 = tpu.vector_load %arg6[%parallel_loop3A_336, %parallel_loop3A_337, %parallel_loop3A_338, %parallel_loop3A_339] {strides = array<i32>} : memref<2x4x8x1024xf32, #tpu.memory_space<vmem>>, vector<1x1x1x16xf32>,
      %parallel_loop3A_341 = vector.shape_cast %parallel_loop3A_340 : vector<1x1x1x16xf32> to vector<16xf32>
      %parallel_loop3A_342 = vector.shape_cast %parallel_loop3A_322 : vector<16xf32> to vector<1x1x1x16xf32>
      tpu.vector_store %arg6[%parallel_loop3A_336, %parallel_loop3A_337, %parallel_loop3A_338, %parallel_loop3A_339], %parallel_loop3A_342 {add = true, strides = array<i32>} : memref<2x4x8x1024xf32, #tpu.memory_space<vmem>>, vector<1x1x1x16xf32>,
      %parallel_loop3A_343 = arith.constant 1 : i32
      %parallel_loop3A_344 = arith.constant 2 : i32
      %parallel_loop3A_345 = arith.constant 2 : i32
      %parallel_loop3A_346 = arith.index_cast %parallel_loop3A_343 : i32 to index
      %parallel_loop3A_347 = arith.index_cast %parallel_loop3A_344 : i32 to index
      %parallel_loop3A_348 = arith.index_cast %parallel_loop3A_345 : i32 to index
      %parallel_loop3A_349 = arith.index_cast %parallel_loop3A_221 : i32 to index
      %parallel_loop3A_350 = tpu.vector_load %arg6[%parallel_loop3A_346, %parallel_loop3A_347, %parallel_loop3A_348, %parallel_loop3A_349] {strides = array<i32>} : memref<2x4x8x1024xf32, #tpu.memory_space<vmem>>, vector<1x1x1x16xf32>,
      %parallel_loop3A_351 = vector.shape_cast %parallel_loop3A_350 : vector<1x1x1x16xf32> to vector<16xf32>
      %parallel_loop3A_352 = vector.shape_cast %parallel_loop3A_322 : vector<16xf32> to vector<1x1x1x16xf32>
      tpu.vector_store %arg6[%parallel_loop3A_346, %parallel_loop3A_347, %parallel_loop3A_348, %parallel_loop3A_349], %parallel_loop3A_352 {add = true, strides = array<i32>} : memref<2x4x8x1024xf32, #tpu.memory_space<vmem>>, vector<1x1x1x16xf32>,
      %parallel_loop3A_353 = arith.constant 1 : i32
      %parallel_loop3A_354 = arith.constant 3 : i32
      %parallel_loop3A_355 = arith.constant 2 : i32
      %parallel_loop3A_356 = arith.index_cast %parallel_loop3A_353 : i32 to index
      %parallel_loop3A_357 = arith.index_cast %parallel_loop3A_354 : i32 to index
      %parallel_loop3A_358 = arith.index_cast %parallel_loop3A_355 : i32 to index
      %parallel_loop3A_359 = arith.index_cast %parallel_loop3A_221 : i32 to index
      %parallel_loop3A_360 = tpu.vector_load %arg6[%parallel_loop3A_356, %parallel_loop3A_357, %parallel_loop3A_358, %parallel_loop3A_359] {strides = array<i32>} : memref<2x4x8x1024xf32, #tpu.memory_space<vmem>>, vector<1x1x1x16xf32>,
      %parallel_loop3A_361 = vector.shape_cast %parallel_loop3A_360 : vector<1x1x1x16xf32> to vector<16xf32>
      %parallel_loop3A_362 = vector.shape_cast %parallel_loop3A_322 : vector<16xf32> to vector<1x1x1x16xf32>
      tpu.vector_store %arg6[%parallel_loop3A_356, %parallel_loop3A_357, %parallel_loop3A_358, %parallel_loop3A_359], %parallel_loop3A_362 {add = true, strides = array<i32>} : memref<2x4x8x1024xf32, #tpu.memory_space<vmem>>, vector<1x1x1x16xf32>,
      %parallel_loop3A_363 = arith.constant 1 : i32
      %parallel_loop3A_364 = arith.constant 3 : i32
      %parallel_loop3A_365 = arith.index_cast %parallel_loop3A_363 : i32 to index
      %parallel_loop3A_366 = arith.index_cast %parallel_loop3A_364 : i32 to index
      %parallel_loop3A_367 = arith.index_cast %parallel_loop3A_221 : i32 to index
      %parallel_loop3A_368 = tpu.vector_load %arg5[%parallel_loop3A_365, %parallel_loop3A_366, %parallel_loop3A_367] {strides = array<i32>} : memref<2x8x1024xf32, #tpu.memory_space<vmem>>, vector<1x1x16xf32>,
      %parallel_loop3A_369 = vector.shape_cast %parallel_loop3A_368 : vector<1x1x16xf32> to vector<16xf32>
      %parallel_loop3A_370 = arith.constant 1 : i32
      %parallel_loop3A_371 = arith.constant 0 : i32
      %parallel_loop3A_372 = arith.constant 3 : i32
      %parallel_loop3A_373 = arith.index_cast %parallel_loop3A_370 : i32 to index
      %parallel_loop3A_374 = arith.index_cast %parallel_loop3A_371 : i32 to index
      %parallel_loop3A_375 = arith.index_cast %parallel_loop3A_372 : i32 to index
      %parallel_loop3A_376 = arith.index_cast %parallel_loop3A_221 : i32 to index
      %parallel_loop3A_377 = tpu.vector_load %arg6[%parallel_loop3A_373, %parallel_loop3A_374, %parallel_loop3A_375, %parallel_loop3A_376] {strides = array<i32>} : memref<2x4x8x1024xf32, #tpu.memory_space<vmem>>, vector<1x1x1x16xf32>,
      %parallel_loop3A_378 = vector.shape_cast %parallel_loop3A_377 : vector<1x1x1x16xf32> to vector<16xf32>
      %parallel_loop3A_379 = vector.shape_cast %parallel_loop3A_369 : vector<16xf32> to vector<1x1x1x16xf32>
      tpu.vector_store %arg6[%parallel_loop3A_373, %parallel_loop3A_374, %parallel_loop3A_375, %parallel_loop3A_376], %parallel_loop3A_379 {add = true, strides = array<i32>} : memref<2x4x8x1024xf32, #tpu.memory_space<vmem>>, vector<1x1x1x16xf32>,
      %parallel_loop3A_380 = arith.constant 1 : i32
      %parallel_loop3A_381 = arith.constant 1 : i32
      %parallel_loop3A_382 = arith.constant 3 : i32
      %parallel_loop3A_383 = arith.index_cast %parallel_loop3A_380 : i32 to index
      %parallel_loop3A_384 = arith.index_cast %parallel_loop3A_381 : i32 to index
      %parallel_loop3A_385 = arith.index_cast %parallel_loop3A_382 : i32 to index
      %parallel_loop3A_386 = arith.index_cast %parallel_loop3A_221 : i32 to index
      %parallel_loop3A_387 = tpu.vector_load %arg6[%parallel_loop3A_383, %parallel_loop3A_384, %parallel_loop3A_385, %parallel_loop3A_386] {strides = array<i32>} : memref<2x4x8x1024xf32, #tpu.memory_space<vmem>>, vector<1x1x1x16xf32>,
      %parallel_loop3A_388 = vector.shape_cast %parallel_loop3A_387 : vector<1x1x1x16xf32> to vector<16xf32>
      %parallel_loop3A_389 = vector.shape_cast %parallel_loop3A_369 : vector<16xf32> to vector<1x1x1x16xf32>
      tpu.vector_store %arg6[%parallel_loop3A_383, %parallel_loop3A_384, %parallel_loop3A_385, %parallel_loop3A_386], %parallel_loop3A_389 {add = true, strides = array<i32>} : memref<2x4x8x1024xf32, #tpu.memory_space<vmem>>, vector<1x1x1x16xf32>,
      %parallel_loop3A_390 = arith.constant 1 : i32
      %parallel_loop3A_391 = arith.constant 2 : i32
      %parallel_loop3A_392 = arith.constant 3 : i32
      %parallel_loop3A_393 = arith.index_cast %parallel_loop3A_390 : i32 to index
      %parallel_loop3A_394 = arith.index_cast %parallel_loop3A_391 : i32 to index
      %parallel_loop3A_395 = arith.index_cast %parallel_loop3A_392 : i32 to index
      %parallel_loop3A_396 = arith.index_cast %parallel_loop3A_221 : i32 to index
      %parallel_loop3A_397 = tpu.vector_load %arg6[%parallel_loop3A_393, %parallel_loop3A_394, %parallel_loop3A_395, %parallel_loop3A_396] {strides = array<i32>} : memref<2x4x8x1024xf32, #tpu.memory_space<vmem>>, vector<1x1x1x16xf32>,
      %parallel_loop3A_398 = vector.shape_cast %parallel_loop3A_397 : vector<1x1x1x16xf32> to vector<16xf32>
      %parallel_loop3A_399 = vector.shape_cast %parallel_loop3A_369 : vector<16xf32> to vector<1x1x1x16xf32>
      tpu.vector_store %arg6[%parallel_loop3A_393, %parallel_loop3A_394, %parallel_loop3A_395, %parallel_loop3A_396], %parallel_loop3A_399 {add = true, strides = array<i32>} : memref<2x4x8x1024xf32, #tpu.memory_space<vmem>>, vector<1x1x1x16xf32>,
      %parallel_loop3A_400 = arith.constant 1 : i32
      %parallel_loop3A_401 = arith.constant 3 : i32
      %parallel_loop3A_402 = arith.constant 3 : i32
      %parallel_loop3A_403 = arith.index_cast %parallel_loop3A_400 : i32 to index
      %parallel_loop3A_404 = arith.index_cast %parallel_loop3A_401 : i32 to index
      %parallel_loop3A_405 = arith.index_cast %parallel_loop3A_402 : i32 to index
      %parallel_loop3A_406 = arith.index_cast %parallel_loop3A_221 : i32 to index
      %parallel_loop3A_407 = tpu.vector_load %arg6[%parallel_loop3A_403, %parallel_loop3A_404, %parallel_loop3A_405, %parallel_loop3A_406] {strides = array<i32>} : memref<2x4x8x1024xf32, #tpu.memory_space<vmem>>, vector<1x1x1x16xf32>,
      %parallel_loop3A_408 = vector.shape_cast %parallel_loop3A_407 : vector<1x1x1x16xf32> to vector<16xf32>
      %parallel_loop3A_409 = vector.shape_cast %parallel_loop3A_369 : vector<16xf32> to vector<1x1x1x16xf32>
      tpu.vector_store %arg6[%parallel_loop3A_403, %parallel_loop3A_404, %parallel_loop3A_405, %parallel_loop3A_406], %parallel_loop3A_409 {add = true, strides = array<i32>} : memref<2x4x8x1024xf32, #tpu.memory_space<vmem>>, vector<1x1x1x16xf32>,
      %parallel_loop3A_410 = arith.constant 1 : i32
      %parallel_loop3A_411 = arith.constant 4 : i32
      %parallel_loop3A_412 = arith.index_cast %parallel_loop3A_410 : i32 to index
      %parallel_loop3A_413 = arith.index_cast %parallel_loop3A_411 : i32 to index
      %parallel_loop3A_414 = arith.index_cast %parallel_loop3A_221 : i32 to index
      %parallel_loop3A_415 = tpu.vector_load %arg5[%parallel_loop3A_412, %parallel_loop3A_413, %parallel_loop3A_414] {strides = array<i32>} : memref<2x8x1024xf32, #tpu.memory_space<vmem>>, vector<1x1x16xf32>,
      %parallel_loop3A_416 = vector.shape_cast %parallel_loop3A_415 : vector<1x1x16xf32> to vector<16xf32>
      %parallel_loop3A_417 = arith.constant 1 : i32
      %parallel_loop3A_418 = arith.constant 0 : i32
      %parallel_loop3A_419 = arith.constant 4 : i32
      %parallel_loop3A_420 = arith.index_cast %parallel_loop3A_417 : i32 to index
      %parallel_loop3A_421 = arith.index_cast %parallel_loop3A_418 : i32 to index
      %parallel_loop3A_422 = arith.index_cast %parallel_loop3A_419 : i32 to index
      %parallel_loop3A_423 = arith.index_cast %parallel_loop3A_221 : i32 to index
      %parallel_loop3A_424 = tpu.vector_load %arg6[%parallel_loop3A_420, %parallel_loop3A_421, %parallel_loop3A_422, %parallel_loop3A_423] {strides = array<i32>} : memref<2x4x8x1024xf32, #tpu.memory_space<vmem>>, vector<1x1x1x16xf32>,
      %parallel_loop3A_425 = vector.shape_cast %parallel_loop3A_424 : vector<1x1x1x16xf32> to vector<16xf32>
      %parallel_loop3A_426 = vector.shape_cast %parallel_loop3A_416 : vector<16xf32> to vector<1x1x1x16xf32>
      tpu.vector_store %arg6[%parallel_loop3A_420, %parallel_loop3A_421, %parallel_loop3A_422, %parallel_loop3A_423], %parallel_loop3A_426 {add = true, strides = array<i32>} : memref<2x4x8x1024xf32, #tpu.memory_space<vmem>>, vector<1x1x1x16xf32>,
      %parallel_loop3A_427 = arith.constant 1 : i32
      %parallel_loop3A_428 = arith.constant 1 : i32
      %parallel_loop3A_429 = arith.constant 4 : i32
      %parallel_loop3A_430 = arith.index_cast %parallel_loop3A_427 : i32 to index
      %parallel_loop3A_431 = arith.index_cast %parallel_loop3A_428 : i32 to index
      %parallel_loop3A_432 = arith.index_cast %parallel_loop3A_429 : i32 to index
      %parallel_loop3A_433 = arith.index_cast %parallel_loop3A_221 : i32 to index
      %parallel_loop3A_434 = tpu.vector_load %arg6[%parallel_loop3A_430, %parallel_loop3A_431, %parallel_loop3A_432, %parallel_loop3A_433] {strides = array<i32>} : memref<2x4x8x1024xf32, #tpu.memory_space<vmem>>, vector<1x1x1x16xf32>,
      %parallel_loop3A_435 = vector.shape_cast %parallel_loop3A_434 : vector<1x1x1x16xf32> to vector<16xf32>
      %parallel_loop3A_436 = vector.shape_cast %parallel_loop3A_416 : vector<16xf32> to vector<1x1x1x16xf32>
      tpu.vector_store %arg6[%parallel_loop3A_430, %parallel_loop3A_431, %parallel_loop3A_432, %parallel_loop3A_433], %parallel_loop3A_436 {add = true, strides = array<i32>} : memref<2x4x8x1024xf32, #tpu.memory_space<vmem>>, vector<1x1x1x16xf32>,
      %parallel_loop3A_437 = arith.constant 1 : i32
      %parallel_loop3A_438 = arith.constant 2 : i32
      %parallel_loop3A_439 = arith.constant 4 : i32
      %parallel_loop3A_440 = arith.index_cast %parallel_loop3A_437 : i32 to index
      %parallel_loop3A_441 = arith.index_cast %parallel_loop3A_438 : i32 to index
      %parallel_loop3A_442 = arith.index_cast %parallel_loop3A_439 : i32 to index
      %parallel_loop3A_443 = arith.index_cast %parallel_loop3A_221 : i32 to index
      %parallel_loop3A_444 = tpu.vector_load %arg6[%parallel_loop3A_440, %parallel_loop3A_441, %parallel_loop3A_442, %parallel_loop3A_443] {strides = array<i32>} : memref<2x4x8x1024xf32, #tpu.memory_space<vmem>>, vector<1x1x1x16xf32>,
      %parallel_loop3A_445 = vector.shape_cast %parallel_loop3A_444 : vector<1x1x1x16xf32> to vector<16xf32>
      %parallel_loop3A_446 = vector.shape_cast %parallel_loop3A_416 : vector<16xf32> to vector<1x1x1x16xf32>
      tpu.vector_store %arg6[%parallel_loop3A_440, %parallel_loop3A_441, %parallel_loop3A_442, %parallel_loop3A_443], %parallel_loop3A_446 {add = true, strides = array<i32>} : memref<2x4x8x1024xf32, #tpu.memory_space<vmem>>, vector<1x1x1x16xf32>,
      %parallel_loop3A_447 = arith.constant 1 : i32
      %parallel_loop3A_448 = arith.constant 3 : i32
      %parallel_loop3A_449 = arith.constant 4 : i32
      %parallel_loop3A_450 = arith.index_cast %parallel_loop3A_447 : i32 to index
      %parallel_loop3A_451 = arith.index_cast %parallel_loop3A_448 : i32 to index
      %parallel_loop3A_452 = arith.index_cast %parallel_loop3A_449 : i32 to index
      %parallel_loop3A_453 = arith.index_cast %parallel_loop3A_221 : i32 to index
      %parallel_loop3A_454 = tpu.vector_load %arg6[%parallel_loop3A_450, %parallel_loop3A_451, %parallel_loop3A_452, %parallel_loop3A_453] {strides = array<i32>} : memref<2x4x8x1024xf32, #tpu.memory_space<vmem>>, vector<1x1x1x16xf32>,
      %parallel_loop3A_455 = vector.shape_cast %parallel_loop3A_454 : vector<1x1x1x16xf32> to vector<16xf32>
      %parallel_loop3A_456 = vector.shape_cast %parallel_loop3A_416 : vector<16xf32> to vector<1x1x1x16xf32>
      tpu.vector_store %arg6[%parallel_loop3A_450, %parallel_loop3A_451, %parallel_loop3A_452, %parallel_loop3A_453], %parallel_loop3A_456 {add = true, strides = array<i32>} : memref<2x4x8x1024xf32, #tpu.memory_space<vmem>>, vector<1x1x1x16xf32>,
      %parallel_loop3A_457 = arith.constant 1 : i32
      %parallel_loop3A_458 = arith.constant 5 : i32
      %parallel_loop3A_459 = arith.index_cast %parallel_loop3A_457 : i32 to index
      %parallel_loop3A_460 = arith.index_cast %parallel_loop3A_458 : i32 to index
      %parallel_loop3A_461 = arith.index_cast %parallel_loop3A_221 : i32 to index
      %parallel_loop3A_462 = tpu.vector_load %arg5[%parallel_loop3A_459, %parallel_loop3A_460, %parallel_loop3A_461] {strides = array<i32>} : memref<2x8x1024xf32, #tpu.memory_space<vmem>>, vector<1x1x16xf32>,
      %parallel_loop3A_463 = vector.shape_cast %parallel_loop3A_462 : vector<1x1x16xf32> to vector<16xf32>
      %parallel_loop3A_464 = arith.constant 1 : i32
      %parallel_loop3A_465 = arith.constant 0 : i32
      %parallel_loop3A_466 = arith.constant 5 : i32
      %parallel_loop3A_467 = arith.index_cast %parallel_loop3A_464 : i32 to index
      %parallel_loop3A_468 = arith.index_cast %parallel_loop3A_465 : i32 to index
      %parallel_loop3A_469 = arith.index_cast %parallel_loop3A_466 : i32 to index
      %parallel_loop3A_470 = arith.index_cast %parallel_loop3A_221 : i32 to index
      %parallel_loop3A_471 = tpu.vector_load %arg6[%parallel_loop3A_467, %parallel_loop3A_468, %parallel_loop3A_469, %parallel_loop3A_470] {strides = array<i32>} : memref<2x4x8x1024xf32, #tpu.memory_space<vmem>>, vector<1x1x1x16xf32>,
      %parallel_loop3A_472 = vector.shape_cast %parallel_loop3A_471 : vector<1x1x1x16xf32> to vector<16xf32>
      %parallel_loop3A_473 = vector.shape_cast %parallel_loop3A_463 : vector<16xf32> to vector<1x1x1x16xf32>
      tpu.vector_store %arg6[%parallel_loop3A_467, %parallel_loop3A_468, %parallel_loop3A_469, %parallel_loop3A_470], %parallel_loop3A_473 {add = true, strides = array<i32>} : memref<2x4x8x1024xf32, #tpu.memory_space<vmem>>, vector<1x1x1x16xf32>,
      %parallel_loop3A_474 = arith.constant 1 : i32
      %parallel_loop3A_475 = arith.constant 1 : i32
      %parallel_loop3A_476 = arith.constant 5 : i32
      %parallel_loop3A_477 = arith.index_cast %parallel_loop3A_474 : i32 to index
      %parallel_loop3A_478 = arith.index_cast %parallel_loop3A_475 : i32 to index
      %parallel_loop3A_479 = arith.index_cast %parallel_loop3A_476 : i32 to index
      %parallel_loop3A_480 = arith.index_cast %parallel_loop3A_221 : i32 to index
      %parallel_loop3A_481 = tpu.vector_load %arg6[%parallel_loop3A_477, %parallel_loop3A_478, %parallel_loop3A_479, %parallel_loop3A_480] {strides = array<i32>} : memref<2x4x8x1024xf32, #tpu.memory_space<vmem>>, vector<1x1x1x16xf32>,
      %parallel_loop3A_482 = vector.shape_cast %parallel_loop3A_481 : vector<1x1x1x16xf32> to vector<16xf32>
      %parallel_loop3A_483 = vector.shape_cast %parallel_loop3A_463 : vector<16xf32> to vector<1x1x1x16xf32>
      tpu.vector_store %arg6[%parallel_loop3A_477, %parallel_loop3A_478, %parallel_loop3A_479, %parallel_loop3A_480], %parallel_loop3A_483 {add = true, strides = array<i32>} : memref<2x4x8x1024xf32, #tpu.memory_space<vmem>>, vector<1x1x1x16xf32>,
      %parallel_loop3A_484 = arith.constant 1 : i32
      %parallel_loop3A_485 = arith.constant 2 : i32
      %parallel_loop3A_486 = arith.constant 5 : i32
      %parallel_loop3A_487 = arith.index_cast %parallel_loop3A_484 : i32 to index
      %parallel_loop3A_488 = arith.index_cast %parallel_loop3A_485 : i32 to index
      %parallel_loop3A_489 = arith.index_cast %parallel_loop3A_486 : i32 to index
      %parallel_loop3A_490 = arith.index_cast %parallel_loop3A_221 : i32 to index
      %parallel_loop3A_491 = tpu.vector_load %arg6[%parallel_loop3A_487, %parallel_loop3A_488, %parallel_loop3A_489, %parallel_loop3A_490] {strides = array<i32>} : memref<2x4x8x1024xf32, #tpu.memory_space<vmem>>, vector<1x1x1x16xf32>,
      %parallel_loop3A_492 = vector.shape_cast %parallel_loop3A_491 : vector<1x1x1x16xf32> to vector<16xf32>
      %parallel_loop3A_493 = vector.shape_cast %parallel_loop3A_463 : vector<16xf32> to vector<1x1x1x16xf32>
      tpu.vector_store %arg6[%parallel_loop3A_487, %parallel_loop3A_488, %parallel_loop3A_489, %parallel_loop3A_490], %parallel_loop3A_493 {add = true, strides = array<i32>} : memref<2x4x8x1024xf32, #tpu.memory_space<vmem>>, vector<1x1x1x16xf32>,
      %parallel_loop3A_494 = arith.constant 1 : i32
      %parallel_loop3A_495 = arith.constant 3 : i32
      %parallel_loop3A_496 = arith.constant 5 : i32
      %parallel_loop3A_497 = arith.index_cast %parallel_loop3A_494 : i32 to index
      %parallel_loop3A_498 = arith.index_cast %parallel_loop3A_495 : i32 to index
      %parallel_loop3A_499 = arith.index_cast %parallel_loop3A_496 : i32 to index
      %parallel_loop3A_500 = arith.index_cast %parallel_loop3A_221 : i32 to index
      %parallel_loop3A_501 = tpu.vector_load %arg6[%parallel_loop3A_497, %parallel_loop3A_498, %parallel_loop3A_499, %parallel_loop3A_500] {strides = array<i32>} : memref<2x4x8x1024xf32, #tpu.memory_space<vmem>>, vector<1x1x1x16xf32>,
      %parallel_loop3A_502 = vector.shape_cast %parallel_loop3A_501 : vector<1x1x1x16xf32> to vector<16xf32>
      %parallel_loop3A_503 = vector.shape_cast %parallel_loop3A_463 : vector<16xf32> to vector<1x1x1x16xf32>
      tpu.vector_store %arg6[%parallel_loop3A_497, %parallel_loop3A_498, %parallel_loop3A_499, %parallel_loop3A_500], %parallel_loop3A_503 {add = true, strides = array<i32>} : memref<2x4x8x1024xf32, #tpu.memory_space<vmem>>, vector<1x1x1x16xf32>,
      %parallel_loop3A_504 = arith.constant 1 : i32
      %parallel_loop3A_505 = arith.constant 6 : i32
      %parallel_loop3A_506 = arith.index_cast %parallel_loop3A_504 : i32 to index
      %parallel_loop3A_507 = arith.index_cast %parallel_loop3A_505 : i32 to index
      %parallel_loop3A_508 = arith.index_cast %parallel_loop3A_221 : i32 to index
      %parallel_loop3A_509 = tpu.vector_load %arg5[%parallel_loop3A_506, %parallel_loop3A_507, %parallel_loop3A_508] {strides = array<i32>} : memref<2x8x1024xf32, #tpu.memory_space<vmem>>, vector<1x1x16xf32>,
      %parallel_loop3A_510 = vector.shape_cast %parallel_loop3A_509 : vector<1x1x16xf32> to vector<16xf32>
      %parallel_loop3A_511 = arith.constant 1 : i32
      %parallel_loop3A_512 = arith.constant 0 : i32
      %parallel_loop3A_513 = arith.constant 6 : i32
      %parallel_loop3A_514 = arith.index_cast %parallel_loop3A_511 : i32 to index
      %parallel_loop3A_515 = arith.index_cast %parallel_loop3A_512 : i32 to index
      %parallel_loop3A_516 = arith.index_cast %parallel_loop3A_513 : i32 to index
      %parallel_loop3A_517 = arith.index_cast %parallel_loop3A_221 : i32 to index
      %parallel_loop3A_518 = tpu.vector_load %arg6[%parallel_loop3A_514, %parallel_loop3A_515, %parallel_loop3A_516, %parallel_loop3A_517] {strides = array<i32>} : memref<2x4x8x1024xf32, #tpu.memory_space<vmem>>, vector<1x1x1x16xf32>,
      %parallel_loop3A_519 = vector.shape_cast %parallel_loop3A_518 : vector<1x1x1x16xf32> to vector<16xf32>
      %parallel_loop3A_520 = vector.shape_cast %parallel_loop3A_510 : vector<16xf32> to vector<1x1x1x16xf32>
      tpu.vector_store %arg6[%parallel_loop3A_514, %parallel_loop3A_515, %parallel_loop3A_516, %parallel_loop3A_517], %parallel_loop3A_520 {add = true, strides = array<i32>} : memref<2x4x8x1024xf32, #tpu.memory_space<vmem>>, vector<1x1x1x16xf32>,
      %parallel_loop3A_521 = arith.constant 1 : i32
      %parallel_loop3A_522 = arith.constant 1 : i32
      %parallel_loop3A_523 = arith.constant 6 : i32
      %parallel_loop3A_524 = arith.index_cast %parallel_loop3A_521 : i32 to index
      %parallel_loop3A_525 = arith.index_cast %parallel_loop3A_522 : i32 to index
      %parallel_loop3A_526 = arith.index_cast %parallel_loop3A_523 : i32 to index
      %parallel_loop3A_527 = arith.index_cast %parallel_loop3A_221 : i32 to index
      %parallel_loop3A_528 = tpu.vector_load %arg6[%parallel_loop3A_524, %parallel_loop3A_525, %parallel_loop3A_526, %parallel_loop3A_527] {strides = array<i32>} : memref<2x4x8x1024xf32, #tpu.memory_space<vmem>>, vector<1x1x1x16xf32>,
      %parallel_loop3A_529 = vector.shape_cast %parallel_loop3A_528 : vector<1x1x1x16xf32> to vector<16xf32>
      %parallel_loop3A_530 = vector.shape_cast %parallel_loop3A_510 : vector<16xf32> to vector<1x1x1x16xf32>
      tpu.vector_store %arg6[%parallel_loop3A_524, %parallel_loop3A_525, %parallel_loop3A_526, %parallel_loop3A_527], %parallel_loop3A_530 {add = true, strides = array<i32>} : memref<2x4x8x1024xf32, #tpu.memory_space<vmem>>, vector<1x1x1x16xf32>,
      %parallel_loop3A_531 = arith.constant 1 : i32
      %parallel_loop3A_532 = arith.constant 2 : i32
      %parallel_loop3A_533 = arith.constant 6 : i32
      %parallel_loop3A_534 = arith.index_cast %parallel_loop3A_531 : i32 to index
      %parallel_loop3A_535 = arith.index_cast %parallel_loop3A_532 : i32 to index
      %parallel_loop3A_536 = arith.index_cast %parallel_loop3A_533 : i32 to index
      %parallel_loop3A_537 = arith.index_cast %parallel_loop3A_221 : i32 to index
      %parallel_loop3A_538 = tpu.vector_load %arg6[%parallel_loop3A_534, %parallel_loop3A_535, %parallel_loop3A_536, %parallel_loop3A_537] {strides = array<i32>} : memref<2x4x8x1024xf32, #tpu.memory_space<vmem>>, vector<1x1x1x16xf32>,
      %parallel_loop3A_539 = vector.shape_cast %parallel_loop3A_538 : vector<1x1x1x16xf32> to vector<16xf32>
      %parallel_loop3A_540 = vector.shape_cast %parallel_loop3A_510 : vector<16xf32> to vector<1x1x1x16xf32>
      tpu.vector_store %arg6[%parallel_loop3A_534, %parallel_loop3A_535, %parallel_loop3A_536, %parallel_loop3A_537], %parallel_loop3A_540 {add = true, strides = array<i32>} : memref<2x4x8x1024xf32, #tpu.memory_space<vmem>>, vector<1x1x1x16xf32>,
      %parallel_loop3A_541 = arith.constant 1 : i32
      %parallel_loop3A_542 = arith.constant 3 : i32
      %parallel_loop3A_543 = arith.constant 6 : i32
      %parallel_loop3A_544 = arith.index_cast %parallel_loop3A_541 : i32 to index
      %parallel_loop3A_545 = arith.index_cast %parallel_loop3A_542 : i32 to index
      %parallel_loop3A_546 = arith.index_cast %parallel_loop3A_543 : i32 to index
      %parallel_loop3A_547 = arith.index_cast %parallel_loop3A_221 : i32 to index
      %parallel_loop3A_548 = tpu.vector_load %arg6[%parallel_loop3A_544, %parallel_loop3A_545, %parallel_loop3A_546, %parallel_loop3A_547] {strides = array<i32>} : memref<2x4x8x1024xf32, #tpu.memory_space<vmem>>, vector<1x1x1x16xf32>,
      %parallel_loop3A_549 = vector.shape_cast %parallel_loop3A_548 : vector<1x1x1x16xf32> to vector<16xf32>
      %parallel_loop3A_550 = vector.shape_cast %parallel_loop3A_510 : vector<16xf32> to vector<1x1x1x16xf32>
      tpu.vector_store %arg6[%parallel_loop3A_544, %parallel_loop3A_545, %parallel_loop3A_546, %parallel_loop3A_547], %parallel_loop3A_550 {add = true, strides = array<i32>} : memref<2x4x8x1024xf32, #tpu.memory_space<vmem>>, vector<1x1x1x16xf32>,
      %parallel_loop3A_551 = arith.constant 1 : i32
      %parallel_loop3A_552 = arith.constant 7 : i32
      %parallel_loop3A_553 = arith.index_cast %parallel_loop3A_551 : i32 to index
      %parallel_loop3A_554 = arith.index_cast %parallel_loop3A_552 : i32 to index
      %parallel_loop3A_555 = arith.index_cast %parallel_loop3A_221 : i32 to index
      %parallel_loop3A_556 = tpu.vector_load %arg5[%parallel_loop3A_553, %parallel_loop3A_554, %parallel_loop3A_555] {strides = array<i32>} : memref<2x8x1024xf32, #tpu.memory_space<vmem>>, vector<1x1x16xf32>,
      %parallel_loop3A_557 = vector.shape_cast %parallel_loop3A_556 : vector<1x1x16xf32> to vector<16xf32>
      %parallel_loop3A_558 = arith.constant 1 : i32
      %parallel_loop3A_559 = arith.constant 0 : i32
      %parallel_loop3A_560 = arith.constant 7 : i32
      %parallel_loop3A_561 = arith.index_cast %parallel_loop3A_558 : i32 to index
      %parallel_loop3A_562 = arith.index_cast %parallel_loop3A_559 : i32 to index
      %parallel_loop3A_563 = arith.index_cast %parallel_loop3A_560 : i32 to index
      %parallel_loop3A_564 = arith.index_cast %parallel_loop3A_221 : i32 to index
      %parallel_loop3A_565 = tpu.vector_load %arg6[%parallel_loop3A_561, %parallel_loop3A_562, %parallel_loop3A_563, %parallel_loop3A_564] {strides = array<i32>} : memref<2x4x8x1024xf32, #tpu.memory_space<vmem>>, vector<1x1x1x16xf32>,
      %parallel_loop3A_566 = vector.shape_cast %parallel_loop3A_565 : vector<1x1x1x16xf32> to vector<16xf32>
      %parallel_loop3A_567 = vector.shape_cast %parallel_loop3A_557 : vector<16xf32> to vector<1x1x1x16xf32>
      tpu.vector_store %arg6[%parallel_loop3A_561, %parallel_loop3A_562, %parallel_loop3A_563, %parallel_loop3A_564], %parallel_loop3A_567 {add = true, strides = array<i32>} : memref<2x4x8x1024xf32, #tpu.memory_space<vmem>>, vector<1x1x1x16xf32>,
      %parallel_loop3A_568 = arith.constant 1 : i32
      %parallel_loop3A_569 = arith.constant 1 : i32
      %parallel_loop3A_570 = arith.constant 7 : i32
      %parallel_loop3A_571 = arith.index_cast %parallel_loop3A_568 : i32 to index
      %parallel_loop3A_572 = arith.index_cast %parallel_loop3A_569 : i32 to index
      %parallel_loop3A_573 = arith.index_cast %parallel_loop3A_570 : i32 to index
      %parallel_loop3A_574 = arith.index_cast %parallel_loop3A_221 : i32 to index
      %parallel_loop3A_575 = tpu.vector_load %arg6[%parallel_loop3A_571, %parallel_loop3A_572, %parallel_loop3A_573, %parallel_loop3A_574] {strides = array<i32>} : memref<2x4x8x1024xf32, #tpu.memory_space<vmem>>, vector<1x1x1x16xf32>,
      %parallel_loop3A_576 = vector.shape_cast %parallel_loop3A_575 : vector<1x1x1x16xf32> to vector<16xf32>
      %parallel_loop3A_577 = vector.shape_cast %parallel_loop3A_557 : vector<16xf32> to vector<1x1x1x16xf32>
      tpu.vector_store %arg6[%parallel_loop3A_571, %parallel_loop3A_572, %parallel_loop3A_573, %parallel_loop3A_574], %parallel_loop3A_577 {add = true, strides = array<i32>} : memref<2x4x8x1024xf32, #tpu.memory_space<vmem>>, vector<1x1x1x16xf32>,
      %parallel_loop3A_578 = arith.constant 1 : i32
      %parallel_loop3A_579 = arith.constant 2 : i32
      %parallel_loop3A_580 = arith.constant 7 : i32
      %parallel_loop3A_581 = arith.index_cast %parallel_loop3A_578 : i32 to index
      %parallel_loop3A_582 = arith.index_cast %parallel_loop3A_579 : i32 to index
      %parallel_loop3A_583 = arith.index_cast %parallel_loop3A_580 : i32 to index
      %parallel_loop3A_584 = arith.index_cast %parallel_loop3A_221 : i32 to index
      %parallel_loop3A_585 = tpu.vector_load %arg6[%parallel_loop3A_581, %parallel_loop3A_582, %parallel_loop3A_583, %parallel_loop3A_584] {strides = array<i32>} : memref<2x4x8x1024xf32, #tpu.memory_space<vmem>>, vector<1x1x1x16xf32>,
      %parallel_loop3A_586 = vector.shape_cast %parallel_loop3A_585 : vector<1x1x1x16xf32> to vector<16xf32>
      %parallel_loop3A_587 = vector.shape_cast %parallel_loop3A_557 : vector<16xf32> to vector<1x1x1x16xf32>
      tpu.vector_store %arg6[%parallel_loop3A_581, %parallel_loop3A_582, %parallel_loop3A_583, %parallel_loop3A_584], %parallel_loop3A_587 {add = true, strides = array<i32>} : memref<2x4x8x1024xf32, #tpu.memory_space<vmem>>, vector<1x1x1x16xf32>,
      %parallel_loop3A_588 = arith.constant 1 : i32
      %parallel_loop3A_589 = arith.constant 3 : i32
      %parallel_loop3A_590 = arith.constant 7 : i32
      %parallel_loop3A_591 = arith.index_cast %parallel_loop3A_588 : i32 to index
      %parallel_loop3A_592 = arith.index_cast %parallel_loop3A_589 : i32 to index
      %parallel_loop3A_593 = arith.index_cast %parallel_loop3A_590 : i32 to index
      %parallel_loop3A_594 = arith.index_cast %parallel_loop3A_221 : i32 to index
      %parallel_loop3A_595 = tpu.vector_load %arg6[%parallel_loop3A_591, %parallel_loop3A_592, %parallel_loop3A_593, %parallel_loop3A_594] {strides = array<i32>} : memref<2x4x8x1024xf32, #tpu.memory_space<vmem>>, vector<1x1x1x16xf32>,
      %parallel_loop3A_596 = vector.shape_cast %parallel_loop3A_595 : vector<1x1x1x16xf32> to vector<16xf32>
      %parallel_loop3A_597 = vector.shape_cast %parallel_loop3A_557 : vector<16xf32> to vector<1x1x1x16xf32>
      tpu.vector_store %arg6[%parallel_loop3A_591, %parallel_loop3A_592, %parallel_loop3A_593, %parallel_loop3A_594], %parallel_loop3A_597 {add = true, strides = array<i32>} : memref<2x4x8x1024xf32, #tpu.memory_space<vmem>>, vector<1x1x1x16xf32>,
    } {sc.loop_unroll_factor = 2 : i64, sc.parallel_access}
    %dma_start3A_164 = arith.constant 1 : i32
    %dma_start3A_165 = arith.constant 0 : i32
    %dma_start3A_166 = arith.constant 0 : i32
    %dma_start3A_167 = arith.constant 0 : i32
    %dma_start3A_168 = tpu.memref_slice %arg6[%dma_start3A_164, %dma_start3A_165, %dma_start3A_166, %dma_start3A_167] : memref<2x4x8x1024xf32, #tpu.memory_space<vmem>> -> memref<1x4x8x1024xf32, #tpu.memory_space<vmem>>
    %dma_start3A_169 = tpu.memref_squeeze %dma_start3A_168 : memref<1x4x8x1024xf32, #tpu.memory_space<vmem>> -> memref<4x8x1024xf32, #tpu.memory_space<vmem>>
    %dma_start3A_170 = arith.constant 0 : i32
    %dma_start3A_171 = arith.constant 0 : i32
    %dma_start3A_172 = tpu.memref_slice %arg4[%dma_start3A_170, %add3A_126, %dma_start3A_171] : memref<4x8192x1024xf32, #tpu.memory_space<hbm>> -> memref<4x8x1024xf32, #tpu.memory_space<hbm>>
    %dma_start3A_173 = arith.constant 0 : i32
    %dma_start3A_174 = arith.constant 0 : i32
    %dma_start3A_175 = tpu.memref_slice %arg4[%dma_start3A_173, %add3A_126, %dma_start3A_174] : memref<4x8192x1024xf32, #tpu.memory_space<hbm>> -> memref<4x8x1024xf32, #tpu.memory_space<hbm>>
    %dma_start3A_176 = arith.constant 0 : i32
    %dma_start3A_177 = arith.constant 0 : i32
    %dma_start3A_178 = arith.constant 0 : i32
    %dma_start3A_179 = tpu.memref_slice %arg6[%dma_start3A_164, %dma_start3A_176, %dma_start3A_177, %dma_start3A_178] : memref<2x4x8x1024xf32, #tpu.memory_space<vmem>> -> memref<1x4x8x1024xf32, #tpu.memory_space<vmem>>
    %dma_start3A_180 = tpu.memref_squeeze %dma_start3A_179 : memref<1x4x8x1024xf32, #tpu.memory_space<vmem>> -> memref<4x8x1024xf32, #tpu.memory_space<vmem>>
    tpu.enqueue_dma source(%dma_start3A_180 : memref<4x8x1024xf32, #tpu.memory_space<vmem>>) target(%dma_start3A_175 : memref<4x8x1024xf32, #tpu.memory_space<hbm>>) target_semaphore(%arg12 : memref<!tpu.dma_semaphore, #tpu.memory_space<semaphore_mem>>)
    %dma_wait3A_181 = arith.constant 0 : i32
    %dma_wait3A_182 = arith.constant 0 : i32
    %dma_wait3A_183 = arith.constant 0 : i32
    %dma_wait3A_184 = arith.constant 0 : i32
    %dma_wait3A_185 = tpu.memref_slice %arg6[%dma_wait3A_181, %dma_wait3A_182, %dma_wait3A_183, %dma_wait3A_184] : memref<2x4x8x1024xf32, #tpu.memory_space<vmem>> -> memref<1x4x8x1024xf32, #tpu.memory_space<vmem>>
    %dma_wait3A_186 = tpu.memref_squeeze %dma_wait3A_185 : memref<1x4x8x1024xf32, #tpu.memory_space<vmem>> -> memref<4x8x1024xf32, #tpu.memory_space<vmem>>
    %dma_wait3A_187 = arith.constant 0 : i32
    %dma_wait3A_188 = arith.constant 0 : i32
    %dma_wait3A_189 = arith.constant 0 : i32
    %dma_wait3A_190 = tpu.memref_slice %arg2[%dma_wait3A_187, %dma_wait3A_188, %dma_wait3A_189] : memref<4x8192x1024xf32, #tpu.memory_space<hbm>> -> memref<4x8x1024xf32, #tpu.memory_space<hbm>>
    %dma_wait3A_191 = arith.constant 0 : i32
    %dma_wait3A_192 = arith.constant 0 : i32
    %dma_wait3A_193 = arith.constant 0 : i32
    %dma_wait3A_194 = tpu.memref_slice %arg6[%dma_wait3A_181, %dma_wait3A_191, %dma_wait3A_192, %dma_wait3A_193] : memref<2x4x8x1024xf32, #tpu.memory_space<vmem>> -> memref<1x4x8x1024xf32, #tpu.memory_space<vmem>>
    %dma_wait3A_195 = tpu.memref_squeeze %dma_wait3A_194 : memref<1x4x8x1024xf32, #tpu.memory_space<vmem>> -> memref<4x8x1024xf32, #tpu.memory_space<vmem>>
    %dma_wait3A_196 = arith.constant 0 : i32
    %dma_wait3A_197 = arith.constant 0 : i32
    %dma_wait3A_198 = arith.constant 0 : i32
    %dma_wait3A_199 = tpu.memref_slice %arg2[%dma_wait3A_196, %dma_wait3A_197, %dma_wait3A_198] : memref<4x8192x1024xf32, #tpu.memory_space<hbm>> -> memref<4x8x1024xf32, #tpu.memory_space<hbm>>
    tpu.wait_dma2 semaphore(%arg11 : memref<!tpu.dma_semaphore, #tpu.memory_space<semaphore_mem>>) src(%dma_wait3A_199 : memref<4x8x1024xf32, #tpu.memory_space<hbm>>) dst(%dma_wait3A_195 : memref<4x8x1024xf32, #tpu.memory_space<vmem>>)
    %dma_wait3A_200 = arith.constant 1 : i32
    %dma_wait3A_201 = arith.constant 0 : i32
    %dma_wait3A_202 = arith.constant 0 : i32
    %dma_wait3A_203 = arith.constant 0 : i32
    %dma_wait3A_204 = tpu.memref_slice %arg6[%dma_wait3A_200, %dma_wait3A_201, %dma_wait3A_202, %dma_wait3A_203] : memref<2x4x8x1024xf32, #tpu.memory_space<vmem>> -> memref<1x4x8x1024xf32, #tpu.memory_space<vmem>>
    %dma_wait3A_205 = tpu.memref_squeeze %dma_wait3A_204 : memref<1x4x8x1024xf32, #tpu.memory_space<vmem>> -> memref<4x8x1024xf32, #tpu.memory_space<vmem>>
    %dma_wait3A_206 = arith.constant 0 : i32
    %dma_wait3A_207 = arith.constant 0 : i32
    %dma_wait3A_208 = arith.constant 0 : i32
    %dma_wait3A_209 = tpu.memref_slice %arg2[%dma_wait3A_206, %dma_wait3A_207, %dma_wait3A_208] : memref<4x8192x1024xf32, #tpu.memory_space<hbm>> -> memref<4x8x1024xf32, #tpu.memory_space<hbm>>
    %dma_wait3A_210 = arith.constant 0 : i32
    %dma_wait3A_211 = arith.constant 0 : i32
    %dma_wait3A_212 = arith.constant 0 : i32
    %dma_wait3A_213 = tpu.memref_slice %arg6[%dma_wait3A_200, %dma_wait3A_210, %dma_wait3A_211, %dma_wait3A_212] : memref<2x4x8x1024xf32, #tpu.memory_space<vmem>> -> memref<1x4x8x1024xf32, #tpu.memory_space<vmem>>
    %dma_wait3A_214 = tpu.memref_squeeze %dma_wait3A_213 : memref<1x4x8x1024xf32, #tpu.memory_space<vmem>> -> memref<4x8x1024xf32, #tpu.memory_space<vmem>>
    %dma_wait3A_215 = arith.constant 0 : i32
    %dma_wait3A_216 = arith.constant 0 : i32
    %dma_wait3A_217 = arith.constant 0 : i32
    %dma_wait3A_218 = tpu.memref_slice %arg2[%dma_wait3A_215, %dma_wait3A_216, %dma_wait3A_217] : memref<4x8192x1024xf32, #tpu.memory_space<hbm>> -> memref<4x8x1024xf32, #tpu.memory_space<hbm>>
    tpu.wait_dma2 semaphore(%arg12 : memref<!tpu.dma_semaphore, #tpu.memory_space<semaphore_mem>>) src(%dma_wait3A_218 : memref<4x8x1024xf32, #tpu.memory_space<hbm>>) dst(%dma_wait3A_214 : memref<4x8x1024xf32, #tpu.memory_space<vmem>>)
    return
  }
}

</mosaic_0001>

<sc_bundles>
// kernel: kernel.3.cloned.1.call-start
scs
__scs_entry_jumppad:
0x0: {  	(pc) =	sbr.rel $0x88, $3  }
0x1: {  	(tag) =	ssettag $0x0;
	lr =	simm.s32 $0x1  }
0x2: {  	[smem:$0x3F9F] =	sst lr;
	_ =	strace $0xD0000000  }
0x3: {  	_ = 	snop  }
0x4: {  	_ = 	snop  }
0x5: {  	_ = 	snop  }
0x6: {  	_ = 	snop  }
0x7: {  	_ = 	snop  }
__scs_overlays_trampoline_lowered:
0x8: {  	[smem:$0x3FAE] =	sst s0  }
0x9: {  	[smem:$0x3FAF] =	sst s1  }
0xa: {  	[smem:$0x3FB0] =	sst s2  }
0xb: {  	[smem:$0x3FB1] =	sst s3  }
0xc: {  	[smem:$0x3FB2] =	sst s4  }
0xd: {  	[smem:$0x3FB3] =	sst s5  }
0xe: {  	[smem:$0x3FB4] =	sst s6  }
0xf: {  	[smem:$0x3FB5] =	sst s7  }
0x10: {  	[smem:$0x3FB6] =	sst s8  }
0x11: {  	[smem:$0x3FB7] =	sst s9;
	s0 =	simm.s32 @!p0 $0x0  }
0x12: {  	s1 =	sld [smem:$0x3F9D];
	s0 =	simm.s32 @p0 $0x1  }
0x13: {  	[smem:$0x3FB8] =	sst s0;
	s0 =	simm.s32 @!p1 $0x0  }
0x14: {  	s2 =	sld [smem:$0x3F9C];
	s0 =	simm.s32 @p1 $0x1  }
0x15: {  	[smem:$0x3FB9] =	sst s0;
	s0 =	simm.s32 @!p2 $0x0  }
0x16: {  	s3 =	sld [smem:$0x3FDB];
	s0 =	simm.s32 @p2 $0x1  }
0x17: {  	s4 =	simm.s32 $0x1BF5;
	[smem:$0x3FBB] =	sst s0  }
0x18: {  	s0 =	sld [smem:$0x3F9E];
	_ =	swait.ge [sflag:s4], $0x0  }
0x19: {  	s7 =	sld [smem:$0x3F9F]  }
0x1a: {  	s8 =	sadd.s32 $0xFFFFE003, lr  }
0x1b: {  	s9 =	sadd.s32 $0xFFFFFEF7, lr;
	s5 =	simm.s32 $0xFFFFFFFF;
	p2 =	slt.u32 s8, $0xFFFFF086  }
0x1c: {  	p1 =	slt.u32 s9, $0xF7A;
	s5 =	simm.s32 @!p2 $0x0  }
0x1d: {  	s5 =	simm.s32 @p1 $0x1;
	p0 =	seq.s32 s7, s2  }
0x1e: {  	s7 =	smul.u32 @!p0 $0xF7A, s2;
	p2 =	seq.s32 @!p0 s5, $0x0  }
0x1f: {  	s9 =	smul.u32 $0xF7A, s1;
	s8 =	simm.s32 @!p0 $0x1BF5;
	p2 =	por !p2, p0  }
0x20: {  	[sflag:s8] =	ssyncset.s32 @!p0 $0xFFFFF086;
	s6 =	sadd.s32 @!p0 s3, s7;
	s7 =	simm.s32 @!p0 $0x108  }
0x21: {  	s3 =	sadd.s32 s3, s9;
	s6 =	sadd.s32 @!p0 $0x88, s6;
	s7 =	simm.s32 @p2 $0x1082  }
0x22: {  	[simem:s7], [sflag:s8] =	dma.local @!p0 [hbm:s6], $0xF7A  }
0x23: {  	s9 =	sor.u32 $0xD0000000, s2;
	s6 =	simm.s32 $0x108;
	_ =	swait.ge @!p0 [sflag:s8], $0x0  }
0x24: {  	s3 =	sadd.s32 $0x88, s3;
	s6 =	simm.s32 @!p1 $0x1082;
	[sflag:s4] =	ssyncset.s32 $0xFFFFF086  }
0x25: {  	[simem:s6], [sflag:s4] =	dma.local [hbm:s3], $0xF7A  }
0x26: {  	[smem:$0x3F9F] =	sst s1;
	(tag) =	ssettag s2;
	_ =	strace s9  }
0x27: {  	s1 =	sld [smem:$0x3FAF]  }
0x28: {  	s2 =	sld [smem:$0x3FB0]  }
0x29: {  	s4 =	sld [smem:$0x3FB2]  }
0x2a: {  	p0 =	seq.s32 s5, $0x0;
	s5 =	sld [smem:$0x3FB3]  }
0x2b: {  	s6 =	sld [smem:$0x3FB4]  }
0x2c: {  	s7 =	sld [smem:$0x3FB5]  }
0x2d: {  	s3 =	simm.s32 $0x108;
	s8 =	sld [smem:$0x3FB6]  }
0x2e: {  	s3 =	simm.s32 @!p0 $0x1082;
	s9 =	sld [smem:$0x3FB7]  }
0x2f: {  	lr =	sadd.s32 s0, s3;
	s0 =	sld [smem:$0x3FAE]  }
0x30: {  	s3 =	sld [smem:$0x3FB1]  }
0x31: {  	[smem:$0x3FBA] =	sst s10  }
0x32: {  	s10 =	sld [smem:$0x3FB8];
	_ =	sdelay $0x3  }
0x33: {  	p0 =	seq.s32 s10, $0x1;
	s10 =	sld [smem:$0x3FBA];
	_ =	sdelay $0x3  }
0x34: {  	[smem:$0x3FBA] =	sst s10  }
0x35: {  	s10 =	sld [smem:$0x3FB9];
	_ =	sdelay $0x3  }
0x36: {  	p1 =	seq.s32 s10, $0x1;
	s10 =	sld [smem:$0x3FBA];
	_ =	sdelay $0x3  }
0x37: {  	[smem:$0x3FBA] =	sst s10  }
0x38: {  	s10 =	sld [smem:$0x3FBB]  }
0x39: {  	_ = 	snop;
	(pc) =	sbr.ind lr, $3  }
0x3a: {  	_ = 	snop  }
0x3b: {  	_ = 	snop  }
0x3c: {  	p2 =	seq.s32 s10, $0x1;
	s10 =	sld [smem:$0x3FBA]  }
0x3d: {  	_ =	shalt  }
0x3e: {  	_ =	shalt  }
0x3f: {  	_ =	shalt  }
0x40: {  	_ =	shalt  }
0x41: {  	_ =	shalt  }
0x42: {  	_ =	shalt  }
0x43: {  	_ =	shalt  }
0x44: {  	_ =	shalt  }
0x45: {  	_ =	shalt  }
0x46: {  	_ =	shalt  }
0x47: {  	_ =	shalt  }
0x48: {  	_ =	shalt  }
0x49: {  	_ =	shalt  }
0x4a: {  	_ =	shalt  }
0x4b: {  	_ =	shalt  }
0x4c: {  	_ =	shalt  }
0x4d: {  	_ =	shalt  }
0x4e: {  	_ =	shalt  }
0x4f: {  	_ =	shalt  }
0x50: {  	_ =	shalt  }
0x51: {  	_ =	shalt  }
0x52: {  	_ =	shalt  }
0x53: {  	_ =	shalt  }
0x54: {  	_ =	shalt  }
0x55: {  	_ =	shalt  }
0x56: {  	_ =	shalt  }
0x57: {  	_ =	shalt  }
0x58: {  	_ =	shalt  }
0x59: {  	_ =	shalt  }
0x5a: {  	_ =	shalt  }
0x5b: {  	_ =	shalt  }
0x5c: {  	_ =	shalt  }
0x5d: {  	_ =	shalt  }
0x5e: {  	_ =	shalt  }
0x5f: {  	_ =	shalt  }
0x60: {  	_ =	shalt  }
0x61: {  	_ =	shalt  }
0x62: {  	_ =	shalt  }
0x63: {  	_ =	shalt  }
0x64: {  	_ =	shalt  }
0x65: {  	_ =	shalt  }
0x66: {  	_ =	shalt  }
0x67: {  	_ =	shalt  }
0x68: {  	_ =	shalt  }
0x69: {  	_ =	shalt  }
0x6a: {  	_ =	shalt  }
0x6b: {  	_ =	shalt  }
0x6c: {  	_ =	shalt  }
0x6d: {  	_ =	shalt  }
0x6e: {  	_ =	shalt  }
0x6f: {  	_ =	shalt  }
0x70: {  	_ =	shalt  }
0x71: {  	_ =	shalt  }
0x72: {  	_ =	shalt  }
0x73: {  	_ =	shalt  }
0x74: {  	_ =	shalt  }
0x75: {  	_ =	shalt  }
0x76: {  	_ =	shalt  }
0x77: {  	_ =	shalt  }
0x78: {  	_ =	shalt  }
0x79: {  	_ =	shalt  }
0x7a: {  	_ =	shalt  }
0x7b: {  	_ =	shalt  }
0x7c: {  	_ =	shalt  }
0x7d: {  	_ =	shalt  }
0x7e: {  	_ =	shalt  }
0x7f: {  	_ =	shalt  }
0x80: {  	_ =	shalt  }
0x81: {  	_ =	shalt  }
0x82: {  	_ =	shalt  }
0x83: {  	_ =	shalt  }
0x84: {  	_ =	shalt  }
0x85: {  	_ =	shalt  }
0x86: {  	_ =	shalt  }
0x87: {  	_ =	shalt  }
.Lfunc_end0:
.L_simem_size_0:
called_computation_lowered:
.L_overlay_start_0:
0x88: {  	s2 =	sld [smem:$0x3FD9]  }
0x89: {  	s3 =	sld [smem:$0x3FFE];
	_ =	sdelay $0x1  }
0x8a: {  	s1 =	srdreg.scid  }
0x8b: {  	s0 =	sand.u32 $0x1, s1  }
0x8c: {  	s18 =	sshll.u32 s0, $0xA;
	s2 =	sadd.s32 s3, s2  }
0x8d: {  	s2 =	sadd.s32 s2, s18  }
0x8e: {  	[smem:$0x3FC6] =	sst s2  }
0x8f: {  	_ = 	snop  }
0x90: {  	s2 =	sld [smem:$0x3FC9]  }
0x91: {  	s19 =	sld [smem:$0x3FC8]  }
0x92: {  	s4 =	sld [smem:$0x3FD0];
	(tm) =	ssettm $0x1  }
0x93: {  	s5 =	sld [smem:$0x3FFB];
	_ =	sdelay $0x3  }
0x94: {  	_ =	strace s5  }
0x95: {  	s5 =	sld [smem:$0x3FFC];
	_ =	sdelay $0x3  }
0x96: {  	_ =	strace s5  }
0x97: {  	s5 =	sld [smem:$0x3FFD];
	_ =	sdelay $0x3  }
0x98: {  	_ =	strace s5  }
0x99: {  	_ =	strace $0x8FFFFFFF  }
0x9a: {  	s20 =	sld [smem:$0x3FDB];
	_ =	sdelay $0x1  }
0x9b: {  	s6 =	simm.s32 $_scs_section_size  }
0x9c: {  	s7 =	simm.s32 $_size__tile_overlayer_lowered;
	s8 =	simm.s32 $_tile_overlayer_lowered  }
0x9d: {  	s23 =	simm.s32 $0x1BFF;
	s22 =	sshll.u32 s8, $0x1;
	s5 =	sadd.s32 s6, s20  }
0x9e: {  	s9 =	simm.s32 $0x0;
	s21 =	sshll.u32 s7, $0x1;
	s7 =	sadd.s32 s22, s5  }
0x9f: {  	[timem:s9], [sflag:s23] =	dma.local [hbm:s7], s21  }
0xa0: {  	_ =	swait.ge [sflag:s23], s21  }
0xa1: {  	s6 =	ssub.s32 $0x0, s21;
	[sflag:s23] =	ssyncset.done $0x0  }
0xa2: {  	[sflag:s23] =	ssyncadd.s32 s6;
	_ =	sdelay $0x1  }
0xa3: {  	s24 =	simm.s32 $0x1B8B  }
0xa4: {  	_ =	swait.ge [sflag:s24], $0x1  }
0xa5: {  	[sflag:s24] =	ssyncset.done $0x0  }
0xa6: {  	s25 =	simm.s32 $0x1B8E;
	[sflag:s24] =	ssyncadd.s32 $0xFFFFFFFF  }
0xa7: {  	s26 =	simm.s32 $execute0_lowered;
	[smem:$0x3FD2] =	sst s25  }
0xa8: {  	s6 =	sshll.u32 s26, $0x1;
	_ =	strace $0x80000046;
	[dreg:$0x1] =	wrdreg $0xFFFFFFFF  }
0xa9: {  	s28 =	simm.s32 $_size_execute0_lowered;
	s5 =	sadd.s32 s5, s6;
	[dreg:$0x0] =	wrdreg $0x0  }
0xaa: {  	s6 =	sshll.u32 s28, $0x1;
	[dreg:$0x2] =	wrdreg s5  }
0xab: {  	[dreg:$0x3] =	wrdreg s6  }
0xac: {  	[dreg:$0x4] =	wrdreg $0xC0  }
0xad: {  	_ =	task [dreg:s9], $0x5FFFF  }
0xae: {  	[dreg:$0x1] =	wrdreg $0xFFFFFFFF  }
0xaf: {  	[dreg:$0x0] =	wrdreg $0x60  }
0xb0: {  	[dreg:$0x2] =	wrdreg s2  }
0xb1: {  	[dreg:$0x3] =	wrdreg s19  }
0xb2: {  	[dreg:$0x4] =	wrdreg s4  }
0xb3: {  	[dreg:$0x5] =	wrdreg $0x9  }
0xb4: {  	_ =	task.clear_ibuf [dreg:s9], $0x6FFFF;
	_ =	strace $0x90000046  }
0xb5: {  	s29 =	simm.s32 $0x9;
	_ =	strace $0x80000048  }
0xb6: {  	_ =	swait.ge [sflag:s29], $0x1  }
0xb7: {  	[sflag:s29] =	ssyncadd.s32 $0xFFFFFFFF  }
0xb8: {  	_ =	strace $0x90000048  }
0xb9: {  	_ =	sfence  }
0xba: {  	s30 =	sld [smem:$0x0];
	_ =	sdelay $0x2  }
0xbb: {  	s31 =	sshll.u32 s1, $0xD;
	s1 =	sshrl.u32 s1, $0x2  }
0xbc: {  	s3 =	sand.u32 $0x4000, s31;
	s1 =	sadd.s32 s1, s30  }
0xbd: {  	s0 =	sor.u32 s3, s0;
	s1 =	sshll.u32 s1, $0x11  }
0xbe: {  	s0 =	sor.u32 s1, s0  }
0xbf: {  	s0 =	sadd.s32 $0x8F2B, s0  }
0xc0: {  	[sflag:s0] =	ssyncadd.remote.s32 $0x1  }
0xc1: {  	_ =	sfence.sel $0xFFFF  }
0xc2: {  	[dreg:$0x0] =	wrdreg $0xFFFFFFFF;
	(pc) =	sbr.abs _section_cstart, $3  }
0xc3: {  	[dreg:$0x1] =	wrdreg $0xFFFFFFFF  }
0xc4: {  	_ =	task.clear_ibuf [dreg:s9], $0x2FFFF;
	_ =	strace $0x9FFFFFFF  }
0xc5: {  	(tm) =	ssettm $0x7FFFFFFF  }
tec
execute0_lowered:
.L_overlay_start_1:
0x0: {  	(tag) =	ssettag $0x1  }
0x1: {  	s4 =	rddreg [dreg:$0x0]  }
0x2: {  	s5 =	rddreg [dreg:$0x1]  }
0x3: {  	s6 =	rddreg [dreg:$0x2];
	s0 =	srdreg.scid  }
0x4: {  	s3 =	simm.s32 $0x0;
	s2 =	stileid.u32;
	s0 =	sand.u32 $0x1, s0  }
0x5: {  	s2 =	sshll.u32 s2, $0x9;
	s1 =	ssub.s32 $0x2, s0;
	s0 =	sshll.u32 s0, $0x8  }
0x6: {  	[smem:$0x7FF] =	sst s3;
	s7 =	sor.u32 s0, s2  }
0x7: {  	_ =	strace $0x80000047;
	s30 =	sor.u32 $0x10, s7;
	[dreg:$0x1a] =	wrdreg s7  }
0x8: {  	s24 =	sshll.u32 s7, $0x7;
	s31 =	sor.u32 $0x18, s7;
	[smem:$0x7FA] =	sst s30  }
0x9: {  	s25 =	sadd.s32 s5, s24;
	[smem:$0x7FB] =	sst s31  }
0xa: {  	s22 =	sshrl.u32 s1, $0x1;
	s26 =	sadd.s32 s4, s24;
	[dreg:$0x1b] =	wrdreg s25  }
0xb: {  	s23 =	ssub.s32 s1, s22;
	s1 =	sadd.s32 s6, s24;
	[dreg:$0x1c] =	wrdreg s26  }
0xc: {  	s28 =	sor.u32 $0x400, s24;
	s0 =	smax.u32 s23, $0x1;
	[dreg:$0x1f] =	wrdreg s1  }
0xd: {  	s3 =	simm.s32 $0x4000;
	s29 =	sadd.s32 s5, s28;
	[smem:$0x7FD] =	sst s0  }
0xe: {  	s2 =	sadd.s32 s4, s28;
	s1 =	sadd.s32 $0x7C00, s1;
	[dreg:$0x1d] =	wrdreg s29  }
0xf: {  	s4 =	simm.s32 $0xC000;
	s5 =	simm.s32 $0x0;
	[dreg:$0x1e] =	wrdreg s2  }
0x10: {  	[smem:$0x7FC] =	sst s1;
	s1 =	simm.s32 $0x2000;
	s2 =	simm.s32 $0x800000  }
.LBB2_1:
0x11: {  	[smem:$0x7F9] =	sst s5  }
0x12: {  	s30 =	simm.s32 $0x0;
	s0 =	rddreg [dreg:$0x1b]  }
0x13: {  	[tilespmem:s30], [sflag:$0x1] =	stream.linear.gather [hbm4b:s0+s30], $0x2000, $0x38;
	[tilespmem:$0x14000] =	vst v63  }
0x14: {  	s26 =	rddreg [dreg:$0x1c]  }
0x15: {  	[tilespmem:s3], [sflag:$0x3] =	stream.strided.gather [hbm4b:s26+s1], $0x8000, s2, s1, $0x38;
	[tilespmem:$0x14000] =	vst v63  }
0x16: {  	s5 =	rddreg [dreg:$0x1d]  }
0x17: {  	[tilespmem:s1], [sflag:$0x2] =	stream.linear.gather [hbm4b:s5+s30], $0x2000, $0x38;
	[tilespmem:$0x14000] =	vst v63  }
0x18: {  	s6 =	rddreg [dreg:$0x1e];
	s7 =	simm.s32 $0x1  }
0x19: {  	[tilespmem:s4], [sflag:$0x4] =	stream.strided.gather [hbm4b:s6+s1], $0x8000, s2, s1, $0x38;
	[tilespmem:$0x14000] =	vst v63  }
0x1a: {  	_ =	swait.ge [sflag:s7], $0x2000  }
0x1b: {  	[sflag:s7] =	ssyncset.done $0x0  }
0x1c: {  	s8 =	simm.s32 $0x3;
	[sflag:s7] =	ssyncadd.s32 $0xFFFFE000  }
0x1d: {  	s5 =	sand.u32 $0x60, s30;
	_ =	swait.ge [sflag:s8], $0x8000  }
0x1e: {  	s4 =	sand.u32 $0x1C00, s30;
	s2 =	sor.u32 $0x10, s5;
	[sflag:s8] =	ssyncset.done $0x0  }
0x1f: {  	s1 =	sor.u32 s4, s2;
	[sflag:s8] =	ssyncadd.s32 $0xFFFF8000  }
0x20: {  	v0 =	vld [tilespmem:s1+$0x0];
	_ =	sdelay $0x2  }
0x21: {  	s0 =	sor.u32 s5, s4  }
0x22: {  	s9 =	sor.u32 $0x6000, s4;
	s6 =	sor.u32 $0x4000, s1;
	v1 =	vld [tilespmem:s0+$0x0]  }
0x23: {  	s10 =	sor.u32 s2, s9;
	s7 =	sor.u32 $0x8000, s4;
	[tilespmem:s6+$0x0] =	vst.add.f32.msk $0xffff, v0  }
0x24: {  	s11 =	sor.u32 s2, s7;
	s8 =	sor.u32 $0xA000, s4;
	[tilespmem:s10+$0x0] =	vst.add.f32.msk $0xffff, v0  }
0x25: {  	s12 =	sor.u32 s2, s8;
	[tilespmem:s11+$0x0] =	vst.add.f32.msk $0xffff, v0  }
0x26: {  	[tilespmem:s12+$0x0] =	vst.add.f32.msk $0xffff, v0  }
0x27: {  	v0 =	vld [tilespmem:s1+$0x80];
	_ =	sdelay $0x2  }
0x28: {  	s13 =	sor.u32 $0x4000, s0  }
0x29: {  	s14 =	sor.u32 $0x4080, s1;
	[tilespmem:s13+$0x0] =	vst.add.f32.msk $0xffff, v1;
	s10 =	sor.u32 $0x6080, s4  }
0x2a: {  	s11 =	sor.u32 $0x8080, s4;
	s15 =	sor.u32 s2, s10;
	[tilespmem:s14+$0x0] =	vst.add.f32.msk $0xffff, v0  }
0x2b: {  	s12 =	sor.u32 $0xA080, s4;
	s16 =	sor.u32 s2, s11;
	[tilespmem:s15+$0x0] =	vst.add.f32.msk $0xffff, v0  }
0x2c: {  	s17 =	sor.u32 s2, s12;
	[tilespmem:s16+$0x0] =	vst.add.f32.msk $0xffff, v0  }
0x2d: {  	[tilespmem:s17+$0x0] =	vst.add.f32.msk $0xffff, v0  }
0x2e: {  	s3 =	sor.u32 s5, s9;
	v0 =	vld [tilespmem:s1+$0x100]  }
0x2f: {  	s18 =	sor.u32 s5, s7;
	[tilespmem:s3+$0x0] =	vst.add.f32.msk $0xffff, v1  }
0x30: {  	s19 =	sor.u32 s5, s8;
	[tilespmem:s18+$0x0] =	vst.add.f32.msk $0xffff, v1  }
0x31: {  	[tilespmem:s19+$0x0] =	vst.add.f32.msk $0xffff, v1  }
0x32: {  	s20 =	sor.u32 $0x4100, s1;
	s3 =	sor.u32 $0x6100, s4;
	v1 =	vld [tilespmem:s0+$0x80]  }
0x33: {  	s7 =	sor.u32 $0x8100, s4;
	s21 =	sor.u32 s2, s3;
	[tilespmem:s20+$0x0] =	vst.add.f32.msk $0xffff, v0  }
0x34: {  	s22 =	sor.u32 s2, s7;
	s15 =	sor.u32 $0xA100, s4;
	[tilespmem:s21+$0x0] =	vst.add.f32.msk $0xffff, v0  }
0x35: {  	s23 =	sor.u32 s2, s15;
	[tilespmem:s22+$0x0] =	vst.add.f32.msk $0xffff, v0  }
0x36: {  	[tilespmem:s23+$0x0] =	vst.add.f32.msk $0xffff, v0  }
0x37: {  	v0 =	vld [tilespmem:s1+$0x180]  }
0x38: {  	s24 =	sor.u32 $0x4080, s0  }
0x39: {  	s10 =	sor.u32 s5, s10;
	[tilespmem:s24+$0x0] =	vst.add.f32.msk $0xffff, v1  }
0x3a: {  	s11 =	sor.u32 s5, s11;
	[tilespmem:s10+$0x0] =	vst.add.f32.msk $0xffff, v1  }
0x3b: {  	s9 =	sor.u32 $0x4180, s1;
	s6 =	sor.u32 $0x6180, s4;
	[tilespmem:s11+$0x0] =	vst.add.f32.msk $0xffff, v1  }
0x3c: {  	s8 =	sor.u32 $0x8180, s4;
	s13 =	sor.u32 s2, s6;
	[tilespmem:s9+$0x0] =	vst.add.f32.msk $0xffff, v0  }
0x3d: {  	s25 =	sor.u32 s2, s8;
	[tilespmem:s13+$0x0] =	vst.add.f32.msk $0xffff, v0  }
0x3e: {  	s9 =	sor.u32 $0xA180, s4;
	s13 =	sor.u32 s5, s12;
	[tilespmem:s25+$0x0] =	vst.add.f32.msk $0xffff, v0  }
0x3f: {  	s26 =	sor.u32 s2, s9;
	[tilespmem:s13+$0x0] =	vst.add.f32.msk $0xffff, v1  }
0x40: {  	[tilespmem:s26+$0x0] =	vst.add.f32.msk $0xffff, v0  }
0x41: {  	v1 =	vld [tilespmem:s0+$0x100]  }
0x42: {  	v0 =	vld [tilespmem:s1+$0x200];
	_ =	sdelay $0x2  }
0x43: {  	s22 =	sor.u32 $0x4100, s0  }
0x44: {  	s18 =	sor.u32 $0x6200, s4;
	s14 =	sor.u32 $0x4200, s1;
	[tilespmem:s22+$0x0] =	vst.add.f32.msk $0xffff, v1  }
0x45: {  	s19 =	sor.u32 $0x8200, s4;
	s16 =	sor.u32 s2, s18;
	[tilespmem:s14+$0x0] =	vst.add.f32.msk $0xffff, v0  }
0x46: {  	s17 =	sor.u32 $0xA200, s4;
	s20 =	sor.u32 s2, s19;
	[tilespmem:s16+$0x0] =	vst.add.f32.msk $0xffff, v0  }
0x47: {  	s21 =	sor.u32 s2, s17;
	[tilespmem:s20+$0x0] =	vst.add.f32.msk $0xffff, v0  }
0x48: {  	[tilespmem:s21+$0x0] =	vst.add.f32.msk $0xffff, v0  }
0x49: {  	s3 =	sor.u32 s5, s3;
	v0 =	vld [tilespmem:s1+$0x280]  }
0x4a: {  	s7 =	sor.u32 s5, s7;
	[tilespmem:s3+$0x0] =	vst.add.f32.msk $0xffff, v1  }
0x4b: {  	[tilespmem:s7+$0x0] =	vst.add.f32.msk $0xffff, v1;
	s20 =	sor.u32 s5, s15  }
0x4c: {  	[tilespmem:s20+$0x0] =	vst.add.f32.msk $0xffff, v1  }
0x4d: {  	s23 =	sand.u32 $0x3, s30;
	s16 =	sor.u32 $0x6280, s4;
	s1 =	sor.u32 $0x4280, s1;
	v1 =	vld [tilespmem:s0+$0x180]  }
0x4e: {  	s10 =	sshll.u32 s23, $0x5;
	s14 =	sor.u32 $0x8280, s4;
	s24 =	sor.u32 s2, s16;
	[tilespmem:s1+$0x0] =	vst.add.f32.msk $0xffff, v0  }
0x4f: {  	s11 =	sadd.s32 $0x0, s10;
	s13 =	sor.u32 $0xA280, s4;
	s25 =	sor.u32 s2, s14;
	[tilespmem:s24+$0x0] =	vst.add.f32.msk $0xffff, v0  }
0x50: {  	s10 =	sadd.s32 $0x10, s11;
	s26 =	sor.u32 s2, s13;
	[tilespmem:s25+$0x0] =	vst.add.f32.msk $0xffff, v0  }
0x51: {  	s12 =	sor.u32 $0x300, s10;
	[tilespmem:s26+$0x0] =	vst.add.f32.msk $0xffff, v0  }
0x52: {  	v0 =	vld [tilespmem:s12+$0x0]  }
0x53: {  	s24 =	sor.u32 $0x4180, s0  }
0x54: {  	s6 =	sor.u32 s5, s6;
	[tilespmem:s24+$0x0] =	vst.add.f32.msk $0xffff, v1  }
0x55: {  	s8 =	sor.u32 s5, s8;
	[tilespmem:s6+$0x0] =	vst.add.f32.msk $0xffff, v1  }
0x56: {  	s7 =	sor.u32 $0x6300, s4;
	[tilespmem:s8+$0x0] =	vst.add.f32.msk $0xffff, v1  }
0x57: {  	s3 =	sor.u32 $0x8300, s4;
	s21 =	sor.u32 s2, s7;
	[tilespmem:s12+$0x4000] =	vst.add.f32.msk $0xffff, v0  }
0x58: {  	s22 =	sor.u32 s2, s3;
	s1 =	sor.u32 $0xA300, s4;
	[tilespmem:s21+$0x0] =	vst.add.f32.msk $0xffff, v0  }
0x59: {  	s23 =	sor.u32 s2, s1;
	[tilespmem:s22+$0x0] =	vst.add.f32.msk $0xffff, v0  }
0x5a: {  	s10 =	sor.u32 $0x380, s10;
	[tilespmem:s23+$0x0] =	vst.add.f32.msk $0xffff, v0  }
0x5b: {  	s25 =	sor.u32 s5, s9;
	v0 =	vld [tilespmem:s10+$0x0]  }
0x5c: {  	[tilespmem:s25+$0x0] =	vst.add.f32.msk $0xffff, v1  }
0x5d: {  	v1 =	vld [tilespmem:s0+$0x200];
	_ =	sdelay $0x1  }
0x5e: {  	s6 =	sor.u32 $0x6380, s4  }
0x5f: {  	s26 =	sor.u32 s2, s6;
	[tilespmem:s10+$0x4000] =	vst.add.f32.msk $0xffff, v0  }
0x60: {  	s25 =	sor.u32 $0x8380, s4;
	s10 =	sor.u32 $0x4200, s0;
	[tilespmem:s26+$0x0] =	vst.add.f32.msk $0xffff, v0  }
0x61: {  	s28 =	simm.s32 $0x100;
	s8 =	sor.u32 s2, s25;
	[tilespmem:s10+$0x0] =	vst.add.f32.msk $0xffff, v1  }
0x62: {  	s18 =	sor.u32 s5, s18;
	s9 =	sor.u32 $0xA380, s4;
	s26 =	simm.s32 $0x20;
	[tilespmem:s8+$0x0] =	vst.add.f32.msk $0xffff, v0  }
0x63: {  	s4 =	sand.u32 $0x1C00, s28;
	s2 =	sor.u32 s2, s9;
	s12 =	sand.u32 $0x60, s26;
	[tilespmem:s18+$0x0] =	vst.add.f32.msk $0xffff, v1  }
0x64: {  	[tilespmem:s2+$0x0] =	vst.add.f32.msk $0xffff, v0;
	s2 =	sor.u32 $0x10, s12;
	s29 =	sor.u32 s12, s4  }
0x65: {  	s15 =	sor.u32 s4, s2;
	v2 =	vld [tilespmem:s29+$0x0]  }
0x66: {  	s19 =	sor.u32 s5, s19;
	v0 =	vld [tilespmem:s15+$0x0]  }
0x67: {  	s17 =	sor.u32 s5, s17;
	[tilespmem:s19+$0x0] =	vst.add.f32.msk $0xffff, v1  }
0x68: {  	[tilespmem:s17+$0x0] =	vst.add.f32.msk $0xffff, v1  }
0x69: {  	s21 =	sor.u32 $0x4000, s29;
	v1 =	vld [tilespmem:s0+$0x280]  }
0x6a: {  	s19 =	sor.u32 $0x6000, s4;
	s22 =	sor.u32 $0x4000, s15;
	[tilespmem:s21+$0x0] =	vst.add.f32.msk $0xffff, v2  }
0x6b: {  	s23 =	sor.u32 $0x8000, s4;
	s24 =	sor.u32 s2, s19;
	[tilespmem:s22+$0x0] =	vst.add.f32.msk $0xffff, v0  }
0x6c: {  	s20 =	sor.u32 $0xA000, s4;
	s8 =	sor.u32 s2, s23;
	[tilespmem:s24+$0x0] =	vst.add.f32.msk $0xffff, v0  }
0x6d: {  	s10 =	sor.u32 s2, s20;
	[tilespmem:s8+$0x0] =	vst.add.f32.msk $0xffff, v0  }
0x6e: {  	[tilespmem:s10+$0x0] =	vst.add.f32.msk $0xffff, v0  }
0x6f: {  	s17 =	sor.u32 s12, s19;
	v0 =	vld [tilespmem:s15+$0x80]  }
0x70: {  	s22 =	sor.u32 s12, s23;
	[tilespmem:s17+$0x0] =	vst.add.f32.msk $0xffff, v2  }
0x71: {  	s20 =	sor.u32 s12, s20;
	[tilespmem:s22+$0x0] =	vst.add.f32.msk $0xffff, v2  }
0x72: {  	[tilespmem:s20+$0x0] =	vst.add.f32.msk $0xffff, v2  }
0x73: {  	s17 =	sor.u32 $0x6080, s4;
	s23 =	sor.u32 $0x4080, s15;
	v2 =	vld [tilespmem:s29+$0x80]  }
0x74: {  	s19 =	sor.u32 $0x8080, s4;
	s24 =	sor.u32 s2, s17;
	[tilespmem:s23+$0x0] =	vst.add.f32.msk $0xffff, v0  }
0x75: {  	s21 =	sor.u32 $0xA080, s4;
	s8 =	sor.u32 s2, s19;
	[tilespmem:s24+$0x0] =	vst.add.f32.msk $0xffff, v0  }
0x76: {  	s10 =	sor.u32 s2, s21;
	[tilespmem:s8+$0x0] =	vst.add.f32.msk $0xffff, v0  }
0x77: {  	[tilespmem:s10+$0x0] =	vst.add.f32.msk $0xffff, v0  }
0x78: {  	s0 =	sor.u32 $0x4280, s0;
	v0 =	vld [tilespmem:s15+$0x100]  }
0x79: {  	s16 =	sor.u32 s5, s16;
	[tilespmem:s0+$0x0] =	vst.add.f32.msk $0xffff, v1  }
0x7a: {  	s14 =	sor.u32 s5, s14;
	[tilespmem:s16+$0x0] =	vst.add.f32.msk $0xffff, v1  }
0x7b: {  	[tilespmem:s14+$0x0] =	vst.add.f32.msk $0xffff, v1;
	s10 =	sor.u32 $0x4080, s29  }
0x7c: {  	s0 =	sor.u32 $0x6100, s4;
	s22 =	sor.u32 $0x4100, s15;
	[tilespmem:s10+$0x0] =	vst.add.f32.msk $0xffff, v2  }
0x7d: {  	s20 =	sor.u32 $0x8100, s4;
	s23 =	sor.u32 s2, s0;
	[tilespmem:s22+$0x0] =	vst.add.f32.msk $0xffff, v0  }
0x7e: {  	s24 =	sor.u32 s2, s20;
	s22 =	sor.u32 $0xA100, s4;
	[tilespmem:s23+$0x0] =	vst.add.f32.msk $0xffff, v0  }
0x7f: {  	s8 =	sor.u32 s2, s22;
	[tilespmem:s24+$0x0] =	vst.add.f32.msk $0xffff, v0  }
0x80: {  	[tilespmem:s8+$0x0] =	vst.add.f32.msk $0xffff, v0  }
0x81: {  	s17 =	sor.u32 s12, s17;
	v0 =	vld [tilespmem:s15+$0x180]  }
0x82: {  	s18 =	sor.u32 s12, s19;
	[tilespmem:s17+$0x0] =	vst.add.f32.msk $0xffff, v2  }
0x83: {  	s10 =	sor.u32 s12, s21;
	[tilespmem:s18+$0x0] =	vst.add.f32.msk $0xffff, v2  }
0x84: {  	[tilespmem:s10+$0x0] =	vst.add.f32.msk $0xffff, v2  }
0x85: {  	s19 =	sor.u32 $0x4180, s15;
	s17 =	sor.u32 $0x6180, s4;
	v2 =	vld [tilespmem:s29+$0x100]  }
0x86: {  	s14 =	sor.u32 $0x8180, s4;
	s23 =	sor.u32 s2, s17;
	[tilespmem:s19+$0x0] =	vst.add.f32.msk $0xffff, v0  }
0x87: {  	s16 =	sor.u32 $0xA180, s4;
	s24 =	sor.u32 s2, s14;
	[tilespmem:s23+$0x0] =	vst.add.f32.msk $0xffff, v0  }
0x88: {  	s8 =	sor.u32 s2, s16;
	[tilespmem:s24+$0x0] =	vst.add.f32.msk $0xffff, v0  }
0x89: {  	[tilespmem:s8+$0x0] =	vst.add.f32.msk $0xffff, v0  }
0x8a: {  	v0 =	vld [tilespmem:s15+$0x200];
	_ =	sdelay $0x1  }
0x8b: {  	s13 =	sor.u32 s5, s13  }
0x8c: {  	[tilespmem:s13+$0x0] =	vst.add.f32.msk $0xffff, v1;
	s10 =	sor.u32 $0x4100, s29  }
0x8d: {  	s18 =	sor.u32 $0x6200, s4;
	[tilespmem:s10+$0x0] =	vst.add.f32.msk $0xffff, v2;
	s19 =	sor.u32 $0x4200, s15  }
0x8e: {  	s13 =	sor.u32 $0x8200, s4;
	s21 =	sor.u32 s2, s18;
	[tilespmem:s19+$0x0] =	vst.add.f32.msk $0xffff, v0  }
0x8f: {  	s23 =	sor.u32 $0x300, s11;
	s11 =	sor.u32 $0xA200, s4;
	s24 =	sor.u32 s2, s13;
	[tilespmem:s21+$0x0] =	vst.add.f32.msk $0xffff, v0  }
0x90: {  	s8 =	sor.u32 s2, s11;
	[tilespmem:s24+$0x0] =	vst.add.f32.msk $0xffff, v0  }
0x91: {  	[tilespmem:s8+$0x0] =	vst.add.f32.msk $0xffff, v0  }
0x92: {  	s0 =	sor.u32 s12, s0;
	v0 =	vld [tilespmem:s15+$0x280]  }
0x93: {  	[tilespmem:s0+$0x0] =	vst.add.f32.msk $0xffff, v2  }
0x94: {  	v1 =	vld [tilespmem:s23+$0x0];
	s21 =	sor.u32 s12, s20  }
0x95: {  	s0 =	simm.s32 $0x1;
	s24 =	sor.u32 s12, s22;
	[tilespmem:s21+$0x0] =	vst.add.f32.msk $0xffff, v2  }
0x96: {  	s19 =	sor.u32 $0x6280, s4;
	s8 =	sand.u32 $0x3, s0;
	[tilespmem:s24+$0x0] =	vst.add.f32.msk $0xffff, v2;
	s15 =	sor.u32 $0x4280, s15  }
0x97: {  	s20 =	sor.u32 $0x8280, s4;
	s24 =	sor.u32 s2, s19;
	s10 =	sshll.u32 s8, $0x5;
	[tilespmem:s15+$0x0] =	vst.add.f32.msk $0xffff, v0  }
0x98: {  	s21 =	sor.u32 $0xA280, s4;
	s8 =	sor.u32 s2, s20;
	s22 =	sadd.s32 $0x100, s10;
	[tilespmem:s24+$0x0] =	vst.add.f32.msk $0xffff, v0  }
0x99: {  	s10 =	sor.u32 s2, s21;
	s24 =	sadd.s32 $0x10, s22;
	[tilespmem:s8+$0x0] =	vst.add.f32.msk $0xffff, v0  }
0x9a: {  	s8 =	sor.u32 $0x300, s24;
	[tilespmem:s10+$0x0] =	vst.add.f32.msk $0xffff, v0  }
0x9b: {  	v0 =	vld [tilespmem:s8+$0x0]  }
0x9c: {  	s7 =	sor.u32 s5, s7;
	[tilespmem:s23+$0x4000] =	vst.add.f32.msk $0xffff, v1  }
0x9d: {  	s3 =	sor.u32 s5, s3;
	[tilespmem:s7+$0x0] =	vst.add.f32.msk $0xffff, v1  }
0x9e: {  	[tilespmem:s3+$0x0] =	vst.add.f32.msk $0xffff, v1  }
0x9f: {  	s7 =	sor.u32 $0x6300, s4;
	v2 =	vld [tilespmem:s29+$0x180]  }
0xa0: {  	s10 =	sor.u32 $0x8300, s4;
	[tilespmem:s8+$0x4000] =	vst.add.f32.msk $0xffff, v0;
	s8 =	sor.u32 s2, s7  }
0xa1: {  	s15 =	sor.u32 s2, s10;
	[tilespmem:s8+$0x0] =	vst.add.f32.msk $0xffff, v0;
	s8 =	sor.u32 $0xA300, s4  }
0xa2: {  	[tilespmem:s15+$0x0] =	vst.add.f32.msk $0xffff, v0;
	s23 =	sor.u32 s2, s8  }
0xa3: {  	s15 =	sor.u32 $0x380, s24;
	s24 =	sor.u32 $0x4180, s29;
	[tilespmem:s23+$0x0] =	vst.add.f32.msk $0xffff, v0  }
0xa4: {  	s17 =	sor.u32 s12, s17;
	[tilespmem:s24+$0x0] =	vst.add.f32.msk $0xffff, v2  }
0xa5: {  	s6 =	sor.u32 s5, s6;
	[tilespmem:s17+$0x0] =	vst.add.f32.msk $0xffff, v2  }
0xa6: {  	s23 =	sor.u32 s5, s25;
	v0 =	vld [tilespmem:s15+$0x0];
	[dreg:$0xa] =	wrdreg s6  }
0xa7: {  	s1 =	sor.u32 s5, s1;
	s5 =	sor.u32 s5, s9;
	[dreg:$0xb] =	wrdreg s23  }
0xa8: {  	s3 =	sor.u32 s30, s30;
	s24 =	sor.u32 s12, s14;
	[dreg:$0xd] =	wrdreg s5  }
0xa9: {  	s31 =	sor.u32 $0x4280, s29;
	s3 =	sor.u32 $0x380, s3;
	s30 =	sor.u32 s12, s20;
	[tilespmem:s24+$0x0] =	vst.add.f32.msk $0xffff, v2  }
0xaa: {  	s25 =	sor.u32 s28, s26;
	s26 =	sor.u32 s12, s16;
	s14 =	sor.u32 $0x6380, s4;
	[tilespmem:s1+$0x0] =	vst.add.f32.msk $0xffff, v1  }
0xab: {  	s20 =	sor.u32 s12, s21;
	s16 =	sor.u32 $0x8380, s4;
	s17 =	sor.u32 s2, s14;
	[tilespmem:s26+$0x0] =	vst.add.f32.msk $0xffff, v2  }
0xac: {  	s5 =	sor.u32 $0x380, s25;
	s6 =	sor.u32 $0x4200, s29;
	s25 =	sor.u32 s12, s13;
	v2 =	vld [tilespmem:s3+$0x0]  }
0xad: {  	s23 =	sor.u32 s12, s19;
	s24 =	sor.u32 s12, s18;
	s18 =	sor.u32 $0xA380, s4;
	v1 =	vld [tilespmem:s29+$0x200]  }
0xae: {  	s1 =	sor.u32 $0x300, s22;
	s4 =	sor.u32 s12, s8;
	s22 =	sor.u32 s12, s14;
	[tilespmem:s15+$0x4000] =	vst.add.f32.msk $0xffff, v0  }
0xaf: {  	s26 =	sor.u32 s2, s16;
	s2 =	sor.u32 s2, s18;
	s14 =	sor.u32 s12, s18;
	[tilespmem:s17+$0x0] =	vst.add.f32.msk $0xffff, v0  }
0xb0: {  	s15 =	simm.s32 $0x2;
	s17 =	sor.u32 s12, s11;
	s11 =	sor.u32 s12, s16;
	[tilespmem:s26+$0x0] =	vst.add.f32.msk $0xffff, v0  }
0xb1: {  	s26 =	sor.u32 s12, s7;
	[tilespmem:s2+$0x0] =	vst.add.f32.msk $0xffff, v0;
	s2 =	sor.u32 s12, s10;
	s12 =	simm.s32 $0x40  }
.LBB2_2:
0xb2: {  	s13 =	sand.u32 $0x60, s12;
	s28 =	sadd.s32 $0x100, s28  }
0xb3: {  	s19 =	sand.u32 $0x1C00, s28;
	s18 =	sor.u32 $0x10, s13;
	[tilespmem:s6+$0x0] =	vst.add.f32.msk $0xffff, v1  }
0xb4: {  	s16 =	sor.u32 s19, s18;
	[tilespmem:s24+$0x0] =	vst.add.f32.msk $0xffff, v1  }
0xb5: {  	s21 =	sor.u32 s28, s12;
	v0 =	vmov v2;
	v2 =	vld [tilespmem:s16+$0x0]  }
0xb6: {  	s8 =	sor.u32 s13, s19;
	s9 =	sor.u32 $0x380, s21;
	[tilespmem:s25+$0x0] =	vst.add.f32.msk $0xffff, v1  }
0xb7: {  	s21 =	sor.u32 $0x4000, s8;
	s7 =	sor.u32 $0x4080, s8;
	s24 =	sor.u32 $0x4100, s8;
	v3 =	vld [tilespmem:s8+$0x0]  }
0xb8: {  	s6 =	sor.u32 $0x4200, s8;
	[dreg:$0x18] =	wrdreg s24;
	s25 =	sor.u32 $0x4180, s8;
	[tilespmem:s17+$0x0] =	vst.add.f32.msk $0xffff, v1  }
0xb9: {  	s10 =	sor.u32 $0x4000, s16;
	s24 =	sor.u32 $0x4280, s8;
	[dreg:$0x16] =	wrdreg s25;
	v1 =	vld [tilespmem:s29+$0x280]  }
0xba: {  	s29 =	smov.u32 s8;
	s8 =	sor.u32 $0x6000, s19;
	[tilespmem:s3+$0x4000] =	vst.add.f32.msk $0xffff, v0;
	s3 =	smov.u32 s5  }
0xbb: {  	s5 =	sor.u32 $0x8000, s19;
	s25 =	sor.u32 s13, s8;
	s8 =	sor.u32 s18, s8;
	[tilespmem:s10+$0x0] =	vst.add.f32.msk $0xffff, v2  }
0xbc: {  	s17 =	sor.u32 s13, s5;
	s5 =	sor.u32 s18, s5;
	s10 =	sor.u32 $0xA000, s19;
	[tilespmem:s8+$0x0] =	vst.add.f32.msk $0xffff, v2  }
0xbd: {  	s8 =	sor.u32 s13, s10;
	s10 =	sor.u32 s18, s10;
	[tilespmem:s5+$0x0] =	vst.add.f32.msk $0xffff, v2  }
0xbe: {  	[tilespmem:s10+$0x0] =	vst.add.f32.msk $0xffff, v2  }
0xbf: {  	v2 =	vld [tilespmem:s16+$0x80]  }
0xc0: {  	[tilespmem:s21+$0x0] =	vst.add.f32.msk $0xffff, v3  }
0xc1: {  	[tilespmem:s25+$0x0] =	vst.add.f32.msk $0xffff, v3  }
0xc2: {  	s5 =	smov.u32 s9;
	[tilespmem:s17+$0x0] =	vst.add.f32.msk $0xffff, v3  }
0xc3: {  	s21 =	sor.u32 $0x6080, s19;
	[dreg:$0x14] =	wrdreg s5;
	s25 =	sor.u32 $0x4080, s16;
	[tilespmem:s8+$0x0] =	vst.add.f32.msk $0xffff, v3  }
0xc4: {  	s10 =	sor.u32 s13, s21;
	s5 =	sor.u32 $0x8080, s19;
	s8 =	sor.u32 s18, s21;
	[tilespmem:s25+$0x0] =	vst.add.f32.msk $0xffff, v2  }
0xc5: {  	s21 =	sor.u32 s13, s5;
	s5 =	sor.u32 s18, s5;
	s25 =	sor.u32 $0xA080, s19;
	[tilespmem:s8+$0x0] =	vst.add.f32.msk $0xffff, v2  }
0xc6: {  	s17 =	sor.u32 s13, s25;
	s25 =	sor.u32 s18, s25;
	[tilespmem:s5+$0x0] =	vst.add.f32.msk $0xffff, v2  }
0xc7: {  	[tilespmem:s25+$0x0] =	vst.add.f32.msk $0xffff, v2  }
0xc8: {  	v2 =	vld [tilespmem:s16+$0x100]  }
0xc9: {  	v3 =	vld [tilespmem:s29+$0x80]  }
0xca: {  	[tilespmem:s31+$0x0] =	vst.add.f32.msk $0xffff, v1  }
0xcb: {  	[tilespmem:s23+$0x0] =	vst.add.f32.msk $0xffff, v1  }
0xcc: {  	s31 =	smov.u32 s24;
	s24 =	sor.u32 $0x4100, s16;
	[tilespmem:s30+$0x0] =	vst.add.f32.msk $0xffff, v1;
	s5 =	sor.u32 $0x6100, s19  }
0xcd: {  	s25 =	sor.u32 $0x8100, s19;
	s8 =	sor.u32 s18, s5;
	[tilespmem:s24+$0x0] =	vst.add.f32.msk $0xffff, v2  }
0xce: {  	s23 =	sor.u32 s13, s5;
	s5 =	sor.u32 $0xA100, s19;
	s24 =	sor.u32 s18, s25;
	[tilespmem:s8+$0x0] =	vst.add.f32.msk $0xffff, v2  }
0xcf: {  	s9 =	sor.u32 s13, s5;
	s5 =	sor.u32 s18, s5;
	[tilespmem:s24+$0x0] =	vst.add.f32.msk $0xffff, v2  }
0xd0: {  	[tilespmem:s5+$0x0] =	vst.add.f32.msk $0xffff, v2  }
0xd1: {  	v2 =	vld [tilespmem:s16+$0x180]  }
0xd2: {  	[tilespmem:s7+$0x0] =	vst.add.f32.msk $0xffff, v3  }
0xd3: {  	[tilespmem:s10+$0x0] =	vst.add.f32.msk $0xffff, v3  }
0xd4: {  	[tilespmem:s21+$0x0] =	vst.add.f32.msk $0xffff, v3  }
0xd5: {  	s21 =	sor.u32 $0x4180, s16;
	[tilespmem:s17+$0x0] =	vst.add.f32.msk $0xffff, v3;
	s17 =	sor.u32 $0x6180, s19  }
0xd6: {  	s30 =	sor.u32 s13, s25;
	s25 =	sor.u32 s18, s17;
	s24 =	sor.u32 $0x8180, s19;
	[tilespmem:s21+$0x0] =	vst.add.f32.msk $0xffff, v2  }
0xd7: {  	s7 =	sor.u32 s13, s17;
	s5 =	sor.u32 $0xA180, s19;
	s17 =	sor.u32 s18, s24;
	[tilespmem:s25+$0x0] =	vst.add.f32.msk $0xffff, v2  }
0xd8: {  	s8 =	sor.u32 s13, s24;
	s24 =	sor.u32 s18, s5;
	[tilespmem:s17+$0x0] =	vst.add.f32.msk $0xffff, v2  }
0xd9: {  	[tilespmem:s24+$0x0] =	vst.add.f32.msk $0xffff, v2  }
0xda: {  	v2 =	vld [tilespmem:s16+$0x200]  }
0xdb: {  	v3 =	vld [tilespmem:s29+$0x100]  }
0xdc: {  	[tilespmem:s20+$0x0] =	vst.add.f32.msk $0xffff, v1  }
0xdd: {  	s10 =	sor.u32 $0x6200, s19;
	v4 =	vld [tilespmem:s1+$0x0];
	s25 =	rddreg [dreg:$0xa]  }
0xde: {  	s20 =	smov.u32 s22;
	s22 =	sor.u32 $0x8200, s19;
	s17 =	sor.u32 $0x4200, s16;
	[tilespmem:s25+$0x0] =	vst.add.f32.msk $0xffff, v0  }
0xdf: {  	s21 =	sor.u32 s13, s5;
	s24 =	sor.u32 s13, s10;
	s10 =	sor.u32 s18, s10;
	[tilespmem:s17+$0x0] =	vst.add.f32.msk $0xffff, v2  }
0xe0: {  	s5 =	sor.u32 $0xA200, s19;
	[dreg:$0xa] =	wrdreg s20;
	s20 =	sor.u32 s18, s22;
	[tilespmem:s10+$0x0] =	vst.add.f32.msk $0xffff, v2  }
0xe1: {  	s17 =	sor.u32 s13, s5;
	s5 =	sor.u32 s18, s5;
	[tilespmem:s20+$0x0] =	vst.add.f32.msk $0xffff, v2  }
0xe2: {  	[tilespmem:s5+$0x0] =	vst.add.f32.msk $0xffff, v2  }
0xe3: {  	s20 =	rddreg [dreg:$0x18];
	v1 =	vld [tilespmem:s16+$0x280]  }
0xe4: {  	[tilespmem:s20+$0x0] =	vst.add.f32.msk $0xffff, v3  }
0xe5: {  	[tilespmem:s23+$0x0] =	vst.add.f32.msk $0xffff, v3  }
0xe6: {  	s0 =	sadd.s32 $0x1, s0;
	s25 =	sor.u32 s13, s22;
	[tilespmem:s30+$0x0] =	vst.add.f32.msk $0xffff, v3  }
0xe7: {  	s22 =	sand.u32 $0x3, s0;
	s16 =	sor.u32 $0x4280, s16;
	[tilespmem:s9+$0x0] =	vst.add.f32.msk $0xffff, v3;
	s9 =	sor.u32 $0x6280, s19  }
0xe8: {  	s10 =	sshll.u32 s22, $0x5;
	s20 =	sor.u32 $0x8280, s19;
	s23 =	sor.u32 s18, s9;
	[tilespmem:s16+$0x0] =	vst.add.f32.msk $0xffff, v1  }
0xe9: {  	s22 =	sor.u32 $0xA280, s19;
	s10 =	sadd.s32 s10, s28;
	s5 =	sor.u32 s18, s20;
	[tilespmem:s23+$0x0] =	vst.add.f32.msk $0xffff, v1  }
0xea: {  	s16 =	sadd.s32 $0x10, s10;
	[tilespmem:s5+$0x0] =	vst.add.f32.msk $0xffff, v1;
	s5 =	sor.u32 s18, s22  }
0xeb: {  	s23 =	sor.u32 s13, s9;
	s9 =	sor.u32 $0x300, s16;
	[tilespmem:s5+$0x0] =	vst.add.f32.msk $0xffff, v1  }
0xec: {  	v1 =	vld [tilespmem:s9+$0x0]  }
0xed: {  	v2 =	vld [tilespmem:s29+$0x180]  }
0xee: {  	[tilespmem:s1+$0x4000] =	vst.add.f32.msk $0xffff, v4  }
0xef: {  	s30 =	sor.u32 s13, s20;
	[tilespmem:s26+$0x0] =	vst.add.f32.msk $0xffff, v4;
	s10 =	sor.u32 $0x300, s10  }
0xf0: {  	s20 =	sor.u32 s13, s22;
	[tilespmem:s2+$0x0] =	vst.add.f32.msk $0xffff, v4;
	s1 =	smov.u32 s10;
	s5 =	sor.u32 $0x6300, s19  }
0xf1: {  	s22 =	sor.u32 $0x8300, s19;
	s26 =	sor.u32 s13, s5;
	s5 =	sor.u32 s18, s5;
	[tilespmem:s9+$0x4000] =	vst.add.f32.msk $0xffff, v1  }
0xf2: {  	s10 =	sor.u32 $0xA300, s19;
	s2 =	sor.u32 s13, s22;
	s22 =	sor.u32 s18, s22;
	[tilespmem:s5+$0x0] =	vst.add.f32.msk $0xffff, v1  }
0xf3: {  	s5 =	sor.u32 s13, s10;
	s10 =	sor.u32 s18, s10;
	[tilespmem:s22+$0x0] =	vst.add.f32.msk $0xffff, v1  }
0xf4: {  	s9 =	sor.u32 $0x380, s16;
	[tilespmem:s10+$0x0] =	vst.add.f32.msk $0xffff, v1  }
0xf5: {  	s22 =	rddreg [dreg:$0x16];
	v1 =	vld [tilespmem:s9+$0x0]  }
0xf6: {  	[tilespmem:s22+$0x0] =	vst.add.f32.msk $0xffff, v2  }
0xf7: {  	[tilespmem:s7+$0x0] =	vst.add.f32.msk $0xffff, v2  }
0xf8: {  	[tilespmem:s8+$0x0] =	vst.add.f32.msk $0xffff, v2  }
0xf9: {  	s10 =	sor.u32 $0x6380, s19;
	[tilespmem:s21+$0x0] =	vst.add.f32.msk $0xffff, v2  }
0xfa: {  	s15 =	sadd.s32 $0x2, s15;
	s16 =	sor.u32 $0x8380, s19;
	s7 =	sor.u32 s18, s10;
	[tilespmem:s9+$0x4000] =	vst.add.f32.msk $0xffff, v1  }
0xfb: {  	s19 =	sor.u32 $0xA380, s19;
	s22 =	sor.u32 s13, s10;
	s21 =	sor.u32 s18, s16;
	[tilespmem:s7+$0x0] =	vst.add.f32.msk $0xffff, v1  }
0xfc: {  	s8 =	sor.u32 s13, s19;
	s9 =	sor.u32 s13, s16;
	s13 =	sor.u32 s18, s19;
	[tilespmem:s21+$0x0] =	vst.add.f32.msk $0xffff, v1  }
0xfd: {  	p0 =	slt.u32 s15, $0x3E;
	[tilespmem:s13+$0x0] =	vst.add.f32.msk $0xffff, v1  }
.Ltmp0:
0xfe: {  	s16 =	rddreg [dreg:$0xb];
	v1 =	vld [tilespmem:s29+$0x200];
	(pc) =	sbr.rel @p0 .LBB2_2-.Ltmp0, $4  }
0xff: {  	s18 =	smov.u32 s11;
	s19 =	rddreg [dreg:$0xd];
	[tilespmem:s4+$0x0] =	vst.add.f32.msk $0xffff, v4  }
0x100: {  	[dreg:$0xb] =	wrdreg s18;
	s21 =	smov.u32 s14;
	v2 =	vld [tilespmem:s3+$0x0]  }
0x101: {  	s12 =	sadd.s32 $0x20, s12;
	s11 =	smov.u32 s9;
	[dreg:$0xd] =	wrdreg s21;
	[tilespmem:s16+$0x0] =	vst.add.f32.msk $0xffff, v0  }
0x102: {  	s14 =	smov.u32 s8;
	s4 =	smov.u32 s5;
	s5 =	rddreg [dreg:$0x14];
	[tilespmem:s19+$0x0] =	vst.add.f32.msk $0xffff, v0  }
0x103: {  	[tilespmem:s6+$0x0] =	vst.add.f32.msk $0xffff, v1  }
0x104: {  	[tilespmem:s24+$0x0] =	vst.add.f32.msk $0xffff, v1  }
0x105: {  	[tilespmem:s25+$0x0] =	vst.add.f32.msk $0xffff, v1  }
0x106: {  	[tilespmem:s17+$0x0] =	vst.add.f32.msk $0xffff, v1  }
0x107: {  	v0 =	vld [tilespmem:s29+$0x280];
	_ =	sdelay $0x4  }
0x108: {  	[tilespmem:s31+$0x0] =	vst.add.f32.msk $0xffff, v0  }
0x109: {  	[tilespmem:s23+$0x0] =	vst.add.f32.msk $0xffff, v0  }
0x10a: {  	[tilespmem:s30+$0x0] =	vst.add.f32.msk $0xffff, v0  }
0x10b: {  	[tilespmem:s20+$0x0] =	vst.add.f32.msk $0xffff, v0  }
0x10c: {  	v0 =	vld [tilespmem:s1+$0x0];
	_ =	sdelay $0x3  }
0x10d: {  	[tilespmem:s3+$0x4000] =	vst.add.f32.msk $0xffff, v2  }
0x10e: {  	[tilespmem:s1+$0x4000] =	vst.add.f32.msk $0xffff, v0  }
0x10f: {  	[tilespmem:s26+$0x0] =	vst.add.f32.msk $0xffff, v0  }
0x110: {  	[tilespmem:s2+$0x0] =	vst.add.f32.msk $0xffff, v0  }
0x111: {  	[tilespmem:s4+$0x0] =	vst.add.f32.msk $0xffff, v0  }
0x112: {  	v0 =	vld [tilespmem:s5+$0x0];
	s0 =	rddreg [dreg:$0xa]  }
0x113: {  	[tilespmem:s0+$0x0] =	vst.add.f32.msk $0xffff, v2  }
0x114: {  	s0 =	rddreg [dreg:$0xb]  }
0x115: {  	[tilespmem:s0+$0x0] =	vst.add.f32.msk $0xffff, v2  }
0x116: {  	s0 =	rddreg [dreg:$0xd]  }
0x117: {  	[tilespmem:s0+$0x0] =	vst.add.f32.msk $0xffff, v2  }
0x118: {  	[tilespmem:s5+$0x4000] =	vst.add.f32.msk $0xffff, v0  }
0x119: {  	[tilespmem:s22+$0x0] =	vst.add.f32.msk $0xffff, v0  }
0x11a: {  	[tilespmem:s11+$0x0] =	vst.add.f32.msk $0xffff, v0  }
0x11b: {  	s3 =	simm.s32 $0x4000;
	[tilespmem:s14+$0x0] =	vst.add.f32.msk $0xffff, v0  }
0x11c: {  	s1 =	simm.s32 $0x2000;
	s2 =	simm.s32 $0x800000;
	s0 =	rddreg [dreg:$0x1f]  }
0x11d: {  	[hbm4b:s0+s1] =	stream.strided.scatter [tilespmem:s3], [sflag:$0x5], $0x8000, s2, s1, $0x38;
	[tilespmem:$0x14000] =	vst v63  }
0x11e: {  	s0 =	simm.s32 $0x0  }
.LBB2_4:
0x11f: {  	[smem:$0x7F3] =	sst s0;
	s4 =	simm.s32 $0x5  }
0x120: {  	_ =	swait.ge [sflag:s4], $0x8000  }
0x121: {  	s13 =	sld [smem:$0x7FA];
	_ =	sdelay $0x1  }
0x122: {  	s5 =	sshll.u32 s0, $0x4;
	[sflag:s4] =	ssyncset.done $0x0  }
0x123: {  	[smem:$0x7F4] =	sst s5;
	[sflag:s4] =	ssyncadd.s32 $0xFFFF8000;
	s0 =	sadd.s32 s5, s13  }
0x124: {  	s14 =	rddreg [dreg:$0x1];
	s6 =	sshll.u32 s0, $0x7  }
0x125: {  	s15 =	simm.s32 $0x0;
	s16 =	rddreg [dreg:$0x0];
	s0 =	sadd.s32 s14, s6  }
0x126: {  	[tilespmem:s15], [sflag:$0x1] =	stream.linear.gather [hbm4b:s0+s15], $0x2000, $0x38;
	[tilespmem:$0x14000] =	vst v63  }
0x127: {  	s17 =	simm.s32 $0x2;
	[smem:$0x7F5] =	sst s6;
	s0 =	sadd.s32 s16, s6  }
0x128: {  	[tilespmem:s3], [sflag:$0x3] =	stream.strided.gather [hbm4b:s0+s1], $0x8000, s2, s1, $0x38;
	[tilespmem:$0x14000] =	vst v63  }
0x129: {  	_ =	swait.ge [sflag:s17], $0x2000  }
0x12a: {  	[sflag:s17] =	ssyncset.done $0x0  }
0x12b: {  	s18 =	simm.s32 $0x4;
	[sflag:s17] =	ssyncadd.s32 $0xFFFFE000  }
0x12c: {  	s3 =	sand.u32 $0x60, s15;
	s2 =	sand.u32 $0x1C00, s15;
	_ =	swait.ge [sflag:s18], $0x8000  }
0x12d: {  	s19 =	sor.u32 $0x2000, s2;
	s1 =	sor.u32 $0x10, s3;
	[sflag:s18] =	ssyncset.done $0x0  }
0x12e: {  	s20 =	sor.u32 s1, s19;
	[sflag:s18] =	ssyncadd.s32 $0xFFFF8000  }
0x12f: {  	v0 =	vld [tilespmem:s20+$0x0];
	_ =	sdelay $0x2  }
0x130: {  	s21 =	sor.u32 $0xC000, s2;
	s0 =	sor.u32 s3, s19  }
0x131: {  	s22 =	sor.u32 $0xE000, s2;
	s23 =	sor.u32 s1, s21;
	v1 =	vld [tilespmem:s0+$0x0]  }
0x132: {  	s24 =	sor.u32 $0x10000, s2;
	s25 =	sor.u32 s1, s22;
	[tilespmem:s23+$0x0] =	vst.add.f32.msk $0xffff, v0  }
0x133: {  	s7 =	sor.u32 $0x12000, s2;
	s26 =	sor.u32 s1, s24;
	[tilespmem:s25+$0x0] =	vst.add.f32.msk $0xffff, v0  }
0x134: {  	s8 =	sor.u32 $0x2080, s2;
	s29 =	sor.u32 s1, s7;
	[tilespmem:s26+$0x0] =	vst.add.f32.msk $0xffff, v0  }
0x135: {  	s30 =	sor.u32 s1, s8;
	[tilespmem:s29+$0x0] =	vst.add.f32.msk $0xffff, v0  }
0x136: {  	v0 =	vld [tilespmem:s30+$0x0];
	_ =	sdelay $0x2  }
0x137: {  	s9 =	sor.u32 $0xC080, s2;
	s4 =	sor.u32 s3, s21  }
0x138: {  	s13 =	sor.u32 $0xE080, s2;
	s31 =	sor.u32 s1, s9;
	[tilespmem:s4+$0x0] =	vst.add.f32.msk $0xffff, v1  }
0x139: {  	s14 =	sor.u32 $0x10080, s2;
	s5 =	sor.u32 s1, s13;
	[tilespmem:s31+$0x0] =	vst.add.f32.msk $0xffff, v0  }
0x13a: {  	s15 =	sor.u32 $0x12080, s2;
	s10 =	sor.u32 s1, s14;
	[tilespmem:s5+$0x0] =	vst.add.f32.msk $0xffff, v0  }
0x13b: {  	s16 =	sor.u32 $0x2100, s2;
	s11 =	sor.u32 s1, s15;
	[tilespmem:s10+$0x0] =	vst.add.f32.msk $0xffff, v0  }
0x13c: {  	s12 =	sor.u32 s1, s16;
	[tilespmem:s11+$0x0] =	vst.add.f32.msk $0xffff, v0  }
0x13d: {  	s0 =	sor.u32 s3, s22;
	v0 =	vld [tilespmem:s12+$0x0]  }
0x13e: {  	s17 =	sor.u32 s3, s24;
	[tilespmem:s0+$0x0] =	vst.add.f32.msk $0xffff, v1  }
0x13f: {  	s18 =	sor.u32 s3, s7;
	[tilespmem:s17+$0x0] =	vst.add.f32.msk $0xffff, v1  }
0x140: {  	s19 =	sor.u32 s3, s8;
	s8 =	sor.u32 $0xC100, s2;
	[tilespmem:s18+$0x0] =	vst.add.f32.msk $0xffff, v1  }
0x141: {  	s20 =	sor.u32 s1, s8;
	s0 =	sor.u32 $0xE100, s2;
	v1 =	vld [tilespmem:s19+$0x0]  }
0x142: {  	s21 =	sor.u32 s1, s0;
	s5 =	sor.u32 $0x10100, s2;
	[tilespmem:s20+$0x0] =	vst.add.f32.msk $0xffff, v0  }
0x143: {  	s6 =	sor.u32 $0x12100, s2;
	s22 =	sor.u32 s1, s5;
	[tilespmem:s21+$0x0] =	vst.add.f32.msk $0xffff, v0  }
0x144: {  	s7 =	sor.u32 $0x2180, s2;
	s23 =	sor.u32 s1, s6;
	[tilespmem:s22+$0x0] =	vst.add.f32.msk $0xffff, v0  }
0x145: {  	s24 =	sor.u32 s1, s7;
	[tilespmem:s23+$0x0] =	vst.add.f32.msk $0xffff, v0  }
0x146: {  	v0 =	vld [tilespmem:s24+$0x0];
	_ =	sdelay $0x2  }
0x147: {  	s9 =	sor.u32 s3, s9;
	s4 =	sor.u32 $0xC180, s2  }
0x148: {  	[tilespmem:s9+$0x0] =	vst.add.f32.msk $0xffff, v1;
	s9 =	sor.u32 $0xE180, s2;
	s11 =	sor.u32 s1, s4  }
0x149: {  	s10 =	sor.u32 $0x10180, s2;
	s12 =	sor.u32 s1, s9;
	[tilespmem:s11+$0x0] =	vst.add.f32.msk $0xffff, v0  }
0x14a: {  	s17 =	sor.u32 s1, s10;
	s11 =	sor.u32 $0x12180, s2;
	[tilespmem:s12+$0x0] =	vst.add.f32.msk $0xffff, v0  }
0x14b: {  	s12 =	sor.u32 $0x2200, s2;
	s25 =	sor.u32 s1, s11;
	[tilespmem:s17+$0x0] =	vst.add.f32.msk $0xffff, v0  }
0x14c: {  	s26 =	sor.u32 s1, s12;
	[tilespmem:s25+$0x0] =	vst.add.f32.msk $0xffff, v0  }
0x14d: {  	s13 =	sor.u32 s3, s13;
	v0 =	vld [tilespmem:s26+$0x0]  }
0x14e: {  	s14 =	sor.u32 s3, s14;
	[tilespmem:s13+$0x0] =	vst.add.f32.msk $0xffff, v1  }
0x14f: {  	s29 =	sor.u32 s3, s15;
	[tilespmem:s14+$0x0] =	vst.add.f32.msk $0xffff, v1  }
0x150: {  	s18 =	sor.u32 $0xC200, s2;
	s30 =	sor.u32 s3, s16;
	[tilespmem:s29+$0x0] =	vst.add.f32.msk $0xffff, v1  }
0x151: {  	s31 =	sor.u32 s1, s18;
	v1 =	vld [tilespmem:s30+$0x0];
	s21 =	sor.u32 $0xE200, s2  }
0x152: {  	s22 =	sor.u32 $0x10200, s2;
	s14 =	sor.u32 s1, s21;
	[tilespmem:s31+$0x0] =	vst.add.f32.msk $0xffff, v0  }
0x153: {  	s20 =	sor.u32 $0x12200, s2;
	s15 =	sor.u32 s1, s22;
	[tilespmem:s14+$0x0] =	vst.add.f32.msk $0xffff, v0  }
0x154: {  	s19 =	sor.u32 $0x2280, s2;
	s16 =	sor.u32 s1, s20;
	[tilespmem:s15+$0x0] =	vst.add.f32.msk $0xffff, v0  }
0x155: {  	s17 =	sor.u32 s1, s19;
	[tilespmem:s16+$0x0] =	vst.add.f32.msk $0xffff, v0  }
0x156: {  	v0 =	vld [tilespmem:s17+$0x0];
	_ =	sdelay $0x2  }
0x157: {  	s8 =	sor.u32 s3, s8;
	s16 =	sor.u32 $0xC280, s2  }
0x158: {  	[tilespmem:s8+$0x0] =	vst.add.f32.msk $0xffff, v1;
	s17 =	sor.u32 $0xE280, s2;
	s23 =	sor.u32 s1, s16  }
0x159: {  	s15 =	sor.u32 $0x10280, s2;
	s24 =	sor.u32 s1, s17;
	[tilespmem:s23+$0x0] =	vst.add.f32.msk $0xffff, v0  }
0x15a: {  	s13 =	sor.u32 $0x12280, s2;
	s25 =	sor.u32 s1, s15;
	[tilespmem:s24+$0x0] =	vst.add.f32.msk $0xffff, v0  }
0x15b: {  	s26 =	sor.u32 s1, s13;
	s14 =	sor.u32 $0x2300, s2;
	[tilespmem:s25+$0x0] =	vst.add.f32.msk $0xffff, v0  }
0x15c: {  	s29 =	sor.u32 s1, s14;
	[tilespmem:s26+$0x0] =	vst.add.f32.msk $0xffff, v0  }
0x15d: {  	s0 =	sor.u32 s3, s0;
	v0 =	vld [tilespmem:s29+$0x0]  }
0x15e: {  	s5 =	sor.u32 s3, s5;
	[tilespmem:s0+$0x0] =	vst.add.f32.msk $0xffff, v1  }
0x15f: {  	s30 =	sor.u32 s3, s6;
	[tilespmem:s5+$0x0] =	vst.add.f32.msk $0xffff, v1  }
0x160: {  	s6 =	sor.u32 $0xC300, s2;
	[tilespmem:s30+$0x0] =	vst.add.f32.msk $0xffff, v1;
	s31 =	sor.u32 s3, s7  }
0x161: {  	s5 =	sor.u32 s1, s6;
	s7 =	sor.u32 $0xE300, s2;
	v1 =	vld [tilespmem:s31+$0x0]  }
0x162: {  	s23 =	sor.u32 s1, s7;
	[tilespmem:s5+$0x0] =	vst.add.f32.msk $0xffff, v0  }
0x163: {  	s8 =	sor.u32 $0x10300, s2;
	s24 =	sor.u32 $0x2380, s2;
	[tilespmem:s23+$0x0] =	vst.add.f32.msk $0xffff, v0  }
0x164: {  	s23 =	sor.u32 s1, s8;
	[smem:$0x7F6] =	sst s24  }
0x165: {  	s4 =	sor.u32 s3, s4;
	s5 =	sor.u32 $0x12300, s2;
	[tilespmem:s23+$0x0] =	vst.add.f32.msk $0xffff, v0  }
0x166: {  	s25 =	sor.u32 s1, s5;
	[tilespmem:s4+$0x0] =	vst.add.f32.msk $0xffff, v1  }
0x167: {  	s9 =	sor.u32 s3, s9;
	s30 =	sor.u32 s3, s11;
	s11 =	sor.u32 $0x10380, s2;
	[tilespmem:s25+$0x0] =	vst.add.f32.msk $0xffff, v0  }
0x168: {  	s26 =	sor.u32 s1, s24;
	s29 =	sor.u32 s3, s10;
	s10 =	sor.u32 $0xC380, s2;
	[tilespmem:s9+$0x0] =	vst.add.f32.msk $0xffff, v1  }
0x169: {  	s31 =	sor.u32 s3, s12;
	s12 =	sor.u32 $0x12380, s2;
	s0 =	sor.u32 s1, s10;
	v0 =	vld [tilespmem:s26+$0x0]  }
0x16a: {  	s24 =	sor.u32 s1, s11;
	s9 =	sor.u32 $0xE380, s2;
	s25 =	simm.s32 $0x100;
	[tilespmem:s29+$0x0] =	vst.add.f32.msk $0xffff, v1  }
0x16b: {  	s23 =	sor.u32 s1, s9;
	s26 =	simm.s32 $0x20;
	s4 =	sand.u32 $0x1C00, s25;
	[tilespmem:s30+$0x0] =	vst.add.f32.msk $0xffff, v1  }
0x16c: {  	s29 =	sor.u32 s1, s12;
	s1 =	sand.u32 $0x60, s26;
	v1 =	vld [tilespmem:s31+$0x0];
	s31 =	sor.u32 $0x2000, s4  }
0x16d: {  	s2 =	sor.u32 s1, s31  }
0x16e: {  	v2 =	vld [tilespmem:s2+$0x0]  }
0x16f: {  	[tilespmem:s0+$0x0] =	vst.add.f32.msk $0xffff, v0  }
0x170: {  	[tilespmem:s23+$0x0] =	vst.add.f32.msk $0xffff, v0  }
0x171: {  	s30 =	sor.u32 s3, s18;
	s18 =	sor.u32 $0x10, s1;
	[tilespmem:s24+$0x0] =	vst.add.f32.msk $0xffff, v0  }
0x172: {  	s0 =	sor.u32 s18, s31;
	[tilespmem:s29+$0x0] =	vst.add.f32.msk $0xffff, v0  }
0x173: {  	v0 =	vld [tilespmem:s0+$0x0]  }
0x174: {  	s21 =	sor.u32 s3, s21;
	[tilespmem:s30+$0x0] =	vst.add.f32.msk $0xffff, v1  }
0x175: {  	s22 =	sor.u32 s3, s22;
	[tilespmem:s21+$0x0] =	vst.add.f32.msk $0xffff, v1  }
0x176: {  	s20 =	sor.u32 s3, s20;
	[tilespmem:s22+$0x0] =	vst.add.f32.msk $0xffff, v1;
	s22 =	sor.u32 $0xC000, s4  }
0x177: {  	s25 =	sor.u32 $0xE000, s4;
	[tilespmem:s20+$0x0] =	vst.add.f32.msk $0xffff, v1;
	s26 =	sor.u32 s18, s22  }
0x178: {  	s30 =	sor.u32 s18, s25;
	s29 =	sor.u32 $0x10000, s4;
	[tilespmem:s26+$0x0] =	vst.add.f32.msk $0xffff, v0  }
0x179: {  	s23 =	sor.u32 $0x12000, s4;
	s31 =	sor.u32 s18, s29;
	[tilespmem:s30+$0x0] =	vst.add.f32.msk $0xffff, v0  }
0x17a: {  	s24 =	sor.u32 s18, s23;
	s21 =	sor.u32 $0x2080, s4;
	[tilespmem:s31+$0x0] =	vst.add.f32.msk $0xffff, v0  }
0x17b: {  	s0 =	sor.u32 s18, s21;
	[tilespmem:s24+$0x0] =	vst.add.f32.msk $0xffff, v0  }
0x17c: {  	s19 =	sor.u32 s3, s19;
	v0 =	vld [tilespmem:s0+$0x0]  }
0x17d: {  	s2 =	sor.u32 s1, s22;
	v1 =	vld [tilespmem:s19+$0x0]  }
0x17e: {  	s20 =	sor.u32 s1, s25;
	[tilespmem:s2+$0x0] =	vst.add.f32.msk $0xffff, v2  }
0x17f: {  	s22 =	sor.u32 s1, s29;
	s19 =	sor.u32 $0xC080, s4;
	[tilespmem:s20+$0x0] =	vst.add.f32.msk $0xffff, v2  }
0x180: {  	s2 =	sor.u32 $0xE080, s4;
	[tilespmem:s22+$0x0] =	vst.add.f32.msk $0xffff, v2;
	s24 =	sor.u32 s18, s19  }
0x181: {  	s25 =	sor.u32 s18, s2;
	s22 =	sor.u32 $0x10080, s4;
	[tilespmem:s24+$0x0] =	vst.add.f32.msk $0xffff, v0  }
0x182: {  	s26 =	sor.u32 s18, s22;
	s24 =	sor.u32 $0x12080, s4;
	[tilespmem:s25+$0x0] =	vst.add.f32.msk $0xffff, v0  }
0x183: {  	s25 =	sor.u32 $0x2100, s4;
	s29 =	sor.u32 s18, s24;
	[tilespmem:s26+$0x0] =	vst.add.f32.msk $0xffff, v0  }
0x184: {  	s30 =	sor.u32 s18, s25;
	[tilespmem:s29+$0x0] =	vst.add.f32.msk $0xffff, v0  }
0x185: {  	s31 =	sor.u32 s1, s23;
	v0 =	vld [tilespmem:s30+$0x0]  }
0x186: {  	s16 =	sor.u32 s3, s16;
	[tilespmem:s31+$0x0] =	vst.add.f32.msk $0xffff, v2  }
0x187: {  	s17 =	sor.u32 s3, s17;
	[tilespmem:s16+$0x0] =	vst.add.f32.msk $0xffff, v1  }
0x188: {  	s0 =	sor.u32 s1, s21;
	[tilespmem:s17+$0x0] =	vst.add.f32.msk $0xffff, v1;
	s26 =	sor.u32 $0xC100, s4  }
0x189: {  	s28 =	sor.u32 $0xE100, s4;
	v2 =	vld [tilespmem:s0+$0x0];
	s17 =	sor.u32 s18, s26  }
0x18a: {  	s20 =	sor.u32 s18, s28;
	s29 =	sor.u32 $0x10100, s4;
	[tilespmem:s17+$0x0] =	vst.add.f32.msk $0xffff, v0  }
0x18b: {  	s30 =	sor.u32 $0x12100, s4;
	s21 =	sor.u32 s18, s29;
	[tilespmem:s20+$0x0] =	vst.add.f32.msk $0xffff, v0  }
0x18c: {  	s23 =	sor.u32 s18, s30;
	s20 =	sor.u32 $0x2180, s4;
	[tilespmem:s21+$0x0] =	vst.add.f32.msk $0xffff, v0  }
0x18d: {  	s31 =	sor.u32 s18, s20;
	[tilespmem:s23+$0x0] =	vst.add.f32.msk $0xffff, v0  }
0x18e: {  	s15 =	sor.u32 s3, s15;
	v0 =	vld [tilespmem:s31+$0x0]  }
0x18f: {  	[tilespmem:s15+$0x0] =	vst.add.f32.msk $0xffff, v1;
	s0 =	sor.u32 s1, s19  }
0x190: {  	s2 =	sor.u32 s1, s2;
	[tilespmem:s0+$0x0] =	vst.add.f32.msk $0xffff, v2  }
0x191: {  	s16 =	sor.u32 s1, s22;
	[tilespmem:s2+$0x0] =	vst.add.f32.msk $0xffff, v2;
	s2 =	sor.u32 $0xC180, s4  }
0x192: {  	s15 =	sor.u32 $0xE180, s4;
	[tilespmem:s16+$0x0] =	vst.add.f32.msk $0xffff, v2;
	s17 =	sor.u32 s18, s2  }
0x193: {  	s19 =	sor.u32 s18, s15;
	s16 =	sor.u32 $0x10180, s4;
	[tilespmem:s17+$0x0] =	vst.add.f32.msk $0xffff, v0  }
0x194: {  	s21 =	sor.u32 s18, s16;
	s17 =	sor.u32 $0x12180, s4;
	[tilespmem:s19+$0x0] =	vst.add.f32.msk $0xffff, v0  }
0x195: {  	s19 =	sor.u32 $0x2200, s4;
	s22 =	sor.u32 s18, s17;
	[tilespmem:s21+$0x0] =	vst.add.f32.msk $0xffff, v0  }
0x196: {  	s23 =	sor.u32 s18, s19;
	[tilespmem:s22+$0x0] =	vst.add.f32.msk $0xffff, v0  }
0x197: {  	s13 =	sor.u32 s3, s13;
	v0 =	vld [tilespmem:s23+$0x0]  }
0x198: {  	s14 =	sor.u32 s3, s14;
	[tilespmem:s13+$0x0] =	vst.add.f32.msk $0xffff, v1  }
0x199: {  	v3 =	vld [tilespmem:s14+$0x0];
	s31 =	sor.u32 s1, s24  }
0x19a: {  	s13 =	sor.u32 $0xC200, s4;
	s0 =	sor.u32 s1, s25;
	[tilespmem:s31+$0x0] =	vst.add.f32.msk $0xffff, v2  }
0x19b: {  	s25 =	sor.u32 $0xE200, s4;
	v2 =	vld [tilespmem:s0+$0x0];
	s22 =	sor.u32 s18, s13  }
0x19c: {  	s21 =	sor.u32 $0x10200, s4;
	s23 =	sor.u32 s18, s25;
	[tilespmem:s22+$0x0] =	vst.add.f32.msk $0xffff, v0  }
0x19d: {  	s24 =	sor.u32 s18, s21;
	s22 =	sor.u32 $0x12200, s4;
	[tilespmem:s23+$0x0] =	vst.add.f32.msk $0xffff, v0  }
0x19e: {  	s23 =	sor.u32 $0x2280, s4;
	s31 =	sor.u32 s18, s22;
	[tilespmem:s24+$0x0] =	vst.add.f32.msk $0xffff, v0  }
0x19f: {  	s0 =	sor.u32 s18, s23;
	[tilespmem:s31+$0x0] =	vst.add.f32.msk $0xffff, v0  }
0x1a0: {  	s14 =	sor.u32 s1, s26;
	v0 =	vld [tilespmem:s0+$0x0]  }
0x1a1: {  	s26 =	sor.u32 s1, s28;
	[tilespmem:s14+$0x0] =	vst.add.f32.msk $0xffff, v2  }
0x1a2: {  	[tilespmem:s26+$0x0] =	vst.add.f32.msk $0xffff, v2;
	s31 =	sor.u32 s1, s29  }
0x1a3: {  	[tilespmem:s31+$0x0] =	vst.add.f32.msk $0xffff, v2;
	s0 =	sor.u32 s1, s30;
	s30 =	sor.u32 $0xC280, s4  }
0x1a4: {  	s31 =	sor.u32 $0xE280, s4;
	[tilespmem:s0+$0x0] =	vst.add.f32.msk $0xffff, v2;
	s14 =	sor.u32 s18, s30  }
0x1a5: {  	s29 =	sor.u32 $0x10280, s4;
	s26 =	sor.u32 s18, s31;
	[tilespmem:s14+$0x0] =	vst.add.f32.msk $0xffff, v0  }
0x1a6: {  	s0 =	sor.u32 s18, s29;
	[tilespmem:s26+$0x0] =	vst.add.f32.msk $0xffff, v0;
	s26 =	sor.u32 $0x12280, s4  }
0x1a7: {  	[tilespmem:s0+$0x0] =	vst.add.f32.msk $0xffff, v0;
	s0 =	sor.u32 $0x2300, s4;
	s14 =	sor.u32 s18, s26  }
0x1a8: {  	[tilespmem:s14+$0x0] =	vst.add.f32.msk $0xffff, v0;
	s14 =	sor.u32 s18, s0  }
0x1a9: {  	v0 =	vld [tilespmem:s14+$0x0]  }
0x1aa: {  	s6 =	sor.u32 s3, s6  }
0x1ab: {  	s7 =	sor.u32 s3, s7;
	[tilespmem:s6+$0x0] =	vst.add.f32.msk $0xffff, v3  }
0x1ac: {  	s8 =	sor.u32 s3, s8;
	[tilespmem:s7+$0x0] =	vst.add.f32.msk $0xffff, v3;
	s7 =	sor.u32 $0xC300, s4  }
0x1ad: {  	[tilespmem:s8+$0x0] =	vst.add.f32.msk $0xffff, v3;
	s14 =	sor.u32 s18, s7  }
0x1ae: {  	s5 =	sor.u32 s3, s5;
	s6 =	sor.u32 $0xE300, s4;
	s20 =	sor.u32 s1, s20;
	[tilespmem:s14+$0x0] =	vst.add.f32.msk $0xffff, v0  }
0x1af: {  	v1 =	vld [tilespmem:s20+$0x0];
	s20 =	sor.u32 s18, s6;
	[smem:$0x7F7] =	sst s5  }
0x1b0: {  	[tilespmem:s20+$0x0] =	vst.add.f32.msk $0xffff, v0  }
0x1b1: {  	s8 =	sld [smem:$0x7F6];
	_ =	sdelay $0x2  }
0x1b2: {  	s5 =	sor.u32 $0x10300, s4;
	s8 =	sor.u32 s3, s8  }
0x1b3: {  	s24 =	sor.u32 s18, s5;
	[smem:$0x7F8] =	sst s8  }
0x1b4: {  	s14 =	sor.u32 s3, s10;
	s20 =	sor.u32 $0x12300, s4;
	[tilespmem:s24+$0x0] =	vst.add.f32.msk $0xffff, v0  }
0x1b5: {  	s24 =	sor.u32 s18, s20;
	[dreg:$0x6] =	wrdreg s14  }
0x1b6: {  	s10 =	sor.u32 s3, s9;
	s8 =	sor.u32 s3, s11;
	[tilespmem:s24+$0x0] =	vst.add.f32.msk $0xffff, v0  }
0x1b7: {  	s3 =	sor.u32 s3, s12;
	s14 =	sor.u32 $0x2380, s4;
	[dreg:$0x8] =	wrdreg s10  }
0x1b8: {  	s24 =	sor.u32 s18, s14;
	[dreg:$0x4] =	wrdreg s3  }
0x1b9: {  	s2 =	sor.u32 s1, s2;
	v0 =	vld [tilespmem:s24+$0x0]  }
0x1ba: {  	s9 =	sor.u32 s1, s15;
	[tilespmem:s2+$0x0] =	vst.add.f32.msk $0xffff, v1  }
0x1bb: {  	s11 =	sor.u32 s1, s16;
	[tilespmem:s9+$0x0] =	vst.add.f32.msk $0xffff, v1  }
0x1bc: {  	s12 =	sor.u32 s1, s17;
	s2 =	sor.u32 $0xC380, s4;
	[tilespmem:s11+$0x0] =	vst.add.f32.msk $0xffff, v1  }
0x1bd: {  	s28 =	sor.u32 s1, s23;
	s3 =	sor.u32 $0xE380, s4;
	s15 =	sor.u32 s18, s2;
	[tilespmem:s12+$0x0] =	vst.add.f32.msk $0xffff, v1  }
0x1be: {  	s10 =	sor.u32 s1, s19;
	s19 =	sor.u32 $0x10380, s4;
	s23 =	sor.u32 s18, s3;
	[tilespmem:s15+$0x0] =	vst.add.f32.msk $0xffff, v0  }
0x1bf: {  	s4 =	sor.u32 $0x12380, s4;
	[tilespmem:s23+$0x0] =	vst.add.f32.msk $0xffff, v0;
	s23 =	sor.u32 s1, s29;
	s29 =	sor.u32 s18, s19  }
0x1c0: {  	s16 =	sor.u32 s1, s21;
	s21 =	sor.u32 s1, s30;
	s30 =	sor.u32 s18, s4;
	[tilespmem:s29+$0x0] =	vst.add.f32.msk $0xffff, v0  }
0x1c1: {  	s25 =	sor.u32 s1, s25;
	s5 =	sor.u32 s1, s5;
	[tilespmem:s30+$0x0] =	vst.add.f32.msk $0xffff, v0  }
0x1c2: {  	s17 =	sor.u32 s1, s22;
	s22 =	sor.u32 s1, s31;
	s31 =	sld [smem:$0x7F7]  }
0x1c3: {  	s14 =	sor.u32 s1, s14;
	s24 =	sor.u32 s1, s13;
	s13 =	sor.u32 s1, s0  }
0x1c4: {  	s0 =	sor.u32 s1, s2;
	s2 =	sor.u32 s1, s4;
	s11 =	sor.u32 s1, s6;
	v1 =	vld [tilespmem:s10+$0x0]  }
0x1c5: {  	s6 =	sor.u32 s1, s19;
	s12 =	sor.u32 s1, s26;
	s10 =	sor.u32 s1, s20;
	[tilespmem:s31+$0x0] =	vst.add.f32.msk $0xffff, v3  }
0x1c6: {  	s20 =	sor.u32 s1, s3;
	s15 =	sor.u32 s1, s7;
	s1 =	sld [smem:$0x7F8]  }
0x1c7: {  	_ =	sdelay $0x1  }
0x1c8: {  	v2 =	vld [tilespmem:s1+$0x0]  }
0x1c9: {  	s4 =	simm.s32 $0x40;
	s26 =	simm.s32 $0x2;
	s1 =	simm.s32 $0x200  }
.LBB2_5:
0x1ca: {  	[dreg:$0x11] =	wrdreg s6;
	s6 =	sand.u32 $0x60, s4;
	s19 =	sand.u32 $0x1C00, s1;
	[tilespmem:s24+$0x0] =	vst.add.f32.msk $0xffff, v1  }
0x1cb: {  	s18 =	sor.u32 $0x10, s6;
	s24 =	sor.u32 $0x2000, s19;
	[tilespmem:s25+$0x0] =	vst.add.f32.msk $0xffff, v1  }
0x1cc: {  	s3 =	smov.u32 s2;
	s2 =	sor.u32 s18, s24;
	[tilespmem:s16+$0x0] =	vst.add.f32.msk $0xffff, v1  }
0x1cd: {  	s25 =	sor.u32 s6, s24;
	v0 =	vmov v2;
	v2 =	vld [tilespmem:s2+$0x0]  }
0x1ce: {  	v3 =	vld [tilespmem:s25+$0x0]  }
0x1cf: {  	[tilespmem:s17+$0x0] =	vst.add.f32.msk $0xffff, v1  }
0x1d0: {  	s9 =	rddreg [dreg:$0x6];
	s29 =	sor.u32 $0xC000, s19;
	v1 =	vld [tilespmem:s28+$0x0]  }
0x1d1: {  	[dreg:$0xf] =	wrdreg s3;
	s7 =	sor.u32 $0xE000, s19;
	s2 =	sor.u32 s18, s29;
	[tilespmem:s9+$0x0] =	vst.add.f32.msk $0xffff, v0  }
0x1d2: {  	s30 =	sor.u32 $0x10000, s19;
	s3 =	sor.u32 s6, s29;
	s31 =	sor.u32 s18, s7;
	[tilespmem:s2+$0x0] =	vst.add.f32.msk $0xffff, v2  }
0x1d3: {  	s16 =	sor.u32 s6, s7;
	s25 =	sor.u32 s18, s30;
	s9 =	sor.u32 $0x12000, s19;
	[tilespmem:s31+$0x0] =	vst.add.f32.msk $0xffff, v2  }
0x1d4: {  	s7 =	sor.u32 s6, s30;
	s29 =	sor.u32 $0x2080, s19;
	s30 =	sor.u32 s18, s9;
	[tilespmem:s25+$0x0] =	vst.add.f32.msk $0xffff, v2  }
0x1d5: {  	s31 =	sor.u32 s18, s29;
	[tilespmem:s30+$0x0] =	vst.add.f32.msk $0xffff, v2  }
0x1d6: {  	v2 =	vld [tilespmem:s31+$0x0]  }
0x1d7: {  	[tilespmem:s3+$0x0] =	vst.add.f32.msk $0xffff, v3  }
0x1d8: {  	s24 =	sor.u32 s6, s29;
	[tilespmem:s16+$0x0] =	vst.add.f32.msk $0xffff, v3  }
0x1d9: {  	s17 =	sor.u32 s6, s9;
	s29 =	sor.u32 $0xC080, s19;
	s25 =	smov.u32 s0;
	[tilespmem:s7+$0x0] =	vst.add.f32.msk $0xffff, v3  }
0x1da: {  	s2 =	sor.u32 s6, s29;
	s0 =	sor.u32 s18, s29;
	s30 =	sor.u32 $0xE080, s19;
	[tilespmem:s17+$0x0] =	vst.add.f32.msk $0xffff, v3  }
0x1db: {  	s16 =	sor.u32 $0x12080, s19;
	s31 =	sor.u32 $0x10080, s19;
	s9 =	sor.u32 s18, s30;
	[tilespmem:s0+$0x0] =	vst.add.f32.msk $0xffff, v2  }
0x1dc: {  	[dreg:$0x6] =	wrdreg s25;
	s17 =	sor.u32 s6, s30;
	s29 =	sor.u32 s18, s31;
	[tilespmem:s9+$0x0] =	vst.add.f32.msk $0xffff, v2  }
0x1dd: {  	s30 =	sor.u32 $0x2100, s19;
	s25 =	sor.u32 s6, s31;
	s31 =	sor.u32 s18, s16;
	[tilespmem:s29+$0x0] =	vst.add.f32.msk $0xffff, v2  }
0x1de: {  	s3 =	sor.u32 s18, s30;
	[tilespmem:s31+$0x0] =	vst.add.f32.msk $0xffff, v2  }
0x1df: {  	v2 =	vld [tilespmem:s3+$0x0]  }
0x1e0: {  	v3 =	vld [tilespmem:s24+$0x0]  }
0x1e1: {  	[tilespmem:s21+$0x0] =	vst.add.f32.msk $0xffff, v1  }
0x1e2: {  	s7 =	sor.u32 $0xC100, s19;
	[tilespmem:s22+$0x0] =	vst.add.f32.msk $0xffff, v1  }
0x1e3: {  	s22 =	sor.u32 s18, s7;
	[tilespmem:s23+$0x0] =	vst.add.f32.msk $0xffff, v1;
	s9 =	sor.u32 $0xE100, s19  }
0x1e4: {  	s28 =	sor.u32 s6, s16;
	s23 =	sor.u32 $0x10100, s19;
	s24 =	sor.u32 s18, s9;
	[tilespmem:s22+$0x0] =	vst.add.f32.msk $0xffff, v2  }
0x1e5: {  	s16 =	sor.u32 s6, s30;
	s30 =	sor.u32 s18, s23;
	s29 =	sor.u32 $0x12100, s19;
	[tilespmem:s24+$0x0] =	vst.add.f32.msk $0xffff, v2  }
0x1e6: {  	s31 =	sor.u32 $0x2180, s19;
	s22 =	sor.u32 s6, s9;
	s9 =	sor.u32 s18, s29;
	[tilespmem:s30+$0x0] =	vst.add.f32.msk $0xffff, v2  }
0x1e7: {  	s0 =	sor.u32 s18, s31;
	[tilespmem:s9+$0x0] =	vst.add.f32.msk $0xffff, v2  }
0x1e8: {  	v2 =	vld [tilespmem:s0+$0x0]  }
0x1e9: {  	[tilespmem:s2+$0x0] =	vst.add.f32.msk $0xffff, v3  }
0x1ea: {  	[tilespmem:s17+$0x0] =	vst.add.f32.msk $0xffff, v3  }
0x1eb: {  	s21 =	sor.u32 s6, s7;
	s17 =	sor.u32 $0xC180, s19;
	[tilespmem:s25+$0x0] =	vst.add.f32.msk $0xffff, v3  }
0x1ec: {  	s7 =	sor.u32 s6, s29;
	[tilespmem:s28+$0x0] =	vst.add.f32.msk $0xffff, v3;
	s24 =	sor.u32 $0xE180, s19;
	s0 =	sor.u32 s18, s17  }
0x1ed: {  	s25 =	sor.u32 $0x10180, s19;
	s3 =	sor.u32 s6, s31;
	s2 =	sor.u32 s18, s24;
	[tilespmem:s0+$0x0] =	vst.add.f32.msk $0xffff, v2  }
0x1ee: {  	s29 =	sor.u32 $0x12180, s19;
	s30 =	sor.u32 s6, s17;
	s17 =	sor.u32 s18, s25;
	[tilespmem:s2+$0x0] =	vst.add.f32.msk $0xffff, v2  }
0x1ef: {  	s31 =	sor.u32 s6, s24;
	s24 =	sor.u32 s18, s29;
	s9 =	sor.u32 $0x2200, s19;
	[tilespmem:s17+$0x0] =	vst.add.f32.msk $0xffff, v2  }
0x1f0: {  	s2 =	sor.u32 s6, s29;
	s29 =	sor.u32 s6, s9;
	s9 =	sor.u32 s18, s9;
	[tilespmem:s24+$0x0] =	vst.add.f32.msk $0xffff, v2  }
0x1f1: {  	v2 =	vld [tilespmem:s9+$0x0]  }
0x1f2: {  	v3 =	vld [tilespmem:s16+$0x0];
	s16 =	sor.u32 $0xC200, s19  }
0x1f3: {  	[tilespmem:s12+$0x0] =	vst.add.f32.msk $0xffff, v1;
	s12 =	sor.u32 s18, s16  }
0x1f4: {  	v4 =	vld [tilespmem:s13+$0x0];
	s17 =	sor.u32 $0xE200, s19;
	s24 =	sor.u32 s6, s16;
	s16 =	rddreg [dreg:$0x8]  }
0x1f5: {  	s0 =	sor.u32 s6, s25;
	s25 =	sor.u32 s6, s17;
	[tilespmem:s16+$0x0] =	vst.add.f32.msk $0xffff, v0  }
0x1f6: {  	s17 =	sor.u32 s18, s17;
	s9 =	smov.u32 s8;
	s8 =	sor.u32 $0x10200, s19;
	[tilespmem:s12+$0x0] =	vst.add.f32.msk $0xffff, v2  }
0x1f7: {  	s13 =	sor.u32 $0x12200, s19;
	s16 =	sor.u32 s6, s8;
	s8 =	sor.u32 s18, s8;
	[tilespmem:s17+$0x0] =	vst.add.f32.msk $0xffff, v2  }
0x1f8: {  	s12 =	sor.u32 $0x2280, s19;
	s17 =	sor.u32 s6, s13;
	s13 =	sor.u32 s18, s13;
	[tilespmem:s8+$0x0] =	vst.add.f32.msk $0xffff, v2  }
0x1f9: {  	s28 =	sor.u32 s6, s12;
	s12 =	sor.u32 s18, s12;
	[tilespmem:s13+$0x0] =	vst.add.f32.msk $0xffff, v2  }
0x1fa: {  	v1 =	vld [tilespmem:s12+$0x0]  }
0x1fb: {  	[tilespmem:s21+$0x0] =	vst.add.f32.msk $0xffff, v3  }
0x1fc: {  	s23 =	sor.u32 s6, s23;
	[tilespmem:s22+$0x0] =	vst.add.f32.msk $0xffff, v3;
	s22 =	sor.u32 $0xC280, s19  }
0x1fd: {  	[tilespmem:s23+$0x0] =	vst.add.f32.msk $0xffff, v3;
	s21 =	sor.u32 s6, s22;
	s23 =	sor.u32 $0xE280, s19  }
0x1fe: {  	[tilespmem:s7+$0x0] =	vst.add.f32.msk $0xffff, v3;
	s7 =	sor.u32 s18, s23;
	s13 =	smov.u32 s20;
	s12 =	sor.u32 s18, s22  }
0x1ff: {  	s8 =	sor.u32 $0x10280, s19;
	s20 =	sor.u32 $0x12280, s19;
	[dreg:$0x8] =	wrdreg s13;
	[tilespmem:s12+$0x0] =	vst.add.f32.msk $0xffff, v1  }
0x200: {  	s22 =	sor.u32 s6, s23;
	s23 =	sor.u32 s6, s8;
	s13 =	sor.u32 s18, s8;
	[tilespmem:s7+$0x0] =	vst.add.f32.msk $0xffff, v1  }
0x201: {  	s8 =	sor.u32 $0x2300, s19;
	s12 =	sor.u32 s6, s20;
	s20 =	sor.u32 s18, s20;
	[tilespmem:s13+$0x0] =	vst.add.f32.msk $0xffff, v1  }
0x202: {  	[tilespmem:s20+$0x0] =	vst.add.f32.msk $0xffff, v1;
	s20 =	sor.u32 s18, s8  }
0x203: {  	v1 =	vld [tilespmem:s20+$0x0]  }
0x204: {  	v2 =	vld [tilespmem:s3+$0x0]  }
0x205: {  	[tilespmem:s15+$0x0] =	vst.add.f32.msk $0xffff, v4  }
0x206: {  	[tilespmem:s11+$0x0] =	vst.add.f32.msk $0xffff, v4;
	s13 =	sor.u32 s6, s8;
	s8 =	sor.u32 $0xC300, s19  }
0x207: {  	[tilespmem:s5+$0x0] =	vst.add.f32.msk $0xffff, v4;
	s15 =	sor.u32 s6, s8;
	s20 =	sor.u32 $0xE300, s19;
	s3 =	sor.u32 s18, s8  }
0x208: {  	s8 =	sor.u32 $0x10300, s19;
	s11 =	sor.u32 s6, s20;
	s20 =	sor.u32 s18, s20;
	[tilespmem:s3+$0x0] =	vst.add.f32.msk $0xffff, v1  }
0x209: {  	s7 =	sor.u32 $0x12300, s19;
	s3 =	sor.u32 s18, s8;
	[tilespmem:s20+$0x0] =	vst.add.f32.msk $0xffff, v1  }
0x20a: {  	s5 =	sor.u32 s6, s8;
	s20 =	sor.u32 $0x2380, s19;
	[tilespmem:s3+$0x0] =	vst.add.f32.msk $0xffff, v1;
	s3 =	sor.u32 s18, s7  }
0x20b: {  	s8 =	sor.u32 s6, s7;
	s7 =	sor.u32 s6, s20;
	s20 =	sor.u32 s18, s20;
	[tilespmem:s3+$0x0] =	vst.add.f32.msk $0xffff, v1  }
0x20c: {  	v1 =	vld [tilespmem:s20+$0x0]  }
0x20d: {  	[tilespmem:s30+$0x0] =	vst.add.f32.msk $0xffff, v2  }
0x20e: {  	[tilespmem:s31+$0x0] =	vst.add.f32.msk $0xffff, v2  }
0x20f: {  	s30 =	sor.u32 $0xC380, s19;
	[tilespmem:s0+$0x0] =	vst.add.f32.msk $0xffff, v2  }
0x210: {  	s31 =	sor.u32 $0xE380, s19;
	s0 =	sor.u32 s6, s30;
	[tilespmem:s2+$0x0] =	vst.add.f32.msk $0xffff, v2;
	s3 =	sor.u32 s18, s30  }
0x211: {  	s2 =	sor.u32 s18, s31;
	s30 =	sor.u32 $0x10380, s19;
	s19 =	sor.u32 $0x12380, s19;
	[tilespmem:s3+$0x0] =	vst.add.f32.msk $0xffff, v1  }
0x212: {  	s20 =	sor.u32 s6, s31;
	s31 =	sor.u32 s6, s30;
	s30 =	sor.u32 s18, s30;
	[tilespmem:s2+$0x0] =	vst.add.f32.msk $0xffff, v1  }
0x213: {  	s26 =	sadd.s32 $0x2, s26;
	s18 =	sor.u32 s18, s19;
	[tilespmem:s30+$0x0] =	vst.add.f32.msk $0xffff, v1  }
0x214: {  	p0 =	slt.u32 s26, $0x3E;
	[tilespmem:s18+$0x0] =	vst.add.f32.msk $0xffff, v1  }
.Ltmp1:
0x215: {  	v1 =	vld [tilespmem:s29+$0x0];
	(pc) =	sbr.rel @p0 .LBB2_5-.Ltmp1, $4  }
0x216: {  	s1 =	sadd.s32 $0x100, s1;
	s2 =	sor.u32 s6, s19;
	s19 =	rddreg [dreg:$0x11];
	[tilespmem:s10+$0x0] =	vst.add.f32.msk $0xffff, v4  }
0x217: {  	s4 =	sadd.s32 $0x20, s4;
	s6 =	smov.u32 s31;
	s30 =	rddreg [dreg:$0xf];
	v2 =	vld [tilespmem:s14+$0x0]  }
0x218: {  	s10 =	smov.u32 s8;
	s29 =	rddreg [dreg:$0x4];
	s31 =	smov.u32 s30;
	[tilespmem:s9+$0x0] =	vst.add.f32.msk $0xffff, v0  }
0x219: {  	s8 =	smov.u32 s19;
	s14 =	smov.u32 s7;
	[dreg:$0x4] =	wrdreg s31;
	[tilespmem:s29+$0x0] =	vst.add.f32.msk $0xffff, v0  }
0x21a: {  	[tilespmem:s24+$0x0] =	vst.add.f32.msk $0xffff, v1  }
0x21b: {  	[tilespmem:s25+$0x0] =	vst.add.f32.msk $0xffff, v1  }
0x21c: {  	[tilespmem:s16+$0x0] =	vst.add.f32.msk $0xffff, v1  }
0x21d: {  	[tilespmem:s17+$0x0] =	vst.add.f32.msk $0xffff, v1  }
0x21e: {  	v0 =	vld [tilespmem:s28+$0x0];
	_ =	sdelay $0x4  }
0x21f: {  	[tilespmem:s21+$0x0] =	vst.add.f32.msk $0xffff, v0  }
0x220: {  	[tilespmem:s22+$0x0] =	vst.add.f32.msk $0xffff, v0  }
0x221: {  	[tilespmem:s23+$0x0] =	vst.add.f32.msk $0xffff, v0  }
0x222: {  	[tilespmem:s12+$0x0] =	vst.add.f32.msk $0xffff, v0  }
0x223: {  	v0 =	vld [tilespmem:s13+$0x0];
	_ =	sdelay $0x4  }
0x224: {  	[tilespmem:s15+$0x0] =	vst.add.f32.msk $0xffff, v0  }
0x225: {  	[tilespmem:s11+$0x0] =	vst.add.f32.msk $0xffff, v0  }
0x226: {  	[tilespmem:s5+$0x0] =	vst.add.f32.msk $0xffff, v0  }
0x227: {  	[tilespmem:s10+$0x0] =	vst.add.f32.msk $0xffff, v0  }
0x228: {  	v0 =	vld [tilespmem:s14+$0x0];
	s1 =	rddreg [dreg:$0x6]  }
0x229: {  	[tilespmem:s1+$0x0] =	vst.add.f32.msk $0xffff, v2  }
0x22a: {  	s1 =	rddreg [dreg:$0x8]  }
0x22b: {  	[tilespmem:s1+$0x0] =	vst.add.f32.msk $0xffff, v2  }
0x22c: {  	[tilespmem:s8+$0x0] =	vst.add.f32.msk $0xffff, v2  }
0x22d: {  	s1 =	rddreg [dreg:$0x4];
	[tilespmem:s0+$0x0] =	vst.add.f32.msk $0xffff, v0  }
0x22e: {  	[tilespmem:s1+$0x0] =	vst.add.f32.msk $0xffff, v2  }
0x22f: {  	s5 =	sld [smem:$0x7F4];
	_ =	sdelay $0x1  }
0x230: {  	s0 =	rddreg [dreg:$0x1a]  }
0x231: {  	s0 =	sadd.s32 s5, s0  }
0x232: {  	s25 =	rddreg [dreg:$0x2];
	[tilespmem:s20+$0x0] =	vst.add.f32.msk $0xffff, v0;
	s0 =	sshll.u32 s0, $0x7  }
0x233: {  	s26 =	simm.s32 $0x2000;
	s3 =	simm.s32 $0x800000;
	[tilespmem:s6+$0x0] =	vst.add.f32.msk $0xffff, v0;
	s0 =	sadd.s32 s25, s0  }
0x234: {  	s4 =	simm.s32 $0xC000;
	s6 =	simm.s32 $0x6;
	[tilespmem:s2+$0x0] =	vst.add.f32.msk $0xffff, v0;
	s0 =	sadd.s32 $0x400, s0  }
0x235: {  	[hbm4b:s0+s26] =	stream.strided.scatter [tilespmem:s4], [sflag:$0x6], $0x8000, s3, s26, $0x38;
	[tilespmem:$0x14000] =	vst v63  }
0x236: {  	_ =	swait.ge [sflag:s6], $0x8000  }
0x237: {  	s7 =	sld [smem:$0x7FB];
	_ =	sdelay $0x1  }
0x238: {  	[sflag:s6] =	ssyncset.done $0x0  }
0x239: {  	[sflag:s6] =	ssyncadd.s32 $0xFFFF8000;
	s0 =	sadd.s32 s5, s7  }
0x23a: {  	s1 =	rddreg [dreg:$0x1];
	s0 =	sshll.u32 s0, $0x7  }
0x23b: {  	s8 =	rddreg [dreg:$0x0];
	s7 =	simm.s32 $0x0;
	s1 =	sadd.s32 s1, s0  }
0x23c: {  	[tilespmem:s26], [sflag:$0x2] =	stream.linear.gather [hbm4b:s1+s7], $0x2000, $0x38;
	[tilespmem:$0x14000] =	vst v63  }
0x23d: {  	s9 =	simm.s32 $0x1;
	s0 =	sadd.s32 s8, s0  }
0x23e: {  	[tilespmem:s4], [sflag:$0x4] =	stream.strided.gather [hbm4b:s0+s26], $0x8000, s3, s26, $0x38;
	[tilespmem:$0x14000] =	vst v63  }
0x23f: {  	_ =	swait.ge [sflag:s9], $0x2000  }
0x240: {  	[sflag:s9] =	ssyncset.done $0x0  }
0x241: {  	s10 =	simm.s32 $0x3;
	[sflag:s9] =	ssyncadd.s32 $0xFFFFE000  }
0x242: {  	s5 =	sand.u32 $0x60, s7;
	_ =	swait.ge [sflag:s10], $0x8000  }
0x243: {  	s4 =	sand.u32 $0x1C00, s7;
	s0 =	sor.u32 $0x10, s5;
	[sflag:s10] =	ssyncset.done $0x0  }
0x244: {  	s2 =	sor.u32 s4, s0;
	[sflag:s10] =	ssyncadd.s32 $0xFFFF8000  }
0x245: {  	s1 =	sor.u32 s5, s4;
	v0 =	vld [tilespmem:s2+$0x0]  }
0x246: {  	v1 =	vld [tilespmem:s1+$0x0];
	_ =	sdelay $0x2  }
0x247: {  	s15 =	sor.u32 $0x4000, s2  }
0x248: {  	s11 =	sor.u32 $0x6000, s4;
	s20 =	sor.u32 $0x4000, s1;
	[tilespmem:s15+$0x0] =	vst.add.f32.msk $0xffff, v0  }
0x249: {  	s16 =	sor.u32 $0x8000, s4;
	s17 =	sor.u32 s0, s11;
	[tilespmem:s20+$0x0] =	vst.add.f32.msk $0xffff, v1  }
0x24a: {  	s18 =	sor.u32 s0, s16;
	s9 =	sor.u32 $0xA000, s4;
	[tilespmem:s17+$0x0] =	vst.add.f32.msk $0xffff, v0  }
0x24b: {  	s19 =	sor.u32 s0, s9;
	[tilespmem:s18+$0x0] =	vst.add.f32.msk $0xffff, v0  }
0x24c: {  	[tilespmem:s19+$0x0] =	vst.add.f32.msk $0xffff, v0  }
0x24d: {  	s3 =	sor.u32 s5, s11;
	v0 =	vld [tilespmem:s2+$0x80]  }
0x24e: {  	s25 =	sor.u32 s5, s16;
	[tilespmem:s3+$0x0] =	vst.add.f32.msk $0xffff, v1  }
0x24f: {  	s26 =	sor.u32 s5, s9;
	[tilespmem:s25+$0x0] =	vst.add.f32.msk $0xffff, v1  }
0x250: {  	[tilespmem:s26+$0x0] =	vst.add.f32.msk $0xffff, v1  }
0x251: {  	s12 =	sor.u32 $0x6080, s4;
	s21 =	sor.u32 $0x4080, s2;
	v1 =	vld [tilespmem:s1+$0x80]  }
0x252: {  	s13 =	sor.u32 $0x8080, s4;
	s22 =	sor.u32 s0, s12;
	[tilespmem:s21+$0x0] =	vst.add.f32.msk $0xffff, v0  }
0x253: {  	s14 =	sor.u32 $0xA080, s4;
	s23 =	sor.u32 s0, s13;
	[tilespmem:s22+$0x0] =	vst.add.f32.msk $0xffff, v0  }
0x254: {  	s24 =	sor.u32 s0, s14;
	[tilespmem:s23+$0x0] =	vst.add.f32.msk $0xffff, v0  }
0x255: {  	[tilespmem:s24+$0x0] =	vst.add.f32.msk $0xffff, v0  }
0x256: {  	v0 =	vld [tilespmem:s2+$0x100];
	_ =	sdelay $0x2  }
0x257: {  	s18 =	sor.u32 $0x4080, s1  }
0x258: {  	s8 =	sor.u32 $0x4100, s2;
	s10 =	sor.u32 $0x6100, s4;
	[tilespmem:s18+$0x0] =	vst.add.f32.msk $0xffff, v1  }
0x259: {  	s11 =	sor.u32 $0x8100, s4;
	s9 =	sor.u32 s0, s10;
	[tilespmem:s8+$0x0] =	vst.add.f32.msk $0xffff, v0  }
0x25a: {  	s15 =	sor.u32 s0, s11;
	s17 =	sor.u32 $0xA100, s4;
	[tilespmem:s9+$0x0] =	vst.add.f32.msk $0xffff, v0  }
0x25b: {  	s16 =	sor.u32 s0, s17;
	[tilespmem:s15+$0x0] =	vst.add.f32.msk $0xffff, v0  }
0x25c: {  	[tilespmem:s16+$0x0] =	vst.add.f32.msk $0xffff, v0  }
0x25d: {  	s23 =	sor.u32 s5, s12;
	v0 =	vld [tilespmem:s2+$0x180]  }
0x25e: {  	s24 =	sor.u32 s5, s13;
	[tilespmem:s23+$0x0] =	vst.add.f32.msk $0xffff, v1  }
0x25f: {  	s25 =	sor.u32 s5, s14;
	[tilespmem:s24+$0x0] =	vst.add.f32.msk $0xffff, v1  }
0x260: {  	[tilespmem:s25+$0x0] =	vst.add.f32.msk $0xffff, v1  }
0x261: {  	s6 =	sor.u32 $0x6180, s4;
	s19 =	sor.u32 $0x4180, s2;
	v1 =	vld [tilespmem:s1+$0x100]  }
0x262: {  	s20 =	sor.u32 s0, s6;
	s8 =	sor.u32 $0x8180, s4;
	[tilespmem:s19+$0x0] =	vst.add.f32.msk $0xffff, v0  }
0x263: {  	s9 =	sor.u32 $0xA180, s4;
	s21 =	sor.u32 s0, s8;
	[tilespmem:s20+$0x0] =	vst.add.f32.msk $0xffff, v0  }
0x264: {  	s22 =	sor.u32 s0, s9;
	[tilespmem:s21+$0x0] =	vst.add.f32.msk $0xffff, v0  }
0x265: {  	[tilespmem:s22+$0x0] =	vst.add.f32.msk $0xffff, v0  }
0x266: {  	v0 =	vld [tilespmem:s2+$0x200];
	_ =	sdelay $0x2  }
0x267: {  	s15 =	sor.u32 $0x4100, s1  }
0x268: {  	s26 =	sor.u32 $0x4200, s2;
	[tilespmem:s15+$0x0] =	vst.add.f32.msk $0xffff, v1;
	s20 =	sor.u32 $0x6200, s4  }
0x269: {  	s21 =	sor.u32 $0x8200, s4;
	s12 =	sor.u32 s0, s20;
	[tilespmem:s26+$0x0] =	vst.add.f32.msk $0xffff, v0  }
0x26a: {  	s19 =	sor.u32 $0xA200, s4;
	s13 =	sor.u32 s0, s21;
	[tilespmem:s12+$0x0] =	vst.add.f32.msk $0xffff, v0  }
0x26b: {  	s14 =	sor.u32 s0, s19;
	[tilespmem:s13+$0x0] =	vst.add.f32.msk $0xffff, v0  }
0x26c: {  	[tilespmem:s14+$0x0] =	vst.add.f32.msk $0xffff, v0  }
0x26d: {  	s10 =	sor.u32 s5, s10;
	v0 =	vld [tilespmem:s2+$0x280]  }
0x26e: {  	s11 =	sor.u32 s5, s11;
	[tilespmem:s10+$0x0] =	vst.add.f32.msk $0xffff, v1  }
0x26f: {  	[tilespmem:s11+$0x0] =	vst.add.f32.msk $0xffff, v1;
	s12 =	sor.u32 s5, s17  }
0x270: {  	[tilespmem:s12+$0x0] =	vst.add.f32.msk $0xffff, v1  }
0x271: {  	s18 =	sor.u32 $0x6280, s4;
	s16 =	sand.u32 $0x3, s7;
	v1 =	vld [tilespmem:s1+$0x180];
	s2 =	sor.u32 $0x4280, s2  }
0x272: {  	s3 =	sshll.u32 s16, $0x5;
	s16 =	sor.u32 $0x8280, s4;
	s22 =	sor.u32 s0, s18;
	[tilespmem:s2+$0x0] =	vst.add.f32.msk $0xffff, v0  }
0x273: {  	s15 =	sor.u32 $0xA280, s4;
	s3 =	sadd.s32 $0x0, s3;
	s23 =	sor.u32 s0, s16;
	[tilespmem:s22+$0x0] =	vst.add.f32.msk $0xffff, v0  }
0x274: {  	s24 =	sor.u32 s0, s15;
	s25 =	sadd.s32 $0x10, s3;
	[tilespmem:s23+$0x0] =	vst.add.f32.msk $0xffff, v0  }
0x275: {  	s26 =	sor.u32 $0x300, s25;
	[tilespmem:s24+$0x0] =	vst.add.f32.msk $0xffff, v0  }
0x276: {  	v0 =	vld [tilespmem:s26+$0x0];
	_ =	sdelay $0x2  }
0x277: {  	s24 =	sor.u32 $0x4180, s1  }
0x278: {  	s12 =	sor.u32 $0x6300, s4;
	[tilespmem:s24+$0x0] =	vst.add.f32.msk $0xffff, v1  }
0x279: {  	s11 =	sor.u32 $0x8300, s4;
	s14 =	sor.u32 s0, s12;
	[tilespmem:s26+$0x4000] =	vst.add.f32.msk $0xffff, v0  }
0x27a: {  	s17 =	sor.u32 s0, s11;
	s2 =	sor.u32 $0xA300, s4;
	[tilespmem:s14+$0x0] =	vst.add.f32.msk $0xffff, v0  }
0x27b: {  	s22 =	sor.u32 s0, s2;
	[tilespmem:s17+$0x0] =	vst.add.f32.msk $0xffff, v0  }
0x27c: {  	s23 =	sor.u32 $0x380, s25;
	[tilespmem:s22+$0x0] =	vst.add.f32.msk $0xffff, v0  }
0x27d: {  	s6 =	sor.u32 s5, s6;
	v0 =	vld [tilespmem:s23+$0x0]  }
0x27e: {  	s8 =	sor.u32 s5, s8;
	[tilespmem:s6+$0x0] =	vst.add.f32.msk $0xffff, v1  }
0x27f: {  	s25 =	sor.u32 s5, s9;
	[tilespmem:s8+$0x0] =	vst.add.f32.msk $0xffff, v1  }
0x280: {  	[tilespmem:s25+$0x0] =	vst.add.f32.msk $0xffff, v1  }
0x281: {  	s28 =	sor.u32 $0x6380, s4;
	v1 =	vld [tilespmem:s1+$0x200]  }
0x282: {  	s26 =	sor.u32 s0, s28;
	[tilespmem:s23+$0x4000] =	vst.add.f32.msk $0xffff, v0  }
0x283: {  	s31 =	simm.s32 $0x100;
	s30 =	sor.u32 $0x8380, s4;
	[tilespmem:s26+$0x0] =	vst.add.f32.msk $0xffff, v0;
	s26 =	simm.s32 $0x20  }
0x284: {  	s10 =	sor.u32 $0xA380, s4;
	s6 =	sor.u32 s0, s30;
	s13 =	sand.u32 $0x60, s26  }
0x285: {  	s0 =	sor.u32 s0, s10;
	[tilespmem:s6+$0x0] =	vst.add.f32.msk $0xffff, v0;
	s6 =	sand.u32 $0x1C00, s31;
	s4 =	sor.u32 $0x10, s13  }
0x286: {  	[tilespmem:s0+$0x0] =	vst.add.f32.msk $0xffff, v0;
	s17 =	sor.u32 s6, s4  }
0x287: {  	s8 =	sor.u32 $0x4200, s1;
	v0 =	vld [tilespmem:s17+$0x0]  }
0x288: {  	s9 =	sor.u32 s5, s20;
	[tilespmem:s8+$0x0] =	vst.add.f32.msk $0xffff, v1  }
0x289: {  	s14 =	sor.u32 s5, s21;
	[tilespmem:s9+$0x0] =	vst.add.f32.msk $0xffff, v1  }
0x28a: {  	[tilespmem:s14+$0x0] =	vst.add.f32.msk $0xffff, v1;
	s0 =	sor.u32 s13, s6  }
0x28b: {  	s21 =	sor.u32 $0x6000, s6;
	v2 =	vld [tilespmem:s0+$0x0];
	s24 =	sor.u32 $0x4000, s17  }
0x28c: {  	s25 =	sor.u32 $0x8000, s6;
	s8 =	sor.u32 s4, s21;
	[tilespmem:s24+$0x0] =	vst.add.f32.msk $0xffff, v0  }
0x28d: {  	s22 =	sor.u32 $0xA000, s6;
	s9 =	sor.u32 s4, s25;
	[tilespmem:s8+$0x0] =	vst.add.f32.msk $0xffff, v0  }
0x28e: {  	s14 =	sor.u32 s4, s22;
	[tilespmem:s9+$0x0] =	vst.add.f32.msk $0xffff, v0  }
0x28f: {  	[tilespmem:s14+$0x0] =	vst.add.f32.msk $0xffff, v0  }
0x290: {  	s19 =	sor.u32 s5, s19;
	v0 =	vld [tilespmem:s17+$0x80]  }
0x291: {  	[tilespmem:s19+$0x0] =	vst.add.f32.msk $0xffff, v1  }
0x292: {  	v1 =	vld [tilespmem:s1+$0x280];
	s23 =	sor.u32 $0x4000, s0  }
0x293: {  	s19 =	sor.u32 s13, s21;
	[tilespmem:s23+$0x0] =	vst.add.f32.msk $0xffff, v2  }
0x294: {  	s24 =	sor.u32 s13, s25;
	[tilespmem:s19+$0x0] =	vst.add.f32.msk $0xffff, v2;
	s19 =	sor.u32 $0x6080, s6;
	s25 =	sor.u32 $0x4080, s17  }
0x295: {  	s21 =	sor.u32 $0x8080, s6;
	s8 =	sor.u32 s4, s19;
	[tilespmem:s25+$0x0] =	vst.add.f32.msk $0xffff, v0  }
0x296: {  	s23 =	sor.u32 $0xA080, s6;
	s9 =	sor.u32 s4, s21;
	[tilespmem:s8+$0x0] =	vst.add.f32.msk $0xffff, v0  }
0x297: {  	s14 =	sor.u32 s4, s23;
	[tilespmem:s9+$0x0] =	vst.add.f32.msk $0xffff, v0  }
0x298: {  	[tilespmem:s14+$0x0] =	vst.add.f32.msk $0xffff, v0  }
0x299: {  	s1 =	sor.u32 $0x4280, s1;
	v0 =	vld [tilespmem:s17+$0x100]  }
0x29a: {  	[tilespmem:s1+$0x0] =	vst.add.f32.msk $0xffff, v1  }
0x29b: {  	[tilespmem:s24+$0x0] =	vst.add.f32.msk $0xffff, v2;
	s24 =	sor.u32 s13, s22  }
0x29c: {  	[tilespmem:s24+$0x0] =	vst.add.f32.msk $0xffff, v2  }
0x29d: {  	s22 =	sor.u32 $0x6100, s6;
	v2 =	vld [tilespmem:s0+$0x80];
	s25 =	sor.u32 $0x4100, s17  }
0x29e: {  	s24 =	sor.u32 $0x8100, s6;
	s8 =	sor.u32 s4, s22;
	[tilespmem:s25+$0x0] =	vst.add.f32.msk $0xffff, v0  }
0x29f: {  	s9 =	sor.u32 s4, s24;
	s25 =	sor.u32 $0xA100, s6;
	[tilespmem:s8+$0x0] =	vst.add.f32.msk $0xffff, v0  }
0x2a0: {  	s14 =	sor.u32 s4, s25;
	[tilespmem:s9+$0x0] =	vst.add.f32.msk $0xffff, v0  }
0x2a1: {  	[tilespmem:s14+$0x0] =	vst.add.f32.msk $0xffff, v0  }
0x2a2: {  	s18 =	sor.u32 s5, s18;
	v0 =	vld [tilespmem:s17+$0x180]  }
0x2a3: {  	s16 =	sor.u32 s5, s16;
	[tilespmem:s18+$0x0] =	vst.add.f32.msk $0xffff, v1  }
0x2a4: {  	s18 =	sor.u32 $0x4080, s0;
	[tilespmem:s16+$0x0] =	vst.add.f32.msk $0xffff, v1  }
0x2a5: {  	s19 =	sor.u32 s13, s19;
	[tilespmem:s18+$0x0] =	vst.add.f32.msk $0xffff, v2  }
0x2a6: {  	s20 =	sor.u32 s13, s21;
	s21 =	sor.u32 $0x4180, s17;
	[tilespmem:s19+$0x0] =	vst.add.f32.msk $0xffff, v2;
	s19 =	sor.u32 $0x6180, s6  }
0x2a7: {  	s1 =	sor.u32 $0x8180, s6;
	s8 =	sor.u32 s4, s19;
	[tilespmem:s21+$0x0] =	vst.add.f32.msk $0xffff, v0  }
0x2a8: {  	s16 =	sor.u32 $0xA180, s6;
	s9 =	sor.u32 s4, s1;
	[tilespmem:s8+$0x0] =	vst.add.f32.msk $0xffff, v0  }
0x2a9: {  	s14 =	sor.u32 s4, s16;
	[tilespmem:s9+$0x0] =	vst.add.f32.msk $0xffff, v0  }
0x2aa: {  	[tilespmem:s14+$0x0] =	vst.add.f32.msk $0xffff, v0  }
0x2ab: {  	s15 =	sor.u32 s5, s15;
	v0 =	vld [tilespmem:s17+$0x200]  }
0x2ac: {  	[tilespmem:s15+$0x0] =	vst.add.f32.msk $0xffff, v1  }
0x2ad: {  	[tilespmem:s20+$0x0] =	vst.add.f32.msk $0xffff, v2;
	s20 =	sor.u32 s13, s23  }
0x2ae: {  	s23 =	sor.u32 $0x300, s3;
	[tilespmem:s20+$0x0] =	vst.add.f32.msk $0xffff, v2  }
0x2af: {  	v1 =	vld [tilespmem:s23+$0x0];
	s21 =	sor.u32 $0x4200, s17  }
0x2b0: {  	s20 =	sor.u32 $0x6200, s6;
	s9 =	sor.u32 $0xA200, s6;
	[tilespmem:s21+$0x0] =	vst.add.f32.msk $0xffff, v0  }
0x2b1: {  	s18 =	sor.u32 $0x8200, s6;
	v2 =	vld [tilespmem:s0+$0x100];
	s8 =	sor.u32 s4, s20;
	[smem:$0x7F2] =	sst s9  }
0x2b2: {  	s14 =	sor.u32 s4, s18;
	[tilespmem:s8+$0x0] =	vst.add.f32.msk $0xffff, v0  }
0x2b3: {  	s15 =	sor.u32 s4, s9;
	[tilespmem:s14+$0x0] =	vst.add.f32.msk $0xffff, v0  }
0x2b4: {  	[tilespmem:s15+$0x0] =	vst.add.f32.msk $0xffff, v0  }
0x2b5: {  	s21 =	sor.u32 $0x4100, s0;
	v0 =	vld [tilespmem:s17+$0x280]  }
0x2b6: {  	s22 =	sor.u32 s13, s22;
	[tilespmem:s21+$0x0] =	vst.add.f32.msk $0xffff, v2  }
0x2b7: {  	s24 =	sor.u32 s13, s24;
	[tilespmem:s22+$0x0] =	vst.add.f32.msk $0xffff, v2  }
0x2b8: {  	s3 =	simm.s32 $0x1;
	s8 =	sor.u32 s13, s25;
	[tilespmem:s24+$0x0] =	vst.add.f32.msk $0xffff, v2  }
0x2b9: {  	s9 =	sand.u32 $0x3, s3;
	s21 =	sor.u32 $0x6280, s6;
	[tilespmem:s8+$0x0] =	vst.add.f32.msk $0xffff, v2;
	s17 =	sor.u32 $0x4280, s17  }
0x2ba: {  	s14 =	sshll.u32 s9, $0x5;
	s22 =	sor.u32 $0x8280, s6;
	s15 =	sor.u32 s4, s21;
	[tilespmem:s17+$0x0] =	vst.add.f32.msk $0xffff, v0  }
0x2bb: {  	s14 =	sadd.s32 $0x100, s14;
	s25 =	sor.u32 s4, s22;
	[tilespmem:s15+$0x0] =	vst.add.f32.msk $0xffff, v0;
	s15 =	sor.u32 $0xA280, s6  }
0x2bc: {  	s24 =	sadd.s32 $0x10, s14;
	[tilespmem:s25+$0x0] =	vst.add.f32.msk $0xffff, v0;
	s8 =	sor.u32 s4, s15  }
0x2bd: {  	s9 =	sor.u32 $0x300, s24;
	[tilespmem:s8+$0x0] =	vst.add.f32.msk $0xffff, v0  }
0x2be: {  	v0 =	vld [tilespmem:s9+$0x0]  }
0x2bf: {  	s12 =	sor.u32 s5, s12;
	[tilespmem:s23+$0x4000] =	vst.add.f32.msk $0xffff, v1  }
0x2c0: {  	[tilespmem:s12+$0x0] =	vst.add.f32.msk $0xffff, v1  }
0x2c1: {  	s11 =	sor.u32 s5, s11;
	v2 =	vld [tilespmem:s0+$0x180]  }
0x2c2: {  	s23 =	sor.u32 $0x6300, s6;
	[tilespmem:s11+$0x0] =	vst.add.f32.msk $0xffff, v1  }
0x2c3: {  	s12 =	sor.u32 s4, s23;
	s8 =	sor.u32 $0x8300, s6;
	[tilespmem:s9+$0x4000] =	vst.add.f32.msk $0xffff, v0  }
0x2c4: {  	s17 =	sor.u32 s4, s8;
	[tilespmem:s12+$0x0] =	vst.add.f32.msk $0xffff, v0  }
0x2c5: {  	s9 =	sor.u32 $0xA300, s6;
	s12 =	sor.u32 $0x4180, s0;
	[tilespmem:s17+$0x0] =	vst.add.f32.msk $0xffff, v0  }
0x2c6: {  	s25 =	sor.u32 s4, s9;
	[tilespmem:s12+$0x0] =	vst.add.f32.msk $0xffff, v2  }
0x2c7: {  	s17 =	sor.u32 $0x380, s24;
	s24 =	sor.u32 s13, s19;
	[tilespmem:s25+$0x0] =	vst.add.f32.msk $0xffff, v0  }
0x2c8: {  	[tilespmem:s24+$0x0] =	vst.add.f32.msk $0xffff, v2  }
0x2c9: {  	s2 =	sor.u32 s5, s2;
	s25 =	sor.u32 s5, s28;
	v0 =	vld [tilespmem:s17+$0x0]  }
0x2ca: {  	s11 =	sor.u32 s5, s30;
	s5 =	sor.u32 s5, s10;
	[dreg:$0xc] =	wrdreg s25  }
0x2cb: {  	s1 =	sor.u32 s13, s1;
	[dreg:$0xe] =	wrdreg s5  }
0x2cc: {  	s16 =	sor.u32 s13, s16;
	[tilespmem:s1+$0x0] =	vst.add.f32.msk $0xffff, v2  }
0x2cd: {  	s10 =	sor.u32 $0x6380, s6;
	[tilespmem:s16+$0x0] =	vst.add.f32.msk $0xffff, v2  }
0x2ce: {  	s7 =	sor.u32 s7, s7;
	s19 =	sor.u32 s4, s10;
	s16 =	sor.u32 $0x8380, s6;
	[tilespmem:s17+$0x4000] =	vst.add.f32.msk $0xffff, v0  }
0x2cf: {  	s28 =	sor.u32 s13, s20;
	s20 =	sor.u32 $0xA380, s6;
	s24 =	sor.u32 s4, s16;
	[tilespmem:s19+$0x0] =	vst.add.f32.msk $0xffff, v0  }
0x2d0: {  	s7 =	sor.u32 $0x380, s7;
	s29 =	sor.u32 $0x4280, s0;
	s25 =	sor.u32 s4, s20;
	[tilespmem:s24+$0x0] =	vst.add.f32.msk $0xffff, v0  }
0x2d1: {  	s30 =	sor.u32 s13, s18;
	s12 =	sor.u32 s31, s26;
	s26 =	simm.s32 $0x2;
	[tilespmem:s25+$0x0] =	vst.add.f32.msk $0xffff, v0  }
0x2d2: {  	s5 =	sor.u32 $0x380, s12;
	s12 =	sor.u32 $0x4200, s0;
	s1 =	sld [smem:$0x7F2];
	[tilespmem:s2+$0x0] =	vst.add.f32.msk $0xffff, v1  }
0x2d3: {  	s6 =	sor.u32 s13, s8;
	s4 =	sor.u32 s13, s9;
	s24 =	sor.u32 s13, s21;
	v1 =	vld [tilespmem:s0+$0x200]  }
0x2d4: {  	s21 =	sor.u32 s13, s15;
	s15 =	sor.u32 s13, s20;
	s25 =	sor.u32 s13, s22  }
0x2d5: {  	s2 =	sor.u32 s13, s23;
	s23 =	sor.u32 s13, s10;
	v2 =	vld [tilespmem:s7+$0x0];
	s17 =	sor.u32 s13, s1  }
0x2d6: {  	s1 =	sor.u32 $0x300, s14;
	s14 =	sor.u32 s13, s16;
	s13 =	simm.s32 $0x40  }
.LBB2_7:
0x2d7: {  	s18 =	sand.u32 $0x60, s13;
	s31 =	sadd.s32 $0x100, s31  }
0x2d8: {  	s20 =	sand.u32 $0x1C00, s31;
	s19 =	sor.u32 $0x10, s18;
	[tilespmem:s12+$0x0] =	vst.add.f32.msk $0xffff, v1  }
0x2d9: {  	s16 =	sor.u32 s20, s19;
	[tilespmem:s28+$0x0] =	vst.add.f32.msk $0xffff, v1  }
0x2da: {  	s8 =	sor.u32 s31, s13;
	v0 =	vmov v2;
	v2 =	vld [tilespmem:s16+$0x0]  }
0x2db: {  	[dreg:$0x13] =	wrdreg s11;
	s9 =	sor.u32 s18, s20;
	s10 =	sor.u32 $0x380, s8;
	[tilespmem:s30+$0x0] =	vst.add.f32.msk $0xffff, v1  }
0x2dc: {  	s22 =	sor.u32 $0x4000, s9;
	s8 =	sor.u32 $0x4080, s9;
	s12 =	sor.u32 $0x4100, s9;
	v3 =	vld [tilespmem:s9+$0x0]  }
0x2dd: {  	s28 =	sor.u32 $0x4280, s9;
	[dreg:$0x19] =	wrdreg s12;
	s12 =	sor.u32 $0x4180, s9;
	[tilespmem:s17+$0x0] =	vst.add.f32.msk $0xffff, v1  }
0x2de: {  	s11 =	sor.u32 $0x4000, s16;
	[dreg:$0x17] =	wrdreg s12;
	s12 =	sor.u32 $0x4200, s9;
	v1 =	vld [tilespmem:s0+$0x280]  }
0x2df: {  	s0 =	smov.u32 s9;
	s9 =	sor.u32 $0x6000, s20;
	[tilespmem:s7+$0x4000] =	vst.add.f32.msk $0xffff, v0;
	s7 =	smov.u32 s5  }
0x2e0: {  	s5 =	sor.u32 $0x8000, s20;
	s30 =	sor.u32 s18, s9;
	s9 =	sor.u32 s19, s9;
	[tilespmem:s11+$0x0] =	vst.add.f32.msk $0xffff, v2  }
0x2e1: {  	s17 =	sor.u32 s18, s5;
	s5 =	sor.u32 s19, s5;
	s11 =	sor.u32 $0xA000, s20;
	[tilespmem:s9+$0x0] =	vst.add.f32.msk $0xffff, v2  }
0x2e2: {  	s9 =	sor.u32 s18, s11;
	s11 =	sor.u32 s19, s11;
	[tilespmem:s5+$0x0] =	vst.add.f32.msk $0xffff, v2  }
0x2e3: {  	[tilespmem:s11+$0x0] =	vst.add.f32.msk $0xffff, v2  }
0x2e4: {  	v2 =	vld [tilespmem:s16+$0x80]  }
0x2e5: {  	[tilespmem:s22+$0x0] =	vst.add.f32.msk $0xffff, v3  }
0x2e6: {  	[tilespmem:s30+$0x0] =	vst.add.f32.msk $0xffff, v3  }
0x2e7: {  	[tilespmem:s17+$0x0] =	vst.add.f32.msk $0xffff, v3  }
0x2e8: {  	s5 =	smov.u32 s10;
	s22 =	sor.u32 $0x4080, s16;
	s17 =	sor.u32 $0x6080, s20;
	[tilespmem:s9+$0x0] =	vst.add.f32.msk $0xffff, v3  }
0x2e9: {  	[dreg:$0x15] =	wrdreg s5;
	s5 =	sor.u32 $0x8080, s20;
	s9 =	sor.u32 s19, s17;
	[tilespmem:s22+$0x0] =	vst.add.f32.msk $0xffff, v2  }
0x2ea: {  	s10 =	sor.u32 $0xA080, s20;
	s22 =	sor.u32 s18, s5;
	s5 =	sor.u32 s19, s5;
	[tilespmem:s9+$0x0] =	vst.add.f32.msk $0xffff, v2  }
0x2eb: {  	s11 =	sor.u32 s18, s17;
	s17 =	sor.u32 s18, s10;
	s10 =	sor.u32 s19, s10;
	[tilespmem:s5+$0x0] =	vst.add.f32.msk $0xffff, v2  }
0x2ec: {  	[tilespmem:s10+$0x0] =	vst.add.f32.msk $0xffff, v2  }
0x2ed: {  	v2 =	vld [tilespmem:s16+$0x100]  }
0x2ee: {  	v3 =	vld [tilespmem:s0+$0x80]  }
0x2ef: {  	[tilespmem:s29+$0x0] =	vst.add.f32.msk $0xffff, v1  }
0x2f0: {  	[tilespmem:s24+$0x0] =	vst.add.f32.msk $0xffff, v1  }
0x2f1: {  	s29 =	smov.u32 s28;
	[tilespmem:s25+$0x0] =	vst.add.f32.msk $0xffff, v1;
	s9 =	sor.u32 $0x6100, s20;
	s5 =	sor.u32 $0x4100, s16  }
0x2f2: {  	s28 =	sor.u32 $0x8100, s20;
	s24 =	sor.u32 s18, s9;
	s9 =	sor.u32 s19, s9;
	[tilespmem:s5+$0x0] =	vst.add.f32.msk $0xffff, v2  }
0x2f3: {  	s30 =	sor.u32 $0xA100, s20;
	s5 =	sor.u32 s19, s28;
	[tilespmem:s9+$0x0] =	vst.add.f32.msk $0xffff, v2  }
0x2f4: {  	[tilespmem:s5+$0x0] =	vst.add.f32.msk $0xffff, v2;
	s5 =	sor.u32 s19, s30  }
0x2f5: {  	[tilespmem:s5+$0x0] =	vst.add.f32.msk $0xffff, v2  }
0x2f6: {  	v2 =	vld [tilespmem:s16+$0x180]  }
0x2f7: {  	[tilespmem:s8+$0x0] =	vst.add.f32.msk $0xffff, v3  }
0x2f8: {  	[tilespmem:s11+$0x0] =	vst.add.f32.msk $0xffff, v3  }
0x2f9: {  	[tilespmem:s22+$0x0] =	vst.add.f32.msk $0xffff, v3  }
0x2fa: {  	s22 =	sor.u32 $0x4180, s16;
	[tilespmem:s17+$0x0] =	vst.add.f32.msk $0xffff, v3;
	s17 =	sor.u32 $0x6180, s20  }
0x2fb: {  	s25 =	sor.u32 s18, s28;
	s5 =	sor.u32 $0x8180, s20;
	[tilespmem:s22+$0x0] =	vst.add.f32.msk $0xffff, v2;
	s22 =	sor.u32 s19, s17  }
0x2fc: {  	s28 =	sor.u32 $0xA180, s20;
	s9 =	sor.u32 s18, s5;
	s5 =	sor.u32 s19, s5;
	[tilespmem:s22+$0x0] =	vst.add.f32.msk $0xffff, v2  }
0x2fd: {  	s8 =	sor.u32 s18, s17;
	s17 =	sor.u32 s19, s28;
	[tilespmem:s5+$0x0] =	vst.add.f32.msk $0xffff, v2  }
0x2fe: {  	[tilespmem:s17+$0x0] =	vst.add.f32.msk $0xffff, v2  }
0x2ff: {  	v2 =	vld [tilespmem:s16+$0x200]  }
0x300: {  	v3 =	vld [tilespmem:s0+$0x100]  }
0x301: {  	[tilespmem:s21+$0x0] =	vst.add.f32.msk $0xffff, v1  }
0x302: {  	s10 =	sor.u32 s18, s30;
	s11 =	sor.u32 $0x6200, s20;
	s21 =	rddreg [dreg:$0xc];
	v4 =	vld [tilespmem:s1+$0x0]  }
0x303: {  	[tilespmem:s21+$0x0] =	vst.add.f32.msk $0xffff, v0;
	s21 =	smov.u32 s23;
	s22 =	sor.u32 s18, s28;
	s17 =	sor.u32 $0x4200, s16  }
0x304: {  	s28 =	sor.u32 s18, s11;
	s11 =	sor.u32 s19, s11;
	s5 =	sor.u32 $0x8200, s20;
	[tilespmem:s17+$0x0] =	vst.add.f32.msk $0xffff, v2  }
0x305: {  	s23 =	sor.u32 $0xA200, s20;
	s30 =	sor.u32 s18, s5;
	s5 =	sor.u32 s19, s5;
	[tilespmem:s11+$0x0] =	vst.add.f32.msk $0xffff, v2  }
0x306: {  	[dreg:$0xc] =	wrdreg s21;
	s21 =	sor.u32 s19, s23;
	[tilespmem:s5+$0x0] =	vst.add.f32.msk $0xffff, v2  }
0x307: {  	[tilespmem:s21+$0x0] =	vst.add.f32.msk $0xffff, v2  }
0x308: {  	s17 =	sor.u32 s18, s23;
	s23 =	rddreg [dreg:$0x19];
	v1 =	vld [tilespmem:s16+$0x280]  }
0x309: {  	[tilespmem:s23+$0x0] =	vst.add.f32.msk $0xffff, v3  }
0x30a: {  	[tilespmem:s24+$0x0] =	vst.add.f32.msk $0xffff, v3  }
0x30b: {  	s3 =	sadd.s32 $0x1, s3;
	[tilespmem:s25+$0x0] =	vst.add.f32.msk $0xffff, v3  }
0x30c: {  	s5 =	sor.u32 $0x6280, s20;
	s25 =	sand.u32 $0x3, s3;
	[tilespmem:s10+$0x0] =	vst.add.f32.msk $0xffff, v3;
	s16 =	sor.u32 $0x4280, s16  }
0x30d: {  	s21 =	sor.u32 $0x8280, s20;
	s24 =	sor.u32 s19, s5;
	s11 =	sshll.u32 s25, $0x5;
	[tilespmem:s16+$0x0] =	vst.add.f32.msk $0xffff, v1  }
0x30e: {  	s23 =	sor.u32 $0xA280, s20;
	s25 =	sor.u32 s19, s21;
	s11 =	sadd.s32 s11, s31;
	[tilespmem:s24+$0x0] =	vst.add.f32.msk $0xffff, v1  }
0x30f: {  	s16 =	sadd.s32 $0x10, s11;
	s24 =	sor.u32 s18, s5;
	s5 =	sor.u32 s19, s23;
	[tilespmem:s25+$0x0] =	vst.add.f32.msk $0xffff, v1  }
0x310: {  	s10 =	sor.u32 $0x300, s16;
	[tilespmem:s5+$0x0] =	vst.add.f32.msk $0xffff, v1  }
0x311: {  	v1 =	vld [tilespmem:s10+$0x0]  }
0x312: {  	v2 =	vld [tilespmem:s0+$0x180]  }
0x313: {  	[tilespmem:s1+$0x4000] =	vst.add.f32.msk $0xffff, v4;
	s11 =	sor.u32 $0x300, s11  }
0x314: {  	[tilespmem:s2+$0x0] =	vst.add.f32.msk $0xffff, v4;
	s1 =	smov.u32 s11  }
0x315: {  	[tilespmem:s6+$0x0] =	vst.add.f32.msk $0xffff, v4;
	s25 =	sor.u32 s18, s21;
	s21 =	sor.u32 s18, s23;
	s5 =	sor.u32 $0x6300, s20  }
0x316: {  	s23 =	sor.u32 $0x8300, s20;
	s2 =	sor.u32 s18, s5;
	s5 =	sor.u32 s19, s5;
	[tilespmem:s10+$0x4000] =	vst.add.f32.msk $0xffff, v1  }
0x317: {  	s11 =	sor.u32 $0xA300, s20;
	s6 =	sor.u32 s18, s23;
	s23 =	sor.u32 s19, s23;
	[tilespmem:s5+$0x0] =	vst.add.f32.msk $0xffff, v1  }
0x318: {  	s5 =	sor.u32 s18, s11;
	s11 =	sor.u32 s19, s11;
	[tilespmem:s23+$0x0] =	vst.add.f32.msk $0xffff, v1  }
0x319: {  	s10 =	sor.u32 $0x380, s16;
	[tilespmem:s11+$0x0] =	vst.add.f32.msk $0xffff, v1  }
0x31a: {  	s23 =	rddreg [dreg:$0x17];
	v1 =	vld [tilespmem:s10+$0x0]  }
0x31b: {  	[tilespmem:s23+$0x0] =	vst.add.f32.msk $0xffff, v2  }
0x31c: {  	[tilespmem:s8+$0x0] =	vst.add.f32.msk $0xffff, v2  }
0x31d: {  	[tilespmem:s9+$0x0] =	vst.add.f32.msk $0xffff, v2  }
0x31e: {  	s11 =	sor.u32 $0x6380, s20;
	[tilespmem:s22+$0x0] =	vst.add.f32.msk $0xffff, v2  }
0x31f: {  	s26 =	sadd.s32 $0x2, s26;
	s16 =	sor.u32 $0x8380, s20;
	s8 =	sor.u32 s19, s11;
	[tilespmem:s10+$0x4000] =	vst.add.f32.msk $0xffff, v1  }
0x320: {  	s23 =	sor.u32 s18, s11;
	s9 =	sor.u32 s19, s16;
	s22 =	sor.u32 $0xA380, s20;
	[tilespmem:s8+$0x0] =	vst.add.f32.msk $0xffff, v1  }
0x321: {  	s10 =	sor.u32 s18, s16;
	s16 =	sor.u32 s18, s22;
	s18 =	sor.u32 s19, s22;
	[tilespmem:s9+$0x0] =	vst.add.f32.msk $0xffff, v1  }
0x322: {  	p0 =	slt.u32 s26, $0x3E;
	[tilespmem:s18+$0x0] =	vst.add.f32.msk $0xffff, v1  }
.Ltmp2:
0x323: {  	v1 =	vld [tilespmem:s0+$0x200];
	(pc) =	sbr.rel @p0 .LBB2_7-.Ltmp2, $4  }
0x324: {  	s20 =	rddreg [dreg:$0xe];
	[tilespmem:s4+$0x0] =	vst.add.f32.msk $0xffff, v4  }
0x325: {  	s13 =	sadd.s32 $0x20, s13;
	s19 =	rddreg [dreg:$0x13];
	s22 =	smov.u32 s15;
	v2 =	vld [tilespmem:s7+$0x0]  }
0x326: {  	s11 =	smov.u32 s14;
	s14 =	smov.u32 s10;
	[dreg:$0xe] =	wrdreg s22;
	[tilespmem:s19+$0x0] =	vst.add.f32.msk $0xffff, v0  }
0x327: {  	s15 =	smov.u32 s16;
	s4 =	smov.u32 s5;
	s5 =	rddreg [dreg:$0x15];
	[tilespmem:s20+$0x0] =	vst.add.f32.msk $0xffff, v0  }
0x328: {  	[tilespmem:s12+$0x0] =	vst.add.f32.msk $0xffff, v1  }
0x329: {  	[tilespmem:s28+$0x0] =	vst.add.f32.msk $0xffff, v1  }
0x32a: {  	[tilespmem:s30+$0x0] =	vst.add.f32.msk $0xffff, v1  }
0x32b: {  	[tilespmem:s17+$0x0] =	vst.add.f32.msk $0xffff, v1  }
0x32c: {  	v0 =	vld [tilespmem:s0+$0x280];
	_ =	sdelay $0x4  }
0x32d: {  	[tilespmem:s29+$0x0] =	vst.add.f32.msk $0xffff, v0  }
0x32e: {  	[tilespmem:s24+$0x0] =	vst.add.f32.msk $0xffff, v0  }
0x32f: {  	[tilespmem:s25+$0x0] =	vst.add.f32.msk $0xffff, v0  }
0x330: {  	[tilespmem:s21+$0x0] =	vst.add.f32.msk $0xffff, v0  }
0x331: {  	v0 =	vld [tilespmem:s1+$0x0];
	_ =	sdelay $0x3  }
0x332: {  	[tilespmem:s7+$0x4000] =	vst.add.f32.msk $0xffff, v2  }
0x333: {  	[tilespmem:s1+$0x4000] =	vst.add.f32.msk $0xffff, v0  }
0x334: {  	[tilespmem:s2+$0x0] =	vst.add.f32.msk $0xffff, v0  }
0x335: {  	[tilespmem:s6+$0x0] =	vst.add.f32.msk $0xffff, v0  }
0x336: {  	[tilespmem:s4+$0x0] =	vst.add.f32.msk $0xffff, v0  }
0x337: {  	v0 =	vld [tilespmem:s5+$0x0];
	s29 =	rddreg [dreg:$0xc]  }
0x338: {  	[tilespmem:s29+$0x0] =	vst.add.f32.msk $0xffff, v2  }
0x339: {  	[tilespmem:s11+$0x0] =	vst.add.f32.msk $0xffff, v2  }
0x33a: {  	s0 =	rddreg [dreg:$0xe]  }
0x33b: {  	[tilespmem:s0+$0x0] =	vst.add.f32.msk $0xffff, v2  }
0x33c: {  	[tilespmem:s5+$0x4000] =	vst.add.f32.msk $0xffff, v0  }
0x33d: {  	[tilespmem:s23+$0x0] =	vst.add.f32.msk $0xffff, v0  }
0x33e: {  	[tilespmem:s14+$0x0] =	vst.add.f32.msk $0xffff, v0  }
0x33f: {  	[tilespmem:s15+$0x0] =	vst.add.f32.msk $0xffff, v0  }
0x340: {  	s1 =	sld [smem:$0x7F5]  }
0x341: {  	s30 =	rddreg [dreg:$0x2]  }
0x342: {  	s3 =	simm.s32 $0x4000;
	s31 =	sld [smem:$0x7F3]  }
0x343: {  	s2 =	simm.s32 $0x800000;
	s0 =	sadd.s32 s30, s1;
	s1 =	simm.s32 $0x2000  }
0x344: {  	[hbm4b:s0+s1] =	stream.strided.scatter [tilespmem:s3], [sflag:$0x5], $0x8000, s2, s1, $0x38;
	[tilespmem:$0x14000] =	vst v63  }
0x345: {  	s0 =	sadd.s32 $0x1, s31  }
0x346: {  	p0 =	sne.s32 s0, $0xF  }
.Ltmp3:
0x347: {  	_ = 	snop;
	(pc) =	sbr.rel @p0 .LBB2_4-.Ltmp3, $1  }
0x348: {  	_ =	sdelay $0x3  }
0x349: {  	s0 =	simm.s32 $0x2  }
0x34a: {  	_ =	swait.ge [sflag:s0], $0x2000  }
0x34b: {  	[sflag:s0] =	ssyncset.done $0x0  }
0x34c: {  	s7 =	simm.s32 $0x0;
	s4 =	simm.s32 $0x4;
	[sflag:s0] =	ssyncadd.s32 $0xFFFFE000  }
0x34d: {  	s3 =	sand.u32 $0x60, s7;
	s2 =	sand.u32 $0x1C00, s7;
	_ =	swait.ge [sflag:s4], $0x8000  }
0x34e: {  	s1 =	sor.u32 $0x10, s3;
	s0 =	sor.u32 $0x2000, s2;
	[sflag:s4] =	ssyncset.done $0x0  }
0x34f: {  	s8 =	sor.u32 s1, s0;
	[sflag:s4] =	ssyncadd.s32 $0xFFFF8000  }
0x350: {  	v0 =	vld [tilespmem:s8+$0x0];
	_ =	sdelay $0x2  }
0x351: {  	s9 =	sor.u32 $0xC000, s2;
	s0 =	sor.u32 s3, s0  }
0x352: {  	s10 =	sor.u32 $0xE000, s2;
	s5 =	sor.u32 s1, s9;
	v1 =	vld [tilespmem:s0+$0x0]  }
0x353: {  	s6 =	sor.u32 $0x10000, s2;
	s11 =	sor.u32 s1, s10;
	[tilespmem:s5+$0x0] =	vst.add.f32.msk $0xffff, v0  }
0x354: {  	s7 =	sor.u32 $0x12000, s2;
	s12 =	sor.u32 s1, s6;
	[tilespmem:s11+$0x0] =	vst.add.f32.msk $0xffff, v0  }
0x355: {  	s13 =	sor.u32 s1, s7;
	s8 =	sor.u32 $0x2080, s2;
	[tilespmem:s12+$0x0] =	vst.add.f32.msk $0xffff, v0  }
0x356: {  	s14 =	sor.u32 s1, s8;
	[tilespmem:s13+$0x0] =	vst.add.f32.msk $0xffff, v0  }
0x357: {  	v0 =	vld [tilespmem:s14+$0x0];
	_ =	sdelay $0x2  }
0x358: {  	s4 =	sor.u32 s3, s9;
	s9 =	sor.u32 $0xC080, s2  }
0x359: {  	s15 =	sor.u32 s1, s9;
	[tilespmem:s4+$0x0] =	vst.add.f32.msk $0xffff, v1;
	s13 =	sor.u32 $0xE080, s2  }
0x35a: {  	s14 =	sor.u32 $0x10080, s2;
	s16 =	sor.u32 s1, s13;
	[tilespmem:s15+$0x0] =	vst.add.f32.msk $0xffff, v0  }
0x35b: {  	s17 =	sor.u32 s1, s14;
	s15 =	sor.u32 $0x12080, s2;
	[tilespmem:s16+$0x0] =	vst.add.f32.msk $0xffff, v0  }
0x35c: {  	s16 =	sor.u32 $0x2100, s2;
	s18 =	sor.u32 s1, s15;
	[tilespmem:s17+$0x0] =	vst.add.f32.msk $0xffff, v0  }
0x35d: {  	s19 =	sor.u32 s1, s16;
	[tilespmem:s18+$0x0] =	vst.add.f32.msk $0xffff, v0  }
0x35e: {  	s0 =	sor.u32 s3, s10;
	v0 =	vld [tilespmem:s19+$0x0]  }
0x35f: {  	s20 =	sor.u32 s3, s6;
	[tilespmem:s0+$0x0] =	vst.add.f32.msk $0xffff, v1  }
0x360: {  	s21 =	sor.u32 s3, s7;
	[tilespmem:s20+$0x0] =	vst.add.f32.msk $0xffff, v1  }
0x361: {  	s22 =	sor.u32 s3, s8;
	s8 =	sor.u32 $0xC100, s2;
	[tilespmem:s21+$0x0] =	vst.add.f32.msk $0xffff, v1  }
0x362: {  	s23 =	sor.u32 s1, s8;
	s0 =	sor.u32 $0xE100, s2;
	v1 =	vld [tilespmem:s22+$0x0]  }
0x363: {  	s5 =	sor.u32 $0x10100, s2;
	s24 =	sor.u32 s1, s0;
	[tilespmem:s23+$0x0] =	vst.add.f32.msk $0xffff, v0  }
0x364: {  	s6 =	sor.u32 $0x12100, s2;
	s25 =	sor.u32 s1, s5;
	[tilespmem:s24+$0x0] =	vst.add.f32.msk $0xffff, v0  }
0x365: {  	s7 =	sor.u32 $0x2180, s2;
	s26 =	sor.u32 s1, s6;
	[tilespmem:s25+$0x0] =	vst.add.f32.msk $0xffff, v0  }
0x366: {  	s29 =	sor.u32 s1, s7;
	[tilespmem:s26+$0x0] =	vst.add.f32.msk $0xffff, v0  }
0x367: {  	v0 =	vld [tilespmem:s29+$0x0];
	_ =	sdelay $0x2  }
0x368: {  	s9 =	sor.u32 s3, s9;
	s4 =	sor.u32 $0xC180, s2  }
0x369: {  	s11 =	sor.u32 s1, s4;
	[tilespmem:s9+$0x0] =	vst.add.f32.msk $0xffff, v1;
	s9 =	sor.u32 $0xE180, s2  }
0x36a: {  	s10 =	sor.u32 $0x10180, s2;
	s12 =	sor.u32 s1, s9;
	[tilespmem:s11+$0x0] =	vst.add.f32.msk $0xffff, v0  }
0x36b: {  	s17 =	sor.u32 s1, s10;
	s11 =	sor.u32 $0x12180, s2;
	[tilespmem:s12+$0x0] =	vst.add.f32.msk $0xffff, v0  }
0x36c: {  	s12 =	sor.u32 $0x2200, s2;
	s30 =	sor.u32 s1, s11;
	[tilespmem:s17+$0x0] =	vst.add.f32.msk $0xffff, v0  }
0x36d: {  	s31 =	sor.u32 s1, s12;
	[tilespmem:s30+$0x0] =	vst.add.f32.msk $0xffff, v0  }
0x36e: {  	s13 =	sor.u32 s3, s13;
	v0 =	vld [tilespmem:s31+$0x0]  }
0x36f: {  	s14 =	sor.u32 s3, s14;
	[tilespmem:s13+$0x0] =	vst.add.f32.msk $0xffff, v1  }
0x370: {  	s15 =	sor.u32 s3, s15;
	[tilespmem:s14+$0x0] =	vst.add.f32.msk $0xffff, v1  }
0x371: {  	s16 =	sor.u32 s3, s16;
	[tilespmem:s15+$0x0] =	vst.add.f32.msk $0xffff, v1;
	s18 =	sor.u32 $0xC200, s2  }
0x372: {  	s21 =	sor.u32 $0xE200, s2;
	v1 =	vld [tilespmem:s16+$0x0];
	s17 =	sor.u32 s1, s18  }
0x373: {  	s22 =	sor.u32 $0x10200, s2;
	s19 =	sor.u32 s1, s21;
	[tilespmem:s17+$0x0] =	vst.add.f32.msk $0xffff, v0  }
0x374: {  	s20 =	sor.u32 $0x12200, s2;
	s23 =	sor.u32 s1, s22;
	[tilespmem:s19+$0x0] =	vst.add.f32.msk $0xffff, v0  }
0x375: {  	s24 =	sor.u32 s1, s20;
	s19 =	sor.u32 $0x2280, s2;
	[tilespmem:s23+$0x0] =	vst.add.f32.msk $0xffff, v0  }
0x376: {  	s25 =	sor.u32 s1, s19;
	[tilespmem:s24+$0x0] =	vst.add.f32.msk $0xffff, v0  }
0x377: {  	v0 =	vld [tilespmem:s25+$0x0];
	_ =	sdelay $0x2  }
0x378: {  	s8 =	sor.u32 s3, s8;
	s16 =	sor.u32 $0xC280, s2  }
0x379: {  	[tilespmem:s8+$0x0] =	vst.add.f32.msk $0xffff, v1;
	s26 =	sor.u32 s1, s16;
	s17 =	sor.u32 $0xE280, s2  }
0x37a: {  	s15 =	sor.u32 $0x10280, s2;
	s29 =	sor.u32 s1, s17;
	[tilespmem:s26+$0x0] =	vst.add.f32.msk $0xffff, v0  }
0x37b: {  	s13 =	sor.u32 $0x12280, s2;
	s30 =	sor.u32 s1, s15;
	[tilespmem:s29+$0x0] =	vst.add.f32.msk $0xffff, v0  }
0x37c: {  	s14 =	sor.u32 $0x2300, s2;
	s31 =	sor.u32 s1, s13;
	[tilespmem:s30+$0x0] =	vst.add.f32.msk $0xffff, v0  }
0x37d: {  	s23 =	sor.u32 s1, s14;
	[tilespmem:s31+$0x0] =	vst.add.f32.msk $0xffff, v0  }
0x37e: {  	s0 =	sor.u32 s3, s0;
	v0 =	vld [tilespmem:s23+$0x0]  }
0x37f: {  	s5 =	sor.u32 s3, s5;
	[tilespmem:s0+$0x0] =	vst.add.f32.msk $0xffff, v1  }
0x380: {  	[tilespmem:s5+$0x0] =	vst.add.f32.msk $0xffff, v1;
	s24 =	sor.u32 s3, s6  }
0x381: {  	s6 =	sor.u32 $0xC300, s2;
	s25 =	sor.u32 s3, s7;
	[tilespmem:s24+$0x0] =	vst.add.f32.msk $0xffff, v1  }
0x382: {  	v1 =	vld [tilespmem:s25+$0x0];
	s26 =	sor.u32 s1, s6  }
0x383: {  	s7 =	sor.u32 $0xE300, s2;
	s30 =	sor.u32 $0x12300, s2;
	[tilespmem:s26+$0x0] =	vst.add.f32.msk $0xffff, v0  }
0x384: {  	s29 =	sor.u32 s1, s7;
	[smem:$0x7EE] =	sst s30  }
0x385: {  	s8 =	sor.u32 $0x10300, s2;
	s31 =	sor.u32 $0x2380, s2;
	[tilespmem:s29+$0x0] =	vst.add.f32.msk $0xffff, v0  }
0x386: {  	s23 =	sor.u32 s1, s8;
	[smem:$0x7EF] =	sst s31  }
0x387: {  	s4 =	sor.u32 s3, s4;
	[tilespmem:s23+$0x0] =	vst.add.f32.msk $0xffff, v0  }
0x388: {  	s5 =	sor.u32 s1, s30;
	[tilespmem:s4+$0x0] =	vst.add.f32.msk $0xffff, v1  }
0x389: {  	s9 =	sor.u32 s3, s9;
	[tilespmem:s5+$0x0] =	vst.add.f32.msk $0xffff, v0  }
0x38a: {  	s0 =	sor.u32 $0xC380, s2;
	s25 =	sor.u32 s3, s10;
	s24 =	sor.u32 s1, s31;
	[tilespmem:s9+$0x0] =	vst.add.f32.msk $0xffff, v1  }
0x38b: {  	s10 =	simm.s32 $0x100;
	s26 =	sor.u32 s3, s11;
	s11 =	sor.u32 $0x10380, s2;
	v0 =	vld [tilespmem:s24+$0x0]  }
0x38c: {  	s30 =	sor.u32 $0xE380, s2;
	s29 =	sor.u32 s3, s12;
	s12 =	sor.u32 $0x12380, s2;
	[tilespmem:s25+$0x0] =	vst.add.f32.msk $0xffff, v1  }
0x38d: {  	s31 =	sor.u32 s1, s0;
	s4 =	sand.u32 $0x1C00, s10;
	s5 =	sor.u32 s1, s30;
	[tilespmem:s26+$0x0] =	vst.add.f32.msk $0xffff, v1  }
0x38e: {  	s9 =	sor.u32 s1, s11;
	s24 =	simm.s32 $0x20;
	[smem:$0x7F0] =	sst s30  }
0x38f: {  	s25 =	sor.u32 s1, s12;
	s1 =	sand.u32 $0x60, s24;
	v1 =	vld [tilespmem:s29+$0x0];
	s29 =	sor.u32 $0x2000, s4  }
0x390: {  	s2 =	sor.u32 s1, s29;
	[tilespmem:s31+$0x0] =	vst.add.f32.msk $0xffff, v0  }
0x391: {  	v2 =	vld [tilespmem:s2+$0x0]  }
0x392: {  	[tilespmem:s5+$0x0] =	vst.add.f32.msk $0xffff, v0  }
0x393: {  	s26 =	sor.u32 s3, s18;
	s18 =	sor.u32 $0x10, s1;
	[tilespmem:s9+$0x0] =	vst.add.f32.msk $0xffff, v0  }
0x394: {  	s30 =	sor.u32 s18, s29;
	[tilespmem:s25+$0x0] =	vst.add.f32.msk $0xffff, v0  }
0x395: {  	v0 =	vld [tilespmem:s30+$0x0]  }
0x396: {  	s21 =	sor.u32 s3, s21;
	[tilespmem:s26+$0x0] =	vst.add.f32.msk $0xffff, v1  }
0x397: {  	s22 =	sor.u32 s3, s22;
	s31 =	sor.u32 $0xC000, s4;
	[tilespmem:s21+$0x0] =	vst.add.f32.msk $0xffff, v1  }
0x398: {  	s2 =	sor.u32 s1, s31;
	[tilespmem:s22+$0x0] =	vst.add.f32.msk $0xffff, v1  }
0x399: {  	s5 =	sor.u32 $0xE000, s4;
	s9 =	sor.u32 s18, s31;
	[tilespmem:s2+$0x0] =	vst.add.f32.msk $0xffff, v2  }
0x39a: {  	s10 =	sor.u32 $0x10000, s4;
	s24 =	sor.u32 s18, s5;
	[tilespmem:s9+$0x0] =	vst.add.f32.msk $0xffff, v0  }
0x39b: {  	s23 =	sor.u32 $0x12000, s4;
	s25 =	sor.u32 s18, s10;
	[tilespmem:s24+$0x0] =	vst.add.f32.msk $0xffff, v0  }
0x39c: {  	s26 =	sor.u32 s18, s23;
	s24 =	sor.u32 $0x2080, s4;
	[tilespmem:s25+$0x0] =	vst.add.f32.msk $0xffff, v0  }
0x39d: {  	s29 =	sor.u32 s18, s24;
	[tilespmem:s26+$0x0] =	vst.add.f32.msk $0xffff, v0  }
0x39e: {  	s20 =	sor.u32 s3, s20;
	v0 =	vld [tilespmem:s29+$0x0]  }
0x39f: {  	s30 =	sor.u32 s1, s5;
	[tilespmem:s20+$0x0] =	vst.add.f32.msk $0xffff, v1  }
0x3a0: {  	s19 =	sor.u32 s3, s19;
	[tilespmem:s30+$0x0] =	vst.add.f32.msk $0xffff, v2  }
0x3a1: {  	s31 =	sor.u32 s1, s10;
	v1 =	vld [tilespmem:s19+$0x0];
	s19 =	sor.u32 $0xC080, s4  }
0x3a2: {  	s2 =	sor.u32 $0xE080, s4;
	[tilespmem:s31+$0x0] =	vst.add.f32.msk $0xffff, v2;
	s5 =	sor.u32 s18, s19  }
0x3a3: {  	s21 =	sor.u32 $0x10080, s4;
	s9 =	sor.u32 s18, s2;
	[tilespmem:s5+$0x0] =	vst.add.f32.msk $0xffff, v0  }
0x3a4: {  	s22 =	sor.u32 $0x12080, s4;
	s10 =	sor.u32 s18, s21;
	[tilespmem:s9+$0x0] =	vst.add.f32.msk $0xffff, v0  }
0x3a5: {  	s25 =	sor.u32 $0x2100, s4;
	s26 =	sor.u32 s18, s22;
	[tilespmem:s10+$0x0] =	vst.add.f32.msk $0xffff, v0  }
0x3a6: {  	s29 =	sor.u32 s18, s25;
	[tilespmem:s26+$0x0] =	vst.add.f32.msk $0xffff, v0  }
0x3a7: {  	s23 =	sor.u32 s1, s23;
	v0 =	vld [tilespmem:s29+$0x0]  }
0x3a8: {  	[tilespmem:s23+$0x0] =	vst.add.f32.msk $0xffff, v2;
	s30 =	sor.u32 s1, s24  }
0x3a9: {  	s16 =	sor.u32 s3, s16;
	v2 =	vld [tilespmem:s30+$0x0]  }
0x3aa: {  	s17 =	sor.u32 s3, s17;
	s24 =	sor.u32 $0xC100, s4;
	[tilespmem:s16+$0x0] =	vst.add.f32.msk $0xffff, v1  }
0x3ab: {  	s31 =	sor.u32 s18, s24;
	[tilespmem:s17+$0x0] =	vst.add.f32.msk $0xffff, v1;
	s26 =	sor.u32 $0xE100, s4  }
0x3ac: {  	s28 =	sor.u32 $0x10100, s4;
	s5 =	sor.u32 s18, s26;
	[tilespmem:s31+$0x0] =	vst.add.f32.msk $0xffff, v0  }
0x3ad: {  	s9 =	sor.u32 s18, s28;
	s29 =	sor.u32 $0x12100, s4;
	[tilespmem:s5+$0x0] =	vst.add.f32.msk $0xffff, v0  }
0x3ae: {  	s20 =	sor.u32 $0x2180, s4;
	s10 =	sor.u32 s18, s29;
	[tilespmem:s9+$0x0] =	vst.add.f32.msk $0xffff, v0  }
0x3af: {  	s17 =	sor.u32 s18, s20;
	[tilespmem:s10+$0x0] =	vst.add.f32.msk $0xffff, v0  }
0x3b0: {  	s15 =	sor.u32 s3, s15;
	v0 =	vld [tilespmem:s17+$0x0]  }
0x3b1: {  	s13 =	sor.u32 s3, s13;
	[tilespmem:s15+$0x0] =	vst.add.f32.msk $0xffff, v1  }
0x3b2: {  	s19 =	sor.u32 s1, s19;
	[tilespmem:s13+$0x0] =	vst.add.f32.msk $0xffff, v1  }
0x3b3: {  	s2 =	sor.u32 s1, s2;
	[tilespmem:s19+$0x0] =	vst.add.f32.msk $0xffff, v2;
	s9 =	sor.u32 $0xC180, s4  }
0x3b4: {  	s15 =	sor.u32 $0xE180, s4;
	[tilespmem:s2+$0x0] =	vst.add.f32.msk $0xffff, v2;
	s30 =	sor.u32 s18, s9  }
0x3b5: {  	s16 =	sor.u32 $0x10180, s4;
	s31 =	sor.u32 s18, s15;
	[tilespmem:s30+$0x0] =	vst.add.f32.msk $0xffff, v0  }
0x3b6: {  	s2 =	sor.u32 s18, s16;
	s17 =	sor.u32 $0x12180, s4;
	[tilespmem:s31+$0x0] =	vst.add.f32.msk $0xffff, v0  }
0x3b7: {  	s19 =	sor.u32 $0x2200, s4;
	s5 =	sor.u32 s18, s17;
	[tilespmem:s2+$0x0] =	vst.add.f32.msk $0xffff, v0  }
0x3b8: {  	s10 =	sor.u32 s18, s19;
	[tilespmem:s5+$0x0] =	vst.add.f32.msk $0xffff, v0  }
0x3b9: {  	s14 =	sor.u32 s3, s14;
	v0 =	vld [tilespmem:s10+$0x0]  }
0x3ba: {  	s23 =	sor.u32 s1, s21;
	v3 =	vld [tilespmem:s14+$0x0]  }
0x3bb: {  	[tilespmem:s23+$0x0] =	vst.add.f32.msk $0xffff, v2;
	s23 =	sor.u32 s1, s22  }
0x3bc: {  	s13 =	sor.u32 $0xC200, s4;
	[tilespmem:s23+$0x0] =	vst.add.f32.msk $0xffff, v2;
	s30 =	sor.u32 s1, s25  }
0x3bd: {  	s14 =	sor.u32 $0xE200, s4;
	v2 =	vld [tilespmem:s30+$0x0];
	s31 =	sor.u32 s18, s13  }
0x3be: {  	s21 =	sor.u32 $0x10200, s4;
	s2 =	sor.u32 s18, s14;
	[tilespmem:s31+$0x0] =	vst.add.f32.msk $0xffff, v0  }
0x3bf: {  	s22 =	sor.u32 $0x12200, s4;
	s5 =	sor.u32 s18, s21;
	[tilespmem:s2+$0x0] =	vst.add.f32.msk $0xffff, v0  }
0x3c0: {  	s23 =	sor.u32 $0x2280, s4;
	s10 =	sor.u32 s18, s22;
	[tilespmem:s5+$0x0] =	vst.add.f32.msk $0xffff, v0  }
0x3c1: {  	s30 =	sor.u32 s18, s23;
	[tilespmem:s10+$0x0] =	vst.add.f32.msk $0xffff, v0  }
0x3c2: {  	s24 =	sor.u32 s1, s24;
	v0 =	vld [tilespmem:s30+$0x0]  }
0x3c3: {  	[tilespmem:s24+$0x0] =	vst.add.f32.msk $0xffff, v2;
	s31 =	sor.u32 s1, s26  }
0x3c4: {  	[tilespmem:s31+$0x0] =	vst.add.f32.msk $0xffff, v2;
	s2 =	sor.u32 s1, s28  }
0x3c5: {  	s5 =	sor.u32 s1, s29;
	[tilespmem:s2+$0x0] =	vst.add.f32.msk $0xffff, v2;
	s30 =	sor.u32 $0xC280, s4  }
0x3c6: {  	s31 =	sor.u32 $0xE280, s4;
	[tilespmem:s5+$0x0] =	vst.add.f32.msk $0xffff, v2;
	s10 =	sor.u32 s18, s30  }
0x3c7: {  	s29 =	sor.u32 $0x10280, s4;
	s25 =	sor.u32 s18, s31;
	[tilespmem:s10+$0x0] =	vst.add.f32.msk $0xffff, v0  }
0x3c8: {  	s28 =	sor.u32 $0x12280, s4;
	s26 =	sor.u32 s18, s29;
	[tilespmem:s25+$0x0] =	vst.add.f32.msk $0xffff, v0  }
0x3c9: {  	s2 =	sor.u32 s18, s28;
	s5 =	sor.u32 $0x2300, s4;
	[tilespmem:s26+$0x0] =	vst.add.f32.msk $0xffff, v0  }
0x3ca: {  	s10 =	sor.u32 s18, s5;
	[tilespmem:s2+$0x0] =	vst.add.f32.msk $0xffff, v0  }
0x3cb: {  	v0 =	vld [tilespmem:s10+$0x0]  }
0x3cc: {  	s6 =	sor.u32 s3, s6  }
0x3cd: {  	[tilespmem:s6+$0x0] =	vst.add.f32.msk $0xffff, v3;
	s25 =	sor.u32 s3, s7  }
0x3ce: {  	s7 =	sor.u32 $0xC300, s4;
	[tilespmem:s25+$0x0] =	vst.add.f32.msk $0xffff, v3;
	s26 =	sor.u32 s3, s8  }
0x3cf: {  	s6 =	sor.u32 $0xE300, s4;
	[tilespmem:s26+$0x0] =	vst.add.f32.msk $0xffff, v3;
	s2 =	sor.u32 s18, s7  }
0x3d0: {  	s10 =	sor.u32 s18, s6;
	[tilespmem:s2+$0x0] =	vst.add.f32.msk $0xffff, v0  }
0x3d1: {  	s2 =	sld [smem:$0x7EE];
	[tilespmem:s10+$0x0] =	vst.add.f32.msk $0xffff, v0  }
0x3d2: {  	s8 =	sld [smem:$0x7EF];
	_ =	sdelay $0x1  }
0x3d3: {  	s20 =	sor.u32 s1, s20  }
0x3d4: {  	v1 =	vld [tilespmem:s20+$0x0];
	s20 =	sor.u32 s3, s2;
	s2 =	sor.u32 $0x10300, s4;
	s8 =	sor.u32 s3, s8  }
0x3d5: {  	s24 =	sor.u32 s18, s2;
	[smem:$0x7F1] =	sst s8  }
0x3d6: {  	s0 =	sor.u32 s3, s0;
	s10 =	sor.u32 $0x12300, s4;
	[tilespmem:s24+$0x0] =	vst.add.f32.msk $0xffff, v0  }
0x3d7: {  	s25 =	sor.u32 s18, s10;
	[dreg:$0x7] =	wrdreg s0  }
0x3d8: {  	[tilespmem:s25+$0x0] =	vst.add.f32.msk $0xffff, v0  }
0x3d9: {  	s8 =	sld [smem:$0x7F0];
	_ =	sdelay $0x2  }
0x3da: {  	s0 =	sor.u32 $0x2380, s4;
	s8 =	sor.u32 s3, s8  }
0x3db: {  	[dreg:$0x9] =	wrdreg s8;
	s8 =	sor.u32 s3, s11;
	s3 =	sor.u32 s3, s12  }
0x3dc: {  	s26 =	sor.u32 s18, s0;
	[dreg:$0x5] =	wrdreg s3  }
0x3dd: {  	s9 =	sor.u32 s1, s9;
	v0 =	vld [tilespmem:s26+$0x0]  }
0x3de: {  	[tilespmem:s9+$0x0] =	vst.add.f32.msk $0xffff, v1  }
0x3df: {  	s11 =	sor.u32 s1, s15;
	[tilespmem:s20+$0x0] =	vst.add.f32.msk $0xffff, v3  }
0x3e0: {  	s24 =	sor.u32 s1, s14;
	s25 =	sor.u32 s1, s22;
	s12 =	sor.u32 s1, s16;
	[tilespmem:s11+$0x0] =	vst.add.f32.msk $0xffff, v1  }
0x3e1: {  	s15 =	sor.u32 s1, s17;
	s16 =	sor.u32 s1, s21;
	s3 =	sor.u32 $0xC380, s4;
	[tilespmem:s12+$0x0] =	vst.add.f32.msk $0xffff, v1  }
0x3e2: {  	s21 =	sor.u32 s1, s30;
	s9 =	sor.u32 $0xE380, s4;
	s30 =	sor.u32 s18, s3;
	[tilespmem:s15+$0x0] =	vst.add.f32.msk $0xffff, v1  }
0x3e3: {  	s22 =	sor.u32 s1, s31;
	s31 =	sor.u32 $0x10380, s4;
	s14 =	sor.u32 s18, s9;
	[tilespmem:s30+$0x0] =	vst.add.f32.msk $0xffff, v0  }
0x3e4: {  	s4 =	sor.u32 $0x12380, s4;
	s15 =	sor.u32 s18, s31;
	[tilespmem:s14+$0x0] =	vst.add.f32.msk $0xffff, v0  }
0x3e5: {  	s26 =	sor.u32 s1, s23;
	s23 =	sor.u32 s1, s29;
	s29 =	sor.u32 s18, s4;
	[tilespmem:s15+$0x0] =	vst.add.f32.msk $0xffff, v0  }
0x3e6: {  	s19 =	sor.u32 s1, s19;
	s17 =	sor.u32 s1, s13;
	s13 =	sor.u32 s1, s5;
	[tilespmem:s29+$0x0] =	vst.add.f32.msk $0xffff, v0  }
0x3e7: {  	s5 =	sor.u32 s1, s6;
	s6 =	sor.u32 s1, s31;
	s31 =	sld [smem:$0x7F1]  }
0x3e8: {  	s10 =	sor.u32 s1, s10;
	s11 =	sor.u32 s1, s2;
	v1 =	vld [tilespmem:s19+$0x0]  }
0x3e9: {  	s20 =	sor.u32 s1, s9;
	s2 =	sor.u32 s1, s4;
	s4 =	simm.s32 $0x40  }
0x3ea: {  	s12 =	sor.u32 s1, s28;
	s28 =	simm.s32 $0x2;
	s14 =	sor.u32 s1, s0;
	v2 =	vld [tilespmem:s31+$0x0]  }
0x3eb: {  	s0 =	sor.u32 s1, s3;
	s15 =	sor.u32 s1, s7;
	s1 =	simm.s32 $0x200  }
.LBB2_10:
0x3ec: {  	[dreg:$0x12] =	wrdreg s6;
	s6 =	sand.u32 $0x60, s4;
	s19 =	sand.u32 $0x1C00, s1  }
0x3ed: {  	s7 =	sor.u32 $0x2000, s19;
	s18 =	sor.u32 $0x10, s6;
	[tilespmem:s17+$0x0] =	vst.add.f32.msk $0xffff, v1  }
0x3ee: {  	s3 =	smov.u32 s2;
	s2 =	sor.u32 s18, s7;
	[tilespmem:s24+$0x0] =	vst.add.f32.msk $0xffff, v1  }
0x3ef: {  	v0 =	vmov v2;
	v2 =	vld [tilespmem:s2+$0x0]  }
0x3f0: {  	s9 =	sor.u32 s6, s7;
	[tilespmem:s16+$0x0] =	vst.add.f32.msk $0xffff, v1  }
0x3f1: {  	v3 =	vld [tilespmem:s9+$0x0]  }
0x3f2: {  	[tilespmem:s25+$0x0] =	vst.add.f32.msk $0xffff, v1  }
0x3f3: {  	s17 =	sor.u32 $0xC000, s19;
	s9 =	rddreg [dreg:$0x7];
	v1 =	vld [tilespmem:s26+$0x0]  }
0x3f4: {  	s7 =	sor.u32 $0xE000, s19;
	s2 =	sor.u32 s18, s17;
	[tilespmem:s9+$0x0] =	vst.add.f32.msk $0xffff, v0  }
0x3f5: {  	s24 =	sor.u32 $0x10000, s19;
	s25 =	sor.u32 s18, s7;
	[tilespmem:s2+$0x0] =	vst.add.f32.msk $0xffff, v2  }
0x3f6: {  	s29 =	sor.u32 s18, s24;
	s26 =	sor.u32 $0x12000, s19;
	[tilespmem:s25+$0x0] =	vst.add.f32.msk $0xffff, v2  }
0x3f7: {  	s31 =	sor.u32 $0x2080, s19;
	s9 =	sor.u32 s18, s26;
	[tilespmem:s29+$0x0] =	vst.add.f32.msk $0xffff, v2  }
0x3f8: {  	s25 =	sor.u32 s18, s31;
	[tilespmem:s9+$0x0] =	vst.add.f32.msk $0xffff, v2  }
0x3f9: {  	[dreg:$0x10] =	wrdreg s3;
	s3 =	sor.u32 s6, s17;
	v2 =	vld [tilespmem:s25+$0x0]  }
0x3fa: {  	s16 =	sor.u32 s6, s7;
	[tilespmem:s3+$0x0] =	vst.add.f32.msk $0xffff, v3  }
0x3fb: {  	s7 =	sor.u32 s6, s24;
	[tilespmem:s16+$0x0] =	vst.add.f32.msk $0xffff, v3  }
0x3fc: {  	s24 =	sor.u32 s6, s31;
	s30 =	sor.u32 s6, s26;
	s29 =	sor.u32 $0xC080, s19;
	[tilespmem:s7+$0x0] =	vst.add.f32.msk $0xffff, v3  }
0x3fd: {  	s26 =	smov.u32 s0;
	s0 =	sor.u32 s18, s29;
	[tilespmem:s30+$0x0] =	vst.add.f32.msk $0xffff, v3;
	s30 =	sor.u32 $0xE080, s19  }
0x3fe: {  	s31 =	sor.u32 $0x10080, s19;
	s2 =	sor.u32 s6, s29;
	s9 =	sor.u32 s18, s30;
	[tilespmem:s0+$0x0] =	vst.add.f32.msk $0xffff, v2  }
0x3ff: {  	s16 =	sor.u32 $0x12080, s19;
	s29 =	sor.u32 s18, s31;
	s25 =	sor.u32 s6, s31;
	[tilespmem:s9+$0x0] =	vst.add.f32.msk $0xffff, v2  }
0x400: {  	s31 =	sor.u32 s18, s16;
	s17 =	sor.u32 s6, s30;
	s30 =	sor.u32 $0x2100, s19;
	[tilespmem:s29+$0x0] =	vst.add.f32.msk $0xffff, v2  }
0x401: {  	s3 =	sor.u32 s18, s30;
	[tilespmem:s31+$0x0] =	vst.add.f32.msk $0xffff, v2  }
0x402: {  	v2 =	vld [tilespmem:s3+$0x0]  }
0x403: {  	v3 =	vld [tilespmem:s24+$0x0]  }
0x404: {  	[tilespmem:s21+$0x0] =	vst.add.f32.msk $0xffff, v1  }
0x405: {  	s7 =	sor.u32 $0xC100, s19;
	[tilespmem:s22+$0x0] =	vst.add.f32.msk $0xffff, v1  }
0x406: {  	[dreg:$0x7] =	wrdreg s26;
	s22 =	sor.u32 s18, s7;
	[tilespmem:s23+$0x0] =	vst.add.f32.msk $0xffff, v1;
	s9 =	sor.u32 $0xE100, s19  }
0x407: {  	s26 =	sor.u32 s6, s16;
	s23 =	sor.u32 $0x10100, s19;
	s24 =	sor.u32 s18, s9;
	[tilespmem:s22+$0x0] =	vst.add.f32.msk $0xffff, v2  }
0x408: {  	s16 =	sor.u32 s6, s30;
	s30 =	sor.u32 s18, s23;
	s29 =	sor.u32 $0x12100, s19;
	[tilespmem:s24+$0x0] =	vst.add.f32.msk $0xffff, v2  }
0x409: {  	s31 =	sor.u32 $0x2180, s19;
	s22 =	sor.u32 s6, s9;
	s9 =	sor.u32 s18, s29;
	[tilespmem:s30+$0x0] =	vst.add.f32.msk $0xffff, v2  }
0x40a: {  	s0 =	sor.u32 s18, s31;
	[tilespmem:s9+$0x0] =	vst.add.f32.msk $0xffff, v2  }
0x40b: {  	v2 =	vld [tilespmem:s0+$0x0]  }
0x40c: {  	[tilespmem:s2+$0x0] =	vst.add.f32.msk $0xffff, v3  }
0x40d: {  	[tilespmem:s17+$0x0] =	vst.add.f32.msk $0xffff, v3  }
0x40e: {  	[tilespmem:s25+$0x0] =	vst.add.f32.msk $0xffff, v3;
	s24 =	sor.u32 $0xC180, s19  }
0x40f: {  	s25 =	sor.u32 $0xE180, s19;
	[tilespmem:s26+$0x0] =	vst.add.f32.msk $0xffff, v3;
	s0 =	sor.u32 s18, s24  }
0x410: {  	s21 =	sor.u32 s6, s7;
	s26 =	sor.u32 $0x10180, s19;
	s2 =	sor.u32 s18, s25;
	[tilespmem:s0+$0x0] =	vst.add.f32.msk $0xffff, v2  }
0x411: {  	s7 =	sor.u32 s6, s29;
	s17 =	sor.u32 s18, s26;
	s29 =	sor.u32 $0x12180, s19;
	[tilespmem:s2+$0x0] =	vst.add.f32.msk $0xffff, v2  }
0x412: {  	s30 =	sor.u32 s6, s24;
	s9 =	sor.u32 $0x2200, s19;
	s24 =	sor.u32 s18, s29;
	[tilespmem:s17+$0x0] =	vst.add.f32.msk $0xffff, v2  }
0x413: {  	s0 =	sor.u32 s6, s26;
	s26 =	sor.u32 s18, s9;
	[tilespmem:s24+$0x0] =	vst.add.f32.msk $0xffff, v2  }
0x414: {  	v2 =	vld [tilespmem:s26+$0x0]  }
0x415: {  	s3 =	sor.u32 s6, s31;
	v3 =	vld [tilespmem:s16+$0x0]  }
0x416: {  	s31 =	sor.u32 s6, s25;
	[tilespmem:s12+$0x0] =	vst.add.f32.msk $0xffff, v1;
	s16 =	sor.u32 $0xE200, s19;
	s2 =	sor.u32 s6, s29  }
0x417: {  	v4 =	vld [tilespmem:s13+$0x0];
	s29 =	sor.u32 s6, s9;
	s9 =	sor.u32 $0xC200, s19;
	s24 =	rddreg [dreg:$0x9]  }
0x418: {  	s25 =	sor.u32 s18, s16;
	s17 =	sor.u32 s6, s9;
	s12 =	sor.u32 s18, s9;
	[tilespmem:s24+$0x0] =	vst.add.f32.msk $0xffff, v0  }
0x419: {  	s9 =	smov.u32 s8;
	s8 =	sor.u32 $0x10200, s19;
	s24 =	sor.u32 s6, s16;
	[tilespmem:s12+$0x0] =	vst.add.f32.msk $0xffff, v2  }
0x41a: {  	s16 =	sor.u32 s6, s8;
	s26 =	sor.u32 $0x12200, s19;
	s8 =	sor.u32 s18, s8;
	[tilespmem:s25+$0x0] =	vst.add.f32.msk $0xffff, v2  }
0x41b: {  	s13 =	sor.u32 s18, s26;
	s12 =	sor.u32 $0x2280, s19;
	[tilespmem:s8+$0x0] =	vst.add.f32.msk $0xffff, v2  }
0x41c: {  	s25 =	sor.u32 s6, s26;
	s26 =	sor.u32 s6, s12;
	s12 =	sor.u32 s18, s12;
	[tilespmem:s13+$0x0] =	vst.add.f32.msk $0xffff, v2  }
0x41d: {  	v1 =	vld [tilespmem:s12+$0x0]  }
0x41e: {  	[tilespmem:s21+$0x0] =	vst.add.f32.msk $0xffff, v3  }
0x41f: {  	s23 =	sor.u32 s6, s23;
	[tilespmem:s22+$0x0] =	vst.add.f32.msk $0xffff, v3;
	s22 =	sor.u32 $0xC280, s19  }
0x420: {  	[tilespmem:s23+$0x0] =	vst.add.f32.msk $0xffff, v3;
	s21 =	sor.u32 s6, s22;
	s23 =	sor.u32 $0xE280, s19  }
0x421: {  	[tilespmem:s7+$0x0] =	vst.add.f32.msk $0xffff, v3;
	s7 =	sor.u32 s18, s23;
	s13 =	smov.u32 s20;
	s12 =	sor.u32 s18, s22  }
0x422: {  	s8 =	sor.u32 $0x10280, s19;
	s20 =	sor.u32 $0x12280, s19;
	[dreg:$0x9] =	wrdreg s13;
	[tilespmem:s12+$0x0] =	vst.add.f32.msk $0xffff, v1  }
0x423: {  	s22 =	sor.u32 s6, s23;
	s23 =	sor.u32 s6, s8;
	s13 =	sor.u32 s18, s8;
	[tilespmem:s7+$0x0] =	vst.add.f32.msk $0xffff, v1  }
0x424: {  	s8 =	sor.u32 $0x2300, s19;
	s12 =	sor.u32 s6, s20;
	s20 =	sor.u32 s18, s20;
	[tilespmem:s13+$0x0] =	vst.add.f32.msk $0xffff, v1  }
0x425: {  	[tilespmem:s20+$0x0] =	vst.add.f32.msk $0xffff, v1;
	s20 =	sor.u32 s18, s8  }
0x426: {  	v1 =	vld [tilespmem:s20+$0x0]  }
0x427: {  	v2 =	vld [tilespmem:s3+$0x0]  }
0x428: {  	[tilespmem:s15+$0x0] =	vst.add.f32.msk $0xffff, v4  }
0x429: {  	[tilespmem:s5+$0x0] =	vst.add.f32.msk $0xffff, v4;
	s13 =	sor.u32 s6, s8;
	s8 =	sor.u32 $0xC300, s19  }
0x42a: {  	[tilespmem:s11+$0x0] =	vst.add.f32.msk $0xffff, v4;
	s15 =	sor.u32 s6, s8;
	s20 =	sor.u32 $0xE300, s19;
	s3 =	sor.u32 s18, s8  }
0x42b: {  	s8 =	sor.u32 $0x10300, s19;
	s5 =	sor.u32 s6, s20;
	s20 =	sor.u32 s18, s20;
	[tilespmem:s3+$0x0] =	vst.add.f32.msk $0xffff, v1  }
0x42c: {  	s7 =	sor.u32 $0x12300, s19;
	s3 =	sor.u32 s18, s8;
	[tilespmem:s20+$0x0] =	vst.add.f32.msk $0xffff, v1  }
0x42d: {  	s11 =	sor.u32 s6, s8;
	s20 =	sor.u32 $0x2380, s19;
	[tilespmem:s3+$0x0] =	vst.add.f32.msk $0xffff, v1;
	s3 =	sor.u32 s18, s7  }
0x42e: {  	s8 =	sor.u32 s6, s7;
	s7 =	sor.u32 s6, s20;
	s20 =	sor.u32 s18, s20;
	[tilespmem:s3+$0x0] =	vst.add.f32.msk $0xffff, v1  }
0x42f: {  	v1 =	vld [tilespmem:s20+$0x0]  }
0x430: {  	[tilespmem:s30+$0x0] =	vst.add.f32.msk $0xffff, v2  }
0x431: {  	[tilespmem:s31+$0x0] =	vst.add.f32.msk $0xffff, v2  }
0x432: {  	s30 =	sor.u32 $0xC380, s19;
	[tilespmem:s0+$0x0] =	vst.add.f32.msk $0xffff, v2  }
0x433: {  	s31 =	sor.u32 $0xE380, s19;
	s0 =	sor.u32 s6, s30;
	[tilespmem:s2+$0x0] =	vst.add.f32.msk $0xffff, v2;
	s3 =	sor.u32 s18, s30  }
0x434: {  	s2 =	sor.u32 s18, s31;
	s30 =	sor.u32 $0x10380, s19;
	s19 =	sor.u32 $0x12380, s19;
	[tilespmem:s3+$0x0] =	vst.add.f32.msk $0xffff, v1  }
0x435: {  	s20 =	sor.u32 s6, s31;
	s31 =	sor.u32 s6, s30;
	s30 =	sor.u32 s18, s30;
	[tilespmem:s2+$0x0] =	vst.add.f32.msk $0xffff, v1  }
0x436: {  	s28 =	sadd.s32 $0x2, s28;
	s18 =	sor.u32 s18, s19;
	[tilespmem:s30+$0x0] =	vst.add.f32.msk $0xffff, v1  }
0x437: {  	p0 =	slt.u32 s28, $0x3E;
	[tilespmem:s18+$0x0] =	vst.add.f32.msk $0xffff, v1  }
.Ltmp4:
0x438: {  	v1 =	vld [tilespmem:s29+$0x0];
	(pc) =	sbr.rel @p0 .LBB2_10-.Ltmp4, $4  }
0x439: {  	s1 =	sadd.s32 $0x100, s1;
	s2 =	sor.u32 s6, s19;
	s19 =	rddreg [dreg:$0x12];
	[tilespmem:s10+$0x0] =	vst.add.f32.msk $0xffff, v4  }
0x43a: {  	s4 =	sadd.s32 $0x20, s4;
	s6 =	smov.u32 s31;
	s30 =	rddreg [dreg:$0x10];
	v2 =	vld [tilespmem:s14+$0x0]  }
0x43b: {  	s10 =	smov.u32 s8;
	s29 =	rddreg [dreg:$0x5];
	s31 =	smov.u32 s30;
	[tilespmem:s9+$0x0] =	vst.add.f32.msk $0xffff, v0  }
0x43c: {  	s8 =	smov.u32 s19;
	s14 =	smov.u32 s7;
	[dreg:$0x5] =	wrdreg s31;
	[tilespmem:s29+$0x0] =	vst.add.f32.msk $0xffff, v0  }
0x43d: {  	[tilespmem:s17+$0x0] =	vst.add.f32.msk $0xffff, v1  }
0x43e: {  	[tilespmem:s24+$0x0] =	vst.add.f32.msk $0xffff, v1  }
0x43f: {  	[tilespmem:s16+$0x0] =	vst.add.f32.msk $0xffff, v1  }
0x440: {  	[tilespmem:s25+$0x0] =	vst.add.f32.msk $0xffff, v1  }
0x441: {  	v0 =	vld [tilespmem:s26+$0x0];
	_ =	sdelay $0x4  }
0x442: {  	[tilespmem:s21+$0x0] =	vst.add.f32.msk $0xffff, v0  }
0x443: {  	[tilespmem:s22+$0x0] =	vst.add.f32.msk $0xffff, v0  }
0x444: {  	[tilespmem:s23+$0x0] =	vst.add.f32.msk $0xffff, v0  }
0x445: {  	[tilespmem:s12+$0x0] =	vst.add.f32.msk $0xffff, v0  }
0x446: {  	v0 =	vld [tilespmem:s13+$0x0];
	_ =	sdelay $0x4  }
0x447: {  	[tilespmem:s15+$0x0] =	vst.add.f32.msk $0xffff, v0  }
0x448: {  	[tilespmem:s5+$0x0] =	vst.add.f32.msk $0xffff, v0  }
0x449: {  	[tilespmem:s11+$0x0] =	vst.add.f32.msk $0xffff, v0  }
0x44a: {  	[tilespmem:s10+$0x0] =	vst.add.f32.msk $0xffff, v0  }
0x44b: {  	v0 =	vld [tilespmem:s14+$0x0];
	s1 =	rddreg [dreg:$0x7]  }
0x44c: {  	[tilespmem:s1+$0x0] =	vst.add.f32.msk $0xffff, v2  }
0x44d: {  	s1 =	rddreg [dreg:$0x9]  }
0x44e: {  	[tilespmem:s1+$0x0] =	vst.add.f32.msk $0xffff, v2  }
0x44f: {  	[tilespmem:s8+$0x0] =	vst.add.f32.msk $0xffff, v2  }
0x450: {  	s1 =	rddreg [dreg:$0x5];
	[tilespmem:s0+$0x0] =	vst.add.f32.msk $0xffff, v0  }
0x451: {  	[tilespmem:s1+$0x0] =	vst.add.f32.msk $0xffff, v2  }
0x452: {  	[tilespmem:s20+$0x0] =	vst.add.f32.msk $0xffff, v0  }
0x453: {  	[tilespmem:s6+$0x0] =	vst.add.f32.msk $0xffff, v0  }
0x454: {  	[tilespmem:s2+$0x0] =	vst.add.f32.msk $0xffff, v0  }
0x455: {  	s0 =	sld [smem:$0x7FC]  }
0x456: {  	s4 =	simm.s32 $0xC000  }
0x457: {  	s29 =	simm.s32 $0x5;
	s1 =	simm.s32 $0x2000;
	s2 =	simm.s32 $0x800000  }
0x458: {  	[hbm4b:s0+s1] =	stream.strided.scatter [tilespmem:s4], [sflag:$0x6], $0x8000, s2, s1, $0x38;
	[tilespmem:$0x14000] =	vst v63  }
0x459: {  	_ =	swait.ge [sflag:s29], $0x8000  }
0x45a: {  	[sflag:s29] =	ssyncset.done $0x0  }
0x45b: {  	s3 =	simm.s32 $0x6;
	[sflag:s29] =	ssyncadd.s32 $0xFFFF8000  }
0x45c: {  	_ =	swait.ge [sflag:s3], $0x8000  }
0x45d: {  	s30 =	sld [smem:$0x7F9]  }
0x45e: {  	s31 =	sld [smem:$0x7FD];
	_ =	sdelay $0x1  }
0x45f: {  	s5 =	sadd.s32 $0x1, s30  }
0x460: {  	p0 =	sne.s32 s5, s31  }
.Ltmp5:
0x461: {  	_ = 	snop;
	(pc) =	sbr.rel @p0 .LBB2_1-.Ltmp5, $3  }
0x462: {  	_ =	sdelay $0x1  }
0x463: {  	[sflag:s3] =	ssyncset.done $0x0  }
0x464: {  	[sflag:s3] =	ssyncadd.s32 $0xFFFF8000;
	s3 =	simm.s32 $0x4000  }
0x465: {  	_ =	sfence.sel $0x180000  }
0x466: {  	[bflag:$0x0] =	sbarrier.arrive $0xFFFF  }
0x467: {  	_ =	strace $0x90000047  }
0x468: {  	s0 =	stileid.u32;
	[bflag:$0x2] =	sbarrier.arrive $0xFFFF  }
0x469: {  	p0 =	sne.s32 s0, $0x0;
	s0 =	rddreg [dreg:$0x3]  }
0x46a: {  	s0 =	sadd.s32 @!p0 $0x100000, s0  }
0x46b: {  	[sflag:s0] =	ssyncadd.tile.s32 @!p0 $0x1;
	_ =	shalt  }
.Lfunc_end2:
_tile_overlayer_lowered:
.L_overlay_start_2:
0x46c: {  	(tag) =	ssettag $0x2  }
0x46d: {  	s0 =	rddreg [dreg:$0x0];
	s2 =	stileid.u32  }
0x46e: {  	s1 =	rddreg [dreg:$0x1];
	p0 =	sne.s32 s2, $0x0  }
0x46f: {  	s3 =	rddreg [dreg:$0x2];
	[bflag:$0x3] =	sbarrier.arrive $0xFFFF;
	s2 =	simm.s32 @!p0 $0x1C07  }
0x470: {  	[timem:s3], [sflag:s2] =	dma.local @!p0 [hbm:s0], s1  }
0x471: {  	s0 =	simm.s32 @!p0 $0x7  }
0x472: {  	_ =	swait.ge @!p0 [sflag:s0], s1  }
0x473: {  	s1 =	ssub.s32 @!p0 $0x0, s1;
	[sflag:s0] =	ssyncset.done @!p0 $0x0  }
0x474: {  	[sflag:s0] =	ssyncadd.s32 @!p0 s1  }
0x475: {  	[bflag:$0x3] =	sbarrier.arrive $0xFFFF  }
0x476: {  	_ =	shalt  }

</sc_bundles>
